<compile_context>
chip_gen: v7x
topology: tpu7x:2x2x1
jax: 0.10.2.dev20260603
libtpu: 0.0.44.dev20260713+nightly
codegen_flags: <defaults>
</compile_context>

<pallas_src>
import functools

import jax
import jax.numpy as jnp
from jax import lax
from jax.experimental import pallas as pl
from jax.experimental.pallas import tpu as pltpu
from jax.experimental.pallas import tpu_sc as plsc

_D = 9
_RAD = 4
_YRES = 256
_XRES = 256
_H = _YRES * _D
_W = _XRES * _D
_C = 3
_ROWS = _C * _H
_NW = 32
_RPW = _ROWS // _NW
_NB = 8
_NBLK = _RPW // _NB
_L = 16
_JV = _W // _L


def _coeffs(alpha, n_res):
    idx = jnp.arange(n_res * _D)
    mp = idx // _D
    off = idx % _D
    d = (off - _RAD).astype(jnp.float32)
    ind = mp.astype(jnp.float32) - alpha * d
    fl = jnp.floor(ind)
    w2 = ind - fl
    w1 = 1.0 - w2
    g1 = jnp.clip(fl, 0, n_res - 1).astype(jnp.int32)
    g2 = jnp.clip(fl + 1.0, 0, n_res - 1).astype(jnp.int32)
    r1 = off + g1 * _D
    r2 = off + g2 * _D
    return r1, r2, w1, w2


def _sc_body(x_hbm, rows1_hbm, rows2_hbm, wf_hbm,
             c1_hbm, c2_hbm, b1_hbm, out_hbm,
             idx1_v, idx2_v, wf_v, abuf, bbuf, obuf,
             c1_v, c2_v, b1_v, sem_a, sem_b, sem_o):
    wid = lax.axis_index("s") * 2 + lax.axis_index("c")
    my_base = wid * _RPW

    pltpu.sync_copy(c1_hbm, c1_v)
    pltpu.sync_copy(c2_hbm, c2_v)
    pltpu.sync_copy(b1_hbm, b1_v)
    pltpu.sync_copy(rows1_hbm.at[pl.ds(my_base, _RPW)], idx1_v)
    pltpu.sync_copy(rows2_hbm.at[pl.ds(my_base, _RPW)], idx2_v)
    pltpu.sync_copy(wf_hbm.at[pl.ds(my_base, _RPW)], wf_v)

    def stage(blk, s):
        ofs = blk * _NB
        pltpu.async_copy(
            x_hbm.at[idx1_v.at[pl.ds(ofs, _NB)]], abuf.at[s], sem_a.at[s])
        pltpu.async_copy(
            x_hbm.at[idx2_v.at[pl.ds(ofs, _NB)]], bbuf.at[s], sem_b.at[s])

    def gwait(s):
        pltpu.make_async_copy(
            x_hbm.at[idx1_v.at[pl.ds(0, _NB)]], abuf.at[s], sem_a.at[s]).wait()
        pltpu.make_async_copy(
            x_hbm.at[idx2_v.at[pl.ds(0, _NB)]], bbuf.at[s], sem_b.at[s]).wait()

    def store(blk, s):
        base = blk * _NB + my_base
        pltpu.async_copy(
            obuf.at[s], out_hbm.at[pl.ds(base, _NB)], sem_o.at[s])

    def swait(blk, s):
        base = blk * _NB + my_base
        pltpu.make_async_copy(
            obuf.at[s], out_hbm.at[pl.ds(base, _NB)], sem_o.at[s]).wait()

    def compute(blk, s):
        ofs = blk * _NB
        w0 = tuple(wf_v[ofs + r, :] for r in range(_NB))

        @plsc.parallel_loop(0, _JV, unroll=4, carry=w0)
        def col_body(jv, ws):
            sl = pl.ds(jv * _L, _L)
            i1 = c1_v[sl]
            i2 = c2_v[sl]
            bb1 = b1_v[sl]
            for r in range(_NB):
                av = abuf.at[s, r]
                bv = bbuf.at[s, r]
                a1 = plsc.load_gather(av, [i1])
                a2 = plsc.load_gather(av, [i2])
                g1 = plsc.load_gather(bv, [i1])
                g2 = plsc.load_gather(bv, [i2])
                t1 = a1 + ws[r] * (g1 - a1)
                t2 = a2 + ws[r] * (g2 - a2)
                obuf[s, r, sl] = t2 + bb1 * (t1 - t2)
            return ws

    stage(0, 0)
    stage(1, 1)

    def pair_body(k, carry):
        b0 = 2 * k
        gwait(0)

        @pl.when(k > 0)
        def _():
            swait(b0 - 2, 0)

        compute(b0, 0)
        store(b0, 0)
        stage(b0 + 2, 0)
        gwait(1)

        @pl.when(k > 0)
        def _():
            swait(b0 - 1, 1)

        compute(b0 + 1, 1)
        store(b0 + 1, 1)
        stage(jnp.minimum(b0 + 3, _NBLK - 1), 1)
        return carry

    lax.fori_loop(0, (_NBLK - 1) // 2, pair_body, 0)
    gwait(0)
    swait(_NBLK - 3, 0)
    compute(_NBLK - 1, 0)
    store(_NBLK - 1, 0)
    gwait(1)
    swait(_NBLK - 2, 1)
    swait(_NBLK - 1, 0)


_mesh = plsc.VectorSubcoreMesh(core_axis_name="c", subcore_axis_name="s")

_warp = functools.partial(
    pl.kernel,
    mesh=_mesh,
    compiler_params=pltpu.CompilerParams(
        use_tc_tiling_on_sc=False, needs_layout_passes=False),
    out_type=jax.ShapeDtypeStruct((_ROWS, _W), jnp.float32),
    scratch_types=[
        pltpu.VMEM((_RPW,), jnp.int32),
        pltpu.VMEM((_RPW,), jnp.int32),
        pltpu.VMEM((_RPW, _L), jnp.float32),
        pltpu.VMEM((2, _NB, _W), jnp.float32),
        pltpu.VMEM((2, _NB, _W), jnp.float32),
        pltpu.VMEM((2, _NB, _W), jnp.float32),
        pltpu.VMEM((_W,), jnp.int32),
        pltpu.VMEM((_W,), jnp.int32),
        pltpu.VMEM((_W,), jnp.float32),
        pltpu.SemaphoreType.DMA((2,)),
        pltpu.SemaphoreType.DMA((2,)),
        pltpu.SemaphoreType.DMA((2,)),
    ],
)(_sc_body)


def kernel(x, alpha):
    r1, r2, _, w2 = _coeffs(alpha, _YRES)
    c1, c2, b1, _ = _coeffs(alpha, _XRES)
    choff = (jnp.arange(_C, dtype=jnp.int32) * _H)[:, None]
    rows1 = (choff + r1[None, :]).reshape(-1)
    rows2 = (choff + r2[None, :]).reshape(-1)
    wfrep = jnp.broadcast_to(jnp.tile(w2, _C)[:, None], (_ROWS, _L))
    x2d = x.reshape(_ROWS, _W)
    out = _warp(x2d, rows1, rows2, wfrep, c1, c2, b1)
    return out.reshape(x.shape)

# --- scband reference (transcript-rebuilt; emitter-appended) ---
"""Pipeline reference for scband-lfreparam-31808527794661 (READ-ONLY COPY).

The authoritative reference and input builder live on the scoring server;
editing this copy changes nothing except your own understanding.
"""

import jax, jax.numpy as jnp
import numpy as np

UV_DIAMETER = 9
UV_RADIUS = 4
Y_RES = 256
X_RES = 256


def setup_inputs(seed: int = 0) -> dict:
    key = jax.random.key(seed)
    k1, k2 = jax.random.split(key)
    x = jax.random.normal(k1, (1, 3, Y_RES * UV_DIAMETER, X_RES * UV_DIAMETER), dtype=jnp.float32)
    alpha = jnp.float32(0.5)
    return {"x": x, "alpha": alpha}


def reference(x, alpha):
    D = UV_DIAMETER
    R = UV_RADIUS
    H = Y_RES * D
    W = X_RES * D
    v = jnp.arange(D)
    u = jnp.arange(D)
    y = jnp.arange(Y_RES)
    xg = jnp.arange(X_RES)
    vgrid, ugrid, ygrid, xgrid = jnp.meshgrid(v, u, y, xg, indexing='ij')
    vgrid = jnp.transpose(vgrid, (2, 0, 3, 1)).reshape(H, W) - R
    ugrid = jnp.transpose(ugrid, (2, 0, 3, 1)).reshape(H, W) - R
    ygrid = jnp.transpose(ygrid, (2, 0, 3, 1)).reshape(H, W)
    xgrid = jnp.transpose(xgrid, (2, 0, 3, 1)).reshape(H, W)

    x_ind = ugrid.astype(jnp.float32) * (-alpha) + xgrid.astype(jnp.float32)
    y_ind = vgrid.astype(jnp.float32) * (-alpha) + ygrid.astype(jnp.float32)
    x_floor = jnp.floor(x_ind)
    y_floor = jnp.floor(y_ind)
    x_1 = jnp.clip(x_floor, 0, X_RES - 1)
    y_1 = jnp.clip(y_floor, 0, Y_RES - 1)
    x_2 = jnp.clip(x_floor + 1.0, 0, X_RES - 1)
    y_2 = jnp.clip(y_floor + 1.0, 0, Y_RES - 1)
    x_1_w = 1.0 - (x_ind - x_floor)
    x_2_w = 1.0 - x_1_w
    y_1_w = 1.0 - (y_ind - y_floor)
    y_2_w = 1.0 - y_1_w

    x_1_index = ugrid + R + x_1.astype(jnp.int32) * D
    y_1_index = vgrid + R + y_1.astype(jnp.int32) * D
    x_2_index = ugrid + R + x_2.astype(jnp.int32) * D
    y_2_index = vgrid + R + y_2.astype(jnp.int32) * D
    x_r_index = ugrid + R + xgrid * D
    y_r_index = vgrid + R + ygrid * D

    val = (y_1_w * x_1_w) * x[:, :, y_1_index, x_1_index]
    val = val + (y_1_w * x_2_w) * x[:, :, y_1_index, x_2_index]
    val = val + (y_2_w * x_1_w) * x[:, :, y_2_index, x_1_index]
    val = val + (y_2_w * x_2_w) * x[:, :, y_2_index, x_2_index]

    img_reparam = jnp.zeros_like(x).at[:, :, y_r_index, x_r_index].set(val)
    return img_reparam

if __name__ == "__main__":
    import jax
    _d = setup_inputs()
    print(jax.jit(kernel)(*tuple(_d.values())))

</pallas_src>

<mosaic_0001>
#map = affine_map<(d0, d1) -> (0, 0)>
#map1 = affine_map<(d0, d1) -> (0)>
module attributes {stable_mosaic.version = 14 : i64} {
  func.func @_sc_body(%arg0: i32, %arg1: i32, %arg2: memref<6912x2304xf32, #tpu.memory_space<hbm>>, %arg3: memref<6912xi32, #tpu.memory_space<hbm>>, %arg4: memref<6912xi32, #tpu.memory_space<hbm>>, %arg5: memref<6912x16xf32, #tpu.memory_space<hbm>>, %arg6: memref<2304xi32, #tpu.memory_space<hbm>>, %arg7: memref<2304xi32, #tpu.memory_space<hbm>>, %arg8: memref<2304xf32, #tpu.memory_space<hbm>>, %arg9: memref<6912x2304xf32, #tpu.memory_space<hbm>>, %arg10: memref<216xi32, #tpu.memory_space<vmem>>, %arg11: memref<216xi32, #tpu.memory_space<vmem>>, %arg12: memref<216x16xf32, #tpu.memory_space<vmem>>, %arg13: memref<2x8x2304xf32, #tpu.memory_space<vmem>>, %arg14: memref<2x8x2304xf32, #tpu.memory_space<vmem>>, %arg15: memref<2x8x2304xf32, #tpu.memory_space<vmem>>, %arg16: memref<2304xi32, #tpu.memory_space<vmem>>, %arg17: memref<2304xi32, #tpu.memory_space<vmem>>, %arg18: memref<2304xf32, #tpu.memory_space<vmem>>, %arg19: memref<2x!tpu.dma_semaphore, #tpu.memory_space<semaphore_mem>>, %arg20: memref<2x!tpu.dma_semaphore, #tpu.memory_space<semaphore_mem>>, %arg21: memref<2x!tpu.dma_semaphore, #tpu.memory_space<semaphore_mem>>) attributes {dimension_semantics = [#tpu.dimension_semantics<core_parallel>, #tpu.dimension_semantics<subcore_parallel>], iteration_bounds = array<i64: 2, 16>, scalar_prefetch = 0 : i64, scratch_operands = 12 : i64, tpu.core_type = #tpu.core_type<sc_vector_subcore>, window_params = [{transform_indices = #map}, {transform_indices = #map1}, {transform_indices = #map1}, {transform_indices = #map}, {transform_indices = #map1}, {transform_indices = #map1}, {transform_indices = #map1}, {transform_indices = #map}]} {
    %mul3A = arith.constant 2 : i32
    %mul3A_0 = arith.muli %arg1, %mul3A : i32
    %add3A = arith.addi %mul3A_0, %arg0 : i32
    %mul3A_1 = arith.constant 216 : i32
    %mul3A_2 = arith.muli %add3A, %mul3A_1 : i32
    "tpu.region"() ({
      %run_scoped3A = tpu.sem_alloc : memref<!tpu.dma_semaphore, #tpu.memory_space<semaphore_mem>>
      tpu.enqueue_dma source(%arg6 : memref<2304xi32, #tpu.memory_space<hbm>>) target(%arg16 : memref<2304xi32, #tpu.memory_space<vmem>>) target_semaphore(%run_scoped3A : memref<!tpu.dma_semaphore, #tpu.memory_space<semaphore_mem>>)
      tpu.wait_dma2 semaphore(%run_scoped3A : memref<!tpu.dma_semaphore, #tpu.memory_space<semaphore_mem>>) src(%arg6 : memref<2304xi32, #tpu.memory_space<hbm>>) dst(%arg16 : memref<2304xi32, #tpu.memory_space<vmem>>)
      tpu.yield
    }) : () -> ()
    "tpu.region"() ({
      %run_scoped3A = tpu.sem_alloc : memref<!tpu.dma_semaphore, #tpu.memory_space<semaphore_mem>>
      tpu.enqueue_dma source(%arg7 : memref<2304xi32, #tpu.memory_space<hbm>>) target(%arg17 : memref<2304xi32, #tpu.memory_space<vmem>>) target_semaphore(%run_scoped3A : memref<!tpu.dma_semaphore, #tpu.memory_space<semaphore_mem>>)
      tpu.wait_dma2 semaphore(%run_scoped3A : memref<!tpu.dma_semaphore, #tpu.memory_space<semaphore_mem>>) src(%arg7 : memref<2304xi32, #tpu.memory_space<hbm>>) dst(%arg17 : memref<2304xi32, #tpu.memory_space<vmem>>)
      tpu.yield
    }) : () -> ()
    "tpu.region"() ({
      %run_scoped3A = tpu.sem_alloc : memref<!tpu.dma_semaphore, #tpu.memory_space<semaphore_mem>>
      tpu.enqueue_dma source(%arg8 : memref<2304xf32, #tpu.memory_space<hbm>>) target(%arg18 : memref<2304xf32, #tpu.memory_space<vmem>>) target_semaphore(%run_scoped3A : memref<!tpu.dma_semaphore, #tpu.memory_space<semaphore_mem>>)
      tpu.wait_dma2 semaphore(%run_scoped3A : memref<!tpu.dma_semaphore, #tpu.memory_space<semaphore_mem>>) src(%arg8 : memref<2304xf32, #tpu.memory_space<hbm>>) dst(%arg18 : memref<2304xf32, #tpu.memory_space<vmem>>)
      tpu.yield
    }) : () -> ()
    "tpu.region"() ({
      %run_scoped3A = tpu.sem_alloc : memref<!tpu.dma_semaphore, #tpu.memory_space<semaphore_mem>>
      %dma_start3A_216 = tpu.memref_slice %arg3[%mul3A_2] : memref<6912xi32, #tpu.memory_space<hbm>> -> memref<216xi32, #tpu.memory_space<hbm>>
      %dma_start3A_217 = tpu.memref_slice %arg3[%mul3A_2] : memref<6912xi32, #tpu.memory_space<hbm>> -> memref<216xi32, #tpu.memory_space<hbm>>
      tpu.enqueue_dma source(%dma_start3A_217 : memref<216xi32, #tpu.memory_space<hbm>>) target(%arg10 : memref<216xi32, #tpu.memory_space<vmem>>) target_semaphore(%run_scoped3A : memref<!tpu.dma_semaphore, #tpu.memory_space<semaphore_mem>>)
      %dma_wait3A_218 = tpu.memref_slice %arg3[%mul3A_2] : memref<6912xi32, #tpu.memory_space<hbm>> -> memref<216xi32, #tpu.memory_space<hbm>>
      %dma_wait3A_219 = tpu.memref_slice %arg3[%mul3A_2] : memref<6912xi32, #tpu.memory_space<hbm>> -> memref<216xi32, #tpu.memory_space<hbm>>
      tpu.wait_dma2 semaphore(%run_scoped3A : memref<!tpu.dma_semaphore, #tpu.memory_space<semaphore_mem>>) src(%dma_wait3A_219 : memref<216xi32, #tpu.memory_space<hbm>>) dst(%arg10 : memref<216xi32, #tpu.memory_space<vmem>>)
      tpu.yield
    }) : () -> ()
    "tpu.region"() ({
      %run_scoped3A = tpu.sem_alloc : memref<!tpu.dma_semaphore, #tpu.memory_space<semaphore_mem>>
      %dma_start3A_216 = tpu.memref_slice %arg4[%mul3A_2] : memref<6912xi32, #tpu.memory_space<hbm>> -> memref<216xi32, #tpu.memory_space<hbm>>
      %dma_start3A_217 = tpu.memref_slice %arg4[%mul3A_2] : memref<6912xi32, #tpu.memory_space<hbm>> -> memref<216xi32, #tpu.memory_space<hbm>>
      tpu.enqueue_dma source(%dma_start3A_217 : memref<216xi32, #tpu.memory_space<hbm>>) target(%arg11 : memref<216xi32, #tpu.memory_space<vmem>>) target_semaphore(%run_scoped3A : memref<!tpu.dma_semaphore, #tpu.memory_space<semaphore_mem>>)
      %dma_wait3A_218 = tpu.memref_slice %arg4[%mul3A_2] : memref<6912xi32, #tpu.memory_space<hbm>> -> memref<216xi32, #tpu.memory_space<hbm>>
      %dma_wait3A_219 = tpu.memref_slice %arg4[%mul3A_2] : memref<6912xi32, #tpu.memory_space<hbm>> -> memref<216xi32, #tpu.memory_space<hbm>>
      tpu.wait_dma2 semaphore(%run_scoped3A : memref<!tpu.dma_semaphore, #tpu.memory_space<semaphore_mem>>) src(%dma_wait3A_219 : memref<216xi32, #tpu.memory_space<hbm>>) dst(%arg11 : memref<216xi32, #tpu.memory_space<vmem>>)
      tpu.yield
    }) : () -> ()
    "tpu.region"() ({
      %run_scoped3A = tpu.sem_alloc : memref<!tpu.dma_semaphore, #tpu.memory_space<semaphore_mem>>
      %dma_start3A_216 = arith.constant 0 : i32
      %dma_start3A_217 = tpu.memref_slice %arg5[%mul3A_2, %dma_start3A_216] : memref<6912x16xf32, #tpu.memory_space<hbm>> -> memref<216x16xf32, #tpu.memory_space<hbm>>
      %dma_start3A_218 = arith.constant 0 : i32
      %dma_start3A_219 = tpu.memref_slice %arg5[%mul3A_2, %dma_start3A_218] : memref<6912x16xf32, #tpu.memory_space<hbm>> -> memref<216x16xf32, #tpu.memory_space<hbm>>
      tpu.enqueue_dma source(%dma_start3A_219 : memref<216x16xf32, #tpu.memory_space<hbm>>) target(%arg12 : memref<216x16xf32, #tpu.memory_space<vmem>>) target_semaphore(%run_scoped3A : memref<!tpu.dma_semaphore, #tpu.memory_space<semaphore_mem>>)
      %dma_wait3A_220 = arith.constant 0 : i32
      %dma_wait3A_221 = tpu.memref_slice %arg5[%mul3A_2, %dma_wait3A_220] : memref<6912x16xf32, #tpu.memory_space<hbm>> -> memref<216x16xf32, #tpu.memory_space<hbm>>
      %dma_wait3A_222 = arith.constant 0 : i32
      %dma_wait3A_223 = tpu.memref_slice %arg5[%mul3A_2, %dma_wait3A_222] : memref<6912x16xf32, #tpu.memory_space<hbm>> -> memref<216x16xf32, #tpu.memory_space<hbm>>
      tpu.wait_dma2 semaphore(%run_scoped3A : memref<!tpu.dma_semaphore, #tpu.memory_space<semaphore_mem>>) src(%dma_wait3A_223 : memref<216x16xf32, #tpu.memory_space<hbm>>) dst(%arg12 : memref<216x16xf32, #tpu.memory_space<vmem>>)
      tpu.yield
    }) : () -> ()
    %dma_start3A = arith.constant 0 : i32
    %dma_start3A_3 = arith.constant 0 : i32
    %dma_start3A_4 = arith.constant 0 : i32
    %dma_start3A_5 = arith.constant 0 : i32
    %dma_start3A_6 = tpu.memref_slice %arg13[%dma_start3A, %dma_start3A_4, %dma_start3A_5] : memref<2x8x2304xf32, #tpu.memory_space<vmem>> -> memref<1x8x2304xf32, #tpu.memory_space<vmem>>
    %dma_start3A_7 = tpu.memref_squeeze %dma_start3A_6 : memref<1x8x2304xf32, #tpu.memory_space<vmem>> -> memref<8x2304xf32, #tpu.memory_space<vmem>>
    %dma_start3A_8 = arith.constant 0 : i32
    %dma_start3A_9 = tpu.memref_slice %arg10[%dma_start3A_8] : memref<216xi32, #tpu.memory_space<vmem>> -> memref<8xi32, #tpu.memory_space<vmem>>
    %dma_start3A_10 = arith.constant 0 : i32
    %dma_start3A_11 = arith.constant 0 : i32
    %dma_start3A_12 = tpu.memref_slice %arg2[%dma_start3A_10, %dma_start3A_11] : memref<6912x2304xf32, #tpu.memory_space<hbm>> -> memref<6912x2304xf32, #tpu.memory_space<hbm>>
    %dma_start3A_13 = tpu.memref_slice %arg19[%dma_start3A_3] : memref<2x!tpu.dma_semaphore, #tpu.memory_space<semaphore_mem>> -> memref<1x!tpu.dma_semaphore, #tpu.memory_space<semaphore_mem>>
    %dma_start3A_14 = tpu.memref_squeeze %dma_start3A_13 : memref<1x!tpu.dma_semaphore, #tpu.memory_space<semaphore_mem>> -> memref<!tpu.dma_semaphore, #tpu.memory_space<semaphore_mem>>
    tpu.enqueue_indirect_dma source(%dma_start3A_12 : memref<6912x2304xf32, #tpu.memory_space<hbm>>) target(%dma_start3A_7 : memref<8x2304xf32, #tpu.memory_space<vmem>>) offsets(%dma_start3A_9 : memref<8xi32, #tpu.memory_space<vmem>>) semaphore(%dma_start3A_14 : memref<!tpu.dma_semaphore, #tpu.memory_space<semaphore_mem>>)
    %dma_start3A_15 = arith.constant 0 : i32
    %dma_start3A_16 = arith.constant 0 : i32
    %dma_start3A_17 = arith.constant 0 : i32
    %dma_start3A_18 = arith.constant 0 : i32
    %dma_start3A_19 = tpu.memref_slice %arg14[%dma_start3A_15, %dma_start3A_17, %dma_start3A_18] : memref<2x8x2304xf32, #tpu.memory_space<vmem>> -> memref<1x8x2304xf32, #tpu.memory_space<vmem>>
    %dma_start3A_20 = tpu.memref_squeeze %dma_start3A_19 : memref<1x8x2304xf32, #tpu.memory_space<vmem>> -> memref<8x2304xf32, #tpu.memory_space<vmem>>
    %dma_start3A_21 = arith.constant 0 : i32
    %dma_start3A_22 = tpu.memref_slice %arg11[%dma_start3A_21] : memref<216xi32, #tpu.memory_space<vmem>> -> memref<8xi32, #tpu.memory_space<vmem>>
    %dma_start3A_23 = arith.constant 0 : i32
    %dma_start3A_24 = arith.constant 0 : i32
    %dma_start3A_25 = tpu.memref_slice %arg2[%dma_start3A_23, %dma_start3A_24] : memref<6912x2304xf32, #tpu.memory_space<hbm>> -> memref<6912x2304xf32, #tpu.memory_space<hbm>>
    %dma_start3A_26 = tpu.memref_slice %arg20[%dma_start3A_16] : memref<2x!tpu.dma_semaphore, #tpu.memory_space<semaphore_mem>> -> memref<1x!tpu.dma_semaphore, #tpu.memory_space<semaphore_mem>>
    %dma_start3A_27 = tpu.memref_squeeze %dma_start3A_26 : memref<1x!tpu.dma_semaphore, #tpu.memory_space<semaphore_mem>> -> memref<!tpu.dma_semaphore, #tpu.memory_space<semaphore_mem>>
    tpu.enqueue_indirect_dma source(%dma_start3A_25 : memref<6912x2304xf32, #tpu.memory_space<hbm>>) target(%dma_start3A_20 : memref<8x2304xf32, #tpu.memory_space<vmem>>) offsets(%dma_start3A_22 : memref<8xi32, #tpu.memory_space<vmem>>) semaphore(%dma_start3A_27 : memref<!tpu.dma_semaphore, #tpu.memory_space<semaphore_mem>>)
    %dma_start3A_28 = arith.constant 1 : i32
    %dma_start3A_29 = arith.constant 1 : i32
    %dma_start3A_30 = arith.constant 0 : i32
    %dma_start3A_31 = arith.constant 0 : i32
    %dma_start3A_32 = tpu.memref_slice %arg13[%dma_start3A_28, %dma_start3A_30, %dma_start3A_31] : memref<2x8x2304xf32, #tpu.memory_space<vmem>> -> memref<1x8x2304xf32, #tpu.memory_space<vmem>>
    %dma_start3A_33 = tpu.memref_squeeze %dma_start3A_32 : memref<1x8x2304xf32, #tpu.memory_space<vmem>> -> memref<8x2304xf32, #tpu.memory_space<vmem>>
    %dma_start3A_34 = arith.constant 8 : i32
    %dma_start3A_35 = tpu.memref_slice %arg10[%dma_start3A_34] : memref<216xi32, #tpu.memory_space<vmem>> -> memref<8xi32, #tpu.memory_space<vmem>>
    %dma_start3A_36 = arith.constant 0 : i32
    %dma_start3A_37 = arith.constant 0 : i32
    %dma_start3A_38 = tpu.memref_slice %arg2[%dma_start3A_36, %dma_start3A_37] : memref<6912x2304xf32, #tpu.memory_space<hbm>> -> memref<6912x2304xf32, #tpu.memory_space<hbm>>
    %dma_start3A_39 = tpu.memref_slice %arg19[%dma_start3A_29] : memref<2x!tpu.dma_semaphore, #tpu.memory_space<semaphore_mem>> -> memref<1x!tpu.dma_semaphore, #tpu.memory_space<semaphore_mem>>
    %dma_start3A_40 = tpu.memref_squeeze %dma_start3A_39 : memref<1x!tpu.dma_semaphore, #tpu.memory_space<semaphore_mem>> -> memref<!tpu.dma_semaphore, #tpu.memory_space<semaphore_mem>>
    tpu.enqueue_indirect_dma source(%dma_start3A_38 : memref<6912x2304xf32, #tpu.memory_space<hbm>>) target(%dma_start3A_33 : memref<8x2304xf32, #tpu.memory_space<vmem>>) offsets(%dma_start3A_35 : memref<8xi32, #tpu.memory_space<vmem>>) semaphore(%dma_start3A_40 : memref<!tpu.dma_semaphore, #tpu.memory_space<semaphore_mem>>)
    %dma_start3A_41 = arith.constant 1 : i32
    %dma_start3A_42 = arith.constant 1 : i32
    %dma_start3A_43 = arith.constant 0 : i32
    %dma_start3A_44 = arith.constant 0 : i32
    %dma_start3A_45 = tpu.memref_slice %arg14[%dma_start3A_41, %dma_start3A_43, %dma_start3A_44] : memref<2x8x2304xf32, #tpu.memory_space<vmem>> -> memref<1x8x2304xf32, #tpu.memory_space<vmem>>
    %dma_start3A_46 = tpu.memref_squeeze %dma_start3A_45 : memref<1x8x2304xf32, #tpu.memory_space<vmem>> -> memref<8x2304xf32, #tpu.memory_space<vmem>>
    %dma_start3A_47 = arith.constant 8 : i32
    %dma_start3A_48 = tpu.memref_slice %arg11[%dma_start3A_47] : memref<216xi32, #tpu.memory_space<vmem>> -> memref<8xi32, #tpu.memory_space<vmem>>
    %dma_start3A_49 = arith.constant 0 : i32
    %dma_start3A_50 = arith.constant 0 : i32
    %dma_start3A_51 = tpu.memref_slice %arg2[%dma_start3A_49, %dma_start3A_50] : memref<6912x2304xf32, #tpu.memory_space<hbm>> -> memref<6912x2304xf32, #tpu.memory_space<hbm>>
    %dma_start3A_52 = tpu.memref_slice %arg20[%dma_start3A_42] : memref<2x!tpu.dma_semaphore, #tpu.memory_space<semaphore_mem>> -> memref<1x!tpu.dma_semaphore, #tpu.memory_space<semaphore_mem>>
    %dma_start3A_53 = tpu.memref_squeeze %dma_start3A_52 : memref<1x!tpu.dma_semaphore, #tpu.memory_space<semaphore_mem>> -> memref<!tpu.dma_semaphore, #tpu.memory_space<semaphore_mem>>
    tpu.enqueue_indirect_dma source(%dma_start3A_51 : memref<6912x2304xf32, #tpu.memory_space<hbm>>) target(%dma_start3A_46 : memref<8x2304xf32, #tpu.memory_space<vmem>>) offsets(%dma_start3A_48 : memref<8xi32, #tpu.memory_space<vmem>>) semaphore(%dma_start3A_53 : memref<!tpu.dma_semaphore, #tpu.memory_space<semaphore_mem>>)
    %scan3A = arith.constant 0 : i32
    %scan3A_54 = arith.constant 0 : i32
    %scan3A_55 = arith.constant 13 : i32
    %scan3A_56 = arith.addi %scan3A_54, %scan3A_55 : i32
    %scan3A_57 = arith.constant 1 : i32
    scf.for %scan3A_216 = %scan3A_54 to %scan3A_56 step %scan3A_57  : i32 {
      %mul3A_217 = arith.constant 2 : i32
      %mul3A_218 = arith.muli %mul3A_217, %scan3A_216 : i32
      %dma_wait3A_219 = arith.constant 0 : i32
      %dma_wait3A_220 = arith.constant 0 : i32
      %dma_wait3A_221 = arith.constant 0 : i32
      %dma_wait3A_222 = arith.constant 0 : i32
      %dma_wait3A_223 = tpu.memref_slice %arg13[%dma_wait3A_219, %dma_wait3A_221, %dma_wait3A_222] : memref<2x8x2304xf32, #tpu.memory_space<vmem>> -> memref<1x8x2304xf32, #tpu.memory_space<vmem>>
      %dma_wait3A_224 = tpu.memref_squeeze %dma_wait3A_223 : memref<1x8x2304xf32, #tpu.memory_space<vmem>> -> memref<8x2304xf32, #tpu.memory_space<vmem>>
      %dma_wait3A_225 = arith.constant 0 : i32
      %dma_wait3A_226 = tpu.memref_slice %arg10[%dma_wait3A_225] : memref<216xi32, #tpu.memory_space<vmem>> -> memref<8xi32, #tpu.memory_space<vmem>>
      %dma_wait3A_227 = arith.constant 0 : i32
      %dma_wait3A_228 = arith.constant 0 : i32
      %dma_wait3A_229 = tpu.memref_slice %arg2[%dma_wait3A_227, %dma_wait3A_228] : memref<6912x2304xf32, #tpu.memory_space<hbm>> -> memref<6912x2304xf32, #tpu.memory_space<hbm>>
      %dma_wait3A_230 = tpu.memref_slice %arg19[%dma_wait3A_220] : memref<2x!tpu.dma_semaphore, #tpu.memory_space<semaphore_mem>> -> memref<1x!tpu.dma_semaphore, #tpu.memory_space<semaphore_mem>>
      %dma_wait3A_231 = tpu.memref_squeeze %dma_wait3A_230 : memref<1x!tpu.dma_semaphore, #tpu.memory_space<semaphore_mem>> -> memref<!tpu.dma_semaphore, #tpu.memory_space<semaphore_mem>>
      tpu.wait_indirect_dma semaphore(%dma_wait3A_231 : memref<!tpu.dma_semaphore, #tpu.memory_space<semaphore_mem>>) src(%dma_wait3A_229 : memref<6912x2304xf32, #tpu.memory_space<hbm>>) dst(%dma_wait3A_224 : memref<8x2304xf32, #tpu.memory_space<vmem>>)
      %dma_wait3A_232 = arith.constant 0 : i32
      %dma_wait3A_233 = arith.constant 0 : i32
      %dma_wait3A_234 = arith.constant 0 : i32
      %dma_wait3A_235 = arith.constant 0 : i32
      %dma_wait3A_236 = tpu.memref_slice %arg14[%dma_wait3A_232, %dma_wait3A_234, %dma_wait3A_235] : memref<2x8x2304xf32, #tpu.memory_space<vmem>> -> memref<1x8x2304xf32, #tpu.memory_space<vmem>>
      %dma_wait3A_237 = tpu.memref_squeeze %dma_wait3A_236 : memref<1x8x2304xf32, #tpu.memory_space<vmem>> -> memref<8x2304xf32, #tpu.memory_space<vmem>>
      %dma_wait3A_238 = arith.constant 0 : i32
      %dma_wait3A_239 = tpu.memref_slice %arg11[%dma_wait3A_238] : memref<216xi32, #tpu.memory_space<vmem>> -> memref<8xi32, #tpu.memory_space<vmem>>
      %dma_wait3A_240 = arith.constant 0 : i32
      %dma_wait3A_241 = arith.constant 0 : i32
      %dma_wait3A_242 = tpu.memref_slice %arg2[%dma_wait3A_240, %dma_wait3A_241] : memref<6912x2304xf32, #tpu.memory_space<hbm>> -> memref<6912x2304xf32, #tpu.memory_space<hbm>>
      %dma_wait3A_243 = tpu.memref_slice %arg20[%dma_wait3A_233] : memref<2x!tpu.dma_semaphore, #tpu.memory_space<semaphore_mem>> -> memref<1x!tpu.dma_semaphore, #tpu.memory_space<semaphore_mem>>
      %dma_wait3A_244 = tpu.memref_squeeze %dma_wait3A_243 : memref<1x!tpu.dma_semaphore, #tpu.memory_space<semaphore_mem>> -> memref<!tpu.dma_semaphore, #tpu.memory_space<semaphore_mem>>
      tpu.wait_indirect_dma semaphore(%dma_wait3A_244 : memref<!tpu.dma_semaphore, #tpu.memory_space<semaphore_mem>>) src(%dma_wait3A_242 : memref<6912x2304xf32, #tpu.memory_space<hbm>>) dst(%dma_wait3A_237 : memref<8x2304xf32, #tpu.memory_space<vmem>>)
      %gt3A = arith.constant 0 : i32
      %gt3A_245 = arith.cmpi sgt, %scan3A_216, %gt3A : i32
      %convert_element_type3A = arith.extui %gt3A_245 : i1 to i32
      %cond3A = arith.constant 0 : i32
      %cond3A_246 = arith.cmpi ne, %convert_element_type3A, %cond3A : i32
      scf.if %cond3A_246 {
        %sub3A = arith.constant 2 : i32
        %sub3A_469 = arith.subi %mul3A_218, %sub3A : i32
        %mul3A_470 = arith.constant 8 : i32
        %mul3A_471 = arith.muli %sub3A_469, %mul3A_470 : i32
        %add3A_472 = arith.addi %mul3A_471, %mul3A_2 : i32
        %dma_wait3A_473 = arith.constant 0 : i32
        %dma_wait3A_474 = arith.constant 0 : i32
        %dma_wait3A_475 = arith.constant 0 : i32
        %dma_wait3A_476 = arith.constant 0 : i32
        %dma_wait3A_477 = tpu.memref_slice %arg15[%dma_wait3A_473, %dma_wait3A_475, %dma_wait3A_476] : memref<2x8x2304xf32, #tpu.memory_space<vmem>> -> memref<1x8x2304xf32, #tpu.memory_space<vmem>>
        %dma_wait3A_478 = tpu.memref_squeeze %dma_wait3A_477 : memref<1x8x2304xf32, #tpu.memory_space<vmem>> -> memref<8x2304xf32, #tpu.memory_space<vmem>>
        %dma_wait3A_479 = arith.constant 0 : i32
        %dma_wait3A_480 = tpu.memref_slice %arg9[%add3A_472, %dma_wait3A_479] : memref<6912x2304xf32, #tpu.memory_space<hbm>> -> memref<8x2304xf32, #tpu.memory_space<hbm>>
        %dma_wait3A_481 = tpu.memref_slice %arg21[%dma_wait3A_474] : memref<2x!tpu.dma_semaphore, #tpu.memory_space<semaphore_mem>> -> memref<1x!tpu.dma_semaphore, #tpu.memory_space<semaphore_mem>>
        %dma_wait3A_482 = tpu.memref_squeeze %dma_wait3A_481 : memref<1x!tpu.dma_semaphore, #tpu.memory_space<semaphore_mem>> -> memref<!tpu.dma_semaphore, #tpu.memory_space<semaphore_mem>>
        %dma_wait3A_483 = arith.constant 0 : i32
        %dma_wait3A_484 = tpu.memref_slice %arg9[%add3A_472, %dma_wait3A_483] : memref<6912x2304xf32, #tpu.memory_space<hbm>> -> memref<8x2304xf32, #tpu.memory_space<hbm>>
        %dma_wait3A_485 = arith.constant 0 : i32
        %dma_wait3A_486 = arith.constant 0 : i32
        %dma_wait3A_487 = tpu.memref_slice %arg15[%dma_wait3A_473, %dma_wait3A_485, %dma_wait3A_486] : memref<2x8x2304xf32, #tpu.memory_space<vmem>> -> memref<1x8x2304xf32, #tpu.memory_space<vmem>>
        %dma_wait3A_488 = tpu.memref_squeeze %dma_wait3A_487 : memref<1x8x2304xf32, #tpu.memory_space<vmem>> -> memref<8x2304xf32, #tpu.memory_space<vmem>>
        tpu.wait_dma2 semaphore(%dma_wait3A_482 : memref<!tpu.dma_semaphore, #tpu.memory_space<semaphore_mem>>) src(%dma_wait3A_488 : memref<8x2304xf32, #tpu.memory_space<vmem>>) dst(%dma_wait3A_484 : memref<8x2304xf32, #tpu.memory_space<hbm>>)
      } else {
      }
      %mul3A_247 = arith.constant 8 : i32
      %mul3A_248 = arith.muli %mul3A_218, %mul3A_247 : i32
      %add3A_249 = arith.constant 0 : i32
      %add3A_250 = arith.addi %mul3A_248, %add3A_249 : i32
      %get3A_251 = arith.index_cast %add3A_250 : i32 to index
      %get3A_252 = arith.constant 0 : index
      %get3A_253 = tpu.vector_load %arg12[%get3A_251, %get3A_252] {strides = array<i32>} : memref<216x16xf32, #tpu.memory_space<vmem>>, vector<16xf32>,
      %add3A_254 = arith.constant 1 : i32
      %add3A_255 = arith.addi %mul3A_248, %add3A_254 : i32
      %get3A_256 = arith.index_cast %add3A_255 : i32 to index
      %get3A_257 = arith.constant 0 : index
      %get3A_258 = tpu.vector_load %arg12[%get3A_256, %get3A_257] {strides = array<i32>} : memref<216x16xf32, #tpu.memory_space<vmem>>, vector<16xf32>,
      %add3A_259 = arith.constant 2 : i32
      %add3A_260 = arith.addi %mul3A_248, %add3A_259 : i32
      %get3A_261 = arith.index_cast %add3A_260 : i32 to index
      %get3A_262 = arith.constant 0 : index
      %get3A_263 = tpu.vector_load %arg12[%get3A_261, %get3A_262] {strides = array<i32>} : memref<216x16xf32, #tpu.memory_space<vmem>>, vector<16xf32>,
      %add3A_264 = arith.constant 3 : i32
      %add3A_265 = arith.addi %mul3A_248, %add3A_264 : i32
      %get3A_266 = arith.index_cast %add3A_265 : i32 to index
      %get3A_267 = arith.constant 0 : index
      %get3A_268 = tpu.vector_load %arg12[%get3A_266, %get3A_267] {strides = array<i32>} : memref<216x16xf32, #tpu.memory_space<vmem>>, vector<16xf32>,
      %add3A_269 = arith.constant 4 : i32
      %add3A_270 = arith.addi %mul3A_248, %add3A_269 : i32
      %get3A_271 = arith.index_cast %add3A_270 : i32 to index
      %get3A_272 = arith.constant 0 : index
      %get3A_273 = tpu.vector_load %arg12[%get3A_271, %get3A_272] {strides = array<i32>} : memref<216x16xf32, #tpu.memory_space<vmem>>, vector<16xf32>,
      %add3A_274 = arith.constant 5 : i32
      %add3A_275 = arith.addi %mul3A_248, %add3A_274 : i32
      %get3A_276 = arith.index_cast %add3A_275 : i32 to index
      %get3A_277 = arith.constant 0 : index
      %get3A_278 = tpu.vector_load %arg12[%get3A_276, %get3A_277] {strides = array<i32>} : memref<216x16xf32, #tpu.memory_space<vmem>>, vector<16xf32>,
      %add3A_279 = arith.constant 6 : i32
      %add3A_280 = arith.addi %mul3A_248, %add3A_279 : i32
      %get3A_281 = arith.index_cast %add3A_280 : i32 to index
      %get3A_282 = arith.constant 0 : index
      %get3A_283 = tpu.vector_load %arg12[%get3A_281, %get3A_282] {strides = array<i32>} : memref<216x16xf32, #tpu.memory_space<vmem>>, vector<16xf32>,
      %add3A_284 = arith.constant 7 : i32
      %add3A_285 = arith.addi %mul3A_248, %add3A_284 : i32
      %get3A_286 = arith.index_cast %add3A_285 : i32 to index
      %get3A_287 = arith.constant 0 : index
      %get3A_288 = tpu.vector_load %arg12[%get3A_286, %get3A_287] {strides = array<i32>} : memref<216x16xf32, #tpu.memory_space<vmem>>, vector<16xf32>,
      %parallel_loop3A_289 = arith.constant 0 : i32
      %parallel_loop3A_290 = arith.constant 144 : i32
      %parallel_loop3A_291 = arith.constant 1 : i32
      %parallel_loop3A_292:8 = scf.for %parallel_loop3A_469 = %parallel_loop3A_289 to %parallel_loop3A_290 step %parallel_loop3A_291 iter_args(%parallel_loop3A_470 = %get3A_253, %parallel_loop3A_471 = %get3A_258, %parallel_loop3A_472 = %get3A_263, %parallel_loop3A_473 = %get3A_268, %parallel_loop3A_474 = %get3A_273, %parallel_loop3A_475 = %get3A_278, %parallel_loop3A_476 = %get3A_283, %parallel_loop3A_477 = %get3A_288) -> (vector<16xf32>, vector<16xf32>, vector<16xf32>, vector<16xf32>, vector<16xf32>, vector<16xf32>, vector<16xf32>, vector<16xf32>)  : i32 {
        %parallel_loop3A_478 = arith.constant 16 : i32
        %parallel_loop3A_479 = arith.muli %parallel_loop3A_469, %parallel_loop3A_478 : i32
        %parallel_loop3A_480 = arith.index_cast %parallel_loop3A_479 : i32 to index
        %parallel_loop3A_481 = tpu.vector_load %arg16[%parallel_loop3A_480] {strides = array<i32>} : memref<2304xi32, #tpu.memory_space<vmem>>, vector<16xi32>,
        %parallel_loop3A_482 = arith.index_cast %parallel_loop3A_479 : i32 to index
        %parallel_loop3A_483 = tpu.vector_load %arg17[%parallel_loop3A_482] {strides = array<i32>} : memref<2304xi32, #tpu.memory_space<vmem>>, vector<16xi32>,
        %parallel_loop3A_484 = arith.index_cast %parallel_loop3A_479 : i32 to index
        %parallel_loop3A_485 = tpu.vector_load %arg18[%parallel_loop3A_484] {strides = array<i32>} : memref<2304xf32, #tpu.memory_space<vmem>>, vector<16xf32>,
        %parallel_loop3A_486 = arith.constant 0 : i32
        %parallel_loop3A_487 = arith.constant 0 : i32
        %parallel_loop3A_488 = arith.constant 0 : i32
        %parallel_loop3A_489 = tpu.memref_slice %arg13[%parallel_loop3A_486, %parallel_loop3A_487, %parallel_loop3A_488] : memref<2x8x2304xf32, #tpu.memory_space<vmem>> -> memref<1x1x2304xf32, #tpu.memory_space<vmem>>
        %parallel_loop3A_490 = tpu.memref_squeeze %parallel_loop3A_489 : memref<1x1x2304xf32, #tpu.memory_space<vmem>> -> memref<2304xf32, #tpu.memory_space<vmem>>
        %parallel_loop3A_491 = tpu.vector_load_idx %parallel_loop3A_490[%parallel_loop3A_481] : memref<2304xf32, #tpu.memory_space<vmem>>[vector<16xi32>], vector<16xf32>,
        %parallel_loop3A_492 = arith.constant 0 : i32
        %parallel_loop3A_493 = arith.constant 0 : i32
        %parallel_loop3A_494 = arith.constant 0 : i32
        %parallel_loop3A_495 = tpu.memref_slice %arg13[%parallel_loop3A_492, %parallel_loop3A_493, %parallel_loop3A_494] : memref<2x8x2304xf32, #tpu.memory_space<vmem>> -> memref<1x1x2304xf32, #tpu.memory_space<vmem>>
        %parallel_loop3A_496 = tpu.memref_squeeze %parallel_loop3A_495 : memref<1x1x2304xf32, #tpu.memory_space<vmem>> -> memref<2304xf32, #tpu.memory_space<vmem>>
        %parallel_loop3A_497 = tpu.vector_load_idx %parallel_loop3A_496[%parallel_loop3A_483] : memref<2304xf32, #tpu.memory_space<vmem>>[vector<16xi32>], vector<16xf32>,
        %parallel_loop3A_498 = arith.constant 0 : i32
        %parallel_loop3A_499 = arith.constant 0 : i32
        %parallel_loop3A_500 = arith.constant 0 : i32
        %parallel_loop3A_501 = tpu.memref_slice %arg14[%parallel_loop3A_498, %parallel_loop3A_499, %parallel_loop3A_500] : memref<2x8x2304xf32, #tpu.memory_space<vmem>> -> memref<1x1x2304xf32, #tpu.memory_space<vmem>>
        %parallel_loop3A_502 = tpu.memref_squeeze %parallel_loop3A_501 : memref<1x1x2304xf32, #tpu.memory_space<vmem>> -> memref<2304xf32, #tpu.memory_space<vmem>>
        %parallel_loop3A_503 = tpu.vector_load_idx %parallel_loop3A_502[%parallel_loop3A_481] : memref<2304xf32, #tpu.memory_space<vmem>>[vector<16xi32>], vector<16xf32>,
        %parallel_loop3A_504 = arith.constant 0 : i32
        %parallel_loop3A_505 = arith.constant 0 : i32
        %parallel_loop3A_506 = arith.constant 0 : i32
        %parallel_loop3A_507 = tpu.memref_slice %arg14[%parallel_loop3A_504, %parallel_loop3A_505, %parallel_loop3A_506] : memref<2x8x2304xf32, #tpu.memory_space<vmem>> -> memref<1x1x2304xf32, #tpu.memory_space<vmem>>
        %parallel_loop3A_508 = tpu.memref_squeeze %parallel_loop3A_507 : memref<1x1x2304xf32, #tpu.memory_space<vmem>> -> memref<2304xf32, #tpu.memory_space<vmem>>
        %parallel_loop3A_509 = tpu.vector_load_idx %parallel_loop3A_508[%parallel_loop3A_483] : memref<2304xf32, #tpu.memory_space<vmem>>[vector<16xi32>], vector<16xf32>,
        %parallel_loop3A_510 = arith.subf %parallel_loop3A_503, %parallel_loop3A_491 : vector<16xf32>
        %parallel_loop3A_511 = arith.mulf %parallel_loop3A_470, %parallel_loop3A_510 : vector<16xf32>
        %parallel_loop3A_512 = arith.addf %parallel_loop3A_491, %parallel_loop3A_511 : vector<16xf32>
        %parallel_loop3A_513 = arith.subf %parallel_loop3A_509, %parallel_loop3A_497 : vector<16xf32>
        %parallel_loop3A_514 = arith.mulf %parallel_loop3A_470, %parallel_loop3A_513 : vector<16xf32>
        %parallel_loop3A_515 = arith.addf %parallel_loop3A_497, %parallel_loop3A_514 : vector<16xf32>
        %parallel_loop3A_516 = arith.subf %parallel_loop3A_512, %parallel_loop3A_515 : vector<16xf32>
        %parallel_loop3A_517 = arith.mulf %parallel_loop3A_485, %parallel_loop3A_516 : vector<16xf32>
        %parallel_loop3A_518 = arith.addf %parallel_loop3A_515, %parallel_loop3A_517 : vector<16xf32>
        %parallel_loop3A_519 = arith.constant 0 : i32
        %parallel_loop3A_520 = arith.constant 0 : i32
        %parallel_loop3A_521 = arith.index_cast %parallel_loop3A_519 : i32 to index
        %parallel_loop3A_522 = arith.index_cast %parallel_loop3A_520 : i32 to index
        %parallel_loop3A_523 = arith.index_cast %parallel_loop3A_479 : i32 to index
        %parallel_loop3A_524 = tpu.vector_load %arg15[%parallel_loop3A_521, %parallel_loop3A_522, %parallel_loop3A_523] {strides = array<i32>} : memref<2x8x2304xf32, #tpu.memory_space<vmem>>, vector<16xf32>,
        tpu.vector_store %arg15[%parallel_loop3A_521, %parallel_loop3A_522, %parallel_loop3A_523], %parallel_loop3A_518 {strides = array<i32>} : memref<2x8x2304xf32, #tpu.memory_space<vmem>>, vector<16xf32>,
        %parallel_loop3A_525 = arith.constant 0 : i32
        %parallel_loop3A_526 = arith.constant 1 : i32
        %parallel_loop3A_527 = arith.constant 0 : i32
        %parallel_loop3A_528 = tpu.memref_slice %arg13[%parallel_loop3A_525, %parallel_loop3A_526, %parallel_loop3A_527] : memref<2x8x2304xf32, #tpu.memory_space<vmem>> -> memref<1x1x2304xf32, #tpu.memory_space<vmem>>
        %parallel_loop3A_529 = tpu.memref_squeeze %parallel_loop3A_528 : memref<1x1x2304xf32, #tpu.memory_space<vmem>> -> memref<2304xf32, #tpu.memory_space<vmem>>
        %parallel_loop3A_530 = tpu.vector_load_idx %parallel_loop3A_529[%parallel_loop3A_481] : memref<2304xf32, #tpu.memory_space<vmem>>[vector<16xi32>], vector<16xf32>,
        %parallel_loop3A_531 = arith.constant 0 : i32
        %parallel_loop3A_532 = arith.constant 1 : i32
        %parallel_loop3A_533 = arith.constant 0 : i32
        %parallel_loop3A_534 = tpu.memref_slice %arg13[%parallel_loop3A_531, %parallel_loop3A_532, %parallel_loop3A_533] : memref<2x8x2304xf32, #tpu.memory_space<vmem>> -> memref<1x1x2304xf32, #tpu.memory_space<vmem>>
        %parallel_loop3A_535 = tpu.memref_squeeze %parallel_loop3A_534 : memref<1x1x2304xf32, #tpu.memory_space<vmem>> -> memref<2304xf32, #tpu.memory_space<vmem>>
        %parallel_loop3A_536 = tpu.vector_load_idx %parallel_loop3A_535[%parallel_loop3A_483] : memref<2304xf32, #tpu.memory_space<vmem>>[vector<16xi32>], vector<16xf32>,
        %parallel_loop3A_537 = arith.constant 0 : i32
        %parallel_loop3A_538 = arith.constant 1 : i32
        %parallel_loop3A_539 = arith.constant 0 : i32
        %parallel_loop3A_540 = tpu.memref_slice %arg14[%parallel_loop3A_537, %parallel_loop3A_538, %parallel_loop3A_539] : memref<2x8x2304xf32, #tpu.memory_space<vmem>> -> memref<1x1x2304xf32, #tpu.memory_space<vmem>>
        %parallel_loop3A_541 = tpu.memref_squeeze %parallel_loop3A_540 : memref<1x1x2304xf32, #tpu.memory_space<vmem>> -> memref<2304xf32, #tpu.memory_space<vmem>>
        %parallel_loop3A_542 = tpu.vector_load_idx %parallel_loop3A_541[%parallel_loop3A_481] : memref<2304xf32, #tpu.memory_space<vmem>>[vector<16xi32>], vector<16xf32>,
        %parallel_loop3A_543 = arith.constant 0 : i32
        %parallel_loop3A_544 = arith.constant 1 : i32
        %parallel_loop3A_545 = arith.constant 0 : i32
        %parallel_loop3A_546 = tpu.memref_slice %arg14[%parallel_loop3A_543, %parallel_loop3A_544, %parallel_loop3A_545] : memref<2x8x2304xf32, #tpu.memory_space<vmem>> -> memref<1x1x2304xf32, #tpu.memory_space<vmem>>
        %parallel_loop3A_547 = tpu.memref_squeeze %parallel_loop3A_546 : memref<1x1x2304xf32, #tpu.memory_space<vmem>> -> memref<2304xf32, #tpu.memory_space<vmem>>
        %parallel_loop3A_548 = tpu.vector_load_idx %parallel_loop3A_547[%parallel_loop3A_483] : memref<2304xf32, #tpu.memory_space<vmem>>[vector<16xi32>], vector<16xf32>,
        %parallel_loop3A_549 = arith.subf %parallel_loop3A_542, %parallel_loop3A_530 : vector<16xf32>
        %parallel_loop3A_550 = arith.mulf %parallel_loop3A_471, %parallel_loop3A_549 : vector<16xf32>
        %parallel_loop3A_551 = arith.addf %parallel_loop3A_530, %parallel_loop3A_550 : vector<16xf32>
        %parallel_loop3A_552 = arith.subf %parallel_loop3A_548, %parallel_loop3A_536 : vector<16xf32>
        %parallel_loop3A_553 = arith.mulf %parallel_loop3A_471, %parallel_loop3A_552 : vector<16xf32>
        %parallel_loop3A_554 = arith.addf %parallel_loop3A_536, %parallel_loop3A_553 : vector<16xf32>
        %parallel_loop3A_555 = arith.subf %parallel_loop3A_551, %parallel_loop3A_554 : vector<16xf32>
        %parallel_loop3A_556 = arith.mulf %parallel_loop3A_485, %parallel_loop3A_555 : vector<16xf32>
        %parallel_loop3A_557 = arith.addf %parallel_loop3A_554, %parallel_loop3A_556 : vector<16xf32>
        %parallel_loop3A_558 = arith.constant 0 : i32
        %parallel_loop3A_559 = arith.constant 1 : i32
        %parallel_loop3A_560 = arith.index_cast %parallel_loop3A_558 : i32 to index
        %parallel_loop3A_561 = arith.index_cast %parallel_loop3A_559 : i32 to index
        %parallel_loop3A_562 = arith.index_cast %parallel_loop3A_479 : i32 to index
        %parallel_loop3A_563 = tpu.vector_load %arg15[%parallel_loop3A_560, %parallel_loop3A_561, %parallel_loop3A_562] {strides = array<i32>} : memref<2x8x2304xf32, #tpu.memory_space<vmem>>, vector<16xf32>,
        tpu.vector_store %arg15[%parallel_loop3A_560, %parallel_loop3A_561, %parallel_loop3A_562], %parallel_loop3A_557 {strides = array<i32>} : memref<2x8x2304xf32, #tpu.memory_space<vmem>>, vector<16xf32>,
        %parallel_loop3A_564 = arith.constant 0 : i32
        %parallel_loop3A_565 = arith.constant 2 : i32
        %parallel_loop3A_566 = arith.constant 0 : i32
        %parallel_loop3A_567 = tpu.memref_slice %arg13[%parallel_loop3A_564, %parallel_loop3A_565, %parallel_loop3A_566] : memref<2x8x2304xf32, #tpu.memory_space<vmem>> -> memref<1x1x2304xf32, #tpu.memory_space<vmem>>
        %parallel_loop3A_568 = tpu.memref_squeeze %parallel_loop3A_567 : memref<1x1x2304xf32, #tpu.memory_space<vmem>> -> memref<2304xf32, #tpu.memory_space<vmem>>
        %parallel_loop3A_569 = tpu.vector_load_idx %parallel_loop3A_568[%parallel_loop3A_481] : memref<2304xf32, #tpu.memory_space<vmem>>[vector<16xi32>], vector<16xf32>,
        %parallel_loop3A_570 = arith.constant 0 : i32
        %parallel_loop3A_571 = arith.constant 2 : i32
        %parallel_loop3A_572 = arith.constant 0 : i32
        %parallel_loop3A_573 = tpu.memref_slice %arg13[%parallel_loop3A_570, %parallel_loop3A_571, %parallel_loop3A_572] : memref<2x8x2304xf32, #tpu.memory_space<vmem>> -> memref<1x1x2304xf32, #tpu.memory_space<vmem>>
        %parallel_loop3A_574 = tpu.memref_squeeze %parallel_loop3A_573 : memref<1x1x2304xf32, #tpu.memory_space<vmem>> -> memref<2304xf32, #tpu.memory_space<vmem>>
        %parallel_loop3A_575 = tpu.vector_load_idx %parallel_loop3A_574[%parallel_loop3A_483] : memref<2304xf32, #tpu.memory_space<vmem>>[vector<16xi32>], vector<16xf32>,
        %parallel_loop3A_576 = arith.constant 0 : i32
        %parallel_loop3A_577 = arith.constant 2 : i32
        %parallel_loop3A_578 = arith.constant 0 : i32
        %parallel_loop3A_579 = tpu.memref_slice %arg14[%parallel_loop3A_576, %parallel_loop3A_577, %parallel_loop3A_578] : memref<2x8x2304xf32, #tpu.memory_space<vmem>> -> memref<1x1x2304xf32, #tpu.memory_space<vmem>>
        %parallel_loop3A_580 = tpu.memref_squeeze %parallel_loop3A_579 : memref<1x1x2304xf32, #tpu.memory_space<vmem>> -> memref<2304xf32, #tpu.memory_space<vmem>>
        %parallel_loop3A_581 = tpu.vector_load_idx %parallel_loop3A_580[%parallel_loop3A_481] : memref<2304xf32, #tpu.memory_space<vmem>>[vector<16xi32>], vector<16xf32>,
        %parallel_loop3A_582 = arith.constant 0 : i32
        %parallel_loop3A_583 = arith.constant 2 : i32
        %parallel_loop3A_584 = arith.constant 0 : i32
        %parallel_loop3A_585 = tpu.memref_slice %arg14[%parallel_loop3A_582, %parallel_loop3A_583, %parallel_loop3A_584] : memref<2x8x2304xf32, #tpu.memory_space<vmem>> -> memref<1x1x2304xf32, #tpu.memory_space<vmem>>
        %parallel_loop3A_586 = tpu.memref_squeeze %parallel_loop3A_585 : memref<1x1x2304xf32, #tpu.memory_space<vmem>> -> memref<2304xf32, #tpu.memory_space<vmem>>
        %parallel_loop3A_587 = tpu.vector_load_idx %parallel_loop3A_586[%parallel_loop3A_483] : memref<2304xf32, #tpu.memory_space<vmem>>[vector<16xi32>], vector<16xf32>,
        %parallel_loop3A_588 = arith.subf %parallel_loop3A_581, %parallel_loop3A_569 : vector<16xf32>
        %parallel_loop3A_589 = arith.mulf %parallel_loop3A_472, %parallel_loop3A_588 : vector<16xf32>
        %parallel_loop3A_590 = arith.addf %parallel_loop3A_569, %parallel_loop3A_589 : vector<16xf32>
        %parallel_loop3A_591 = arith.subf %parallel_loop3A_587, %parallel_loop3A_575 : vector<16xf32>
        %parallel_loop3A_592 = arith.mulf %parallel_loop3A_472, %parallel_loop3A_591 : vector<16xf32>
        %parallel_loop3A_593 = arith.addf %parallel_loop3A_575, %parallel_loop3A_592 : vector<16xf32>
        %parallel_loop3A_594 = arith.subf %parallel_loop3A_590, %parallel_loop3A_593 : vector<16xf32>
        %parallel_loop3A_595 = arith.mulf %parallel_loop3A_485, %parallel_loop3A_594 : vector<16xf32>
        %parallel_loop3A_596 = arith.addf %parallel_loop3A_593, %parallel_loop3A_595 : vector<16xf32>
        %parallel_loop3A_597 = arith.constant 0 : i32
        %parallel_loop3A_598 = arith.constant 2 : i32
        %parallel_loop3A_599 = arith.index_cast %parallel_loop3A_597 : i32 to index
        %parallel_loop3A_600 = arith.index_cast %parallel_loop3A_598 : i32 to index
        %parallel_loop3A_601 = arith.index_cast %parallel_loop3A_479 : i32 to index
        %parallel_loop3A_602 = tpu.vector_load %arg15[%parallel_loop3A_599, %parallel_loop3A_600, %parallel_loop3A_601] {strides = array<i32>} : memref<2x8x2304xf32, #tpu.memory_space<vmem>>, vector<16xf32>,
        tpu.vector_store %arg15[%parallel_loop3A_599, %parallel_loop3A_600, %parallel_loop3A_601], %parallel_loop3A_596 {strides = array<i32>} : memref<2x8x2304xf32, #tpu.memory_space<vmem>>, vector<16xf32>,
        %parallel_loop3A_603 = arith.constant 0 : i32
        %parallel_loop3A_604 = arith.constant 3 : i32
        %parallel_loop3A_605 = arith.constant 0 : i32
        %parallel_loop3A_606 = tpu.memref_slice %arg13[%parallel_loop3A_603, %parallel_loop3A_604, %parallel_loop3A_605] : memref<2x8x2304xf32, #tpu.memory_space<vmem>> -> memref<1x1x2304xf32, #tpu.memory_space<vmem>>
        %parallel_loop3A_607 = tpu.memref_squeeze %parallel_loop3A_606 : memref<1x1x2304xf32, #tpu.memory_space<vmem>> -> memref<2304xf32, #tpu.memory_space<vmem>>
        %parallel_loop3A_608 = tpu.vector_load_idx %parallel_loop3A_607[%parallel_loop3A_481] : memref<2304xf32, #tpu.memory_space<vmem>>[vector<16xi32>], vector<16xf32>,
        %parallel_loop3A_609 = arith.constant 0 : i32
        %parallel_loop3A_610 = arith.constant 3 : i32
        %parallel_loop3A_611 = arith.constant 0 : i32
        %parallel_loop3A_612 = tpu.memref_slice %arg13[%parallel_loop3A_609, %parallel_loop3A_610, %parallel_loop3A_611] : memref<2x8x2304xf32, #tpu.memory_space<vmem>> -> memref<1x1x2304xf32, #tpu.memory_space<vmem>>
        %parallel_loop3A_613 = tpu.memref_squeeze %parallel_loop3A_612 : memref<1x1x2304xf32, #tpu.memory_space<vmem>> -> memref<2304xf32, #tpu.memory_space<vmem>>
        %parallel_loop3A_614 = tpu.vector_load_idx %parallel_loop3A_613[%parallel_loop3A_483] : memref<2304xf32, #tpu.memory_space<vmem>>[vector<16xi32>], vector<16xf32>,
        %parallel_loop3A_615 = arith.constant 0 : i32
        %parallel_loop3A_616 = arith.constant 3 : i32
        %parallel_loop3A_617 = arith.constant 0 : i32
        %parallel_loop3A_618 = tpu.memref_slice %arg14[%parallel_loop3A_615, %parallel_loop3A_616, %parallel_loop3A_617] : memref<2x8x2304xf32, #tpu.memory_space<vmem>> -> memref<1x1x2304xf32, #tpu.memory_space<vmem>>
        %parallel_loop3A_619 = tpu.memref_squeeze %parallel_loop3A_618 : memref<1x1x2304xf32, #tpu.memory_space<vmem>> -> memref<2304xf32, #tpu.memory_space<vmem>>
        %parallel_loop3A_620 = tpu.vector_load_idx %parallel_loop3A_619[%parallel_loop3A_481] : memref<2304xf32, #tpu.memory_space<vmem>>[vector<16xi32>], vector<16xf32>,
        %parallel_loop3A_621 = arith.constant 0 : i32
        %parallel_loop3A_622 = arith.constant 3 : i32
        %parallel_loop3A_623 = arith.constant 0 : i32
        %parallel_loop3A_624 = tpu.memref_slice %arg14[%parallel_loop3A_621, %parallel_loop3A_622, %parallel_loop3A_623] : memref<2x8x2304xf32, #tpu.memory_space<vmem>> -> memref<1x1x2304xf32, #tpu.memory_space<vmem>>
        %parallel_loop3A_625 = tpu.memref_squeeze %parallel_loop3A_624 : memref<1x1x2304xf32, #tpu.memory_space<vmem>> -> memref<2304xf32, #tpu.memory_space<vmem>>
        %parallel_loop3A_626 = tpu.vector_load_idx %parallel_loop3A_625[%parallel_loop3A_483] : memref<2304xf32, #tpu.memory_space<vmem>>[vector<16xi32>], vector<16xf32>,
        %parallel_loop3A_627 = arith.subf %parallel_loop3A_620, %parallel_loop3A_608 : vector<16xf32>
        %parallel_loop3A_628 = arith.mulf %parallel_loop3A_473, %parallel_loop3A_627 : vector<16xf32>
        %parallel_loop3A_629 = arith.addf %parallel_loop3A_608, %parallel_loop3A_628 : vector<16xf32>
        %parallel_loop3A_630 = arith.subf %parallel_loop3A_626, %parallel_loop3A_614 : vector<16xf32>
        %parallel_loop3A_631 = arith.mulf %parallel_loop3A_473, %parallel_loop3A_630 : vector<16xf32>
        %parallel_loop3A_632 = arith.addf %parallel_loop3A_614, %parallel_loop3A_631 : vector<16xf32>
        %parallel_loop3A_633 = arith.subf %parallel_loop3A_629, %parallel_loop3A_632 : vector<16xf32>
        %parallel_loop3A_634 = arith.mulf %parallel_loop3A_485, %parallel_loop3A_633 : vector<16xf32>
        %parallel_loop3A_635 = arith.addf %parallel_loop3A_632, %parallel_loop3A_634 : vector<16xf32>
        %parallel_loop3A_636 = arith.constant 0 : i32
        %parallel_loop3A_637 = arith.constant 3 : i32
        %parallel_loop3A_638 = arith.index_cast %parallel_loop3A_636 : i32 to index
        %parallel_loop3A_639 = arith.index_cast %parallel_loop3A_637 : i32 to index
        %parallel_loop3A_640 = arith.index_cast %parallel_loop3A_479 : i32 to index
        %parallel_loop3A_641 = tpu.vector_load %arg15[%parallel_loop3A_638, %parallel_loop3A_639, %parallel_loop3A_640] {strides = array<i32>} : memref<2x8x2304xf32, #tpu.memory_space<vmem>>, vector<16xf32>,
        tpu.vector_store %arg15[%parallel_loop3A_638, %parallel_loop3A_639, %parallel_loop3A_640], %parallel_loop3A_635 {strides = array<i32>} : memref<2x8x2304xf32, #tpu.memory_space<vmem>>, vector<16xf32>,
        %parallel_loop3A_642 = arith.constant 0 : i32
        %parallel_loop3A_643 = arith.constant 4 : i32
        %parallel_loop3A_644 = arith.constant 0 : i32
        %parallel_loop3A_645 = tpu.memref_slice %arg13[%parallel_loop3A_642, %parallel_loop3A_643, %parallel_loop3A_644] : memref<2x8x2304xf32, #tpu.memory_space<vmem>> -> memref<1x1x2304xf32, #tpu.memory_space<vmem>>
        %parallel_loop3A_646 = tpu.memref_squeeze %parallel_loop3A_645 : memref<1x1x2304xf32, #tpu.memory_space<vmem>> -> memref<2304xf32, #tpu.memory_space<vmem>>
        %parallel_loop3A_647 = tpu.vector_load_idx %parallel_loop3A_646[%parallel_loop3A_481] : memref<2304xf32, #tpu.memory_space<vmem>>[vector<16xi32>], vector<16xf32>,
        %parallel_loop3A_648 = arith.constant 0 : i32
        %parallel_loop3A_649 = arith.constant 4 : i32
        %parallel_loop3A_650 = arith.constant 0 : i32
        %parallel_loop3A_651 = tpu.memref_slice %arg13[%parallel_loop3A_648, %parallel_loop3A_649, %parallel_loop3A_650] : memref<2x8x2304xf32, #tpu.memory_space<vmem>> -> memref<1x1x2304xf32, #tpu.memory_space<vmem>>
        %parallel_loop3A_652 = tpu.memref_squeeze %parallel_loop3A_651 : memref<1x1x2304xf32, #tpu.memory_space<vmem>> -> memref<2304xf32, #tpu.memory_space<vmem>>
        %parallel_loop3A_653 = tpu.vector_load_idx %parallel_loop3A_652[%parallel_loop3A_483] : memref<2304xf32, #tpu.memory_space<vmem>>[vector<16xi32>], vector<16xf32>,
        %parallel_loop3A_654 = arith.constant 0 : i32
        %parallel_loop3A_655 = arith.constant 4 : i32
        %parallel_loop3A_656 = arith.constant 0 : i32
        %parallel_loop3A_657 = tpu.memref_slice %arg14[%parallel_loop3A_654, %parallel_loop3A_655, %parallel_loop3A_656] : memref<2x8x2304xf32, #tpu.memory_space<vmem>> -> memref<1x1x2304xf32, #tpu.memory_space<vmem>>
        %parallel_loop3A_658 = tpu.memref_squeeze %parallel_loop3A_657 : memref<1x1x2304xf32, #tpu.memory_space<vmem>> -> memref<2304xf32, #tpu.memory_space<vmem>>
        %parallel_loop3A_659 = tpu.vector_load_idx %parallel_loop3A_658[%parallel_loop3A_481] : memref<2304xf32, #tpu.memory_space<vmem>>[vector<16xi32>], vector<16xf32>,
        %parallel_loop3A_660 = arith.constant 0 : i32
        %parallel_loop3A_661 = arith.constant 4 : i32
        %parallel_loop3A_662 = arith.constant 0 : i32
        %parallel_loop3A_663 = tpu.memref_slice %arg14[%parallel_loop3A_660, %parallel_loop3A_661, %parallel_loop3A_662] : memref<2x8x2304xf32, #tpu.memory_space<vmem>> -> memref<1x1x2304xf32, #tpu.memory_space<vmem>>
        %parallel_loop3A_664 = tpu.memref_squeeze %parallel_loop3A_663 : memref<1x1x2304xf32, #tpu.memory_space<vmem>> -> memref<2304xf32, #tpu.memory_space<vmem>>
        %parallel_loop3A_665 = tpu.vector_load_idx %parallel_loop3A_664[%parallel_loop3A_483] : memref<2304xf32, #tpu.memory_space<vmem>>[vector<16xi32>], vector<16xf32>,
        %parallel_loop3A_666 = arith.subf %parallel_loop3A_659, %parallel_loop3A_647 : vector<16xf32>
        %parallel_loop3A_667 = arith.mulf %parallel_loop3A_474, %parallel_loop3A_666 : vector<16xf32>
        %parallel_loop3A_668 = arith.addf %parallel_loop3A_647, %parallel_loop3A_667 : vector<16xf32>
        %parallel_loop3A_669 = arith.subf %parallel_loop3A_665, %parallel_loop3A_653 : vector<16xf32>
        %parallel_loop3A_670 = arith.mulf %parallel_loop3A_474, %parallel_loop3A_669 : vector<16xf32>
        %parallel_loop3A_671 = arith.addf %parallel_loop3A_653, %parallel_loop3A_670 : vector<16xf32>
        %parallel_loop3A_672 = arith.subf %parallel_loop3A_668, %parallel_loop3A_671 : vector<16xf32>
        %parallel_loop3A_673 = arith.mulf %parallel_loop3A_485, %parallel_loop3A_672 : vector<16xf32>
        %parallel_loop3A_674 = arith.addf %parallel_loop3A_671, %parallel_loop3A_673 : vector<16xf32>
        %parallel_loop3A_675 = arith.constant 0 : i32
        %parallel_loop3A_676 = arith.constant 4 : i32
        %parallel_loop3A_677 = arith.index_cast %parallel_loop3A_675 : i32 to index
        %parallel_loop3A_678 = arith.index_cast %parallel_loop3A_676 : i32 to index
        %parallel_loop3A_679 = arith.index_cast %parallel_loop3A_479 : i32 to index
        %parallel_loop3A_680 = tpu.vector_load %arg15[%parallel_loop3A_677, %parallel_loop3A_678, %parallel_loop3A_679] {strides = array<i32>} : memref<2x8x2304xf32, #tpu.memory_space<vmem>>, vector<16xf32>,
        tpu.vector_store %arg15[%parallel_loop3A_677, %parallel_loop3A_678, %parallel_loop3A_679], %parallel_loop3A_674 {strides = array<i32>} : memref<2x8x2304xf32, #tpu.memory_space<vmem>>, vector<16xf32>,
        %parallel_loop3A_681 = arith.constant 0 : i32
        %parallel_loop3A_682 = arith.constant 5 : i32
        %parallel_loop3A_683 = arith.constant 0 : i32
        %parallel_loop3A_684 = tpu.memref_slice %arg13[%parallel_loop3A_681, %parallel_loop3A_682, %parallel_loop3A_683] : memref<2x8x2304xf32, #tpu.memory_space<vmem>> -> memref<1x1x2304xf32, #tpu.memory_space<vmem>>
        %parallel_loop3A_685 = tpu.memref_squeeze %parallel_loop3A_684 : memref<1x1x2304xf32, #tpu.memory_space<vmem>> -> memref<2304xf32, #tpu.memory_space<vmem>>
        %parallel_loop3A_686 = tpu.vector_load_idx %parallel_loop3A_685[%parallel_loop3A_481] : memref<2304xf32, #tpu.memory_space<vmem>>[vector<16xi32>], vector<16xf32>,
        %parallel_loop3A_687 = arith.constant 0 : i32
        %parallel_loop3A_688 = arith.constant 5 : i32
        %parallel_loop3A_689 = arith.constant 0 : i32
        %parallel_loop3A_690 = tpu.memref_slice %arg13[%parallel_loop3A_687, %parallel_loop3A_688, %parallel_loop3A_689] : memref<2x8x2304xf32, #tpu.memory_space<vmem>> -> memref<1x1x2304xf32, #tpu.memory_space<vmem>>
        %parallel_loop3A_691 = tpu.memref_squeeze %parallel_loop3A_690 : memref<1x1x2304xf32, #tpu.memory_space<vmem>> -> memref<2304xf32, #tpu.memory_space<vmem>>
        %parallel_loop3A_692 = tpu.vector_load_idx %parallel_loop3A_691[%parallel_loop3A_483] : memref<2304xf32, #tpu.memory_space<vmem>>[vector<16xi32>], vector<16xf32>,
        %parallel_loop3A_693 = arith.constant 0 : i32
        %parallel_loop3A_694 = arith.constant 5 : i32
        %parallel_loop3A_695 = arith.constant 0 : i32
        %parallel_loop3A_696 = tpu.memref_slice %arg14[%parallel_loop3A_693, %parallel_loop3A_694, %parallel_loop3A_695] : memref<2x8x2304xf32, #tpu.memory_space<vmem>> -> memref<1x1x2304xf32, #tpu.memory_space<vmem>>
        %parallel_loop3A_697 = tpu.memref_squeeze %parallel_loop3A_696 : memref<1x1x2304xf32, #tpu.memory_space<vmem>> -> memref<2304xf32, #tpu.memory_space<vmem>>
        %parallel_loop3A_698 = tpu.vector_load_idx %parallel_loop3A_697[%parallel_loop3A_481] : memref<2304xf32, #tpu.memory_space<vmem>>[vector<16xi32>], vector<16xf32>,
        %parallel_loop3A_699 = arith.constant 0 : i32
        %parallel_loop3A_700 = arith.constant 5 : i32
        %parallel_loop3A_701 = arith.constant 0 : i32
        %parallel_loop3A_702 = tpu.memref_slice %arg14[%parallel_loop3A_699, %parallel_loop3A_700, %parallel_loop3A_701] : memref<2x8x2304xf32, #tpu.memory_space<vmem>> -> memref<1x1x2304xf32, #tpu.memory_space<vmem>>
        %parallel_loop3A_703 = tpu.memref_squeeze %parallel_loop3A_702 : memref<1x1x2304xf32, #tpu.memory_space<vmem>> -> memref<2304xf32, #tpu.memory_space<vmem>>
        %parallel_loop3A_704 = tpu.vector_load_idx %parallel_loop3A_703[%parallel_loop3A_483] : memref<2304xf32, #tpu.memory_space<vmem>>[vector<16xi32>], vector<16xf32>,
        %parallel_loop3A_705 = arith.subf %parallel_loop3A_698, %parallel_loop3A_686 : vector<16xf32>
        %parallel_loop3A_706 = arith.mulf %parallel_loop3A_475, %parallel_loop3A_705 : vector<16xf32>
        %parallel_loop3A_707 = arith.addf %parallel_loop3A_686, %parallel_loop3A_706 : vector<16xf32>
        %parallel_loop3A_708 = arith.subf %parallel_loop3A_704, %parallel_loop3A_692 : vector<16xf32>
        %parallel_loop3A_709 = arith.mulf %parallel_loop3A_475, %parallel_loop3A_708 : vector<16xf32>
        %parallel_loop3A_710 = arith.addf %parallel_loop3A_692, %parallel_loop3A_709 : vector<16xf32>
        %parallel_loop3A_711 = arith.subf %parallel_loop3A_707, %parallel_loop3A_710 : vector<16xf32>
        %parallel_loop3A_712 = arith.mulf %parallel_loop3A_485, %parallel_loop3A_711 : vector<16xf32>
        %parallel_loop3A_713 = arith.addf %parallel_loop3A_710, %parallel_loop3A_712 : vector<16xf32>
        %parallel_loop3A_714 = arith.constant 0 : i32
        %parallel_loop3A_715 = arith.constant 5 : i32
        %parallel_loop3A_716 = arith.index_cast %parallel_loop3A_714 : i32 to index
        %parallel_loop3A_717 = arith.index_cast %parallel_loop3A_715 : i32 to index
        %parallel_loop3A_718 = arith.index_cast %parallel_loop3A_479 : i32 to index
        %parallel_loop3A_719 = tpu.vector_load %arg15[%parallel_loop3A_716, %parallel_loop3A_717, %parallel_loop3A_718] {strides = array<i32>} : memref<2x8x2304xf32, #tpu.memory_space<vmem>>, vector<16xf32>,
        tpu.vector_store %arg15[%parallel_loop3A_716, %parallel_loop3A_717, %parallel_loop3A_718], %parallel_loop3A_713 {strides = array<i32>} : memref<2x8x2304xf32, #tpu.memory_space<vmem>>, vector<16xf32>,
        %parallel_loop3A_720 = arith.constant 0 : i32
        %parallel_loop3A_721 = arith.constant 6 : i32
        %parallel_loop3A_722 = arith.constant 0 : i32
        %parallel_loop3A_723 = tpu.memref_slice %arg13[%parallel_loop3A_720, %parallel_loop3A_721, %parallel_loop3A_722] : memref<2x8x2304xf32, #tpu.memory_space<vmem>> -> memref<1x1x2304xf32, #tpu.memory_space<vmem>>
        %parallel_loop3A_724 = tpu.memref_squeeze %parallel_loop3A_723 : memref<1x1x2304xf32, #tpu.memory_space<vmem>> -> memref<2304xf32, #tpu.memory_space<vmem>>
        %parallel_loop3A_725 = tpu.vector_load_idx %parallel_loop3A_724[%parallel_loop3A_481] : memref<2304xf32, #tpu.memory_space<vmem>>[vector<16xi32>], vector<16xf32>,
        %parallel_loop3A_726 = arith.constant 0 : i32
        %parallel_loop3A_727 = arith.constant 6 : i32
        %parallel_loop3A_728 = arith.constant 0 : i32
        %parallel_loop3A_729 = tpu.memref_slice %arg13[%parallel_loop3A_726, %parallel_loop3A_727, %parallel_loop3A_728] : memref<2x8x2304xf32, #tpu.memory_space<vmem>> -> memref<1x1x2304xf32, #tpu.memory_space<vmem>>
        %parallel_loop3A_730 = tpu.memref_squeeze %parallel_loop3A_729 : memref<1x1x2304xf32, #tpu.memory_space<vmem>> -> memref<2304xf32, #tpu.memory_space<vmem>>
        %parallel_loop3A_731 = tpu.vector_load_idx %parallel_loop3A_730[%parallel_loop3A_483] : memref<2304xf32, #tpu.memory_space<vmem>>[vector<16xi32>], vector<16xf32>,
        %parallel_loop3A_732 = arith.constant 0 : i32
        %parallel_loop3A_733 = arith.constant 6 : i32
        %parallel_loop3A_734 = arith.constant 0 : i32
        %parallel_loop3A_735 = tpu.memref_slice %arg14[%parallel_loop3A_732, %parallel_loop3A_733, %parallel_loop3A_734] : memref<2x8x2304xf32, #tpu.memory_space<vmem>> -> memref<1x1x2304xf32, #tpu.memory_space<vmem>>
        %parallel_loop3A_736 = tpu.memref_squeeze %parallel_loop3A_735 : memref<1x1x2304xf32, #tpu.memory_space<vmem>> -> memref<2304xf32, #tpu.memory_space<vmem>>
        %parallel_loop3A_737 = tpu.vector_load_idx %parallel_loop3A_736[%parallel_loop3A_481] : memref<2304xf32, #tpu.memory_space<vmem>>[vector<16xi32>], vector<16xf32>,
        %parallel_loop3A_738 = arith.constant 0 : i32
        %parallel_loop3A_739 = arith.constant 6 : i32
        %parallel_loop3A_740 = arith.constant 0 : i32
        %parallel_loop3A_741 = tpu.memref_slice %arg14[%parallel_loop3A_738, %parallel_loop3A_739, %parallel_loop3A_740] : memref<2x8x2304xf32, #tpu.memory_space<vmem>> -> memref<1x1x2304xf32, #tpu.memory_space<vmem>>
        %parallel_loop3A_742 = tpu.memref_squeeze %parallel_loop3A_741 : memref<1x1x2304xf32, #tpu.memory_space<vmem>> -> memref<2304xf32, #tpu.memory_space<vmem>>
        %parallel_loop3A_743 = tpu.vector_load_idx %parallel_loop3A_742[%parallel_loop3A_483] : memref<2304xf32, #tpu.memory_space<vmem>>[vector<16xi32>], vector<16xf32>,
        %parallel_loop3A_744 = arith.subf %parallel_loop3A_737, %parallel_loop3A_725 : vector<16xf32>
        %parallel_loop3A_745 = arith.mulf %parallel_loop3A_476, %parallel_loop3A_744 : vector<16xf32>
        %parallel_loop3A_746 = arith.addf %parallel_loop3A_725, %parallel_loop3A_745 : vector<16xf32>
        %parallel_loop3A_747 = arith.subf %parallel_loop3A_743, %parallel_loop3A_731 : vector<16xf32>
        %parallel_loop3A_748 = arith.mulf %parallel_loop3A_476, %parallel_loop3A_747 : vector<16xf32>
        %parallel_loop3A_749 = arith.addf %parallel_loop3A_731, %parallel_loop3A_748 : vector<16xf32>
        %parallel_loop3A_750 = arith.subf %parallel_loop3A_746, %parallel_loop3A_749 : vector<16xf32>
        %parallel_loop3A_751 = arith.mulf %parallel_loop3A_485, %parallel_loop3A_750 : vector<16xf32>
        %parallel_loop3A_752 = arith.addf %parallel_loop3A_749, %parallel_loop3A_751 : vector<16xf32>
        %parallel_loop3A_753 = arith.constant 0 : i32
        %parallel_loop3A_754 = arith.constant 6 : i32
        %parallel_loop3A_755 = arith.index_cast %parallel_loop3A_753 : i32 to index
        %parallel_loop3A_756 = arith.index_cast %parallel_loop3A_754 : i32 to index
        %parallel_loop3A_757 = arith.index_cast %parallel_loop3A_479 : i32 to index
        %parallel_loop3A_758 = tpu.vector_load %arg15[%parallel_loop3A_755, %parallel_loop3A_756, %parallel_loop3A_757] {strides = array<i32>} : memref<2x8x2304xf32, #tpu.memory_space<vmem>>, vector<16xf32>,
        tpu.vector_store %arg15[%parallel_loop3A_755, %parallel_loop3A_756, %parallel_loop3A_757], %parallel_loop3A_752 {strides = array<i32>} : memref<2x8x2304xf32, #tpu.memory_space<vmem>>, vector<16xf32>,
        %parallel_loop3A_759 = arith.constant 0 : i32
        %parallel_loop3A_760 = arith.constant 7 : i32
        %parallel_loop3A_761 = arith.constant 0 : i32
        %parallel_loop3A_762 = tpu.memref_slice %arg13[%parallel_loop3A_759, %parallel_loop3A_760, %parallel_loop3A_761] : memref<2x8x2304xf32, #tpu.memory_space<vmem>> -> memref<1x1x2304xf32, #tpu.memory_space<vmem>>
        %parallel_loop3A_763 = tpu.memref_squeeze %parallel_loop3A_762 : memref<1x1x2304xf32, #tpu.memory_space<vmem>> -> memref<2304xf32, #tpu.memory_space<vmem>>
        %parallel_loop3A_764 = tpu.vector_load_idx %parallel_loop3A_763[%parallel_loop3A_481] : memref<2304xf32, #tpu.memory_space<vmem>>[vector<16xi32>], vector<16xf32>,
        %parallel_loop3A_765 = arith.constant 0 : i32
        %parallel_loop3A_766 = arith.constant 7 : i32
        %parallel_loop3A_767 = arith.constant 0 : i32
        %parallel_loop3A_768 = tpu.memref_slice %arg13[%parallel_loop3A_765, %parallel_loop3A_766, %parallel_loop3A_767] : memref<2x8x2304xf32, #tpu.memory_space<vmem>> -> memref<1x1x2304xf32, #tpu.memory_space<vmem>>
        %parallel_loop3A_769 = tpu.memref_squeeze %parallel_loop3A_768 : memref<1x1x2304xf32, #tpu.memory_space<vmem>> -> memref<2304xf32, #tpu.memory_space<vmem>>
        %parallel_loop3A_770 = tpu.vector_load_idx %parallel_loop3A_769[%parallel_loop3A_483] : memref<2304xf32, #tpu.memory_space<vmem>>[vector<16xi32>], vector<16xf32>,
        %parallel_loop3A_771 = arith.constant 0 : i32
        %parallel_loop3A_772 = arith.constant 7 : i32
        %parallel_loop3A_773 = arith.constant 0 : i32
        %parallel_loop3A_774 = tpu.memref_slice %arg14[%parallel_loop3A_771, %parallel_loop3A_772, %parallel_loop3A_773] : memref<2x8x2304xf32, #tpu.memory_space<vmem>> -> memref<1x1x2304xf32, #tpu.memory_space<vmem>>
        %parallel_loop3A_775 = tpu.memref_squeeze %parallel_loop3A_774 : memref<1x1x2304xf32, #tpu.memory_space<vmem>> -> memref<2304xf32, #tpu.memory_space<vmem>>
        %parallel_loop3A_776 = tpu.vector_load_idx %parallel_loop3A_775[%parallel_loop3A_481] : memref<2304xf32, #tpu.memory_space<vmem>>[vector<16xi32>], vector<16xf32>,
        %parallel_loop3A_777 = arith.constant 0 : i32
        %parallel_loop3A_778 = arith.constant 7 : i32
        %parallel_loop3A_779 = arith.constant 0 : i32
        %parallel_loop3A_780 = tpu.memref_slice %arg14[%parallel_loop3A_777, %parallel_loop3A_778, %parallel_loop3A_779] : memref<2x8x2304xf32, #tpu.memory_space<vmem>> -> memref<1x1x2304xf32, #tpu.memory_space<vmem>>
        %parallel_loop3A_781 = tpu.memref_squeeze %parallel_loop3A_780 : memref<1x1x2304xf32, #tpu.memory_space<vmem>> -> memref<2304xf32, #tpu.memory_space<vmem>>
        %parallel_loop3A_782 = tpu.vector_load_idx %parallel_loop3A_781[%parallel_loop3A_483] : memref<2304xf32, #tpu.memory_space<vmem>>[vector<16xi32>], vector<16xf32>,
        %parallel_loop3A_783 = arith.subf %parallel_loop3A_776, %parallel_loop3A_764 : vector<16xf32>
        %parallel_loop3A_784 = arith.mulf %parallel_loop3A_477, %parallel_loop3A_783 : vector<16xf32>
        %parallel_loop3A_785 = arith.addf %parallel_loop3A_764, %parallel_loop3A_784 : vector<16xf32>
        %parallel_loop3A_786 = arith.subf %parallel_loop3A_782, %parallel_loop3A_770 : vector<16xf32>
        %parallel_loop3A_787 = arith.mulf %parallel_loop3A_477, %parallel_loop3A_786 : vector<16xf32>
        %parallel_loop3A_788 = arith.addf %parallel_loop3A_770, %parallel_loop3A_787 : vector<16xf32>
        %parallel_loop3A_789 = arith.subf %parallel_loop3A_785, %parallel_loop3A_788 : vector<16xf32>
        %parallel_loop3A_790 = arith.mulf %parallel_loop3A_485, %parallel_loop3A_789 : vector<16xf32>
        %parallel_loop3A_791 = arith.addf %parallel_loop3A_788, %parallel_loop3A_790 : vector<16xf32>
        %parallel_loop3A_792 = arith.constant 0 : i32
        %parallel_loop3A_793 = arith.constant 7 : i32
        %parallel_loop3A_794 = arith.index_cast %parallel_loop3A_792 : i32 to index
        %parallel_loop3A_795 = arith.index_cast %parallel_loop3A_793 : i32 to index
        %parallel_loop3A_796 = arith.index_cast %parallel_loop3A_479 : i32 to index
        %parallel_loop3A_797 = tpu.vector_load %arg15[%parallel_loop3A_794, %parallel_loop3A_795, %parallel_loop3A_796] {strides = array<i32>} : memref<2x8x2304xf32, #tpu.memory_space<vmem>>, vector<16xf32>,
        tpu.vector_store %arg15[%parallel_loop3A_794, %parallel_loop3A_795, %parallel_loop3A_796], %parallel_loop3A_791 {strides = array<i32>} : memref<2x8x2304xf32, #tpu.memory_space<vmem>>, vector<16xf32>,
        scf.yield %parallel_loop3A_470, %parallel_loop3A_471, %parallel_loop3A_472, %parallel_loop3A_473, %parallel_loop3A_474, %parallel_loop3A_475, %parallel_loop3A_476, %parallel_loop3A_477 : vector<16xf32>, vector<16xf32>, vector<16xf32>, vector<16xf32>, vector<16xf32>, vector<16xf32>, vector<16xf32>, vector<16xf32>
      } {sc.loop_unroll_factor = 4 : i64, sc.parallel_access}
      %mul3A_293 = arith.constant 8 : i32
      %mul3A_294 = arith.muli %mul3A_218, %mul3A_293 : i32
      %add3A_295 = arith.addi %mul3A_294, %mul3A_2 : i32
      %dma_start3A_296 = arith.constant 0 : i32
      %dma_start3A_297 = arith.constant 0 : i32
      %dma_start3A_298 = arith.constant 0 : i32
      %dma_start3A_299 = arith.constant 0 : i32
      %dma_start3A_300 = tpu.memref_slice %arg15[%dma_start3A_296, %dma_start3A_298, %dma_start3A_299] : memref<2x8x2304xf32, #tpu.memory_space<vmem>> -> memref<1x8x2304xf32, #tpu.memory_space<vmem>>
      %dma_start3A_301 = tpu.memref_squeeze %dma_start3A_300 : memref<1x8x2304xf32, #tpu.memory_space<vmem>> -> memref<8x2304xf32, #tpu.memory_space<vmem>>
      %dma_start3A_302 = arith.constant 0 : i32
      %dma_start3A_303 = tpu.memref_slice %arg9[%add3A_295, %dma_start3A_302] : memref<6912x2304xf32, #tpu.memory_space<hbm>> -> memref<8x2304xf32, #tpu.memory_space<hbm>>
      %dma_start3A_304 = tpu.memref_slice %arg21[%dma_start3A_297] : memref<2x!tpu.dma_semaphore, #tpu.memory_space<semaphore_mem>> -> memref<1x!tpu.dma_semaphore, #tpu.memory_space<semaphore_mem>>
      %dma_start3A_305 = tpu.memref_squeeze %dma_start3A_304 : memref<1x!tpu.dma_semaphore, #tpu.memory_space<semaphore_mem>> -> memref<!tpu.dma_semaphore, #tpu.memory_space<semaphore_mem>>
      %dma_start3A_306 = arith.constant 0 : i32
      %dma_start3A_307 = tpu.memref_slice %arg9[%add3A_295, %dma_start3A_306] : memref<6912x2304xf32, #tpu.memory_space<hbm>> -> memref<8x2304xf32, #tpu.memory_space<hbm>>
      %dma_start3A_308 = arith.constant 0 : i32
      %dma_start3A_309 = arith.constant 0 : i32
      %dma_start3A_310 = tpu.memref_slice %arg15[%dma_start3A_296, %dma_start3A_308, %dma_start3A_309] : memref<2x8x2304xf32, #tpu.memory_space<vmem>> -> memref<1x8x2304xf32, #tpu.memory_space<vmem>>
      %dma_start3A_311 = tpu.memref_squeeze %dma_start3A_310 : memref<1x8x2304xf32, #tpu.memory_space<vmem>> -> memref<8x2304xf32, #tpu.memory_space<vmem>>
      tpu.enqueue_dma source(%dma_start3A_311 : memref<8x2304xf32, #tpu.memory_space<vmem>>) target(%dma_start3A_307 : memref<8x2304xf32, #tpu.memory_space<hbm>>) target_semaphore(%dma_start3A_305 : memref<!tpu.dma_semaphore, #tpu.memory_space<semaphore_mem>>)
      %add3A_312 = arith.constant 2 : i32
      %add3A_313 = arith.addi %mul3A_218, %add3A_312 : i32
      %mul3A_314 = arith.constant 8 : i32
      %mul3A_315 = arith.muli %add3A_313, %mul3A_314 : i32
      %dma_start3A_316 = arith.constant 0 : i32
      %dma_start3A_317 = arith.constant 0 : i32
      %dma_start3A_318 = arith.constant 0 : i32
      %dma_start3A_319 = arith.constant 0 : i32
      %dma_start3A_320 = tpu.memref_slice %arg13[%dma_start3A_316, %dma_start3A_318, %dma_start3A_319] : memref<2x8x2304xf32, #tpu.memory_space<vmem>> -> memref<1x8x2304xf32, #tpu.memory_space<vmem>>
      %dma_start3A_321 = tpu.memref_squeeze %dma_start3A_320 : memref<1x8x2304xf32, #tpu.memory_space<vmem>> -> memref<8x2304xf32, #tpu.memory_space<vmem>>
      %dma_start3A_322 = tpu.memref_slice %arg10[%mul3A_315] : memref<216xi32, #tpu.memory_space<vmem>> -> memref<8xi32, #tpu.memory_space<vmem>>
      %dma_start3A_323 = arith.constant 0 : i32
      %dma_start3A_324 = arith.constant 0 : i32
      %dma_start3A_325 = tpu.memref_slice %arg2[%dma_start3A_323, %dma_start3A_324] : memref<6912x2304xf32, #tpu.memory_space<hbm>> -> memref<6912x2304xf32, #tpu.memory_space<hbm>>
      %dma_start3A_326 = tpu.memref_slice %arg19[%dma_start3A_317] : memref<2x!tpu.dma_semaphore, #tpu.memory_space<semaphore_mem>> -> memref<1x!tpu.dma_semaphore, #tpu.memory_space<semaphore_mem>>
      %dma_start3A_327 = tpu.memref_squeeze %dma_start3A_326 : memref<1x!tpu.dma_semaphore, #tpu.memory_space<semaphore_mem>> -> memref<!tpu.dma_semaphore, #tpu.memory_space<semaphore_mem>>
      tpu.enqueue_indirect_dma source(%dma_start3A_325 : memref<6912x2304xf32, #tpu.memory_space<hbm>>) target(%dma_start3A_321 : memref<8x2304xf32, #tpu.memory_space<vmem>>) offsets(%dma_start3A_322 : memref<8xi32, #tpu.memory_space<vmem>>) semaphore(%dma_start3A_327 : memref<!tpu.dma_semaphore, #tpu.memory_space<semaphore_mem>>)
      %dma_start3A_328 = arith.constant 0 : i32
      %dma_start3A_329 = arith.constant 0 : i32
      %dma_start3A_330 = arith.constant 0 : i32
      %dma_start3A_331 = arith.constant 0 : i32
      %dma_start3A_332 = tpu.memref_slice %arg14[%dma_start3A_328, %dma_start3A_330, %dma_start3A_331] : memref<2x8x2304xf32, #tpu.memory_space<vmem>> -> memref<1x8x2304xf32, #tpu.memory_space<vmem>>
      %dma_start3A_333 = tpu.memref_squeeze %dma_start3A_332 : memref<1x8x2304xf32, #tpu.memory_space<vmem>> -> memref<8x2304xf32, #tpu.memory_space<vmem>>
      %dma_start3A_334 = tpu.memref_slice %arg11[%mul3A_315] : memref<216xi32, #tpu.memory_space<vmem>> -> memref<8xi32, #tpu.memory_space<vmem>>
      %dma_start3A_335 = arith.constant 0 : i32
      %dma_start3A_336 = arith.constant 0 : i32
      %dma_start3A_337 = tpu.memref_slice %arg2[%dma_start3A_335, %dma_start3A_336] : memref<6912x2304xf32, #tpu.memory_space<hbm>> -> memref<6912x2304xf32, #tpu.memory_space<hbm>>
      %dma_start3A_338 = tpu.memref_slice %arg20[%dma_start3A_329] : memref<2x!tpu.dma_semaphore, #tpu.memory_space<semaphore_mem>> -> memref<1x!tpu.dma_semaphore, #tpu.memory_space<semaphore_mem>>
      %dma_start3A_339 = tpu.memref_squeeze %dma_start3A_338 : memref<1x!tpu.dma_semaphore, #tpu.memory_space<semaphore_mem>> -> memref<!tpu.dma_semaphore, #tpu.memory_space<semaphore_mem>>
      tpu.enqueue_indirect_dma source(%dma_start3A_337 : memref<6912x2304xf32, #tpu.memory_space<hbm>>) target(%dma_start3A_333 : memref<8x2304xf32, #tpu.memory_space<vmem>>) offsets(%dma_start3A_334 : memref<8xi32, #tpu.memory_space<vmem>>) semaphore(%dma_start3A_339 : memref<!tpu.dma_semaphore, #tpu.memory_space<semaphore_mem>>)
      %dma_wait3A_340 = arith.constant 1 : i32
      %dma_wait3A_341 = arith.constant 1 : i32
      %dma_wait3A_342 = arith.constant 0 : i32
      %dma_wait3A_343 = arith.constant 0 : i32
      %dma_wait3A_344 = tpu.memref_slice %arg13[%dma_wait3A_340, %dma_wait3A_342, %dma_wait3A_343] : memref<2x8x2304xf32, #tpu.memory_space<vmem>> -> memref<1x8x2304xf32, #tpu.memory_space<vmem>>
      %dma_wait3A_345 = tpu.memref_squeeze %dma_wait3A_344 : memref<1x8x2304xf32, #tpu.memory_space<vmem>> -> memref<8x2304xf32, #tpu.memory_space<vmem>>
      %dma_wait3A_346 = arith.constant 0 : i32
      %dma_wait3A_347 = tpu.memref_slice %arg10[%dma_wait3A_346] : memref<216xi32, #tpu.memory_space<vmem>> -> memref<8xi32, #tpu.memory_space<vmem>>
      %dma_wait3A_348 = arith.constant 0 : i32
      %dma_wait3A_349 = arith.constant 0 : i32
      %dma_wait3A_350 = tpu.memref_slice %arg2[%dma_wait3A_348, %dma_wait3A_349] : memref<6912x2304xf32, #tpu.memory_space<hbm>> -> memref<6912x2304xf32, #tpu.memory_space<hbm>>
      %dma_wait3A_351 = tpu.memref_slice %arg19[%dma_wait3A_341] : memref<2x!tpu.dma_semaphore, #tpu.memory_space<semaphore_mem>> -> memref<1x!tpu.dma_semaphore, #tpu.memory_space<semaphore_mem>>
      %dma_wait3A_352 = tpu.memref_squeeze %dma_wait3A_351 : memref<1x!tpu.dma_semaphore, #tpu.memory_space<semaphore_mem>> -> memref<!tpu.dma_semaphore, #tpu.memory_space<semaphore_mem>>
      tpu.wait_indirect_dma semaphore(%dma_wait3A_352 : memref<!tpu.dma_semaphore, #tpu.memory_space<semaphore_mem>>) src(%dma_wait3A_350 : memref<6912x2304xf32, #tpu.memory_space<hbm>>) dst(%dma_wait3A_345 : memref<8x2304xf32, #tpu.memory_space<vmem>>)
      %dma_wait3A_353 = arith.constant 1 : i32
      %dma_wait3A_354 = arith.constant 1 : i32
      %dma_wait3A_355 = arith.constant 0 : i32
      %dma_wait3A_356 = arith.constant 0 : i32
      %dma_wait3A_357 = tpu.memref_slice %arg14[%dma_wait3A_353, %dma_wait3A_355, %dma_wait3A_356] : memref<2x8x2304xf32, #tpu.memory_space<vmem>> -> memref<1x8x2304xf32, #tpu.memory_space<vmem>>
      %dma_wait3A_358 = tpu.memref_squeeze %dma_wait3A_357 : memref<1x8x2304xf32, #tpu.memory_space<vmem>> -> memref<8x2304xf32, #tpu.memory_space<vmem>>
      %dma_wait3A_359 = arith.constant 0 : i32
      %dma_wait3A_360 = tpu.memref_slice %arg11[%dma_wait3A_359] : memref<216xi32, #tpu.memory_space<vmem>> -> memref<8xi32, #tpu.memory_space<vmem>>
      %dma_wait3A_361 = arith.constant 0 : i32
      %dma_wait3A_362 = arith.constant 0 : i32
      %dma_wait3A_363 = tpu.memref_slice %arg2[%dma_wait3A_361, %dma_wait3A_362] : memref<6912x2304xf32, #tpu.memory_space<hbm>> -> memref<6912x2304xf32, #tpu.memory_space<hbm>>
      %dma_wait3A_364 = tpu.memref_slice %arg20[%dma_wait3A_354] : memref<2x!tpu.dma_semaphore, #tpu.memory_space<semaphore_mem>> -> memref<1x!tpu.dma_semaphore, #tpu.memory_space<semaphore_mem>>
      %dma_wait3A_365 = tpu.memref_squeeze %dma_wait3A_364 : memref<1x!tpu.dma_semaphore, #tpu.memory_space<semaphore_mem>> -> memref<!tpu.dma_semaphore, #tpu.memory_space<semaphore_mem>>
      tpu.wait_indirect_dma semaphore(%dma_wait3A_365 : memref<!tpu.dma_semaphore, #tpu.memory_space<semaphore_mem>>) src(%dma_wait3A_363 : memref<6912x2304xf32, #tpu.memory_space<hbm>>) dst(%dma_wait3A_358 : memref<8x2304xf32, #tpu.memory_space<vmem>>)
      %gt3A_366 = arith.constant 0 : i32
      %gt3A_367 = arith.cmpi sgt, %scan3A_216, %gt3A_366 : i32
      %convert_element_type3A_368 = arith.extui %gt3A_367 : i1 to i32
      %cond3A_369 = arith.constant 0 : i32
      %cond3A_370 = arith.cmpi ne, %convert_element_type3A_368, %cond3A_369 : i32
      scf.if %cond3A_370 {
        %sub3A = arith.constant 1 : i32
        %sub3A_469 = arith.subi %mul3A_218, %sub3A : i32
        %mul3A_470 = arith.constant 8 : i32
        %mul3A_471 = arith.muli %sub3A_469, %mul3A_470 : i32
        %add3A_472 = arith.addi %mul3A_471, %mul3A_2 : i32
        %dma_wait3A_473 = arith.constant 1 : i32
        %dma_wait3A_474 = arith.constant 1 : i32
        %dma_wait3A_475 = arith.constant 0 : i32
        %dma_wait3A_476 = arith.constant 0 : i32
        %dma_wait3A_477 = tpu.memref_slice %arg15[%dma_wait3A_473, %dma_wait3A_475, %dma_wait3A_476] : memref<2x8x2304xf32, #tpu.memory_space<vmem>> -> memref<1x8x2304xf32, #tpu.memory_space<vmem>>
        %dma_wait3A_478 = tpu.memref_squeeze %dma_wait3A_477 : memref<1x8x2304xf32, #tpu.memory_space<vmem>> -> memref<8x2304xf32, #tpu.memory_space<vmem>>
        %dma_wait3A_479 = arith.constant 0 : i32
        %dma_wait3A_480 = tpu.memref_slice %arg9[%add3A_472, %dma_wait3A_479] : memref<6912x2304xf32, #tpu.memory_space<hbm>> -> memref<8x2304xf32, #tpu.memory_space<hbm>>
        %dma_wait3A_481 = tpu.memref_slice %arg21[%dma_wait3A_474] : memref<2x!tpu.dma_semaphore, #tpu.memory_space<semaphore_mem>> -> memref<1x!tpu.dma_semaphore, #tpu.memory_space<semaphore_mem>>
        %dma_wait3A_482 = tpu.memref_squeeze %dma_wait3A_481 : memref<1x!tpu.dma_semaphore, #tpu.memory_space<semaphore_mem>> -> memref<!tpu.dma_semaphore, #tpu.memory_space<semaphore_mem>>
        %dma_wait3A_483 = arith.constant 0 : i32
        %dma_wait3A_484 = tpu.memref_slice %arg9[%add3A_472, %dma_wait3A_483] : memref<6912x2304xf32, #tpu.memory_space<hbm>> -> memref<8x2304xf32, #tpu.memory_space<hbm>>
        %dma_wait3A_485 = arith.constant 0 : i32
        %dma_wait3A_486 = arith.constant 0 : i32
        %dma_wait3A_487 = tpu.memref_slice %arg15[%dma_wait3A_473, %dma_wait3A_485, %dma_wait3A_486] : memref<2x8x2304xf32, #tpu.memory_space<vmem>> -> memref<1x8x2304xf32, #tpu.memory_space<vmem>>
        %dma_wait3A_488 = tpu.memref_squeeze %dma_wait3A_487 : memref<1x8x2304xf32, #tpu.memory_space<vmem>> -> memref<8x2304xf32, #tpu.memory_space<vmem>>
        tpu.wait_dma2 semaphore(%dma_wait3A_482 : memref<!tpu.dma_semaphore, #tpu.memory_space<semaphore_mem>>) src(%dma_wait3A_488 : memref<8x2304xf32, #tpu.memory_space<vmem>>) dst(%dma_wait3A_484 : memref<8x2304xf32, #tpu.memory_space<hbm>>)
      } else {
      }
      %add3A_371 = arith.constant 1 : i32
      %add3A_372 = arith.addi %mul3A_218, %add3A_371 : i32
      %mul3A_373 = arith.constant 8 : i32
      %mul3A_374 = arith.muli %add3A_372, %mul3A_373 : i32
      %add3A_375 = arith.constant 0 : i32
      %add3A_376 = arith.addi %mul3A_374, %add3A_375 : i32
      %get3A_377 = arith.index_cast %add3A_376 : i32 to index
      %get3A_378 = arith.constant 0 : index
      %get3A_379 = tpu.vector_load %arg12[%get3A_377, %get3A_378] {strides = array<i32>} : memref<216x16xf32, #tpu.memory_space<vmem>>, vector<16xf32>,
      %add3A_380 = arith.constant 1 : i32
      %add3A_381 = arith.addi %mul3A_374, %add3A_380 : i32
      %get3A_382 = arith.index_cast %add3A_381 : i32 to index
      %get3A_383 = arith.constant 0 : index
      %get3A_384 = tpu.vector_load %arg12[%get3A_382, %get3A_383] {strides = array<i32>} : memref<216x16xf32, #tpu.memory_space<vmem>>, vector<16xf32>,
      %add3A_385 = arith.constant 2 : i32
      %add3A_386 = arith.addi %mul3A_374, %add3A_385 : i32
      %get3A_387 = arith.index_cast %add3A_386 : i32 to index
      %get3A_388 = arith.constant 0 : index
      %get3A_389 = tpu.vector_load %arg12[%get3A_387, %get3A_388] {strides = array<i32>} : memref<216x16xf32, #tpu.memory_space<vmem>>, vector<16xf32>,
      %add3A_390 = arith.constant 3 : i32
      %add3A_391 = arith.addi %mul3A_374, %add3A_390 : i32
      %get3A_392 = arith.index_cast %add3A_391 : i32 to index
      %get3A_393 = arith.constant 0 : index
      %get3A_394 = tpu.vector_load %arg12[%get3A_392, %get3A_393] {strides = array<i32>} : memref<216x16xf32, #tpu.memory_space<vmem>>, vector<16xf32>,
      %add3A_395 = arith.constant 4 : i32
      %add3A_396 = arith.addi %mul3A_374, %add3A_395 : i32
      %get3A_397 = arith.index_cast %add3A_396 : i32 to index
      %get3A_398 = arith.constant 0 : index
      %get3A_399 = tpu.vector_load %arg12[%get3A_397, %get3A_398] {strides = array<i32>} : memref<216x16xf32, #tpu.memory_space<vmem>>, vector<16xf32>,
      %add3A_400 = arith.constant 5 : i32
      %add3A_401 = arith.addi %mul3A_374, %add3A_400 : i32
      %get3A_402 = arith.index_cast %add3A_401 : i32 to index
      %get3A_403 = arith.constant 0 : index
      %get3A_404 = tpu.vector_load %arg12[%get3A_402, %get3A_403] {strides = array<i32>} : memref<216x16xf32, #tpu.memory_space<vmem>>, vector<16xf32>,
      %add3A_405 = arith.constant 6 : i32
      %add3A_406 = arith.addi %mul3A_374, %add3A_405 : i32
      %get3A_407 = arith.index_cast %add3A_406 : i32 to index
      %get3A_408 = arith.constant 0 : index
      %get3A_409 = tpu.vector_load %arg12[%get3A_407, %get3A_408] {strides = array<i32>} : memref<216x16xf32, #tpu.memory_space<vmem>>, vector<16xf32>,
      %add3A_410 = arith.constant 7 : i32
      %add3A_411 = arith.addi %mul3A_374, %add3A_410 : i32
      %get3A_412 = arith.index_cast %add3A_411 : i32 to index
      %get3A_413 = arith.constant 0 : index
      %get3A_414 = tpu.vector_load %arg12[%get3A_412, %get3A_413] {strides = array<i32>} : memref<216x16xf32, #tpu.memory_space<vmem>>, vector<16xf32>,
      %parallel_loop3A_415 = arith.constant 0 : i32
      %parallel_loop3A_416 = arith.constant 144 : i32
      %parallel_loop3A_417 = arith.constant 1 : i32
      %parallel_loop3A_418:8 = scf.for %parallel_loop3A_469 = %parallel_loop3A_415 to %parallel_loop3A_416 step %parallel_loop3A_417 iter_args(%parallel_loop3A_470 = %get3A_379, %parallel_loop3A_471 = %get3A_384, %parallel_loop3A_472 = %get3A_389, %parallel_loop3A_473 = %get3A_394, %parallel_loop3A_474 = %get3A_399, %parallel_loop3A_475 = %get3A_404, %parallel_loop3A_476 = %get3A_409, %parallel_loop3A_477 = %get3A_414) -> (vector<16xf32>, vector<16xf32>, vector<16xf32>, vector<16xf32>, vector<16xf32>, vector<16xf32>, vector<16xf32>, vector<16xf32>)  : i32 {
        %parallel_loop3A_478 = arith.constant 16 : i32
        %parallel_loop3A_479 = arith.muli %parallel_loop3A_469, %parallel_loop3A_478 : i32
        %parallel_loop3A_480 = arith.index_cast %parallel_loop3A_479 : i32 to index
        %parallel_loop3A_481 = tpu.vector_load %arg16[%parallel_loop3A_480] {strides = array<i32>} : memref<2304xi32, #tpu.memory_space<vmem>>, vector<16xi32>,
        %parallel_loop3A_482 = arith.index_cast %parallel_loop3A_479 : i32 to index
        %parallel_loop3A_483 = tpu.vector_load %arg17[%parallel_loop3A_482] {strides = array<i32>} : memref<2304xi32, #tpu.memory_space<vmem>>, vector<16xi32>,
        %parallel_loop3A_484 = arith.index_cast %parallel_loop3A_479 : i32 to index
        %parallel_loop3A_485 = tpu.vector_load %arg18[%parallel_loop3A_484] {strides = array<i32>} : memref<2304xf32, #tpu.memory_space<vmem>>, vector<16xf32>,
        %parallel_loop3A_486 = arith.constant 1 : i32
        %parallel_loop3A_487 = arith.constant 0 : i32
        %parallel_loop3A_488 = arith.constant 0 : i32
        %parallel_loop3A_489 = tpu.memref_slice %arg13[%parallel_loop3A_486, %parallel_loop3A_487, %parallel_loop3A_488] : memref<2x8x2304xf32, #tpu.memory_space<vmem>> -> memref<1x1x2304xf32, #tpu.memory_space<vmem>>
        %parallel_loop3A_490 = tpu.memref_squeeze %parallel_loop3A_489 : memref<1x1x2304xf32, #tpu.memory_space<vmem>> -> memref<2304xf32, #tpu.memory_space<vmem>>
        %parallel_loop3A_491 = tpu.vector_load_idx %parallel_loop3A_490[%parallel_loop3A_481] : memref<2304xf32, #tpu.memory_space<vmem>>[vector<16xi32>], vector<16xf32>,
        %parallel_loop3A_492 = arith.constant 1 : i32
        %parallel_loop3A_493 = arith.constant 0 : i32
        %parallel_loop3A_494 = arith.constant 0 : i32
        %parallel_loop3A_495 = tpu.memref_slice %arg13[%parallel_loop3A_492, %parallel_loop3A_493, %parallel_loop3A_494] : memref<2x8x2304xf32, #tpu.memory_space<vmem>> -> memref<1x1x2304xf32, #tpu.memory_space<vmem>>
        %parallel_loop3A_496 = tpu.memref_squeeze %parallel_loop3A_495 : memref<1x1x2304xf32, #tpu.memory_space<vmem>> -> memref<2304xf32, #tpu.memory_space<vmem>>
        %parallel_loop3A_497 = tpu.vector_load_idx %parallel_loop3A_496[%parallel_loop3A_483] : memref<2304xf32, #tpu.memory_space<vmem>>[vector<16xi32>], vector<16xf32>,
        %parallel_loop3A_498 = arith.constant 1 : i32
        %parallel_loop3A_499 = arith.constant 0 : i32
        %parallel_loop3A_500 = arith.constant 0 : i32
        %parallel_loop3A_501 = tpu.memref_slice %arg14[%parallel_loop3A_498, %parallel_loop3A_499, %parallel_loop3A_500] : memref<2x8x2304xf32, #tpu.memory_space<vmem>> -> memref<1x1x2304xf32, #tpu.memory_space<vmem>>
        %parallel_loop3A_502 = tpu.memref_squeeze %parallel_loop3A_501 : memref<1x1x2304xf32, #tpu.memory_space<vmem>> -> memref<2304xf32, #tpu.memory_space<vmem>>
        %parallel_loop3A_503 = tpu.vector_load_idx %parallel_loop3A_502[%parallel_loop3A_481] : memref<2304xf32, #tpu.memory_space<vmem>>[vector<16xi32>], vector<16xf32>,
        %parallel_loop3A_504 = arith.constant 1 : i32
        %parallel_loop3A_505 = arith.constant 0 : i32
        %parallel_loop3A_506 = arith.constant 0 : i32
        %parallel_loop3A_507 = tpu.memref_slice %arg14[%parallel_loop3A_504, %parallel_loop3A_505, %parallel_loop3A_506] : memref<2x8x2304xf32, #tpu.memory_space<vmem>> -> memref<1x1x2304xf32, #tpu.memory_space<vmem>>
        %parallel_loop3A_508 = tpu.memref_squeeze %parallel_loop3A_507 : memref<1x1x2304xf32, #tpu.memory_space<vmem>> -> memref<2304xf32, #tpu.memory_space<vmem>>
        %parallel_loop3A_509 = tpu.vector_load_idx %parallel_loop3A_508[%parallel_loop3A_483] : memref<2304xf32, #tpu.memory_space<vmem>>[vector<16xi32>], vector<16xf32>,
        %parallel_loop3A_510 = arith.subf %parallel_loop3A_503, %parallel_loop3A_491 : vector<16xf32>
        %parallel_loop3A_511 = arith.mulf %parallel_loop3A_470, %parallel_loop3A_510 : vector<16xf32>
        %parallel_loop3A_512 = arith.addf %parallel_loop3A_491, %parallel_loop3A_511 : vector<16xf32>
        %parallel_loop3A_513 = arith.subf %parallel_loop3A_509, %parallel_loop3A_497 : vector<16xf32>
        %parallel_loop3A_514 = arith.mulf %parallel_loop3A_470, %parallel_loop3A_513 : vector<16xf32>
        %parallel_loop3A_515 = arith.addf %parallel_loop3A_497, %parallel_loop3A_514 : vector<16xf32>
        %parallel_loop3A_516 = arith.subf %parallel_loop3A_512, %parallel_loop3A_515 : vector<16xf32>
        %parallel_loop3A_517 = arith.mulf %parallel_loop3A_485, %parallel_loop3A_516 : vector<16xf32>
        %parallel_loop3A_518 = arith.addf %parallel_loop3A_515, %parallel_loop3A_517 : vector<16xf32>
        %parallel_loop3A_519 = arith.constant 1 : i32
        %parallel_loop3A_520 = arith.constant 0 : i32
        %parallel_loop3A_521 = arith.index_cast %parallel_loop3A_519 : i32 to index
        %parallel_loop3A_522 = arith.index_cast %parallel_loop3A_520 : i32 to index
        %parallel_loop3A_523 = arith.index_cast %parallel_loop3A_479 : i32 to index
        %parallel_loop3A_524 = tpu.vector_load %arg15[%parallel_loop3A_521, %parallel_loop3A_522, %parallel_loop3A_523] {strides = array<i32>} : memref<2x8x2304xf32, #tpu.memory_space<vmem>>, vector<16xf32>,
        tpu.vector_store %arg15[%parallel_loop3A_521, %parallel_loop3A_522, %parallel_loop3A_523], %parallel_loop3A_518 {strides = array<i32>} : memref<2x8x2304xf32, #tpu.memory_space<vmem>>, vector<16xf32>,
        %parallel_loop3A_525 = arith.constant 1 : i32
        %parallel_loop3A_526 = arith.constant 1 : i32
        %parallel_loop3A_527 = arith.constant 0 : i32
        %parallel_loop3A_528 = tpu.memref_slice %arg13[%parallel_loop3A_525, %parallel_loop3A_526, %parallel_loop3A_527] : memref<2x8x2304xf32, #tpu.memory_space<vmem>> -> memref<1x1x2304xf32, #tpu.memory_space<vmem>>
        %parallel_loop3A_529 = tpu.memref_squeeze %parallel_loop3A_528 : memref<1x1x2304xf32, #tpu.memory_space<vmem>> -> memref<2304xf32, #tpu.memory_space<vmem>>
        %parallel_loop3A_530 = tpu.vector_load_idx %parallel_loop3A_529[%parallel_loop3A_481] : memref<2304xf32, #tpu.memory_space<vmem>>[vector<16xi32>], vector<16xf32>,
        %parallel_loop3A_531 = arith.constant 1 : i32
        %parallel_loop3A_532 = arith.constant 1 : i32
        %parallel_loop3A_533 = arith.constant 0 : i32
        %parallel_loop3A_534 = tpu.memref_slice %arg13[%parallel_loop3A_531, %parallel_loop3A_532, %parallel_loop3A_533] : memref<2x8x2304xf32, #tpu.memory_space<vmem>> -> memref<1x1x2304xf32, #tpu.memory_space<vmem>>
        %parallel_loop3A_535 = tpu.memref_squeeze %parallel_loop3A_534 : memref<1x1x2304xf32, #tpu.memory_space<vmem>> -> memref<2304xf32, #tpu.memory_space<vmem>>
        %parallel_loop3A_536 = tpu.vector_load_idx %parallel_loop3A_535[%parallel_loop3A_483] : memref<2304xf32, #tpu.memory_space<vmem>>[vector<16xi32>], vector<16xf32>,
        %parallel_loop3A_537 = arith.constant 1 : i32
        %parallel_loop3A_538 = arith.constant 1 : i32
        %parallel_loop3A_539 = arith.constant 0 : i32
        %parallel_loop3A_540 = tpu.memref_slice %arg14[%parallel_loop3A_537, %parallel_loop3A_538, %parallel_loop3A_539] : memref<2x8x2304xf32, #tpu.memory_space<vmem>> -> memref<1x1x2304xf32, #tpu.memory_space<vmem>>
        %parallel_loop3A_541 = tpu.memref_squeeze %parallel_loop3A_540 : memref<1x1x2304xf32, #tpu.memory_space<vmem>> -> memref<2304xf32, #tpu.memory_space<vmem>>
        %parallel_loop3A_542 = tpu.vector_load_idx %parallel_loop3A_541[%parallel_loop3A_481] : memref<2304xf32, #tpu.memory_space<vmem>>[vector<16xi32>], vector<16xf32>,
        %parallel_loop3A_543 = arith.constant 1 : i32
        %parallel_loop3A_544 = arith.constant 1 : i32
        %parallel_loop3A_545 = arith.constant 0 : i32
        %parallel_loop3A_546 = tpu.memref_slice %arg14[%parallel_loop3A_543, %parallel_loop3A_544, %parallel_loop3A_545] : memref<2x8x2304xf32, #tpu.memory_space<vmem>> -> memref<1x1x2304xf32, #tpu.memory_space<vmem>>
        %parallel_loop3A_547 = tpu.memref_squeeze %parallel_loop3A_546 : memref<1x1x2304xf32, #tpu.memory_space<vmem>> -> memref<2304xf32, #tpu.memory_space<vmem>>
        %parallel_loop3A_548 = tpu.vector_load_idx %parallel_loop3A_547[%parallel_loop3A_483] : memref<2304xf32, #tpu.memory_space<vmem>>[vector<16xi32>], vector<16xf32>,
        %parallel_loop3A_549 = arith.subf %parallel_loop3A_542, %parallel_loop3A_530 : vector<16xf32>
        %parallel_loop3A_550 = arith.mulf %parallel_loop3A_471, %parallel_loop3A_549 : vector<16xf32>
        %parallel_loop3A_551 = arith.addf %parallel_loop3A_530, %parallel_loop3A_550 : vector<16xf32>
        %parallel_loop3A_552 = arith.subf %parallel_loop3A_548, %parallel_loop3A_536 : vector<16xf32>
        %parallel_loop3A_553 = arith.mulf %parallel_loop3A_471, %parallel_loop3A_552 : vector<16xf32>
        %parallel_loop3A_554 = arith.addf %parallel_loop3A_536, %parallel_loop3A_553 : vector<16xf32>
        %parallel_loop3A_555 = arith.subf %parallel_loop3A_551, %parallel_loop3A_554 : vector<16xf32>
        %parallel_loop3A_556 = arith.mulf %parallel_loop3A_485, %parallel_loop3A_555 : vector<16xf32>
        %parallel_loop3A_557 = arith.addf %parallel_loop3A_554, %parallel_loop3A_556 : vector<16xf32>
        %parallel_loop3A_558 = arith.constant 1 : i32
        %parallel_loop3A_559 = arith.constant 1 : i32
        %parallel_loop3A_560 = arith.index_cast %parallel_loop3A_558 : i32 to index
        %parallel_loop3A_561 = arith.index_cast %parallel_loop3A_559 : i32 to index
        %parallel_loop3A_562 = arith.index_cast %parallel_loop3A_479 : i32 to index
        %parallel_loop3A_563 = tpu.vector_load %arg15[%parallel_loop3A_560, %parallel_loop3A_561, %parallel_loop3A_562] {strides = array<i32>} : memref<2x8x2304xf32, #tpu.memory_space<vmem>>, vector<16xf32>,
        tpu.vector_store %arg15[%parallel_loop3A_560, %parallel_loop3A_561, %parallel_loop3A_562], %parallel_loop3A_557 {strides = array<i32>} : memref<2x8x2304xf32, #tpu.memory_space<vmem>>, vector<16xf32>,
        %parallel_loop3A_564 = arith.constant 1 : i32
        %parallel_loop3A_565 = arith.constant 2 : i32
        %parallel_loop3A_566 = arith.constant 0 : i32
        %parallel_loop3A_567 = tpu.memref_slice %arg13[%parallel_loop3A_564, %parallel_loop3A_565, %parallel_loop3A_566] : memref<2x8x2304xf32, #tpu.memory_space<vmem>> -> memref<1x1x2304xf32, #tpu.memory_space<vmem>>
        %parallel_loop3A_568 = tpu.memref_squeeze %parallel_loop3A_567 : memref<1x1x2304xf32, #tpu.memory_space<vmem>> -> memref<2304xf32, #tpu.memory_space<vmem>>
        %parallel_loop3A_569 = tpu.vector_load_idx %parallel_loop3A_568[%parallel_loop3A_481] : memref<2304xf32, #tpu.memory_space<vmem>>[vector<16xi32>], vector<16xf32>,
        %parallel_loop3A_570 = arith.constant 1 : i32
        %parallel_loop3A_571 = arith.constant 2 : i32
        %parallel_loop3A_572 = arith.constant 0 : i32
        %parallel_loop3A_573 = tpu.memref_slice %arg13[%parallel_loop3A_570, %parallel_loop3A_571, %parallel_loop3A_572] : memref<2x8x2304xf32, #tpu.memory_space<vmem>> -> memref<1x1x2304xf32, #tpu.memory_space<vmem>>
        %parallel_loop3A_574 = tpu.memref_squeeze %parallel_loop3A_573 : memref<1x1x2304xf32, #tpu.memory_space<vmem>> -> memref<2304xf32, #tpu.memory_space<vmem>>
        %parallel_loop3A_575 = tpu.vector_load_idx %parallel_loop3A_574[%parallel_loop3A_483] : memref<2304xf32, #tpu.memory_space<vmem>>[vector<16xi32>], vector<16xf32>,
        %parallel_loop3A_576 = arith.constant 1 : i32
        %parallel_loop3A_577 = arith.constant 2 : i32
        %parallel_loop3A_578 = arith.constant 0 : i32
        %parallel_loop3A_579 = tpu.memref_slice %arg14[%parallel_loop3A_576, %parallel_loop3A_577, %parallel_loop3A_578] : memref<2x8x2304xf32, #tpu.memory_space<vmem>> -> memref<1x1x2304xf32, #tpu.memory_space<vmem>>
        %parallel_loop3A_580 = tpu.memref_squeeze %parallel_loop3A_579 : memref<1x1x2304xf32, #tpu.memory_space<vmem>> -> memref<2304xf32, #tpu.memory_space<vmem>>
        %parallel_loop3A_581 = tpu.vector_load_idx %parallel_loop3A_580[%parallel_loop3A_481] : memref<2304xf32, #tpu.memory_space<vmem>>[vector<16xi32>], vector<16xf32>,
        %parallel_loop3A_582 = arith.constant 1 : i32
        %parallel_loop3A_583 = arith.constant 2 : i32
        %parallel_loop3A_584 = arith.constant 0 : i32
        %parallel_loop3A_585 = tpu.memref_slice %arg14[%parallel_loop3A_582, %parallel_loop3A_583, %parallel_loop3A_584] : memref<2x8x2304xf32, #tpu.memory_space<vmem>> -> memref<1x1x2304xf32, #tpu.memory_space<vmem>>
        %parallel_loop3A_586 = tpu.memref_squeeze %parallel_loop3A_585 : memref<1x1x2304xf32, #tpu.memory_space<vmem>> -> memref<2304xf32, #tpu.memory_space<vmem>>
        %parallel_loop3A_587 = tpu.vector_load_idx %parallel_loop3A_586[%parallel_loop3A_483] : memref<2304xf32, #tpu.memory_space<vmem>>[vector<16xi32>], vector<16xf32>,
        %parallel_loop3A_588 = arith.subf %parallel_loop3A_581, %parallel_loop3A_569 : vector<16xf32>
        %parallel_loop3A_589 = arith.mulf %parallel_loop3A_472, %parallel_loop3A_588 : vector<16xf32>
        %parallel_loop3A_590 = arith.addf %parallel_loop3A_569, %parallel_loop3A_589 : vector<16xf32>
        %parallel_loop3A_591 = arith.subf %parallel_loop3A_587, %parallel_loop3A_575 : vector<16xf32>
        %parallel_loop3A_592 = arith.mulf %parallel_loop3A_472, %parallel_loop3A_591 : vector<16xf32>
        %parallel_loop3A_593 = arith.addf %parallel_loop3A_575, %parallel_loop3A_592 : vector<16xf32>
        %parallel_loop3A_594 = arith.subf %parallel_loop3A_590, %parallel_loop3A_593 : vector<16xf32>
        %parallel_loop3A_595 = arith.mulf %parallel_loop3A_485, %parallel_loop3A_594 : vector<16xf32>
        %parallel_loop3A_596 = arith.addf %parallel_loop3A_593, %parallel_loop3A_595 : vector<16xf32>
        %parallel_loop3A_597 = arith.constant 1 : i32
        %parallel_loop3A_598 = arith.constant 2 : i32
        %parallel_loop3A_599 = arith.index_cast %parallel_loop3A_597 : i32 to index
        %parallel_loop3A_600 = arith.index_cast %parallel_loop3A_598 : i32 to index
        %parallel_loop3A_601 = arith.index_cast %parallel_loop3A_479 : i32 to index
        %parallel_loop3A_602 = tpu.vector_load %arg15[%parallel_loop3A_599, %parallel_loop3A_600, %parallel_loop3A_601] {strides = array<i32>} : memref<2x8x2304xf32, #tpu.memory_space<vmem>>, vector<16xf32>,
        tpu.vector_store %arg15[%parallel_loop3A_599, %parallel_loop3A_600, %parallel_loop3A_601], %parallel_loop3A_596 {strides = array<i32>} : memref<2x8x2304xf32, #tpu.memory_space<vmem>>, vector<16xf32>,
        %parallel_loop3A_603 = arith.constant 1 : i32
        %parallel_loop3A_604 = arith.constant 3 : i32
        %parallel_loop3A_605 = arith.constant 0 : i32
        %parallel_loop3A_606 = tpu.memref_slice %arg13[%parallel_loop3A_603, %parallel_loop3A_604, %parallel_loop3A_605] : memref<2x8x2304xf32, #tpu.memory_space<vmem>> -> memref<1x1x2304xf32, #tpu.memory_space<vmem>>
        %parallel_loop3A_607 = tpu.memref_squeeze %parallel_loop3A_606 : memref<1x1x2304xf32, #tpu.memory_space<vmem>> -> memref<2304xf32, #tpu.memory_space<vmem>>
        %parallel_loop3A_608 = tpu.vector_load_idx %parallel_loop3A_607[%parallel_loop3A_481] : memref<2304xf32, #tpu.memory_space<vmem>>[vector<16xi32>], vector<16xf32>,
        %parallel_loop3A_609 = arith.constant 1 : i32
        %parallel_loop3A_610 = arith.constant 3 : i32
        %parallel_loop3A_611 = arith.constant 0 : i32
        %parallel_loop3A_612 = tpu.memref_slice %arg13[%parallel_loop3A_609, %parallel_loop3A_610, %parallel_loop3A_611] : memref<2x8x2304xf32, #tpu.memory_space<vmem>> -> memref<1x1x2304xf32, #tpu.memory_space<vmem>>
        %parallel_loop3A_613 = tpu.memref_squeeze %parallel_loop3A_612 : memref<1x1x2304xf32, #tpu.memory_space<vmem>> -> memref<2304xf32, #tpu.memory_space<vmem>>
        %parallel_loop3A_614 = tpu.vector_load_idx %parallel_loop3A_613[%parallel_loop3A_483] : memref<2304xf32, #tpu.memory_space<vmem>>[vector<16xi32>], vector<16xf32>,
        %parallel_loop3A_615 = arith.constant 1 : i32
        %parallel_loop3A_616 = arith.constant 3 : i32
        %parallel_loop3A_617 = arith.constant 0 : i32
        %parallel_loop3A_618 = tpu.memref_slice %arg14[%parallel_loop3A_615, %parallel_loop3A_616, %parallel_loop3A_617] : memref<2x8x2304xf32, #tpu.memory_space<vmem>> -> memref<1x1x2304xf32, #tpu.memory_space<vmem>>
        %parallel_loop3A_619 = tpu.memref_squeeze %parallel_loop3A_618 : memref<1x1x2304xf32, #tpu.memory_space<vmem>> -> memref<2304xf32, #tpu.memory_space<vmem>>
        %parallel_loop3A_620 = tpu.vector_load_idx %parallel_loop3A_619[%parallel_loop3A_481] : memref<2304xf32, #tpu.memory_space<vmem>>[vector<16xi32>], vector<16xf32>,
        %parallel_loop3A_621 = arith.constant 1 : i32
        %parallel_loop3A_622 = arith.constant 3 : i32
        %parallel_loop3A_623 = arith.constant 0 : i32
        %parallel_loop3A_624 = tpu.memref_slice %arg14[%parallel_loop3A_621, %parallel_loop3A_622, %parallel_loop3A_623] : memref<2x8x2304xf32, #tpu.memory_space<vmem>> -> memref<1x1x2304xf32, #tpu.memory_space<vmem>>
        %parallel_loop3A_625 = tpu.memref_squeeze %parallel_loop3A_624 : memref<1x1x2304xf32, #tpu.memory_space<vmem>> -> memref<2304xf32, #tpu.memory_space<vmem>>
        %parallel_loop3A_626 = tpu.vector_load_idx %parallel_loop3A_625[%parallel_loop3A_483] : memref<2304xf32, #tpu.memory_space<vmem>>[vector<16xi32>], vector<16xf32>,
        %parallel_loop3A_627 = arith.subf %parallel_loop3A_620, %parallel_loop3A_608 : vector<16xf32>
        %parallel_loop3A_628 = arith.mulf %parallel_loop3A_473, %parallel_loop3A_627 : vector<16xf32>
        %parallel_loop3A_629 = arith.addf %parallel_loop3A_608, %parallel_loop3A_628 : vector<16xf32>
        %parallel_loop3A_630 = arith.subf %parallel_loop3A_626, %parallel_loop3A_614 : vector<16xf32>
        %parallel_loop3A_631 = arith.mulf %parallel_loop3A_473, %parallel_loop3A_630 : vector<16xf32>
        %parallel_loop3A_632 = arith.addf %parallel_loop3A_614, %parallel_loop3A_631 : vector<16xf32>
        %parallel_loop3A_633 = arith.subf %parallel_loop3A_629, %parallel_loop3A_632 : vector<16xf32>
        %parallel_loop3A_634 = arith.mulf %parallel_loop3A_485, %parallel_loop3A_633 : vector<16xf32>
        %parallel_loop3A_635 = arith.addf %parallel_loop3A_632, %parallel_loop3A_634 : vector<16xf32>
        %parallel_loop3A_636 = arith.constant 1 : i32
        %parallel_loop3A_637 = arith.constant 3 : i32
        %parallel_loop3A_638 = arith.index_cast %parallel_loop3A_636 : i32 to index
        %parallel_loop3A_639 = arith.index_cast %parallel_loop3A_637 : i32 to index
        %parallel_loop3A_640 = arith.index_cast %parallel_loop3A_479 : i32 to index
        %parallel_loop3A_641 = tpu.vector_load %arg15[%parallel_loop3A_638, %parallel_loop3A_639, %parallel_loop3A_640] {strides = array<i32>} : memref<2x8x2304xf32, #tpu.memory_space<vmem>>, vector<16xf32>,
        tpu.vector_store %arg15[%parallel_loop3A_638, %parallel_loop3A_639, %parallel_loop3A_640], %parallel_loop3A_635 {strides = array<i32>} : memref<2x8x2304xf32, #tpu.memory_space<vmem>>, vector<16xf32>,
        %parallel_loop3A_642 = arith.constant 1 : i32
        %parallel_loop3A_643 = arith.constant 4 : i32
        %parallel_loop3A_644 = arith.constant 0 : i32
        %parallel_loop3A_645 = tpu.memref_slice %arg13[%parallel_loop3A_642, %parallel_loop3A_643, %parallel_loop3A_644] : memref<2x8x2304xf32, #tpu.memory_space<vmem>> -> memref<1x1x2304xf32, #tpu.memory_space<vmem>>
        %parallel_loop3A_646 = tpu.memref_squeeze %parallel_loop3A_645 : memref<1x1x2304xf32, #tpu.memory_space<vmem>> -> memref<2304xf32, #tpu.memory_space<vmem>>
        %parallel_loop3A_647 = tpu.vector_load_idx %parallel_loop3A_646[%parallel_loop3A_481] : memref<2304xf32, #tpu.memory_space<vmem>>[vector<16xi32>], vector<16xf32>,
        %parallel_loop3A_648 = arith.constant 1 : i32
        %parallel_loop3A_649 = arith.constant 4 : i32
        %parallel_loop3A_650 = arith.constant 0 : i32
        %parallel_loop3A_651 = tpu.memref_slice %arg13[%parallel_loop3A_648, %parallel_loop3A_649, %parallel_loop3A_650] : memref<2x8x2304xf32, #tpu.memory_space<vmem>> -> memref<1x1x2304xf32, #tpu.memory_space<vmem>>
        %parallel_loop3A_652 = tpu.memref_squeeze %parallel_loop3A_651 : memref<1x1x2304xf32, #tpu.memory_space<vmem>> -> memref<2304xf32, #tpu.memory_space<vmem>>
        %parallel_loop3A_653 = tpu.vector_load_idx %parallel_loop3A_652[%parallel_loop3A_483] : memref<2304xf32, #tpu.memory_space<vmem>>[vector<16xi32>], vector<16xf32>,
        %parallel_loop3A_654 = arith.constant 1 : i32
        %parallel_loop3A_655 = arith.constant 4 : i32
        %parallel_loop3A_656 = arith.constant 0 : i32
        %parallel_loop3A_657 = tpu.memref_slice %arg14[%parallel_loop3A_654, %parallel_loop3A_655, %parallel_loop3A_656] : memref<2x8x2304xf32, #tpu.memory_space<vmem>> -> memref<1x1x2304xf32, #tpu.memory_space<vmem>>
        %parallel_loop3A_658 = tpu.memref_squeeze %parallel_loop3A_657 : memref<1x1x2304xf32, #tpu.memory_space<vmem>> -> memref<2304xf32, #tpu.memory_space<vmem>>
        %parallel_loop3A_659 = tpu.vector_load_idx %parallel_loop3A_658[%parallel_loop3A_481] : memref<2304xf32, #tpu.memory_space<vmem>>[vector<16xi32>], vector<16xf32>,
        %parallel_loop3A_660 = arith.constant 1 : i32
        %parallel_loop3A_661 = arith.constant 4 : i32
        %parallel_loop3A_662 = arith.constant 0 : i32
        %parallel_loop3A_663 = tpu.memref_slice %arg14[%parallel_loop3A_660, %parallel_loop3A_661, %parallel_loop3A_662] : memref<2x8x2304xf32, #tpu.memory_space<vmem>> -> memref<1x1x2304xf32, #tpu.memory_space<vmem>>
        %parallel_loop3A_664 = tpu.memref_squeeze %parallel_loop3A_663 : memref<1x1x2304xf32, #tpu.memory_space<vmem>> -> memref<2304xf32, #tpu.memory_space<vmem>>
        %parallel_loop3A_665 = tpu.vector_load_idx %parallel_loop3A_664[%parallel_loop3A_483] : memref<2304xf32, #tpu.memory_space<vmem>>[vector<16xi32>], vector<16xf32>,
        %parallel_loop3A_666 = arith.subf %parallel_loop3A_659, %parallel_loop3A_647 : vector<16xf32>
        %parallel_loop3A_667 = arith.mulf %parallel_loop3A_474, %parallel_loop3A_666 : vector<16xf32>
        %parallel_loop3A_668 = arith.addf %parallel_loop3A_647, %parallel_loop3A_667 : vector<16xf32>
        %parallel_loop3A_669 = arith.subf %parallel_loop3A_665, %parallel_loop3A_653 : vector<16xf32>
        %parallel_loop3A_670 = arith.mulf %parallel_loop3A_474, %parallel_loop3A_669 : vector<16xf32>
        %parallel_loop3A_671 = arith.addf %parallel_loop3A_653, %parallel_loop3A_670 : vector<16xf32>
        %parallel_loop3A_672 = arith.subf %parallel_loop3A_668, %parallel_loop3A_671 : vector<16xf32>
        %parallel_loop3A_673 = arith.mulf %parallel_loop3A_485, %parallel_loop3A_672 : vector<16xf32>
        %parallel_loop3A_674 = arith.addf %parallel_loop3A_671, %parallel_loop3A_673 : vector<16xf32>
        %parallel_loop3A_675 = arith.constant 1 : i32
        %parallel_loop3A_676 = arith.constant 4 : i32
        %parallel_loop3A_677 = arith.index_cast %parallel_loop3A_675 : i32 to index
        %parallel_loop3A_678 = arith.index_cast %parallel_loop3A_676 : i32 to index
        %parallel_loop3A_679 = arith.index_cast %parallel_loop3A_479 : i32 to index
        %parallel_loop3A_680 = tpu.vector_load %arg15[%parallel_loop3A_677, %parallel_loop3A_678, %parallel_loop3A_679] {strides = array<i32>} : memref<2x8x2304xf32, #tpu.memory_space<vmem>>, vector<16xf32>,
        tpu.vector_store %arg15[%parallel_loop3A_677, %parallel_loop3A_678, %parallel_loop3A_679], %parallel_loop3A_674 {strides = array<i32>} : memref<2x8x2304xf32, #tpu.memory_space<vmem>>, vector<16xf32>,
        %parallel_loop3A_681 = arith.constant 1 : i32
        %parallel_loop3A_682 = arith.constant 5 : i32
        %parallel_loop3A_683 = arith.constant 0 : i32
        %parallel_loop3A_684 = tpu.memref_slice %arg13[%parallel_loop3A_681, %parallel_loop3A_682, %parallel_loop3A_683] : memref<2x8x2304xf32, #tpu.memory_space<vmem>> -> memref<1x1x2304xf32, #tpu.memory_space<vmem>>
        %parallel_loop3A_685 = tpu.memref_squeeze %parallel_loop3A_684 : memref<1x1x2304xf32, #tpu.memory_space<vmem>> -> memref<2304xf32, #tpu.memory_space<vmem>>
        %parallel_loop3A_686 = tpu.vector_load_idx %parallel_loop3A_685[%parallel_loop3A_481] : memref<2304xf32, #tpu.memory_space<vmem>>[vector<16xi32>], vector<16xf32>,
        %parallel_loop3A_687 = arith.constant 1 : i32
        %parallel_loop3A_688 = arith.constant 5 : i32
        %parallel_loop3A_689 = arith.constant 0 : i32
        %parallel_loop3A_690 = tpu.memref_slice %arg13[%parallel_loop3A_687, %parallel_loop3A_688, %parallel_loop3A_689] : memref<2x8x2304xf32, #tpu.memory_space<vmem>> -> memref<1x1x2304xf32, #tpu.memory_space<vmem>>
        %parallel_loop3A_691 = tpu.memref_squeeze %parallel_loop3A_690 : memref<1x1x2304xf32, #tpu.memory_space<vmem>> -> memref<2304xf32, #tpu.memory_space<vmem>>
        %parallel_loop3A_692 = tpu.vector_load_idx %parallel_loop3A_691[%parallel_loop3A_483] : memref<2304xf32, #tpu.memory_space<vmem>>[vector<16xi32>], vector<16xf32>,
        %parallel_loop3A_693 = arith.constant 1 : i32
        %parallel_loop3A_694 = arith.constant 5 : i32
        %parallel_loop3A_695 = arith.constant 0 : i32
        %parallel_loop3A_696 = tpu.memref_slice %arg14[%parallel_loop3A_693, %parallel_loop3A_694, %parallel_loop3A_695] : memref<2x8x2304xf32, #tpu.memory_space<vmem>> -> memref<1x1x2304xf32, #tpu.memory_space<vmem>>
        %parallel_loop3A_697 = tpu.memref_squeeze %parallel_loop3A_696 : memref<1x1x2304xf32, #tpu.memory_space<vmem>> -> memref<2304xf32, #tpu.memory_space<vmem>>
        %parallel_loop3A_698 = tpu.vector_load_idx %parallel_loop3A_697[%parallel_loop3A_481] : memref<2304xf32, #tpu.memory_space<vmem>>[vector<16xi32>], vector<16xf32>,
        %parallel_loop3A_699 = arith.constant 1 : i32
        %parallel_loop3A_700 = arith.constant 5 : i32
        %parallel_loop3A_701 = arith.constant 0 : i32
        %parallel_loop3A_702 = tpu.memref_slice %arg14[%parallel_loop3A_699, %parallel_loop3A_700, %parallel_loop3A_701] : memref<2x8x2304xf32, #tpu.memory_space<vmem>> -> memref<1x1x2304xf32, #tpu.memory_space<vmem>>
        %parallel_loop3A_703 = tpu.memref_squeeze %parallel_loop3A_702 : memref<1x1x2304xf32, #tpu.memory_space<vmem>> -> memref<2304xf32, #tpu.memory_space<vmem>>
        %parallel_loop3A_704 = tpu.vector_load_idx %parallel_loop3A_703[%parallel_loop3A_483] : memref<2304xf32, #tpu.memory_space<vmem>>[vector<16xi32>], vector<16xf32>,
        %parallel_loop3A_705 = arith.subf %parallel_loop3A_698, %parallel_loop3A_686 : vector<16xf32>
        %parallel_loop3A_706 = arith.mulf %parallel_loop3A_475, %parallel_loop3A_705 : vector<16xf32>
        %parallel_loop3A_707 = arith.addf %parallel_loop3A_686, %parallel_loop3A_706 : vector<16xf32>
        %parallel_loop3A_708 = arith.subf %parallel_loop3A_704, %parallel_loop3A_692 : vector<16xf32>
        %parallel_loop3A_709 = arith.mulf %parallel_loop3A_475, %parallel_loop3A_708 : vector<16xf32>
        %parallel_loop3A_710 = arith.addf %parallel_loop3A_692, %parallel_loop3A_709 : vector<16xf32>
        %parallel_loop3A_711 = arith.subf %parallel_loop3A_707, %parallel_loop3A_710 : vector<16xf32>
        %parallel_loop3A_712 = arith.mulf %parallel_loop3A_485, %parallel_loop3A_711 : vector<16xf32>
        %parallel_loop3A_713 = arith.addf %parallel_loop3A_710, %parallel_loop3A_712 : vector<16xf32>
        %parallel_loop3A_714 = arith.constant 1 : i32
        %parallel_loop3A_715 = arith.constant 5 : i32
        %parallel_loop3A_716 = arith.index_cast %parallel_loop3A_714 : i32 to index
        %parallel_loop3A_717 = arith.index_cast %parallel_loop3A_715 : i32 to index
        %parallel_loop3A_718 = arith.index_cast %parallel_loop3A_479 : i32 to index
        %parallel_loop3A_719 = tpu.vector_load %arg15[%parallel_loop3A_716, %parallel_loop3A_717, %parallel_loop3A_718] {strides = array<i32>} : memref<2x8x2304xf32, #tpu.memory_space<vmem>>, vector<16xf32>,
        tpu.vector_store %arg15[%parallel_loop3A_716, %parallel_loop3A_717, %parallel_loop3A_718], %parallel_loop3A_713 {strides = array<i32>} : memref<2x8x2304xf32, #tpu.memory_space<vmem>>, vector<16xf32>,
        %parallel_loop3A_720 = arith.constant 1 : i32
        %parallel_loop3A_721 = arith.constant 6 : i32
        %parallel_loop3A_722 = arith.constant 0 : i32
        %parallel_loop3A_723 = tpu.memref_slice %arg13[%parallel_loop3A_720, %parallel_loop3A_721, %parallel_loop3A_722] : memref<2x8x2304xf32, #tpu.memory_space<vmem>> -> memref<1x1x2304xf32, #tpu.memory_space<vmem>>
        %parallel_loop3A_724 = tpu.memref_squeeze %parallel_loop3A_723 : memref<1x1x2304xf32, #tpu.memory_space<vmem>> -> memref<2304xf32, #tpu.memory_space<vmem>>
        %parallel_loop3A_725 = tpu.vector_load_idx %parallel_loop3A_724[%parallel_loop3A_481] : memref<2304xf32, #tpu.memory_space<vmem>>[vector<16xi32>], vector<16xf32>,
        %parallel_loop3A_726 = arith.constant 1 : i32
        %parallel_loop3A_727 = arith.constant 6 : i32
        %parallel_loop3A_728 = arith.constant 0 : i32
        %parallel_loop3A_729 = tpu.memref_slice %arg13[%parallel_loop3A_726, %parallel_loop3A_727, %parallel_loop3A_728] : memref<2x8x2304xf32, #tpu.memory_space<vmem>> -> memref<1x1x2304xf32, #tpu.memory_space<vmem>>
        %parallel_loop3A_730 = tpu.memref_squeeze %parallel_loop3A_729 : memref<1x1x2304xf32, #tpu.memory_space<vmem>> -> memref<2304xf32, #tpu.memory_space<vmem>>
        %parallel_loop3A_731 = tpu.vector_load_idx %parallel_loop3A_730[%parallel_loop3A_483] : memref<2304xf32, #tpu.memory_space<vmem>>[vector<16xi32>], vector<16xf32>,
        %parallel_loop3A_732 = arith.constant 1 : i32
        %parallel_loop3A_733 = arith.constant 6 : i32
        %parallel_loop3A_734 = arith.constant 0 : i32
        %parallel_loop3A_735 = tpu.memref_slice %arg14[%parallel_loop3A_732, %parallel_loop3A_733, %parallel_loop3A_734] : memref<2x8x2304xf32, #tpu.memory_space<vmem>> -> memref<1x1x2304xf32, #tpu.memory_space<vmem>>
        %parallel_loop3A_736 = tpu.memref_squeeze %parallel_loop3A_735 : memref<1x1x2304xf32, #tpu.memory_space<vmem>> -> memref<2304xf32, #tpu.memory_space<vmem>>
        %parallel_loop3A_737 = tpu.vector_load_idx %parallel_loop3A_736[%parallel_loop3A_481] : memref<2304xf32, #tpu.memory_space<vmem>>[vector<16xi32>], vector<16xf32>,
        %parallel_loop3A_738 = arith.constant 1 : i32
        %parallel_loop3A_739 = arith.constant 6 : i32
        %parallel_loop3A_740 = arith.constant 0 : i32
        %parallel_loop3A_741 = tpu.memref_slice %arg14[%parallel_loop3A_738, %parallel_loop3A_739, %parallel_loop3A_740] : memref<2x8x2304xf32, #tpu.memory_space<vmem>> -> memref<1x1x2304xf32, #tpu.memory_space<vmem>>
        %parallel_loop3A_742 = tpu.memref_squeeze %parallel_loop3A_741 : memref<1x1x2304xf32, #tpu.memory_space<vmem>> -> memref<2304xf32, #tpu.memory_space<vmem>>
        %parallel_loop3A_743 = tpu.vector_load_idx %parallel_loop3A_742[%parallel_loop3A_483] : memref<2304xf32, #tpu.memory_space<vmem>>[vector<16xi32>], vector<16xf32>,
        %parallel_loop3A_744 = arith.subf %parallel_loop3A_737, %parallel_loop3A_725 : vector<16xf32>
        %parallel_loop3A_745 = arith.mulf %parallel_loop3A_476, %parallel_loop3A_744 : vector<16xf32>
        %parallel_loop3A_746 = arith.addf %parallel_loop3A_725, %parallel_loop3A_745 : vector<16xf32>
        %parallel_loop3A_747 = arith.subf %parallel_loop3A_743, %parallel_loop3A_731 : vector<16xf32>
        %parallel_loop3A_748 = arith.mulf %parallel_loop3A_476, %parallel_loop3A_747 : vector<16xf32>
        %parallel_loop3A_749 = arith.addf %parallel_loop3A_731, %parallel_loop3A_748 : vector<16xf32>
        %parallel_loop3A_750 = arith.subf %parallel_loop3A_746, %parallel_loop3A_749 : vector<16xf32>
        %parallel_loop3A_751 = arith.mulf %parallel_loop3A_485, %parallel_loop3A_750 : vector<16xf32>
        %parallel_loop3A_752 = arith.addf %parallel_loop3A_749, %parallel_loop3A_751 : vector<16xf32>
        %parallel_loop3A_753 = arith.constant 1 : i32
        %parallel_loop3A_754 = arith.constant 6 : i32
        %parallel_loop3A_755 = arith.index_cast %parallel_loop3A_753 : i32 to index
        %parallel_loop3A_756 = arith.index_cast %parallel_loop3A_754 : i32 to index
        %parallel_loop3A_757 = arith.index_cast %parallel_loop3A_479 : i32 to index
        %parallel_loop3A_758 = tpu.vector_load %arg15[%parallel_loop3A_755, %parallel_loop3A_756, %parallel_loop3A_757] {strides = array<i32>} : memref<2x8x2304xf32, #tpu.memory_space<vmem>>, vector<16xf32>,
        tpu.vector_store %arg15[%parallel_loop3A_755, %parallel_loop3A_756, %parallel_loop3A_757], %parallel_loop3A_752 {strides = array<i32>} : memref<2x8x2304xf32, #tpu.memory_space<vmem>>, vector<16xf32>,
        %parallel_loop3A_759 = arith.constant 1 : i32
        %parallel_loop3A_760 = arith.constant 7 : i32
        %parallel_loop3A_761 = arith.constant 0 : i32
        %parallel_loop3A_762 = tpu.memref_slice %arg13[%parallel_loop3A_759, %parallel_loop3A_760, %parallel_loop3A_761] : memref<2x8x2304xf32, #tpu.memory_space<vmem>> -> memref<1x1x2304xf32, #tpu.memory_space<vmem>>
        %parallel_loop3A_763 = tpu.memref_squeeze %parallel_loop3A_762 : memref<1x1x2304xf32, #tpu.memory_space<vmem>> -> memref<2304xf32, #tpu.memory_space<vmem>>
        %parallel_loop3A_764 = tpu.vector_load_idx %parallel_loop3A_763[%parallel_loop3A_481] : memref<2304xf32, #tpu.memory_space<vmem>>[vector<16xi32>], vector<16xf32>,
        %parallel_loop3A_765 = arith.constant 1 : i32
        %parallel_loop3A_766 = arith.constant 7 : i32
        %parallel_loop3A_767 = arith.constant 0 : i32
        %parallel_loop3A_768 = tpu.memref_slice %arg13[%parallel_loop3A_765, %parallel_loop3A_766, %parallel_loop3A_767] : memref<2x8x2304xf32, #tpu.memory_space<vmem>> -> memref<1x1x2304xf32, #tpu.memory_space<vmem>>
        %parallel_loop3A_769 = tpu.memref_squeeze %parallel_loop3A_768 : memref<1x1x2304xf32, #tpu.memory_space<vmem>> -> memref<2304xf32, #tpu.memory_space<vmem>>
        %parallel_loop3A_770 = tpu.vector_load_idx %parallel_loop3A_769[%parallel_loop3A_483] : memref<2304xf32, #tpu.memory_space<vmem>>[vector<16xi32>], vector<16xf32>,
        %parallel_loop3A_771 = arith.constant 1 : i32
        %parallel_loop3A_772 = arith.constant 7 : i32
        %parallel_loop3A_773 = arith.constant 0 : i32
        %parallel_loop3A_774 = tpu.memref_slice %arg14[%parallel_loop3A_771, %parallel_loop3A_772, %parallel_loop3A_773] : memref<2x8x2304xf32, #tpu.memory_space<vmem>> -> memref<1x1x2304xf32, #tpu.memory_space<vmem>>
        %parallel_loop3A_775 = tpu.memref_squeeze %parallel_loop3A_774 : memref<1x1x2304xf32, #tpu.memory_space<vmem>> -> memref<2304xf32, #tpu.memory_space<vmem>>
        %parallel_loop3A_776 = tpu.vector_load_idx %parallel_loop3A_775[%parallel_loop3A_481] : memref<2304xf32, #tpu.memory_space<vmem>>[vector<16xi32>], vector<16xf32>,
        %parallel_loop3A_777 = arith.constant 1 : i32
        %parallel_loop3A_778 = arith.constant 7 : i32
        %parallel_loop3A_779 = arith.constant 0 : i32
        %parallel_loop3A_780 = tpu.memref_slice %arg14[%parallel_loop3A_777, %parallel_loop3A_778, %parallel_loop3A_779] : memref<2x8x2304xf32, #tpu.memory_space<vmem>> -> memref<1x1x2304xf32, #tpu.memory_space<vmem>>
        %parallel_loop3A_781 = tpu.memref_squeeze %parallel_loop3A_780 : memref<1x1x2304xf32, #tpu.memory_space<vmem>> -> memref<2304xf32, #tpu.memory_space<vmem>>
        %parallel_loop3A_782 = tpu.vector_load_idx %parallel_loop3A_781[%parallel_loop3A_483] : memref<2304xf32, #tpu.memory_space<vmem>>[vector<16xi32>], vector<16xf32>,
        %parallel_loop3A_783 = arith.subf %parallel_loop3A_776, %parallel_loop3A_764 : vector<16xf32>
        %parallel_loop3A_784 = arith.mulf %parallel_loop3A_477, %parallel_loop3A_783 : vector<16xf32>
        %parallel_loop3A_785 = arith.addf %parallel_loop3A_764, %parallel_loop3A_784 : vector<16xf32>
        %parallel_loop3A_786 = arith.subf %parallel_loop3A_782, %parallel_loop3A_770 : vector<16xf32>
        %parallel_loop3A_787 = arith.mulf %parallel_loop3A_477, %parallel_loop3A_786 : vector<16xf32>
        %parallel_loop3A_788 = arith.addf %parallel_loop3A_770, %parallel_loop3A_787 : vector<16xf32>
        %parallel_loop3A_789 = arith.subf %parallel_loop3A_785, %parallel_loop3A_788 : vector<16xf32>
        %parallel_loop3A_790 = arith.mulf %parallel_loop3A_485, %parallel_loop3A_789 : vector<16xf32>
        %parallel_loop3A_791 = arith.addf %parallel_loop3A_788, %parallel_loop3A_790 : vector<16xf32>
        %parallel_loop3A_792 = arith.constant 1 : i32
        %parallel_loop3A_793 = arith.constant 7 : i32
        %parallel_loop3A_794 = arith.index_cast %parallel_loop3A_792 : i32 to index
        %parallel_loop3A_795 = arith.index_cast %parallel_loop3A_793 : i32 to index
        %parallel_loop3A_796 = arith.index_cast %parallel_loop3A_479 : i32 to index
        %parallel_loop3A_797 = tpu.vector_load %arg15[%parallel_loop3A_794, %parallel_loop3A_795, %parallel_loop3A_796] {strides = array<i32>} : memref<2x8x2304xf32, #tpu.memory_space<vmem>>, vector<16xf32>,
        tpu.vector_store %arg15[%parallel_loop3A_794, %parallel_loop3A_795, %parallel_loop3A_796], %parallel_loop3A_791 {strides = array<i32>} : memref<2x8x2304xf32, #tpu.memory_space<vmem>>, vector<16xf32>,
        scf.yield %parallel_loop3A_470, %parallel_loop3A_471, %parallel_loop3A_472, %parallel_loop3A_473, %parallel_loop3A_474, %parallel_loop3A_475, %parallel_loop3A_476, %parallel_loop3A_477 : vector<16xf32>, vector<16xf32>, vector<16xf32>, vector<16xf32>, vector<16xf32>, vector<16xf32>, vector<16xf32>, vector<16xf32>
      } {sc.loop_unroll_factor = 4 : i64, sc.parallel_access}
      %add3A_419 = arith.constant 1 : i32
      %add3A_420 = arith.addi %mul3A_218, %add3A_419 : i32
      %mul3A_421 = arith.constant 8 : i32
      %mul3A_422 = arith.muli %add3A_420, %mul3A_421 : i32
      %add3A_423 = arith.addi %mul3A_422, %mul3A_2 : i32
      %dma_start3A_424 = arith.constant 1 : i32
      %dma_start3A_425 = arith.constant 1 : i32
      %dma_start3A_426 = arith.constant 0 : i32
      %dma_start3A_427 = arith.constant 0 : i32
      %dma_start3A_428 = tpu.memref_slice %arg15[%dma_start3A_424, %dma_start3A_426, %dma_start3A_427] : memref<2x8x2304xf32, #tpu.memory_space<vmem>> -> memref<1x8x2304xf32, #tpu.memory_space<vmem>>
      %dma_start3A_429 = tpu.memref_squeeze %dma_start3A_428 : memref<1x8x2304xf32, #tpu.memory_space<vmem>> -> memref<8x2304xf32, #tpu.memory_space<vmem>>
      %dma_start3A_430 = arith.constant 0 : i32
      %dma_start3A_431 = tpu.memref_slice %arg9[%add3A_423, %dma_start3A_430] : memref<6912x2304xf32, #tpu.memory_space<hbm>> -> memref<8x2304xf32, #tpu.memory_space<hbm>>
      %dma_start3A_432 = tpu.memref_slice %arg21[%dma_start3A_425] : memref<2x!tpu.dma_semaphore, #tpu.memory_space<semaphore_mem>> -> memref<1x!tpu.dma_semaphore, #tpu.memory_space<semaphore_mem>>
      %dma_start3A_433 = tpu.memref_squeeze %dma_start3A_432 : memref<1x!tpu.dma_semaphore, #tpu.memory_space<semaphore_mem>> -> memref<!tpu.dma_semaphore, #tpu.memory_space<semaphore_mem>>
      %dma_start3A_434 = arith.constant 0 : i32
      %dma_start3A_435 = tpu.memref_slice %arg9[%add3A_423, %dma_start3A_434] : memref<6912x2304xf32, #tpu.memory_space<hbm>> -> memref<8x2304xf32, #tpu.memory_space<hbm>>
      %dma_start3A_436 = arith.constant 0 : i32
      %dma_start3A_437 = arith.constant 0 : i32
      %dma_start3A_438 = tpu.memref_slice %arg15[%dma_start3A_424, %dma_start3A_436, %dma_start3A_437] : memref<2x8x2304xf32, #tpu.memory_space<vmem>> -> memref<1x8x2304xf32, #tpu.memory_space<vmem>>
      %dma_start3A_439 = tpu.memref_squeeze %dma_start3A_438 : memref<1x8x2304xf32, #tpu.memory_space<vmem>> -> memref<8x2304xf32, #tpu.memory_space<vmem>>
      tpu.enqueue_dma source(%dma_start3A_439 : memref<8x2304xf32, #tpu.memory_space<vmem>>) target(%dma_start3A_435 : memref<8x2304xf32, #tpu.memory_space<hbm>>) target_semaphore(%dma_start3A_433 : memref<!tpu.dma_semaphore, #tpu.memory_space<semaphore_mem>>)
      %add3A_440 = arith.constant 3 : i32
      %add3A_441 = arith.addi %mul3A_218, %add3A_440 : i32
      %min3A = arith.constant 26 : i32
      %min3A_442 = arith.minsi %add3A_441, %min3A : i32
      %mul3A_443 = arith.constant 8 : i32
      %mul3A_444 = arith.muli %min3A_442, %mul3A_443 : i32
      %dma_start3A_445 = arith.constant 1 : i32
      %dma_start3A_446 = arith.constant 1 : i32
      %dma_start3A_447 = arith.constant 0 : i32
      %dma_start3A_448 = arith.constant 0 : i32
      %dma_start3A_449 = tpu.memref_slice %arg13[%dma_start3A_445, %dma_start3A_447, %dma_start3A_448] : memref<2x8x2304xf32, #tpu.memory_space<vmem>> -> memref<1x8x2304xf32, #tpu.memory_space<vmem>>
      %dma_start3A_450 = tpu.memref_squeeze %dma_start3A_449 : memref<1x8x2304xf32, #tpu.memory_space<vmem>> -> memref<8x2304xf32, #tpu.memory_space<vmem>>
      %dma_start3A_451 = tpu.memref_slice %arg10[%mul3A_444] : memref<216xi32, #tpu.memory_space<vmem>> -> memref<8xi32, #tpu.memory_space<vmem>>
      %dma_start3A_452 = arith.constant 0 : i32
      %dma_start3A_453 = arith.constant 0 : i32
      %dma_start3A_454 = tpu.memref_slice %arg2[%dma_start3A_452, %dma_start3A_453] : memref<6912x2304xf32, #tpu.memory_space<hbm>> -> memref<6912x2304xf32, #tpu.memory_space<hbm>>
      %dma_start3A_455 = tpu.memref_slice %arg19[%dma_start3A_446] : memref<2x!tpu.dma_semaphore, #tpu.memory_space<semaphore_mem>> -> memref<1x!tpu.dma_semaphore, #tpu.memory_space<semaphore_mem>>
      %dma_start3A_456 = tpu.memref_squeeze %dma_start3A_455 : memref<1x!tpu.dma_semaphore, #tpu.memory_space<semaphore_mem>> -> memref<!tpu.dma_semaphore, #tpu.memory_space<semaphore_mem>>
      tpu.enqueue_indirect_dma source(%dma_start3A_454 : memref<6912x2304xf32, #tpu.memory_space<hbm>>) target(%dma_start3A_450 : memref<8x2304xf32, #tpu.memory_space<vmem>>) offsets(%dma_start3A_451 : memref<8xi32, #tpu.memory_space<vmem>>) semaphore(%dma_start3A_456 : memref<!tpu.dma_semaphore, #tpu.memory_space<semaphore_mem>>)
      %dma_start3A_457 = arith.constant 1 : i32
      %dma_start3A_458 = arith.constant 1 : i32
      %dma_start3A_459 = arith.constant 0 : i32
      %dma_start3A_460 = arith.constant 0 : i32
      %dma_start3A_461 = tpu.memref_slice %arg14[%dma_start3A_457, %dma_start3A_459, %dma_start3A_460] : memref<2x8x2304xf32, #tpu.memory_space<vmem>> -> memref<1x8x2304xf32, #tpu.memory_space<vmem>>
      %dma_start3A_462 = tpu.memref_squeeze %dma_start3A_461 : memref<1x8x2304xf32, #tpu.memory_space<vmem>> -> memref<8x2304xf32, #tpu.memory_space<vmem>>
      %dma_start3A_463 = tpu.memref_slice %arg11[%mul3A_444] : memref<216xi32, #tpu.memory_space<vmem>> -> memref<8xi32, #tpu.memory_space<vmem>>
      %dma_start3A_464 = arith.constant 0 : i32
      %dma_start3A_465 = arith.constant 0 : i32
      %dma_start3A_466 = tpu.memref_slice %arg2[%dma_start3A_464, %dma_start3A_465] : memref<6912x2304xf32, #tpu.memory_space<hbm>> -> memref<6912x2304xf32, #tpu.memory_space<hbm>>
      %dma_start3A_467 = tpu.memref_slice %arg20[%dma_start3A_458] : memref<2x!tpu.dma_semaphore, #tpu.memory_space<semaphore_mem>> -> memref<1x!tpu.dma_semaphore, #tpu.memory_space<semaphore_mem>>
      %dma_start3A_468 = tpu.memref_squeeze %dma_start3A_467 : memref<1x!tpu.dma_semaphore, #tpu.memory_space<semaphore_mem>> -> memref<!tpu.dma_semaphore, #tpu.memory_space<semaphore_mem>>
      tpu.enqueue_indirect_dma source(%dma_start3A_466 : memref<6912x2304xf32, #tpu.memory_space<hbm>>) target(%dma_start3A_462 : memref<8x2304xf32, #tpu.memory_space<vmem>>) offsets(%dma_start3A_463 : memref<8xi32, #tpu.memory_space<vmem>>) semaphore(%dma_start3A_468 : memref<!tpu.dma_semaphore, #tpu.memory_space<semaphore_mem>>)
    }
    %scan3A_58 = arith.constant 13 : i32
    %dma_wait3A = arith.constant 0 : i32
    %dma_wait3A_59 = arith.constant 0 : i32
    %dma_wait3A_60 = arith.constant 0 : i32
    %dma_wait3A_61 = arith.constant 0 : i32
    %dma_wait3A_62 = tpu.memref_slice %arg13[%dma_wait3A, %dma_wait3A_60, %dma_wait3A_61] : memref<2x8x2304xf32, #tpu.memory_space<vmem>> -> memref<1x8x2304xf32, #tpu.memory_space<vmem>>
    %dma_wait3A_63 = tpu.memref_squeeze %dma_wait3A_62 : memref<1x8x2304xf32, #tpu.memory_space<vmem>> -> memref<8x2304xf32, #tpu.memory_space<vmem>>
    %dma_wait3A_64 = arith.constant 0 : i32
    %dma_wait3A_65 = tpu.memref_slice %arg10[%dma_wait3A_64] : memref<216xi32, #tpu.memory_space<vmem>> -> memref<8xi32, #tpu.memory_space<vmem>>
    %dma_wait3A_66 = arith.constant 0 : i32
    %dma_wait3A_67 = arith.constant 0 : i32
    %dma_wait3A_68 = tpu.memref_slice %arg2[%dma_wait3A_66, %dma_wait3A_67] : memref<6912x2304xf32, #tpu.memory_space<hbm>> -> memref<6912x2304xf32, #tpu.memory_space<hbm>>
    %dma_wait3A_69 = tpu.memref_slice %arg19[%dma_wait3A_59] : memref<2x!tpu.dma_semaphore, #tpu.memory_space<semaphore_mem>> -> memref<1x!tpu.dma_semaphore, #tpu.memory_space<semaphore_mem>>
    %dma_wait3A_70 = tpu.memref_squeeze %dma_wait3A_69 : memref<1x!tpu.dma_semaphore, #tpu.memory_space<semaphore_mem>> -> memref<!tpu.dma_semaphore, #tpu.memory_space<semaphore_mem>>
    tpu.wait_indirect_dma semaphore(%dma_wait3A_70 : memref<!tpu.dma_semaphore, #tpu.memory_space<semaphore_mem>>) src(%dma_wait3A_68 : memref<6912x2304xf32, #tpu.memory_space<hbm>>) dst(%dma_wait3A_63 : memref<8x2304xf32, #tpu.memory_space<vmem>>)
    %dma_wait3A_71 = arith.constant 0 : i32
    %dma_wait3A_72 = arith.constant 0 : i32
    %dma_wait3A_73 = arith.constant 0 : i32
    %dma_wait3A_74 = arith.constant 0 : i32
    %dma_wait3A_75 = tpu.memref_slice %arg14[%dma_wait3A_71, %dma_wait3A_73, %dma_wait3A_74] : memref<2x8x2304xf32, #tpu.memory_space<vmem>> -> memref<1x8x2304xf32, #tpu.memory_space<vmem>>
    %dma_wait3A_76 = tpu.memref_squeeze %dma_wait3A_75 : memref<1x8x2304xf32, #tpu.memory_space<vmem>> -> memref<8x2304xf32, #tpu.memory_space<vmem>>
    %dma_wait3A_77 = arith.constant 0 : i32
    %dma_wait3A_78 = tpu.memref_slice %arg11[%dma_wait3A_77] : memref<216xi32, #tpu.memory_space<vmem>> -> memref<8xi32, #tpu.memory_space<vmem>>
    %dma_wait3A_79 = arith.constant 0 : i32
    %dma_wait3A_80 = arith.constant 0 : i32
    %dma_wait3A_81 = tpu.memref_slice %arg2[%dma_wait3A_79, %dma_wait3A_80] : memref<6912x2304xf32, #tpu.memory_space<hbm>> -> memref<6912x2304xf32, #tpu.memory_space<hbm>>
    %dma_wait3A_82 = tpu.memref_slice %arg20[%dma_wait3A_72] : memref<2x!tpu.dma_semaphore, #tpu.memory_space<semaphore_mem>> -> memref<1x!tpu.dma_semaphore, #tpu.memory_space<semaphore_mem>>
    %dma_wait3A_83 = tpu.memref_squeeze %dma_wait3A_82 : memref<1x!tpu.dma_semaphore, #tpu.memory_space<semaphore_mem>> -> memref<!tpu.dma_semaphore, #tpu.memory_space<semaphore_mem>>
    tpu.wait_indirect_dma semaphore(%dma_wait3A_83 : memref<!tpu.dma_semaphore, #tpu.memory_space<semaphore_mem>>) src(%dma_wait3A_81 : memref<6912x2304xf32, #tpu.memory_space<hbm>>) dst(%dma_wait3A_76 : memref<8x2304xf32, #tpu.memory_space<vmem>>)
    %add3A_84 = arith.constant 192 : i32
    %add3A_85 = arith.addi %add3A_84, %mul3A_2 : i32
    %dma_wait3A_86 = arith.constant 0 : i32
    %dma_wait3A_87 = arith.constant 0 : i32
    %dma_wait3A_88 = arith.constant 0 : i32
    %dma_wait3A_89 = arith.constant 0 : i32
    %dma_wait3A_90 = tpu.memref_slice %arg15[%dma_wait3A_86, %dma_wait3A_88, %dma_wait3A_89] : memref<2x8x2304xf32, #tpu.memory_space<vmem>> -> memref<1x8x2304xf32, #tpu.memory_space<vmem>>
    %dma_wait3A_91 = tpu.memref_squeeze %dma_wait3A_90 : memref<1x8x2304xf32, #tpu.memory_space<vmem>> -> memref<8x2304xf32, #tpu.memory_space<vmem>>
    %dma_wait3A_92 = arith.constant 0 : i32
    %dma_wait3A_93 = tpu.memref_slice %arg9[%add3A_85, %dma_wait3A_92] : memref<6912x2304xf32, #tpu.memory_space<hbm>> -> memref<8x2304xf32, #tpu.memory_space<hbm>>
    %dma_wait3A_94 = tpu.memref_slice %arg21[%dma_wait3A_87] : memref<2x!tpu.dma_semaphore, #tpu.memory_space<semaphore_mem>> -> memref<1x!tpu.dma_semaphore, #tpu.memory_space<semaphore_mem>>
    %dma_wait3A_95 = tpu.memref_squeeze %dma_wait3A_94 : memref<1x!tpu.dma_semaphore, #tpu.memory_space<semaphore_mem>> -> memref<!tpu.dma_semaphore, #tpu.memory_space<semaphore_mem>>
    %dma_wait3A_96 = arith.constant 0 : i32
    %dma_wait3A_97 = tpu.memref_slice %arg9[%add3A_85, %dma_wait3A_96] : memref<6912x2304xf32, #tpu.memory_space<hbm>> -> memref<8x2304xf32, #tpu.memory_space<hbm>>
    %dma_wait3A_98 = arith.constant 0 : i32
    %dma_wait3A_99 = arith.constant 0 : i32
    %dma_wait3A_100 = tpu.memref_slice %arg15[%dma_wait3A_86, %dma_wait3A_98, %dma_wait3A_99] : memref<2x8x2304xf32, #tpu.memory_space<vmem>> -> memref<1x8x2304xf32, #tpu.memory_space<vmem>>
    %dma_wait3A_101 = tpu.memref_squeeze %dma_wait3A_100 : memref<1x8x2304xf32, #tpu.memory_space<vmem>> -> memref<8x2304xf32, #tpu.memory_space<vmem>>
    tpu.wait_dma2 semaphore(%dma_wait3A_95 : memref<!tpu.dma_semaphore, #tpu.memory_space<semaphore_mem>>) src(%dma_wait3A_101 : memref<8x2304xf32, #tpu.memory_space<vmem>>) dst(%dma_wait3A_97 : memref<8x2304xf32, #tpu.memory_space<hbm>>)
    %get3A = arith.constant 208 : i32
    %get3A_102 = arith.index_cast %get3A : i32 to index
    %get3A_103 = arith.constant 0 : index
    %get3A_104 = tpu.vector_load %arg12[%get3A_102, %get3A_103] {strides = array<i32>} : memref<216x16xf32, #tpu.memory_space<vmem>>, vector<16xf32>,
    %get3A_105 = arith.constant 209 : i32
    %get3A_106 = arith.index_cast %get3A_105 : i32 to index
    %get3A_107 = arith.constant 0 : index
    %get3A_108 = tpu.vector_load %arg12[%get3A_106, %get3A_107] {strides = array<i32>} : memref<216x16xf32, #tpu.memory_space<vmem>>, vector<16xf32>,
    %get3A_109 = arith.constant 210 : i32
    %get3A_110 = arith.index_cast %get3A_109 : i32 to index
    %get3A_111 = arith.constant 0 : index
    %get3A_112 = tpu.vector_load %arg12[%get3A_110, %get3A_111] {strides = array<i32>} : memref<216x16xf32, #tpu.memory_space<vmem>>, vector<16xf32>,
    %get3A_113 = arith.constant 211 : i32
    %get3A_114 = arith.index_cast %get3A_113 : i32 to index
    %get3A_115 = arith.constant 0 : index
    %get3A_116 = tpu.vector_load %arg12[%get3A_114, %get3A_115] {strides = array<i32>} : memref<216x16xf32, #tpu.memory_space<vmem>>, vector<16xf32>,
    %get3A_117 = arith.constant 212 : i32
    %get3A_118 = arith.index_cast %get3A_117 : i32 to index
    %get3A_119 = arith.constant 0 : index
    %get3A_120 = tpu.vector_load %arg12[%get3A_118, %get3A_119] {strides = array<i32>} : memref<216x16xf32, #tpu.memory_space<vmem>>, vector<16xf32>,
    %get3A_121 = arith.constant 213 : i32
    %get3A_122 = arith.index_cast %get3A_121 : i32 to index
    %get3A_123 = arith.constant 0 : index
    %get3A_124 = tpu.vector_load %arg12[%get3A_122, %get3A_123] {strides = array<i32>} : memref<216x16xf32, #tpu.memory_space<vmem>>, vector<16xf32>,
    %get3A_125 = arith.constant 214 : i32
    %get3A_126 = arith.index_cast %get3A_125 : i32 to index
    %get3A_127 = arith.constant 0 : index
    %get3A_128 = tpu.vector_load %arg12[%get3A_126, %get3A_127] {strides = array<i32>} : memref<216x16xf32, #tpu.memory_space<vmem>>, vector<16xf32>,
    %get3A_129 = arith.constant 215 : i32
    %get3A_130 = arith.index_cast %get3A_129 : i32 to index
    %get3A_131 = arith.constant 0 : index
    %get3A_132 = tpu.vector_load %arg12[%get3A_130, %get3A_131] {strides = array<i32>} : memref<216x16xf32, #tpu.memory_space<vmem>>, vector<16xf32>,
    %parallel_loop3A = arith.constant 0 : i32
    %parallel_loop3A_133 = arith.constant 144 : i32
    %parallel_loop3A_134 = arith.constant 1 : i32
    %parallel_loop3A_135:8 = scf.for %parallel_loop3A_216 = %parallel_loop3A to %parallel_loop3A_133 step %parallel_loop3A_134 iter_args(%parallel_loop3A_217 = %get3A_104, %parallel_loop3A_218 = %get3A_108, %parallel_loop3A_219 = %get3A_112, %parallel_loop3A_220 = %get3A_116, %parallel_loop3A_221 = %get3A_120, %parallel_loop3A_222 = %get3A_124, %parallel_loop3A_223 = %get3A_128, %parallel_loop3A_224 = %get3A_132) -> (vector<16xf32>, vector<16xf32>, vector<16xf32>, vector<16xf32>, vector<16xf32>, vector<16xf32>, vector<16xf32>, vector<16xf32>)  : i32 {
      %parallel_loop3A_225 = arith.constant 16 : i32
      %parallel_loop3A_226 = arith.muli %parallel_loop3A_216, %parallel_loop3A_225 : i32
      %parallel_loop3A_227 = arith.index_cast %parallel_loop3A_226 : i32 to index
      %parallel_loop3A_228 = tpu.vector_load %arg16[%parallel_loop3A_227] {strides = array<i32>} : memref<2304xi32, #tpu.memory_space<vmem>>, vector<16xi32>,
      %parallel_loop3A_229 = arith.index_cast %parallel_loop3A_226 : i32 to index
      %parallel_loop3A_230 = tpu.vector_load %arg17[%parallel_loop3A_229] {strides = array<i32>} : memref<2304xi32, #tpu.memory_space<vmem>>, vector<16xi32>,
      %parallel_loop3A_231 = arith.index_cast %parallel_loop3A_226 : i32 to index
      %parallel_loop3A_232 = tpu.vector_load %arg18[%parallel_loop3A_231] {strides = array<i32>} : memref<2304xf32, #tpu.memory_space<vmem>>, vector<16xf32>,
      %parallel_loop3A_233 = arith.constant 0 : i32
      %parallel_loop3A_234 = arith.constant 0 : i32
      %parallel_loop3A_235 = arith.constant 0 : i32
      %parallel_loop3A_236 = tpu.memref_slice %arg13[%parallel_loop3A_233, %parallel_loop3A_234, %parallel_loop3A_235] : memref<2x8x2304xf32, #tpu.memory_space<vmem>> -> memref<1x1x2304xf32, #tpu.memory_space<vmem>>
      %parallel_loop3A_237 = tpu.memref_squeeze %parallel_loop3A_236 : memref<1x1x2304xf32, #tpu.memory_space<vmem>> -> memref<2304xf32, #tpu.memory_space<vmem>>
      %parallel_loop3A_238 = tpu.vector_load_idx %parallel_loop3A_237[%parallel_loop3A_228] : memref<2304xf32, #tpu.memory_space<vmem>>[vector<16xi32>], vector<16xf32>,
      %parallel_loop3A_239 = arith.constant 0 : i32
      %parallel_loop3A_240 = arith.constant 0 : i32
      %parallel_loop3A_241 = arith.constant 0 : i32
      %parallel_loop3A_242 = tpu.memref_slice %arg13[%parallel_loop3A_239, %parallel_loop3A_240, %parallel_loop3A_241] : memref<2x8x2304xf32, #tpu.memory_space<vmem>> -> memref<1x1x2304xf32, #tpu.memory_space<vmem>>
      %parallel_loop3A_243 = tpu.memref_squeeze %parallel_loop3A_242 : memref<1x1x2304xf32, #tpu.memory_space<vmem>> -> memref<2304xf32, #tpu.memory_space<vmem>>
      %parallel_loop3A_244 = tpu.vector_load_idx %parallel_loop3A_243[%parallel_loop3A_230] : memref<2304xf32, #tpu.memory_space<vmem>>[vector<16xi32>], vector<16xf32>,
      %parallel_loop3A_245 = arith.constant 0 : i32
      %parallel_loop3A_246 = arith.constant 0 : i32
      %parallel_loop3A_247 = arith.constant 0 : i32
      %parallel_loop3A_248 = tpu.memref_slice %arg14[%parallel_loop3A_245, %parallel_loop3A_246, %parallel_loop3A_247] : memref<2x8x2304xf32, #tpu.memory_space<vmem>> -> memref<1x1x2304xf32, #tpu.memory_space<vmem>>
      %parallel_loop3A_249 = tpu.memref_squeeze %parallel_loop3A_248 : memref<1x1x2304xf32, #tpu.memory_space<vmem>> -> memref<2304xf32, #tpu.memory_space<vmem>>
      %parallel_loop3A_250 = tpu.vector_load_idx %parallel_loop3A_249[%parallel_loop3A_228] : memref<2304xf32, #tpu.memory_space<vmem>>[vector<16xi32>], vector<16xf32>,
      %parallel_loop3A_251 = arith.constant 0 : i32
      %parallel_loop3A_252 = arith.constant 0 : i32
      %parallel_loop3A_253 = arith.constant 0 : i32
      %parallel_loop3A_254 = tpu.memref_slice %arg14[%parallel_loop3A_251, %parallel_loop3A_252, %parallel_loop3A_253] : memref<2x8x2304xf32, #tpu.memory_space<vmem>> -> memref<1x1x2304xf32, #tpu.memory_space<vmem>>
      %parallel_loop3A_255 = tpu.memref_squeeze %parallel_loop3A_254 : memref<1x1x2304xf32, #tpu.memory_space<vmem>> -> memref<2304xf32, #tpu.memory_space<vmem>>
      %parallel_loop3A_256 = tpu.vector_load_idx %parallel_loop3A_255[%parallel_loop3A_230] : memref<2304xf32, #tpu.memory_space<vmem>>[vector<16xi32>], vector<16xf32>,
      %parallel_loop3A_257 = arith.subf %parallel_loop3A_250, %parallel_loop3A_238 : vector<16xf32>
      %parallel_loop3A_258 = arith.mulf %parallel_loop3A_217, %parallel_loop3A_257 : vector<16xf32>
      %parallel_loop3A_259 = arith.addf %parallel_loop3A_238, %parallel_loop3A_258 : vector<16xf32>
      %parallel_loop3A_260 = arith.subf %parallel_loop3A_256, %parallel_loop3A_244 : vector<16xf32>
      %parallel_loop3A_261 = arith.mulf %parallel_loop3A_217, %parallel_loop3A_260 : vector<16xf32>
      %parallel_loop3A_262 = arith.addf %parallel_loop3A_244, %parallel_loop3A_261 : vector<16xf32>
      %parallel_loop3A_263 = arith.subf %parallel_loop3A_259, %parallel_loop3A_262 : vector<16xf32>
      %parallel_loop3A_264 = arith.mulf %parallel_loop3A_232, %parallel_loop3A_263 : vector<16xf32>
      %parallel_loop3A_265 = arith.addf %parallel_loop3A_262, %parallel_loop3A_264 : vector<16xf32>
      %parallel_loop3A_266 = arith.constant 0 : i32
      %parallel_loop3A_267 = arith.constant 0 : i32
      %parallel_loop3A_268 = arith.index_cast %parallel_loop3A_266 : i32 to index
      %parallel_loop3A_269 = arith.index_cast %parallel_loop3A_267 : i32 to index
      %parallel_loop3A_270 = arith.index_cast %parallel_loop3A_226 : i32 to index
      %parallel_loop3A_271 = tpu.vector_load %arg15[%parallel_loop3A_268, %parallel_loop3A_269, %parallel_loop3A_270] {strides = array<i32>} : memref<2x8x2304xf32, #tpu.memory_space<vmem>>, vector<16xf32>,
      tpu.vector_store %arg15[%parallel_loop3A_268, %parallel_loop3A_269, %parallel_loop3A_270], %parallel_loop3A_265 {strides = array<i32>} : memref<2x8x2304xf32, #tpu.memory_space<vmem>>, vector<16xf32>,
      %parallel_loop3A_272 = arith.constant 0 : i32
      %parallel_loop3A_273 = arith.constant 1 : i32
      %parallel_loop3A_274 = arith.constant 0 : i32
      %parallel_loop3A_275 = tpu.memref_slice %arg13[%parallel_loop3A_272, %parallel_loop3A_273, %parallel_loop3A_274] : memref<2x8x2304xf32, #tpu.memory_space<vmem>> -> memref<1x1x2304xf32, #tpu.memory_space<vmem>>
      %parallel_loop3A_276 = tpu.memref_squeeze %parallel_loop3A_275 : memref<1x1x2304xf32, #tpu.memory_space<vmem>> -> memref<2304xf32, #tpu.memory_space<vmem>>
      %parallel_loop3A_277 = tpu.vector_load_idx %parallel_loop3A_276[%parallel_loop3A_228] : memref<2304xf32, #tpu.memory_space<vmem>>[vector<16xi32>], vector<16xf32>,
      %parallel_loop3A_278 = arith.constant 0 : i32
      %parallel_loop3A_279 = arith.constant 1 : i32
      %parallel_loop3A_280 = arith.constant 0 : i32
      %parallel_loop3A_281 = tpu.memref_slice %arg13[%parallel_loop3A_278, %parallel_loop3A_279, %parallel_loop3A_280] : memref<2x8x2304xf32, #tpu.memory_space<vmem>> -> memref<1x1x2304xf32, #tpu.memory_space<vmem>>
      %parallel_loop3A_282 = tpu.memref_squeeze %parallel_loop3A_281 : memref<1x1x2304xf32, #tpu.memory_space<vmem>> -> memref<2304xf32, #tpu.memory_space<vmem>>
      %parallel_loop3A_283 = tpu.vector_load_idx %parallel_loop3A_282[%parallel_loop3A_230] : memref<2304xf32, #tpu.memory_space<vmem>>[vector<16xi32>], vector<16xf32>,
      %parallel_loop3A_284 = arith.constant 0 : i32
      %parallel_loop3A_285 = arith.constant 1 : i32
      %parallel_loop3A_286 = arith.constant 0 : i32
      %parallel_loop3A_287 = tpu.memref_slice %arg14[%parallel_loop3A_284, %parallel_loop3A_285, %parallel_loop3A_286] : memref<2x8x2304xf32, #tpu.memory_space<vmem>> -> memref<1x1x2304xf32, #tpu.memory_space<vmem>>
      %parallel_loop3A_288 = tpu.memref_squeeze %parallel_loop3A_287 : memref<1x1x2304xf32, #tpu.memory_space<vmem>> -> memref<2304xf32, #tpu.memory_space<vmem>>
      %parallel_loop3A_289 = tpu.vector_load_idx %parallel_loop3A_288[%parallel_loop3A_228] : memref<2304xf32, #tpu.memory_space<vmem>>[vector<16xi32>], vector<16xf32>,
      %parallel_loop3A_290 = arith.constant 0 : i32
      %parallel_loop3A_291 = arith.constant 1 : i32
      %parallel_loop3A_292 = arith.constant 0 : i32
      %parallel_loop3A_293 = tpu.memref_slice %arg14[%parallel_loop3A_290, %parallel_loop3A_291, %parallel_loop3A_292] : memref<2x8x2304xf32, #tpu.memory_space<vmem>> -> memref<1x1x2304xf32, #tpu.memory_space<vmem>>
      %parallel_loop3A_294 = tpu.memref_squeeze %parallel_loop3A_293 : memref<1x1x2304xf32, #tpu.memory_space<vmem>> -> memref<2304xf32, #tpu.memory_space<vmem>>
      %parallel_loop3A_295 = tpu.vector_load_idx %parallel_loop3A_294[%parallel_loop3A_230] : memref<2304xf32, #tpu.memory_space<vmem>>[vector<16xi32>], vector<16xf32>,
      %parallel_loop3A_296 = arith.subf %parallel_loop3A_289, %parallel_loop3A_277 : vector<16xf32>
      %parallel_loop3A_297 = arith.mulf %parallel_loop3A_218, %parallel_loop3A_296 : vector<16xf32>
      %parallel_loop3A_298 = arith.addf %parallel_loop3A_277, %parallel_loop3A_297 : vector<16xf32>
      %parallel_loop3A_299 = arith.subf %parallel_loop3A_295, %parallel_loop3A_283 : vector<16xf32>
      %parallel_loop3A_300 = arith.mulf %parallel_loop3A_218, %parallel_loop3A_299 : vector<16xf32>
      %parallel_loop3A_301 = arith.addf %parallel_loop3A_283, %parallel_loop3A_300 : vector<16xf32>
      %parallel_loop3A_302 = arith.subf %parallel_loop3A_298, %parallel_loop3A_301 : vector<16xf32>
      %parallel_loop3A_303 = arith.mulf %parallel_loop3A_232, %parallel_loop3A_302 : vector<16xf32>
      %parallel_loop3A_304 = arith.addf %parallel_loop3A_301, %parallel_loop3A_303 : vector<16xf32>
      %parallel_loop3A_305 = arith.constant 0 : i32
      %parallel_loop3A_306 = arith.constant 1 : i32
      %parallel_loop3A_307 = arith.index_cast %parallel_loop3A_305 : i32 to index
      %parallel_loop3A_308 = arith.index_cast %parallel_loop3A_306 : i32 to index
      %parallel_loop3A_309 = arith.index_cast %parallel_loop3A_226 : i32 to index
      %parallel_loop3A_310 = tpu.vector_load %arg15[%parallel_loop3A_307, %parallel_loop3A_308, %parallel_loop3A_309] {strides = array<i32>} : memref<2x8x2304xf32, #tpu.memory_space<vmem>>, vector<16xf32>,
      tpu.vector_store %arg15[%parallel_loop3A_307, %parallel_loop3A_308, %parallel_loop3A_309], %parallel_loop3A_304 {strides = array<i32>} : memref<2x8x2304xf32, #tpu.memory_space<vmem>>, vector<16xf32>,
      %parallel_loop3A_311 = arith.constant 0 : i32
      %parallel_loop3A_312 = arith.constant 2 : i32
      %parallel_loop3A_313 = arith.constant 0 : i32
      %parallel_loop3A_314 = tpu.memref_slice %arg13[%parallel_loop3A_311, %parallel_loop3A_312, %parallel_loop3A_313] : memref<2x8x2304xf32, #tpu.memory_space<vmem>> -> memref<1x1x2304xf32, #tpu.memory_space<vmem>>
      %parallel_loop3A_315 = tpu.memref_squeeze %parallel_loop3A_314 : memref<1x1x2304xf32, #tpu.memory_space<vmem>> -> memref<2304xf32, #tpu.memory_space<vmem>>
      %parallel_loop3A_316 = tpu.vector_load_idx %parallel_loop3A_315[%parallel_loop3A_228] : memref<2304xf32, #tpu.memory_space<vmem>>[vector<16xi32>], vector<16xf32>,
      %parallel_loop3A_317 = arith.constant 0 : i32
      %parallel_loop3A_318 = arith.constant 2 : i32
      %parallel_loop3A_319 = arith.constant 0 : i32
      %parallel_loop3A_320 = tpu.memref_slice %arg13[%parallel_loop3A_317, %parallel_loop3A_318, %parallel_loop3A_319] : memref<2x8x2304xf32, #tpu.memory_space<vmem>> -> memref<1x1x2304xf32, #tpu.memory_space<vmem>>
      %parallel_loop3A_321 = tpu.memref_squeeze %parallel_loop3A_320 : memref<1x1x2304xf32, #tpu.memory_space<vmem>> -> memref<2304xf32, #tpu.memory_space<vmem>>
      %parallel_loop3A_322 = tpu.vector_load_idx %parallel_loop3A_321[%parallel_loop3A_230] : memref<2304xf32, #tpu.memory_space<vmem>>[vector<16xi32>], vector<16xf32>,
      %parallel_loop3A_323 = arith.constant 0 : i32
      %parallel_loop3A_324 = arith.constant 2 : i32
      %parallel_loop3A_325 = arith.constant 0 : i32
      %parallel_loop3A_326 = tpu.memref_slice %arg14[%parallel_loop3A_323, %parallel_loop3A_324, %parallel_loop3A_325] : memref<2x8x2304xf32, #tpu.memory_space<vmem>> -> memref<1x1x2304xf32, #tpu.memory_space<vmem>>
      %parallel_loop3A_327 = tpu.memref_squeeze %parallel_loop3A_326 : memref<1x1x2304xf32, #tpu.memory_space<vmem>> -> memref<2304xf32, #tpu.memory_space<vmem>>
      %parallel_loop3A_328 = tpu.vector_load_idx %parallel_loop3A_327[%parallel_loop3A_228] : memref<2304xf32, #tpu.memory_space<vmem>>[vector<16xi32>], vector<16xf32>,
      %parallel_loop3A_329 = arith.constant 0 : i32
      %parallel_loop3A_330 = arith.constant 2 : i32
      %parallel_loop3A_331 = arith.constant 0 : i32
      %parallel_loop3A_332 = tpu.memref_slice %arg14[%parallel_loop3A_329, %parallel_loop3A_330, %parallel_loop3A_331] : memref<2x8x2304xf32, #tpu.memory_space<vmem>> -> memref<1x1x2304xf32, #tpu.memory_space<vmem>>
      %parallel_loop3A_333 = tpu.memref_squeeze %parallel_loop3A_332 : memref<1x1x2304xf32, #tpu.memory_space<vmem>> -> memref<2304xf32, #tpu.memory_space<vmem>>
      %parallel_loop3A_334 = tpu.vector_load_idx %parallel_loop3A_333[%parallel_loop3A_230] : memref<2304xf32, #tpu.memory_space<vmem>>[vector<16xi32>], vector<16xf32>,
      %parallel_loop3A_335 = arith.subf %parallel_loop3A_328, %parallel_loop3A_316 : vector<16xf32>
      %parallel_loop3A_336 = arith.mulf %parallel_loop3A_219, %parallel_loop3A_335 : vector<16xf32>
      %parallel_loop3A_337 = arith.addf %parallel_loop3A_316, %parallel_loop3A_336 : vector<16xf32>
      %parallel_loop3A_338 = arith.subf %parallel_loop3A_334, %parallel_loop3A_322 : vector<16xf32>
      %parallel_loop3A_339 = arith.mulf %parallel_loop3A_219, %parallel_loop3A_338 : vector<16xf32>
      %parallel_loop3A_340 = arith.addf %parallel_loop3A_322, %parallel_loop3A_339 : vector<16xf32>
      %parallel_loop3A_341 = arith.subf %parallel_loop3A_337, %parallel_loop3A_340 : vector<16xf32>
      %parallel_loop3A_342 = arith.mulf %parallel_loop3A_232, %parallel_loop3A_341 : vector<16xf32>
      %parallel_loop3A_343 = arith.addf %parallel_loop3A_340, %parallel_loop3A_342 : vector<16xf32>
      %parallel_loop3A_344 = arith.constant 0 : i32
      %parallel_loop3A_345 = arith.constant 2 : i32
      %parallel_loop3A_346 = arith.index_cast %parallel_loop3A_344 : i32 to index
      %parallel_loop3A_347 = arith.index_cast %parallel_loop3A_345 : i32 to index
      %parallel_loop3A_348 = arith.index_cast %parallel_loop3A_226 : i32 to index
      %parallel_loop3A_349 = tpu.vector_load %arg15[%parallel_loop3A_346, %parallel_loop3A_347, %parallel_loop3A_348] {strides = array<i32>} : memref<2x8x2304xf32, #tpu.memory_space<vmem>>, vector<16xf32>,
      tpu.vector_store %arg15[%parallel_loop3A_346, %parallel_loop3A_347, %parallel_loop3A_348], %parallel_loop3A_343 {strides = array<i32>} : memref<2x8x2304xf32, #tpu.memory_space<vmem>>, vector<16xf32>,
      %parallel_loop3A_350 = arith.constant 0 : i32
      %parallel_loop3A_351 = arith.constant 3 : i32
      %parallel_loop3A_352 = arith.constant 0 : i32
      %parallel_loop3A_353 = tpu.memref_slice %arg13[%parallel_loop3A_350, %parallel_loop3A_351, %parallel_loop3A_352] : memref<2x8x2304xf32, #tpu.memory_space<vmem>> -> memref<1x1x2304xf32, #tpu.memory_space<vmem>>
      %parallel_loop3A_354 = tpu.memref_squeeze %parallel_loop3A_353 : memref<1x1x2304xf32, #tpu.memory_space<vmem>> -> memref<2304xf32, #tpu.memory_space<vmem>>
      %parallel_loop3A_355 = tpu.vector_load_idx %parallel_loop3A_354[%parallel_loop3A_228] : memref<2304xf32, #tpu.memory_space<vmem>>[vector<16xi32>], vector<16xf32>,
      %parallel_loop3A_356 = arith.constant 0 : i32
      %parallel_loop3A_357 = arith.constant 3 : i32
      %parallel_loop3A_358 = arith.constant 0 : i32
      %parallel_loop3A_359 = tpu.memref_slice %arg13[%parallel_loop3A_356, %parallel_loop3A_357, %parallel_loop3A_358] : memref<2x8x2304xf32, #tpu.memory_space<vmem>> -> memref<1x1x2304xf32, #tpu.memory_space<vmem>>
      %parallel_loop3A_360 = tpu.memref_squeeze %parallel_loop3A_359 : memref<1x1x2304xf32, #tpu.memory_space<vmem>> -> memref<2304xf32, #tpu.memory_space<vmem>>
      %parallel_loop3A_361 = tpu.vector_load_idx %parallel_loop3A_360[%parallel_loop3A_230] : memref<2304xf32, #tpu.memory_space<vmem>>[vector<16xi32>], vector<16xf32>,
      %parallel_loop3A_362 = arith.constant 0 : i32
      %parallel_loop3A_363 = arith.constant 3 : i32
      %parallel_loop3A_364 = arith.constant 0 : i32
      %parallel_loop3A_365 = tpu.memref_slice %arg14[%parallel_loop3A_362, %parallel_loop3A_363, %parallel_loop3A_364] : memref<2x8x2304xf32, #tpu.memory_space<vmem>> -> memref<1x1x2304xf32, #tpu.memory_space<vmem>>
      %parallel_loop3A_366 = tpu.memref_squeeze %parallel_loop3A_365 : memref<1x1x2304xf32, #tpu.memory_space<vmem>> -> memref<2304xf32, #tpu.memory_space<vmem>>
      %parallel_loop3A_367 = tpu.vector_load_idx %parallel_loop3A_366[%parallel_loop3A_228] : memref<2304xf32, #tpu.memory_space<vmem>>[vector<16xi32>], vector<16xf32>,
      %parallel_loop3A_368 = arith.constant 0 : i32
      %parallel_loop3A_369 = arith.constant 3 : i32
      %parallel_loop3A_370 = arith.constant 0 : i32
      %parallel_loop3A_371 = tpu.memref_slice %arg14[%parallel_loop3A_368, %parallel_loop3A_369, %parallel_loop3A_370] : memref<2x8x2304xf32, #tpu.memory_space<vmem>> -> memref<1x1x2304xf32, #tpu.memory_space<vmem>>
      %parallel_loop3A_372 = tpu.memref_squeeze %parallel_loop3A_371 : memref<1x1x2304xf32, #tpu.memory_space<vmem>> -> memref<2304xf32, #tpu.memory_space<vmem>>
      %parallel_loop3A_373 = tpu.vector_load_idx %parallel_loop3A_372[%parallel_loop3A_230] : memref<2304xf32, #tpu.memory_space<vmem>>[vector<16xi32>], vector<16xf32>,
      %parallel_loop3A_374 = arith.subf %parallel_loop3A_367, %parallel_loop3A_355 : vector<16xf32>
      %parallel_loop3A_375 = arith.mulf %parallel_loop3A_220, %parallel_loop3A_374 : vector<16xf32>
      %parallel_loop3A_376 = arith.addf %parallel_loop3A_355, %parallel_loop3A_375 : vector<16xf32>
      %parallel_loop3A_377 = arith.subf %parallel_loop3A_373, %parallel_loop3A_361 : vector<16xf32>
      %parallel_loop3A_378 = arith.mulf %parallel_loop3A_220, %parallel_loop3A_377 : vector<16xf32>
      %parallel_loop3A_379 = arith.addf %parallel_loop3A_361, %parallel_loop3A_378 : vector<16xf32>
      %parallel_loop3A_380 = arith.subf %parallel_loop3A_376, %parallel_loop3A_379 : vector<16xf32>
      %parallel_loop3A_381 = arith.mulf %parallel_loop3A_232, %parallel_loop3A_380 : vector<16xf32>
      %parallel_loop3A_382 = arith.addf %parallel_loop3A_379, %parallel_loop3A_381 : vector<16xf32>
      %parallel_loop3A_383 = arith.constant 0 : i32
      %parallel_loop3A_384 = arith.constant 3 : i32
      %parallel_loop3A_385 = arith.index_cast %parallel_loop3A_383 : i32 to index
      %parallel_loop3A_386 = arith.index_cast %parallel_loop3A_384 : i32 to index
      %parallel_loop3A_387 = arith.index_cast %parallel_loop3A_226 : i32 to index
      %parallel_loop3A_388 = tpu.vector_load %arg15[%parallel_loop3A_385, %parallel_loop3A_386, %parallel_loop3A_387] {strides = array<i32>} : memref<2x8x2304xf32, #tpu.memory_space<vmem>>, vector<16xf32>,
      tpu.vector_store %arg15[%parallel_loop3A_385, %parallel_loop3A_386, %parallel_loop3A_387], %parallel_loop3A_382 {strides = array<i32>} : memref<2x8x2304xf32, #tpu.memory_space<vmem>>, vector<16xf32>,
      %parallel_loop3A_389 = arith.constant 0 : i32
      %parallel_loop3A_390 = arith.constant 4 : i32
      %parallel_loop3A_391 = arith.constant 0 : i32
      %parallel_loop3A_392 = tpu.memref_slice %arg13[%parallel_loop3A_389, %parallel_loop3A_390, %parallel_loop3A_391] : memref<2x8x2304xf32, #tpu.memory_space<vmem>> -> memref<1x1x2304xf32, #tpu.memory_space<vmem>>
      %parallel_loop3A_393 = tpu.memref_squeeze %parallel_loop3A_392 : memref<1x1x2304xf32, #tpu.memory_space<vmem>> -> memref<2304xf32, #tpu.memory_space<vmem>>
      %parallel_loop3A_394 = tpu.vector_load_idx %parallel_loop3A_393[%parallel_loop3A_228] : memref<2304xf32, #tpu.memory_space<vmem>>[vector<16xi32>], vector<16xf32>,
      %parallel_loop3A_395 = arith.constant 0 : i32
      %parallel_loop3A_396 = arith.constant 4 : i32
      %parallel_loop3A_397 = arith.constant 0 : i32
      %parallel_loop3A_398 = tpu.memref_slice %arg13[%parallel_loop3A_395, %parallel_loop3A_396, %parallel_loop3A_397] : memref<2x8x2304xf32, #tpu.memory_space<vmem>> -> memref<1x1x2304xf32, #tpu.memory_space<vmem>>
      %parallel_loop3A_399 = tpu.memref_squeeze %parallel_loop3A_398 : memref<1x1x2304xf32, #tpu.memory_space<vmem>> -> memref<2304xf32, #tpu.memory_space<vmem>>
      %parallel_loop3A_400 = tpu.vector_load_idx %parallel_loop3A_399[%parallel_loop3A_230] : memref<2304xf32, #tpu.memory_space<vmem>>[vector<16xi32>], vector<16xf32>,
      %parallel_loop3A_401 = arith.constant 0 : i32
      %parallel_loop3A_402 = arith.constant 4 : i32
      %parallel_loop3A_403 = arith.constant 0 : i32
      %parallel_loop3A_404 = tpu.memref_slice %arg14[%parallel_loop3A_401, %parallel_loop3A_402, %parallel_loop3A_403] : memref<2x8x2304xf32, #tpu.memory_space<vmem>> -> memref<1x1x2304xf32, #tpu.memory_space<vmem>>
      %parallel_loop3A_405 = tpu.memref_squeeze %parallel_loop3A_404 : memref<1x1x2304xf32, #tpu.memory_space<vmem>> -> memref<2304xf32, #tpu.memory_space<vmem>>
      %parallel_loop3A_406 = tpu.vector_load_idx %parallel_loop3A_405[%parallel_loop3A_228] : memref<2304xf32, #tpu.memory_space<vmem>>[vector<16xi32>], vector<16xf32>,
      %parallel_loop3A_407 = arith.constant 0 : i32
      %parallel_loop3A_408 = arith.constant 4 : i32
      %parallel_loop3A_409 = arith.constant 0 : i32
      %parallel_loop3A_410 = tpu.memref_slice %arg14[%parallel_loop3A_407, %parallel_loop3A_408, %parallel_loop3A_409] : memref<2x8x2304xf32, #tpu.memory_space<vmem>> -> memref<1x1x2304xf32, #tpu.memory_space<vmem>>
      %parallel_loop3A_411 = tpu.memref_squeeze %parallel_loop3A_410 : memref<1x1x2304xf32, #tpu.memory_space<vmem>> -> memref<2304xf32, #tpu.memory_space<vmem>>
      %parallel_loop3A_412 = tpu.vector_load_idx %parallel_loop3A_411[%parallel_loop3A_230] : memref<2304xf32, #tpu.memory_space<vmem>>[vector<16xi32>], vector<16xf32>,
      %parallel_loop3A_413 = arith.subf %parallel_loop3A_406, %parallel_loop3A_394 : vector<16xf32>
      %parallel_loop3A_414 = arith.mulf %parallel_loop3A_221, %parallel_loop3A_413 : vector<16xf32>
      %parallel_loop3A_415 = arith.addf %parallel_loop3A_394, %parallel_loop3A_414 : vector<16xf32>
      %parallel_loop3A_416 = arith.subf %parallel_loop3A_412, %parallel_loop3A_400 : vector<16xf32>
      %parallel_loop3A_417 = arith.mulf %parallel_loop3A_221, %parallel_loop3A_416 : vector<16xf32>
      %parallel_loop3A_418 = arith.addf %parallel_loop3A_400, %parallel_loop3A_417 : vector<16xf32>
      %parallel_loop3A_419 = arith.subf %parallel_loop3A_415, %parallel_loop3A_418 : vector<16xf32>
      %parallel_loop3A_420 = arith.mulf %parallel_loop3A_232, %parallel_loop3A_419 : vector<16xf32>
      %parallel_loop3A_421 = arith.addf %parallel_loop3A_418, %parallel_loop3A_420 : vector<16xf32>
      %parallel_loop3A_422 = arith.constant 0 : i32
      %parallel_loop3A_423 = arith.constant 4 : i32
      %parallel_loop3A_424 = arith.index_cast %parallel_loop3A_422 : i32 to index
      %parallel_loop3A_425 = arith.index_cast %parallel_loop3A_423 : i32 to index
      %parallel_loop3A_426 = arith.index_cast %parallel_loop3A_226 : i32 to index
      %parallel_loop3A_427 = tpu.vector_load %arg15[%parallel_loop3A_424, %parallel_loop3A_425, %parallel_loop3A_426] {strides = array<i32>} : memref<2x8x2304xf32, #tpu.memory_space<vmem>>, vector<16xf32>,
      tpu.vector_store %arg15[%parallel_loop3A_424, %parallel_loop3A_425, %parallel_loop3A_426], %parallel_loop3A_421 {strides = array<i32>} : memref<2x8x2304xf32, #tpu.memory_space<vmem>>, vector<16xf32>,
      %parallel_loop3A_428 = arith.constant 0 : i32
      %parallel_loop3A_429 = arith.constant 5 : i32
      %parallel_loop3A_430 = arith.constant 0 : i32
      %parallel_loop3A_431 = tpu.memref_slice %arg13[%parallel_loop3A_428, %parallel_loop3A_429, %parallel_loop3A_430] : memref<2x8x2304xf32, #tpu.memory_space<vmem>> -> memref<1x1x2304xf32, #tpu.memory_space<vmem>>
      %parallel_loop3A_432 = tpu.memref_squeeze %parallel_loop3A_431 : memref<1x1x2304xf32, #tpu.memory_space<vmem>> -> memref<2304xf32, #tpu.memory_space<vmem>>
      %parallel_loop3A_433 = tpu.vector_load_idx %parallel_loop3A_432[%parallel_loop3A_228] : memref<2304xf32, #tpu.memory_space<vmem>>[vector<16xi32>], vector<16xf32>,
      %parallel_loop3A_434 = arith.constant 0 : i32
      %parallel_loop3A_435 = arith.constant 5 : i32
      %parallel_loop3A_436 = arith.constant 0 : i32
      %parallel_loop3A_437 = tpu.memref_slice %arg13[%parallel_loop3A_434, %parallel_loop3A_435, %parallel_loop3A_436] : memref<2x8x2304xf32, #tpu.memory_space<vmem>> -> memref<1x1x2304xf32, #tpu.memory_space<vmem>>
      %parallel_loop3A_438 = tpu.memref_squeeze %parallel_loop3A_437 : memref<1x1x2304xf32, #tpu.memory_space<vmem>> -> memref<2304xf32, #tpu.memory_space<vmem>>
      %parallel_loop3A_439 = tpu.vector_load_idx %parallel_loop3A_438[%parallel_loop3A_230] : memref<2304xf32, #tpu.memory_space<vmem>>[vector<16xi32>], vector<16xf32>,
      %parallel_loop3A_440 = arith.constant 0 : i32
      %parallel_loop3A_441 = arith.constant 5 : i32
      %parallel_loop3A_442 = arith.constant 0 : i32
      %parallel_loop3A_443 = tpu.memref_slice %arg14[%parallel_loop3A_440, %parallel_loop3A_441, %parallel_loop3A_442] : memref<2x8x2304xf32, #tpu.memory_space<vmem>> -> memref<1x1x2304xf32, #tpu.memory_space<vmem>>
      %parallel_loop3A_444 = tpu.memref_squeeze %parallel_loop3A_443 : memref<1x1x2304xf32, #tpu.memory_space<vmem>> -> memref<2304xf32, #tpu.memory_space<vmem>>
      %parallel_loop3A_445 = tpu.vector_load_idx %parallel_loop3A_444[%parallel_loop3A_228] : memref<2304xf32, #tpu.memory_space<vmem>>[vector<16xi32>], vector<16xf32>,
      %parallel_loop3A_446 = arith.constant 0 : i32
      %parallel_loop3A_447 = arith.constant 5 : i32
      %parallel_loop3A_448 = arith.constant 0 : i32
      %parallel_loop3A_449 = tpu.memref_slice %arg14[%parallel_loop3A_446, %parallel_loop3A_447, %parallel_loop3A_448] : memref<2x8x2304xf32, #tpu.memory_space<vmem>> -> memref<1x1x2304xf32, #tpu.memory_space<vmem>>
      %parallel_loop3A_450 = tpu.memref_squeeze %parallel_loop3A_449 : memref<1x1x2304xf32, #tpu.memory_space<vmem>> -> memref<2304xf32, #tpu.memory_space<vmem>>
      %parallel_loop3A_451 = tpu.vector_load_idx %parallel_loop3A_450[%parallel_loop3A_230] : memref<2304xf32, #tpu.memory_space<vmem>>[vector<16xi32>], vector<16xf32>,
      %parallel_loop3A_452 = arith.subf %parallel_loop3A_445, %parallel_loop3A_433 : vector<16xf32>
      %parallel_loop3A_453 = arith.mulf %parallel_loop3A_222, %parallel_loop3A_452 : vector<16xf32>
      %parallel_loop3A_454 = arith.addf %parallel_loop3A_433, %parallel_loop3A_453 : vector<16xf32>
      %parallel_loop3A_455 = arith.subf %parallel_loop3A_451, %parallel_loop3A_439 : vector<16xf32>
      %parallel_loop3A_456 = arith.mulf %parallel_loop3A_222, %parallel_loop3A_455 : vector<16xf32>
      %parallel_loop3A_457 = arith.addf %parallel_loop3A_439, %parallel_loop3A_456 : vector<16xf32>
      %parallel_loop3A_458 = arith.subf %parallel_loop3A_454, %parallel_loop3A_457 : vector<16xf32>
      %parallel_loop3A_459 = arith.mulf %parallel_loop3A_232, %parallel_loop3A_458 : vector<16xf32>
      %parallel_loop3A_460 = arith.addf %parallel_loop3A_457, %parallel_loop3A_459 : vector<16xf32>
      %parallel_loop3A_461 = arith.constant 0 : i32
      %parallel_loop3A_462 = arith.constant 5 : i32
      %parallel_loop3A_463 = arith.index_cast %parallel_loop3A_461 : i32 to index
      %parallel_loop3A_464 = arith.index_cast %parallel_loop3A_462 : i32 to index
      %parallel_loop3A_465 = arith.index_cast %parallel_loop3A_226 : i32 to index
      %parallel_loop3A_466 = tpu.vector_load %arg15[%parallel_loop3A_463, %parallel_loop3A_464, %parallel_loop3A_465] {strides = array<i32>} : memref<2x8x2304xf32, #tpu.memory_space<vmem>>, vector<16xf32>,
      tpu.vector_store %arg15[%parallel_loop3A_463, %parallel_loop3A_464, %parallel_loop3A_465], %parallel_loop3A_460 {strides = array<i32>} : memref<2x8x2304xf32, #tpu.memory_space<vmem>>, vector<16xf32>,
      %parallel_loop3A_467 = arith.constant 0 : i32
      %parallel_loop3A_468 = arith.constant 6 : i32
      %parallel_loop3A_469 = arith.constant 0 : i32
      %parallel_loop3A_470 = tpu.memref_slice %arg13[%parallel_loop3A_467, %parallel_loop3A_468, %parallel_loop3A_469] : memref<2x8x2304xf32, #tpu.memory_space<vmem>> -> memref<1x1x2304xf32, #tpu.memory_space<vmem>>
      %parallel_loop3A_471 = tpu.memref_squeeze %parallel_loop3A_470 : memref<1x1x2304xf32, #tpu.memory_space<vmem>> -> memref<2304xf32, #tpu.memory_space<vmem>>
      %parallel_loop3A_472 = tpu.vector_load_idx %parallel_loop3A_471[%parallel_loop3A_228] : memref<2304xf32, #tpu.memory_space<vmem>>[vector<16xi32>], vector<16xf32>,
      %parallel_loop3A_473 = arith.constant 0 : i32
      %parallel_loop3A_474 = arith.constant 6 : i32
      %parallel_loop3A_475 = arith.constant 0 : i32
      %parallel_loop3A_476 = tpu.memref_slice %arg13[%parallel_loop3A_473, %parallel_loop3A_474, %parallel_loop3A_475] : memref<2x8x2304xf32, #tpu.memory_space<vmem>> -> memref<1x1x2304xf32, #tpu.memory_space<vmem>>
      %parallel_loop3A_477 = tpu.memref_squeeze %parallel_loop3A_476 : memref<1x1x2304xf32, #tpu.memory_space<vmem>> -> memref<2304xf32, #tpu.memory_space<vmem>>
      %parallel_loop3A_478 = tpu.vector_load_idx %parallel_loop3A_477[%parallel_loop3A_230] : memref<2304xf32, #tpu.memory_space<vmem>>[vector<16xi32>], vector<16xf32>,
      %parallel_loop3A_479 = arith.constant 0 : i32
      %parallel_loop3A_480 = arith.constant 6 : i32
      %parallel_loop3A_481 = arith.constant 0 : i32
      %parallel_loop3A_482 = tpu.memref_slice %arg14[%parallel_loop3A_479, %parallel_loop3A_480, %parallel_loop3A_481] : memref<2x8x2304xf32, #tpu.memory_space<vmem>> -> memref<1x1x2304xf32, #tpu.memory_space<vmem>>
      %parallel_loop3A_483 = tpu.memref_squeeze %parallel_loop3A_482 : memref<1x1x2304xf32, #tpu.memory_space<vmem>> -> memref<2304xf32, #tpu.memory_space<vmem>>
      %parallel_loop3A_484 = tpu.vector_load_idx %parallel_loop3A_483[%parallel_loop3A_228] : memref<2304xf32, #tpu.memory_space<vmem>>[vector<16xi32>], vector<16xf32>,
      %parallel_loop3A_485 = arith.constant 0 : i32
      %parallel_loop3A_486 = arith.constant 6 : i32
      %parallel_loop3A_487 = arith.constant 0 : i32
      %parallel_loop3A_488 = tpu.memref_slice %arg14[%parallel_loop3A_485, %parallel_loop3A_486, %parallel_loop3A_487] : memref<2x8x2304xf32, #tpu.memory_space<vmem>> -> memref<1x1x2304xf32, #tpu.memory_space<vmem>>
      %parallel_loop3A_489 = tpu.memref_squeeze %parallel_loop3A_488 : memref<1x1x2304xf32, #tpu.memory_space<vmem>> -> memref<2304xf32, #tpu.memory_space<vmem>>
      %parallel_loop3A_490 = tpu.vector_load_idx %parallel_loop3A_489[%parallel_loop3A_230] : memref<2304xf32, #tpu.memory_space<vmem>>[vector<16xi32>], vector<16xf32>,
      %parallel_loop3A_491 = arith.subf %parallel_loop3A_484, %parallel_loop3A_472 : vector<16xf32>
      %parallel_loop3A_492 = arith.mulf %parallel_loop3A_223, %parallel_loop3A_491 : vector<16xf32>
      %parallel_loop3A_493 = arith.addf %parallel_loop3A_472, %parallel_loop3A_492 : vector<16xf32>
      %parallel_loop3A_494 = arith.subf %parallel_loop3A_490, %parallel_loop3A_478 : vector<16xf32>
      %parallel_loop3A_495 = arith.mulf %parallel_loop3A_223, %parallel_loop3A_494 : vector<16xf32>
      %parallel_loop3A_496 = arith.addf %parallel_loop3A_478, %parallel_loop3A_495 : vector<16xf32>
      %parallel_loop3A_497 = arith.subf %parallel_loop3A_493, %parallel_loop3A_496 : vector<16xf32>
      %parallel_loop3A_498 = arith.mulf %parallel_loop3A_232, %parallel_loop3A_497 : vector<16xf32>
      %parallel_loop3A_499 = arith.addf %parallel_loop3A_496, %parallel_loop3A_498 : vector<16xf32>
      %parallel_loop3A_500 = arith.constant 0 : i32
      %parallel_loop3A_501 = arith.constant 6 : i32
      %parallel_loop3A_502 = arith.index_cast %parallel_loop3A_500 : i32 to index
      %parallel_loop3A_503 = arith.index_cast %parallel_loop3A_501 : i32 to index
      %parallel_loop3A_504 = arith.index_cast %parallel_loop3A_226 : i32 to index
      %parallel_loop3A_505 = tpu.vector_load %arg15[%parallel_loop3A_502, %parallel_loop3A_503, %parallel_loop3A_504] {strides = array<i32>} : memref<2x8x2304xf32, #tpu.memory_space<vmem>>, vector<16xf32>,
      tpu.vector_store %arg15[%parallel_loop3A_502, %parallel_loop3A_503, %parallel_loop3A_504], %parallel_loop3A_499 {strides = array<i32>} : memref<2x8x2304xf32, #tpu.memory_space<vmem>>, vector<16xf32>,
      %parallel_loop3A_506 = arith.constant 0 : i32
      %parallel_loop3A_507 = arith.constant 7 : i32
      %parallel_loop3A_508 = arith.constant 0 : i32
      %parallel_loop3A_509 = tpu.memref_slice %arg13[%parallel_loop3A_506, %parallel_loop3A_507, %parallel_loop3A_508] : memref<2x8x2304xf32, #tpu.memory_space<vmem>> -> memref<1x1x2304xf32, #tpu.memory_space<vmem>>
      %parallel_loop3A_510 = tpu.memref_squeeze %parallel_loop3A_509 : memref<1x1x2304xf32, #tpu.memory_space<vmem>> -> memref<2304xf32, #tpu.memory_space<vmem>>
      %parallel_loop3A_511 = tpu.vector_load_idx %parallel_loop3A_510[%parallel_loop3A_228] : memref<2304xf32, #tpu.memory_space<vmem>>[vector<16xi32>], vector<16xf32>,
      %parallel_loop3A_512 = arith.constant 0 : i32
      %parallel_loop3A_513 = arith.constant 7 : i32
      %parallel_loop3A_514 = arith.constant 0 : i32
      %parallel_loop3A_515 = tpu.memref_slice %arg13[%parallel_loop3A_512, %parallel_loop3A_513, %parallel_loop3A_514] : memref<2x8x2304xf32, #tpu.memory_space<vmem>> -> memref<1x1x2304xf32, #tpu.memory_space<vmem>>
      %parallel_loop3A_516 = tpu.memref_squeeze %parallel_loop3A_515 : memref<1x1x2304xf32, #tpu.memory_space<vmem>> -> memref<2304xf32, #tpu.memory_space<vmem>>
      %parallel_loop3A_517 = tpu.vector_load_idx %parallel_loop3A_516[%parallel_loop3A_230] : memref<2304xf32, #tpu.memory_space<vmem>>[vector<16xi32>], vector<16xf32>,
      %parallel_loop3A_518 = arith.constant 0 : i32
      %parallel_loop3A_519 = arith.constant 7 : i32
      %parallel_loop3A_520 = arith.constant 0 : i32
      %parallel_loop3A_521 = tpu.memref_slice %arg14[%parallel_loop3A_518, %parallel_loop3A_519, %parallel_loop3A_520] : memref<2x8x2304xf32, #tpu.memory_space<vmem>> -> memref<1x1x2304xf32, #tpu.memory_space<vmem>>
      %parallel_loop3A_522 = tpu.memref_squeeze %parallel_loop3A_521 : memref<1x1x2304xf32, #tpu.memory_space<vmem>> -> memref<2304xf32, #tpu.memory_space<vmem>>
      %parallel_loop3A_523 = tpu.vector_load_idx %parallel_loop3A_522[%parallel_loop3A_228] : memref<2304xf32, #tpu.memory_space<vmem>>[vector<16xi32>], vector<16xf32>,
      %parallel_loop3A_524 = arith.constant 0 : i32
      %parallel_loop3A_525 = arith.constant 7 : i32
      %parallel_loop3A_526 = arith.constant 0 : i32
      %parallel_loop3A_527 = tpu.memref_slice %arg14[%parallel_loop3A_524, %parallel_loop3A_525, %parallel_loop3A_526] : memref<2x8x2304xf32, #tpu.memory_space<vmem>> -> memref<1x1x2304xf32, #tpu.memory_space<vmem>>
      %parallel_loop3A_528 = tpu.memref_squeeze %parallel_loop3A_527 : memref<1x1x2304xf32, #tpu.memory_space<vmem>> -> memref<2304xf32, #tpu.memory_space<vmem>>
      %parallel_loop3A_529 = tpu.vector_load_idx %parallel_loop3A_528[%parallel_loop3A_230] : memref<2304xf32, #tpu.memory_space<vmem>>[vector<16xi32>], vector<16xf32>,
      %parallel_loop3A_530 = arith.subf %parallel_loop3A_523, %parallel_loop3A_511 : vector<16xf32>
      %parallel_loop3A_531 = arith.mulf %parallel_loop3A_224, %parallel_loop3A_530 : vector<16xf32>
      %parallel_loop3A_532 = arith.addf %parallel_loop3A_511, %parallel_loop3A_531 : vector<16xf32>
      %parallel_loop3A_533 = arith.subf %parallel_loop3A_529, %parallel_loop3A_517 : vector<16xf32>
      %parallel_loop3A_534 = arith.mulf %parallel_loop3A_224, %parallel_loop3A_533 : vector<16xf32>
      %parallel_loop3A_535 = arith.addf %parallel_loop3A_517, %parallel_loop3A_534 : vector<16xf32>
      %parallel_loop3A_536 = arith.subf %parallel_loop3A_532, %parallel_loop3A_535 : vector<16xf32>
      %parallel_loop3A_537 = arith.mulf %parallel_loop3A_232, %parallel_loop3A_536 : vector<16xf32>
      %parallel_loop3A_538 = arith.addf %parallel_loop3A_535, %parallel_loop3A_537 : vector<16xf32>
      %parallel_loop3A_539 = arith.constant 0 : i32
      %parallel_loop3A_540 = arith.constant 7 : i32
      %parallel_loop3A_541 = arith.index_cast %parallel_loop3A_539 : i32 to index
      %parallel_loop3A_542 = arith.index_cast %parallel_loop3A_540 : i32 to index
      %parallel_loop3A_543 = arith.index_cast %parallel_loop3A_226 : i32 to index
      %parallel_loop3A_544 = tpu.vector_load %arg15[%parallel_loop3A_541, %parallel_loop3A_542, %parallel_loop3A_543] {strides = array<i32>} : memref<2x8x2304xf32, #tpu.memory_space<vmem>>, vector<16xf32>,
      tpu.vector_store %arg15[%parallel_loop3A_541, %parallel_loop3A_542, %parallel_loop3A_543], %parallel_loop3A_538 {strides = array<i32>} : memref<2x8x2304xf32, #tpu.memory_space<vmem>>, vector<16xf32>,
      scf.yield %parallel_loop3A_217, %parallel_loop3A_218, %parallel_loop3A_219, %parallel_loop3A_220, %parallel_loop3A_221, %parallel_loop3A_222, %parallel_loop3A_223, %parallel_loop3A_224 : vector<16xf32>, vector<16xf32>, vector<16xf32>, vector<16xf32>, vector<16xf32>, vector<16xf32>, vector<16xf32>, vector<16xf32>
    } {sc.loop_unroll_factor = 4 : i64, sc.parallel_access}
    %add3A_136 = arith.constant 208 : i32
    %add3A_137 = arith.addi %add3A_136, %mul3A_2 : i32
    %dma_start3A_138 = arith.constant 0 : i32
    %dma_start3A_139 = arith.constant 0 : i32
    %dma_start3A_140 = arith.constant 0 : i32
    %dma_start3A_141 = arith.constant 0 : i32
    %dma_start3A_142 = tpu.memref_slice %arg15[%dma_start3A_138, %dma_start3A_140, %dma_start3A_141] : memref<2x8x2304xf32, #tpu.memory_space<vmem>> -> memref<1x8x2304xf32, #tpu.memory_space<vmem>>
    %dma_start3A_143 = tpu.memref_squeeze %dma_start3A_142 : memref<1x8x2304xf32, #tpu.memory_space<vmem>> -> memref<8x2304xf32, #tpu.memory_space<vmem>>
    %dma_start3A_144 = arith.constant 0 : i32
    %dma_start3A_145 = tpu.memref_slice %arg9[%add3A_137, %dma_start3A_144] : memref<6912x2304xf32, #tpu.memory_space<hbm>> -> memref<8x2304xf32, #tpu.memory_space<hbm>>
    %dma_start3A_146 = tpu.memref_slice %arg21[%dma_start3A_139] : memref<2x!tpu.dma_semaphore, #tpu.memory_space<semaphore_mem>> -> memref<1x!tpu.dma_semaphore, #tpu.memory_space<semaphore_mem>>
    %dma_start3A_147 = tpu.memref_squeeze %dma_start3A_146 : memref<1x!tpu.dma_semaphore, #tpu.memory_space<semaphore_mem>> -> memref<!tpu.dma_semaphore, #tpu.memory_space<semaphore_mem>>
    %dma_start3A_148 = arith.constant 0 : i32
    %dma_start3A_149 = tpu.memref_slice %arg9[%add3A_137, %dma_start3A_148] : memref<6912x2304xf32, #tpu.memory_space<hbm>> -> memref<8x2304xf32, #tpu.memory_space<hbm>>
    %dma_start3A_150 = arith.constant 0 : i32
    %dma_start3A_151 = arith.constant 0 : i32
    %dma_start3A_152 = tpu.memref_slice %arg15[%dma_start3A_138, %dma_start3A_150, %dma_start3A_151] : memref<2x8x2304xf32, #tpu.memory_space<vmem>> -> memref<1x8x2304xf32, #tpu.memory_space<vmem>>
    %dma_start3A_153 = tpu.memref_squeeze %dma_start3A_152 : memref<1x8x2304xf32, #tpu.memory_space<vmem>> -> memref<8x2304xf32, #tpu.memory_space<vmem>>
    tpu.enqueue_dma source(%dma_start3A_153 : memref<8x2304xf32, #tpu.memory_space<vmem>>) target(%dma_start3A_149 : memref<8x2304xf32, #tpu.memory_space<hbm>>) target_semaphore(%dma_start3A_147 : memref<!tpu.dma_semaphore, #tpu.memory_space<semaphore_mem>>)
    %dma_wait3A_154 = arith.constant 1 : i32
    %dma_wait3A_155 = arith.constant 1 : i32
    %dma_wait3A_156 = arith.constant 0 : i32
    %dma_wait3A_157 = arith.constant 0 : i32
    %dma_wait3A_158 = tpu.memref_slice %arg13[%dma_wait3A_154, %dma_wait3A_156, %dma_wait3A_157] : memref<2x8x2304xf32, #tpu.memory_space<vmem>> -> memref<1x8x2304xf32, #tpu.memory_space<vmem>>
    %dma_wait3A_159 = tpu.memref_squeeze %dma_wait3A_158 : memref<1x8x2304xf32, #tpu.memory_space<vmem>> -> memref<8x2304xf32, #tpu.memory_space<vmem>>
    %dma_wait3A_160 = arith.constant 0 : i32
    %dma_wait3A_161 = tpu.memref_slice %arg10[%dma_wait3A_160] : memref<216xi32, #tpu.memory_space<vmem>> -> memref<8xi32, #tpu.memory_space<vmem>>
    %dma_wait3A_162 = arith.constant 0 : i32
    %dma_wait3A_163 = arith.constant 0 : i32
    %dma_wait3A_164 = tpu.memref_slice %arg2[%dma_wait3A_162, %dma_wait3A_163] : memref<6912x2304xf32, #tpu.memory_space<hbm>> -> memref<6912x2304xf32, #tpu.memory_space<hbm>>
    %dma_wait3A_165 = tpu.memref_slice %arg19[%dma_wait3A_155] : memref<2x!tpu.dma_semaphore, #tpu.memory_space<semaphore_mem>> -> memref<1x!tpu.dma_semaphore, #tpu.memory_space<semaphore_mem>>
    %dma_wait3A_166 = tpu.memref_squeeze %dma_wait3A_165 : memref<1x!tpu.dma_semaphore, #tpu.memory_space<semaphore_mem>> -> memref<!tpu.dma_semaphore, #tpu.memory_space<semaphore_mem>>
    tpu.wait_indirect_dma semaphore(%dma_wait3A_166 : memref<!tpu.dma_semaphore, #tpu.memory_space<semaphore_mem>>) src(%dma_wait3A_164 : memref<6912x2304xf32, #tpu.memory_space<hbm>>) dst(%dma_wait3A_159 : memref<8x2304xf32, #tpu.memory_space<vmem>>)
    %dma_wait3A_167 = arith.constant 1 : i32
    %dma_wait3A_168 = arith.constant 1 : i32
    %dma_wait3A_169 = arith.constant 0 : i32
    %dma_wait3A_170 = arith.constant 0 : i32
    %dma_wait3A_171 = tpu.memref_slice %arg14[%dma_wait3A_167, %dma_wait3A_169, %dma_wait3A_170] : memref<2x8x2304xf32, #tpu.memory_space<vmem>> -> memref<1x8x2304xf32, #tpu.memory_space<vmem>>
    %dma_wait3A_172 = tpu.memref_squeeze %dma_wait3A_171 : memref<1x8x2304xf32, #tpu.memory_space<vmem>> -> memref<8x2304xf32, #tpu.memory_space<vmem>>
    %dma_wait3A_173 = arith.constant 0 : i32
    %dma_wait3A_174 = tpu.memref_slice %arg11[%dma_wait3A_173] : memref<216xi32, #tpu.memory_space<vmem>> -> memref<8xi32, #tpu.memory_space<vmem>>
    %dma_wait3A_175 = arith.constant 0 : i32
    %dma_wait3A_176 = arith.constant 0 : i32
    %dma_wait3A_177 = tpu.memref_slice %arg2[%dma_wait3A_175, %dma_wait3A_176] : memref<6912x2304xf32, #tpu.memory_space<hbm>> -> memref<6912x2304xf32, #tpu.memory_space<hbm>>
    %dma_wait3A_178 = tpu.memref_slice %arg20[%dma_wait3A_168] : memref<2x!tpu.dma_semaphore, #tpu.memory_space<semaphore_mem>> -> memref<1x!tpu.dma_semaphore, #tpu.memory_space<semaphore_mem>>
    %dma_wait3A_179 = tpu.memref_squeeze %dma_wait3A_178 : memref<1x!tpu.dma_semaphore, #tpu.memory_space<semaphore_mem>> -> memref<!tpu.dma_semaphore, #tpu.memory_space<semaphore_mem>>
    tpu.wait_indirect_dma semaphore(%dma_wait3A_179 : memref<!tpu.dma_semaphore, #tpu.memory_space<semaphore_mem>>) src(%dma_wait3A_177 : memref<6912x2304xf32, #tpu.memory_space<hbm>>) dst(%dma_wait3A_172 : memref<8x2304xf32, #tpu.memory_space<vmem>>)
    %add3A_180 = arith.constant 200 : i32
    %add3A_181 = arith.addi %add3A_180, %mul3A_2 : i32
    %dma_wait3A_182 = arith.constant 1 : i32
    %dma_wait3A_183 = arith.constant 1 : i32
    %dma_wait3A_184 = arith.constant 0 : i32
    %dma_wait3A_185 = arith.constant 0 : i32
    %dma_wait3A_186 = tpu.memref_slice %arg15[%dma_wait3A_182, %dma_wait3A_184, %dma_wait3A_185] : memref<2x8x2304xf32, #tpu.memory_space<vmem>> -> memref<1x8x2304xf32, #tpu.memory_space<vmem>>
    %dma_wait3A_187 = tpu.memref_squeeze %dma_wait3A_186 : memref<1x8x2304xf32, #tpu.memory_space<vmem>> -> memref<8x2304xf32, #tpu.memory_space<vmem>>
    %dma_wait3A_188 = arith.constant 0 : i32
    %dma_wait3A_189 = tpu.memref_slice %arg9[%add3A_181, %dma_wait3A_188] : memref<6912x2304xf32, #tpu.memory_space<hbm>> -> memref<8x2304xf32, #tpu.memory_space<hbm>>
    %dma_wait3A_190 = tpu.memref_slice %arg21[%dma_wait3A_183] : memref<2x!tpu.dma_semaphore, #tpu.memory_space<semaphore_mem>> -> memref<1x!tpu.dma_semaphore, #tpu.memory_space<semaphore_mem>>
    %dma_wait3A_191 = tpu.memref_squeeze %dma_wait3A_190 : memref<1x!tpu.dma_semaphore, #tpu.memory_space<semaphore_mem>> -> memref<!tpu.dma_semaphore, #tpu.memory_space<semaphore_mem>>
    %dma_wait3A_192 = arith.constant 0 : i32
    %dma_wait3A_193 = tpu.memref_slice %arg9[%add3A_181, %dma_wait3A_192] : memref<6912x2304xf32, #tpu.memory_space<hbm>> -> memref<8x2304xf32, #tpu.memory_space<hbm>>
    %dma_wait3A_194 = arith.constant 0 : i32
    %dma_wait3A_195 = arith.constant 0 : i32
    %dma_wait3A_196 = tpu.memref_slice %arg15[%dma_wait3A_182, %dma_wait3A_194, %dma_wait3A_195] : memref<2x8x2304xf32, #tpu.memory_space<vmem>> -> memref<1x8x2304xf32, #tpu.memory_space<vmem>>
    %dma_wait3A_197 = tpu.memref_squeeze %dma_wait3A_196 : memref<1x8x2304xf32, #tpu.memory_space<vmem>> -> memref<8x2304xf32, #tpu.memory_space<vmem>>
    tpu.wait_dma2 semaphore(%dma_wait3A_191 : memref<!tpu.dma_semaphore, #tpu.memory_space<semaphore_mem>>) src(%dma_wait3A_197 : memref<8x2304xf32, #tpu.memory_space<vmem>>) dst(%dma_wait3A_193 : memref<8x2304xf32, #tpu.memory_space<hbm>>)
    %add3A_198 = arith.constant 208 : i32
    %add3A_199 = arith.addi %add3A_198, %mul3A_2 : i32
    %dma_wait3A_200 = arith.constant 0 : i32
    %dma_wait3A_201 = arith.constant 0 : i32
    %dma_wait3A_202 = arith.constant 0 : i32
    %dma_wait3A_203 = arith.constant 0 : i32
    %dma_wait3A_204 = tpu.memref_slice %arg15[%dma_wait3A_200, %dma_wait3A_202, %dma_wait3A_203] : memref<2x8x2304xf32, #tpu.memory_space<vmem>> -> memref<1x8x2304xf32, #tpu.memory_space<vmem>>
    %dma_wait3A_205 = tpu.memref_squeeze %dma_wait3A_204 : memref<1x8x2304xf32, #tpu.memory_space<vmem>> -> memref<8x2304xf32, #tpu.memory_space<vmem>>
    %dma_wait3A_206 = arith.constant 0 : i32
    %dma_wait3A_207 = tpu.memref_slice %arg9[%add3A_199, %dma_wait3A_206] : memref<6912x2304xf32, #tpu.memory_space<hbm>> -> memref<8x2304xf32, #tpu.memory_space<hbm>>
    %dma_wait3A_208 = tpu.memref_slice %arg21[%dma_wait3A_201] : memref<2x!tpu.dma_semaphore, #tpu.memory_space<semaphore_mem>> -> memref<1x!tpu.dma_semaphore, #tpu.memory_space<semaphore_mem>>
    %dma_wait3A_209 = tpu.memref_squeeze %dma_wait3A_208 : memref<1x!tpu.dma_semaphore, #tpu.memory_space<semaphore_mem>> -> memref<!tpu.dma_semaphore, #tpu.memory_space<semaphore_mem>>
    %dma_wait3A_210 = arith.constant 0 : i32
    %dma_wait3A_211 = tpu.memref_slice %arg9[%add3A_199, %dma_wait3A_210] : memref<6912x2304xf32, #tpu.memory_space<hbm>> -> memref<8x2304xf32, #tpu.memory_space<hbm>>
    %dma_wait3A_212 = arith.constant 0 : i32
    %dma_wait3A_213 = arith.constant 0 : i32
    %dma_wait3A_214 = tpu.memref_slice %arg15[%dma_wait3A_200, %dma_wait3A_212, %dma_wait3A_213] : memref<2x8x2304xf32, #tpu.memory_space<vmem>> -> memref<1x8x2304xf32, #tpu.memory_space<vmem>>
    %dma_wait3A_215 = tpu.memref_squeeze %dma_wait3A_214 : memref<1x8x2304xf32, #tpu.memory_space<vmem>> -> memref<8x2304xf32, #tpu.memory_space<vmem>>
    tpu.wait_dma2 semaphore(%dma_wait3A_209 : memref<!tpu.dma_semaphore, #tpu.memory_space<semaphore_mem>>) src(%dma_wait3A_215 : memref<8x2304xf32, #tpu.memory_space<vmem>>) dst(%dma_wait3A_211 : memref<8x2304xf32, #tpu.memory_space<hbm>>)
    return
  }
}

</mosaic_0001>

<sc_bundles>
// kernel: kernel.3.cloned.1.call-start
scs
__scs_entry_jumppad:
0x0: {  	(pc) =	sbr.rel $0x88, $3  }
0x1: {  	(tag) =	ssettag $0x0;
	lr =	simm.s32 $0x1  }
0x2: {  	[smem:$0x3F9F] =	sst lr;
	_ =	strace $0xD0000000  }
0x3: {  	_ = 	snop  }
0x4: {  	_ = 	snop  }
0x5: {  	_ = 	snop  }
0x6: {  	_ = 	snop  }
0x7: {  	_ = 	snop  }
__scs_overlays_trampoline_lowered:
0x8: {  	[smem:$0x3FAE] =	sst s0  }
0x9: {  	[smem:$0x3FAF] =	sst s1  }
0xa: {  	[smem:$0x3FB0] =	sst s2  }
0xb: {  	[smem:$0x3FB1] =	sst s3  }
0xc: {  	[smem:$0x3FB2] =	sst s4  }
0xd: {  	[smem:$0x3FB3] =	sst s5  }
0xe: {  	[smem:$0x3FB4] =	sst s6  }
0xf: {  	[smem:$0x3FB5] =	sst s7  }
0x10: {  	[smem:$0x3FB6] =	sst s8  }
0x11: {  	[smem:$0x3FB7] =	sst s9;
	s0 =	simm.s32 @!p0 $0x0  }
0x12: {  	s1 =	sld [smem:$0x3F9D];
	s0 =	simm.s32 @p0 $0x1  }
0x13: {  	[smem:$0x3FB8] =	sst s0;
	s0 =	simm.s32 @!p1 $0x0  }
0x14: {  	s2 =	sld [smem:$0x3F9C];
	s0 =	simm.s32 @p1 $0x1  }
0x15: {  	[smem:$0x3FB9] =	sst s0;
	s0 =	simm.s32 @!p2 $0x0  }
0x16: {  	s3 =	sld [smem:$0x3FDB];
	s0 =	simm.s32 @p2 $0x1  }
0x17: {  	s4 =	simm.s32 $0x1BF5;
	[smem:$0x3FBB] =	sst s0  }
0x18: {  	s0 =	sld [smem:$0x3F9E];
	_ =	swait.ge [sflag:s4], $0x0  }
0x19: {  	s7 =	sld [smem:$0x3F9F]  }
0x1a: {  	s8 =	sadd.s32 $0xFFFFE003, lr  }
0x1b: {  	s9 =	sadd.s32 $0xFFFFFEF7, lr;
	s5 =	simm.s32 $0xFFFFFFFF;
	p2 =	slt.u32 s8, $0xFFFFF086  }
0x1c: {  	p1 =	slt.u32 s9, $0xF7A;
	s5 =	simm.s32 @!p2 $0x0  }
0x1d: {  	s5 =	simm.s32 @p1 $0x1;
	p0 =	seq.s32 s7, s2  }
0x1e: {  	s7 =	smul.u32 @!p0 $0xF7A, s2;
	p2 =	seq.s32 @!p0 s5, $0x0  }
0x1f: {  	s9 =	smul.u32 $0xF7A, s1;
	s8 =	simm.s32 @!p0 $0x1BF5;
	p2 =	por !p2, p0  }
0x20: {  	[sflag:s8] =	ssyncset.s32 @!p0 $0xFFFFF086;
	s6 =	sadd.s32 @!p0 s3, s7;
	s7 =	simm.s32 @!p0 $0x108  }
0x21: {  	s3 =	sadd.s32 s3, s9;
	s6 =	sadd.s32 @!p0 $0x88, s6;
	s7 =	simm.s32 @p2 $0x1082  }
0x22: {  	[simem:s7], [sflag:s8] =	dma.local @!p0 [hbm:s6], $0xF7A  }
0x23: {  	s9 =	sor.u32 $0xD0000000, s2;
	s6 =	simm.s32 $0x108;
	_ =	swait.ge @!p0 [sflag:s8], $0x0  }
0x24: {  	s3 =	sadd.s32 $0x88, s3;
	s6 =	simm.s32 @!p1 $0x1082;
	[sflag:s4] =	ssyncset.s32 $0xFFFFF086  }
0x25: {  	[simem:s6], [sflag:s4] =	dma.local [hbm:s3], $0xF7A  }
0x26: {  	[smem:$0x3F9F] =	sst s1;
	(tag) =	ssettag s2;
	_ =	strace s9  }
0x27: {  	s1 =	sld [smem:$0x3FAF]  }
0x28: {  	s2 =	sld [smem:$0x3FB0]  }
0x29: {  	s4 =	sld [smem:$0x3FB2]  }
0x2a: {  	p0 =	seq.s32 s5, $0x0;
	s5 =	sld [smem:$0x3FB3]  }
0x2b: {  	s6 =	sld [smem:$0x3FB4]  }
0x2c: {  	s7 =	sld [smem:$0x3FB5]  }
0x2d: {  	s3 =	simm.s32 $0x108;
	s8 =	sld [smem:$0x3FB6]  }
0x2e: {  	s3 =	simm.s32 @!p0 $0x1082;
	s9 =	sld [smem:$0x3FB7]  }
0x2f: {  	lr =	sadd.s32 s0, s3;
	s0 =	sld [smem:$0x3FAE]  }
0x30: {  	s3 =	sld [smem:$0x3FB1]  }
0x31: {  	[smem:$0x3FBA] =	sst s10  }
0x32: {  	s10 =	sld [smem:$0x3FB8];
	_ =	sdelay $0x3  }
0x33: {  	p0 =	seq.s32 s10, $0x1;
	s10 =	sld [smem:$0x3FBA];
	_ =	sdelay $0x3  }
0x34: {  	[smem:$0x3FBA] =	sst s10  }
0x35: {  	s10 =	sld [smem:$0x3FB9];
	_ =	sdelay $0x3  }
0x36: {  	p1 =	seq.s32 s10, $0x1;
	s10 =	sld [smem:$0x3FBA];
	_ =	sdelay $0x3  }
0x37: {  	[smem:$0x3FBA] =	sst s10  }
0x38: {  	s10 =	sld [smem:$0x3FBB]  }
0x39: {  	_ = 	snop;
	(pc) =	sbr.ind lr, $3  }
0x3a: {  	_ = 	snop  }
0x3b: {  	_ = 	snop  }
0x3c: {  	p2 =	seq.s32 s10, $0x1;
	s10 =	sld [smem:$0x3FBA]  }
0x3d: {  	_ =	shalt  }
0x3e: {  	_ =	shalt  }
0x3f: {  	_ =	shalt  }
0x40: {  	_ =	shalt  }
0x41: {  	_ =	shalt  }
0x42: {  	_ =	shalt  }
0x43: {  	_ =	shalt  }
0x44: {  	_ =	shalt  }
0x45: {  	_ =	shalt  }
0x46: {  	_ =	shalt  }
0x47: {  	_ =	shalt  }
0x48: {  	_ =	shalt  }
0x49: {  	_ =	shalt  }
0x4a: {  	_ =	shalt  }
0x4b: {  	_ =	shalt  }
0x4c: {  	_ =	shalt  }
0x4d: {  	_ =	shalt  }
0x4e: {  	_ =	shalt  }
0x4f: {  	_ =	shalt  }
0x50: {  	_ =	shalt  }
0x51: {  	_ =	shalt  }
0x52: {  	_ =	shalt  }
0x53: {  	_ =	shalt  }
0x54: {  	_ =	shalt  }
0x55: {  	_ =	shalt  }
0x56: {  	_ =	shalt  }
0x57: {  	_ =	shalt  }
0x58: {  	_ =	shalt  }
0x59: {  	_ =	shalt  }
0x5a: {  	_ =	shalt  }
0x5b: {  	_ =	shalt  }
0x5c: {  	_ =	shalt  }
0x5d: {  	_ =	shalt  }
0x5e: {  	_ =	shalt  }
0x5f: {  	_ =	shalt  }
0x60: {  	_ =	shalt  }
0x61: {  	_ =	shalt  }
0x62: {  	_ =	shalt  }
0x63: {  	_ =	shalt  }
0x64: {  	_ =	shalt  }
0x65: {  	_ =	shalt  }
0x66: {  	_ =	shalt  }
0x67: {  	_ =	shalt  }
0x68: {  	_ =	shalt  }
0x69: {  	_ =	shalt  }
0x6a: {  	_ =	shalt  }
0x6b: {  	_ =	shalt  }
0x6c: {  	_ =	shalt  }
0x6d: {  	_ =	shalt  }
0x6e: {  	_ =	shalt  }
0x6f: {  	_ =	shalt  }
0x70: {  	_ =	shalt  }
0x71: {  	_ =	shalt  }
0x72: {  	_ =	shalt  }
0x73: {  	_ =	shalt  }
0x74: {  	_ =	shalt  }
0x75: {  	_ =	shalt  }
0x76: {  	_ =	shalt  }
0x77: {  	_ =	shalt  }
0x78: {  	_ =	shalt  }
0x79: {  	_ =	shalt  }
0x7a: {  	_ =	shalt  }
0x7b: {  	_ =	shalt  }
0x7c: {  	_ =	shalt  }
0x7d: {  	_ =	shalt  }
0x7e: {  	_ =	shalt  }
0x7f: {  	_ =	shalt  }
0x80: {  	_ =	shalt  }
0x81: {  	_ =	shalt  }
0x82: {  	_ =	shalt  }
0x83: {  	_ =	shalt  }
0x84: {  	_ =	shalt  }
0x85: {  	_ =	shalt  }
0x86: {  	_ =	shalt  }
0x87: {  	_ =	shalt  }
.Lfunc_end0:
.L_simem_size_0:
called_computation_lowered:
.L_overlay_start_0:
0x88: {  	s2 =	sld [smem:$0x3FD9]  }
0x89: {  	s3 =	sld [smem:$0x3FFE];
	_ =	sdelay $0x1  }
0x8a: {  	s1 =	srdreg.scid  }
0x8b: {  	s0 =	sand.u32 $0x1, s1  }
0x8c: {  	s17 =	sshll.u32 s0, $0xA;
	s2 =	sadd.s32 s3, s2  }
0x8d: {  	s2 =	sadd.s32 s2, s17  }
0x8e: {  	[smem:$0x3FC6] =	sst s2  }
0x8f: {  	_ = 	snop  }
0x90: {  	s2 =	sld [smem:$0x3FD0];
	(tm) =	ssettm $0x1  }
0x91: {  	s18 =	sld [smem:$0x3FFB];
	_ =	sdelay $0x3  }
0x92: {  	_ =	strace s18  }
0x93: {  	s3 =	sld [smem:$0x3FFC];
	_ =	sdelay $0x3  }
0x94: {  	_ =	strace s3  }
0x95: {  	s3 =	sld [smem:$0x3FFD];
	_ =	sdelay $0x3  }
0x96: {  	_ =	strace s3  }
0x97: {  	_ =	strace $0x8FFFFFFF  }
0x98: {  	s19 =	sld [smem:$0x3FDB];
	_ =	sdelay $0x1  }
0x99: {  	s4 =	simm.s32 $_scs_section_size  }
0x9a: {  	s5 =	simm.s32 $_size__tile_overlayer_lowered;
	s6 =	simm.s32 $_tile_overlayer_lowered  }
0x9b: {  	s22 =	simm.s32 $0x1BFF;
	s21 =	sshll.u32 s6, $0x1;
	s3 =	sadd.s32 s4, s19  }
0x9c: {  	s7 =	simm.s32 $0x0;
	s20 =	sshll.u32 s5, $0x1;
	s5 =	sadd.s32 s21, s3  }
0x9d: {  	[timem:s7], [sflag:s22] =	dma.local [hbm:s5], s20  }
0x9e: {  	_ =	swait.ge [sflag:s22], s20  }
0x9f: {  	s4 =	ssub.s32 $0x0, s20;
	[sflag:s22] =	ssyncset.done $0x0  }
0xa0: {  	[sflag:s22] =	ssyncadd.s32 s4;
	_ =	sdelay $0x1  }
0xa1: {  	s23 =	simm.s32 $0x1B8B  }
0xa2: {  	_ =	swait.ge [sflag:s23], $0x1  }
0xa3: {  	[sflag:s23] =	ssyncset.done $0x0  }
0xa4: {  	s25 =	simm.s32 $0x1B8E;
	s24 =	sld [smem:$0x3FFE];
	[sflag:s23] =	ssyncadd.s32 $0xFFFFFFFF  }
0xa5: {  	s26 =	simm.s32 $execute0_lowered;
	[smem:$0x3FD2] =	sst s25  }
0xa6: {  	s5 =	sshll.u32 s26, $0x1;
	_ =	strace $0x80000046;
	[dreg:$0x1] =	wrdreg $0xFFFFFFFF  }
0xa7: {  	s28 =	simm.s32 $_size_execute0_lowered;
	s3 =	sadd.s32 s3, s5;
	[dreg:$0x0] =	wrdreg $0x0  }
0xa8: {  	s5 =	sshll.u32 s28, $0x1;
	[dreg:$0x2] =	wrdreg s3  }
0xa9: {  	[dreg:$0x3] =	wrdreg s5  }
0xaa: {  	[dreg:$0x4] =	wrdreg $0xC0  }
0xab: {  	_ =	task [dreg:s7], $0x5FFFF  }
0xac: {  	[dreg:$0x1] =	wrdreg $0xFFFFFFFF  }
0xad: {  	[dreg:$0x0] =	wrdreg $0x60  }
0xae: {  	[dreg:$0x2] =	wrdreg s2  }
0xaf: {  	[dreg:$0x3] =	wrdreg s24  }
0xb0: {  	[dreg:$0x4] =	wrdreg $0x9  }
0xb1: {  	_ =	task.clear_ibuf [dreg:s7], $0x5FFFF;
	_ =	strace $0x90000046  }
0xb2: {  	s29 =	simm.s32 $0x9;
	_ =	strace $0x80000048  }
0xb3: {  	_ =	swait.ge [sflag:s29], $0x1  }
0xb4: {  	[sflag:s29] =	ssyncadd.s32 $0xFFFFFFFF  }
0xb5: {  	_ =	strace $0x90000048  }
0xb6: {  	_ =	sfence  }
0xb7: {  	s30 =	sld [smem:$0x0];
	_ =	sdelay $0x2  }
0xb8: {  	s31 =	sshll.u32 s1, $0xD;
	s1 =	sshrl.u32 s1, $0x2  }
0xb9: {  	s3 =	sand.u32 $0x4000, s31;
	s1 =	sadd.s32 s1, s30  }
0xba: {  	s0 =	sor.u32 s3, s0;
	s1 =	sshll.u32 s1, $0x11  }
0xbb: {  	s0 =	sor.u32 s1, s0  }
0xbc: {  	s0 =	sadd.s32 $0x8F2B, s0  }
0xbd: {  	[sflag:s0] =	ssyncadd.remote.s32 $0x1  }
0xbe: {  	_ =	sfence.sel $0xFFFF  }
0xbf: {  	[dreg:$0x0] =	wrdreg $0xFFFFFFFF;
	(pc) =	sbr.abs _section_cstart, $3  }
0xc0: {  	[dreg:$0x1] =	wrdreg $0xFFFFFFFF  }
0xc1: {  	_ =	task.clear_ibuf [dreg:s7], $0x2FFFF;
	_ =	strace $0x9FFFFFFF  }
0xc2: {  	(tm) =	ssettm $0x7FFFFFFF  }
0xc3: {  	_ =	shalt  }
tec
execute0_lowered:
.L_overlay_start_1:
0x0: {  	(tag) =	ssettag $0x1  }
0x1: {  	s0 =	srdreg.scid  }
0x2: {  	s1 =	stileid.u32;
	s2 =	rddreg [dreg:$0x1];
	s9 =	simm.s32 $0x0  }
0x3: {  	s8 =	simm.s32 $0x1830;
	s10 =	simm.s32 $0xA830;
	s11 =	simm.s32 $0x2130  }
0x4: {  	s14 =	simm.s32 $0xBA30;
	s16 =	simm.s32 $0x3330;
	s17 =	simm.s32 $0xC330  }
0x5: {  	s19 =	simm.s32 $0x3C30;
	s18 =	simm.s32 $0x4530;
	s6 =	simm.s32 $0x4E30  }
0x6: {  	s7 =	simm.s32 $0xDE30;
	s12 =	simm.s32 $0x0;
	s28 =	simm.s32 $0x6030  }
0x7: {  	s29 =	simm.s32 $0x11D30;
	s30 =	simm.s32 $0x9630;
	s31 =	simm.s32 $0x12630  }
0x8: {  	s0 =	sand.u32 $0x1, s0;
	[smem:$0x7FF] =	sst s9;
	s5 =	sadd.s32 $0x1000, s2  }
0x9: {  	s20 =	sadd.s32 $0x1200, s2;
	_ =	strace $0x80000047;
	[dreg:$0x4] =	wrdreg s5  }
0xa: {  	s1 =	sshll.u32 s1, $0x1;
	s21 =	sadd.s32 $0xE00, s2;
	[dreg:$0x5] =	wrdreg s20  }
0xb: {  	s22 =	sadd.s32 $0x5200, s2;
	s1 =	sor.u32 s0, s1;
	[dreg:$0x6] =	wrdreg s21  }
0xc: {  	s0 =	ssub.s32 $0x2, s0;
	[dreg:$0x7] =	wrdreg s22;
	s4 =	smul.u32 $0xD8, s1  }
0xd: {  	s5 =	simm.s32 $0xD530;
	s3 =	smul.u32 $0x1B0, s1;
	s23 =	sshrl.u32 s0, $0x1  }
0xe: {  	s1 =	smul.u32 $0x79800, s1;
	s0 =	ssub.s32 s0, s23;
	s23 =	simm.s32 $0x10B30  }
0xf: {  	[dreg:$0x3] =	wrdreg s4;
	s4 =	sshrl.u32 s4, $0x3;
	s3 =	sadd.s32 s3, s2  }
0x10: {  	s1 =	sshrl.u32 s1, $0x3;
	s0 =	smax.u32 s0, $0x1;
	s4 =	sadd.s32 s4, s2  }
0x11: {  	s26 =	sadd.s32 $0x1C00, s3;
	s1 =	sadd.s32 s22, s1;
	[dreg:$0xc] =	wrdreg s0  }
0x12: {  	s2 =	simm.s32 $0xF30;
	s24 =	sadd.s32 $0x1800, s4;
	[dreg:$0xa] =	wrdreg s26  }
0x13: {  	s0 =	simm.s32 $0x2A30;
	s25 =	sadd.s32 $0x1400, s4;
	[dreg:$0x8] =	wrdreg s24  }
0x14: {  	s22 =	simm.s32 $0x8D30;
	s1 =	sadd.s32 $0xEA00, s1;
	[dreg:$0x9] =	wrdreg s25  }
0x15: {  	s4 =	simm.s32 $0x9F30;
	s26 =	simm.s32 $0xE730;
	[dreg:$0xb] =	wrdreg s1  }
0x16: {  	s25 =	simm.s32 $0x5730;
	s1 =	simm.s32 $0xB130;
	s24 =	simm.s32 $0xCC30  }
.LBB2_1:
0x17: {  	[dreg:$0xd] =	wrdreg s12  }
0x18: {  	s3 =	rddreg [dreg:$0x4];
	s13 =	simm.s32 $0x1BF30;
	s12 =	simm.s32 $0x7  }
0x19: {  	[tilespmem:s13], [sflag:$0x7] =	stream.linear.gather [hbm4b:s3+s9], $0x900, $0x38;
	[tilespmem:$0x1DA30] =	vst v63  }
0x1a: {  	_ =	swait.ge [sflag:s12], $0x900  }
0x1b: {  	[sflag:s12] =	ssyncset.done $0x0  }
0x1c: {  	s13 =	simm.s32 $0x1C830;
	s15 =	rddreg [dreg:$0x5];
	[sflag:s12] =	ssyncadd.s32 $0xFFFFF700  }
0x1d: {  	[tilespmem:s13], [sflag:$0x7] =	stream.linear.gather [hbm4b:s15+s9], $0x900, $0x38;
	[tilespmem:$0x1DA30] =	vst v63  }
0x1e: {  	_ =	swait.ge [sflag:s12], $0x900  }
0x1f: {  	[sflag:s12] =	ssyncset.done $0x0  }
0x20: {  	s21 =	simm.s32 $0x1D130;
	s20 =	rddreg [dreg:$0x6];
	[sflag:s12] =	ssyncadd.s32 $0xFFFFF700  }
0x21: {  	[tilespmem:s21], [sflag:$0x7] =	stream.linear.gather [hbm4b:s20+s9], $0x900, $0x38;
	[tilespmem:$0x1DA30] =	vst v63  }
0x22: {  	_ =	swait.ge [sflag:s12], $0x900  }
0x23: {  	[sflag:s12] =	ssyncset.done $0x0  }
0x24: {  	s15 =	rddreg [dreg:$0x8];
	[sflag:s12] =	ssyncadd.s32 $0xFFFFF700  }
0x25: {  	[tilespmem:s9], [sflag:$0x7] =	stream.linear.gather [hbm4b:s15+s9], $0xD8, $0x38;
	[tilespmem:$0x1DA30] =	vst v63  }
0x26: {  	_ =	swait.ge [sflag:s12], $0xD8  }
0x27: {  	[sflag:s12] =	ssyncset.done $0x0  }
0x28: {  	s13 =	simm.s32 $0xD8;
	s20 =	rddreg [dreg:$0x9];
	[sflag:s12] =	ssyncadd.s32 $0xFFFFFF28  }
0x29: {  	[tilespmem:s13], [sflag:$0x7] =	stream.linear.gather [hbm4b:s20+s9], $0xD8, $0x38;
	[tilespmem:$0x1DA30] =	vst v63  }
0x2a: {  	_ =	swait.ge [sflag:s12], $0xD8  }
0x2b: {  	[sflag:s12] =	ssyncset.done $0x0  }
0x2c: {  	s15 =	simm.s32 $0x1B0;
	s21 =	rddreg [dreg:$0xa];
	[sflag:s12] =	ssyncadd.s32 $0xFFFFFF28  }
0x2d: {  	[tilespmem:s15], [sflag:$0x7] =	stream.linear.gather [hbm4b:s21+s9], $0xD80, $0x38;
	[tilespmem:$0x1DA30] =	vst v63  }
0x2e: {  	_ =	swait.ge [sflag:s12], $0xD80  }
0x2f: {  	[sflag:s12] =	ssyncset.done $0x0  }
0x30: {  	[sflag:s12] =	ssyncadd.s32 $0xFFFFF280  }
0x31: {  	s20 =	simm.s32 $0x8;
	s15 =	rddreg [dreg:$0x0]  }
0x32: {  	[tilespmem:s2], [sflag:$0x1] =	stream.indirect.gather [hbm4b:s15+s20], $0x900, s9, s20, $0xb8;
	[tilespmem:$0x1DA30] =	vst v63  }
0x33: {  	_ = 	snop  }
0x34: {  	[tilespmem:s4], [sflag:$0x3] =	stream.indirect.gather [hbm4b:s15+s20], $0x900, s13, s20, $0xb8;
	[tilespmem:$0x1DA30] =	vst v63  }
0x35: {  	_ = 	snop  }
0x36: {  	[tilespmem:s25], [sflag:$0x2] =	stream.indirect.gather [hbm4b:s15+s20], $0x900, s20, s20, $0xb8;
	[tilespmem:$0x1DA30] =	vst v63  }
0x37: {  	s21 =	simm.s32 $0xE0;
	s25 =	simm.s32 $0xE730  }
0x38: {  	[tilespmem:s25], [sflag:$0x4] =	stream.indirect.gather [hbm4b:s15+s20], $0x900, s21, s20, $0xb8;
	[tilespmem:$0x1DA30] =	vst v63  }
0x39: {  	s20 =	simm.s32 $0x0  }
.LBB2_2:
0x3a: {  	s3 =	simm.s32 $0x1  }
0x3b: {  	_ =	swait.ge [sflag:s3], $0x4800  }
0x3c: {  	[sflag:s3] =	ssyncset.done $0x0  }
0x3d: {  	s21 =	simm.s32 $0x3;
	[sflag:s3] =	ssyncadd.s32 $0xFFFFB800  }
0x3e: {  	_ =	swait.ge [sflag:s21], $0x4800  }
0x3f: {  	p0 =	seq.s32 s20, $0x0;
	[sflag:s21] =	ssyncset.done $0x0  }
0x40: {  	s3 =	simm.s32 @!p0 $0x5;
	[sflag:s21] =	ssyncadd.s32 $0xFFFFB800  }
0x41: {  	_ =	swait.ge @!p0 [sflag:s3], $0x4800  }
0x42: {  	[sflag:s3] =	ssyncset.done @!p0 $0x0  }
0x43: {  	s9 =	simm.s32 $0x1BF50;
	[sflag:s3] =	ssyncadd.s32 @!p0 $0xFFFFB800  }
0x44: {  	s12 =	simm.s32 $0x1C850;
	v19 =	vld [tilespmem:s9+$0x10]  }
0x45: {  	v18 =	vld [tilespmem:s12+$0x10]  }
0x46: {  	s25 =	sshll.u32 s20, $0x8  }
0x47: {  	s21 =	sand.u32 $0x3FFFFF00, s25  }
0x48: {  	v4 =	vld [tilespmem:s21+$0x1B0]  }
0x49: {  	v5 =	vld [tilespmem:s21+$0x1C0]  }
0x4a: {  	v6 =	vld [tilespmem:s21+$0x1D0]  }
0x4b: {  	v7 =	vld [tilespmem:s21+$0x1E0]  }
0x4c: {  	v2 =	vld.idx.msk [tilespmem:v19+s2+$0x0], $0xffff  }
0x4d: {  	v9 =	vld.idx.msk [tilespmem:v18+s2+$0x0], $0xffff  }
0x4e: {  	v0 =	vld.idx.msk [tilespmem:v19+s4+$0x0], $0xffff  }
0x4f: {  	v10 =	vld.idx.msk [tilespmem:v18+s4+$0x0], $0xffff  }
0x50: {  	v8 =	vld [tilespmem:s21+$0x1F0]  }
0x51: {  	v3 =	vld [tilespmem:s21+$0x200]  }
0x52: {  	v29 =	vld [tilespmem:s9+$0xFFFFFFE0]  }
0x53: {  	v28 =	vld [tilespmem:s12+$0xFFFFFFE0]  }
0x54: {  	v1 =	vld [tilespmem:s21+$0x210];
	v11 =	vsub.f32 v0, v2;
	v10 =	vsub.f32 v10, v9  }
0x55: {  	s13 =	simm.s32 $0x1D150;
	v26 =	vld [tilespmem:s9+$0xFFFFFFF0]  }
0x56: {  	v23 =	vld [tilespmem:s13+$0x10];
	v11 =	vmul.f32 v11, v4;
	v10 =	vmul.f32 v10, v4  }
0x57: {  	v27 =	vld [tilespmem:s12+$0xFFFFFFF0]  }
0x58: {  	v22 =	vld [tilespmem:s9+$0x0];
	v2 =	vadd.f32 v11, v2;
	v9 =	vadd.f32 v10, v9  }
0x59: {  	v21 =	vld [tilespmem:s12+$0x0]  }
0x5a: {  	v12 =	vld.idx.msk [tilespmem:v29+s2+$0x0], $0xffff;
	v2 =	vsub.f32 v2, v9  }
0x5b: {  	v13 =	vld.idx.msk [tilespmem:v29+s4+$0x0], $0xffff  }
0x5c: {  	v10 =	vld.idx.msk [tilespmem:v28+s2+$0x0], $0xffff;
	v2 =	vmul.f32 v2, v23  }
0x5d: {  	v11 =	vld.idx.msk [tilespmem:v28+s4+$0x0], $0xffff  }
0x5e: {  	v24 =	vld [tilespmem:s13+$0xFFFFFFE0];
	v2 =	vadd.f32 v2, v9  }
0x5f: {  	s25 =	simm.s32 $0x15330;
	v14 =	vld.idx.msk [tilespmem:v27+s2+$0x0], $0xffff  }
0x60: {  	v0 =	vld [tilespmem:s21+$0x220];
	[tilespmem:s25+$0xFFFFDC30] =	vst v2  }
0x61: {  	v2 =	vld.idx.msk [tilespmem:v19+s8+$0x0], $0xffff  }
0x62: {  	v13 =	vsub.f32 v13, v12;
	v11 =	vsub.f32 v11, v10;
	v15 =	vld.idx.msk [tilespmem:v18+s8+$0x0], $0xffff  }
0x63: {  	v16 =	vld.idx.msk [tilespmem:v19+s10+$0x0], $0xffff  }
0x64: {  	v13 =	vmul.f32 v13, v4;
	v11 =	vmul.f32 v11, v4;
	v17 =	vld.idx.msk [tilespmem:v18+s10+$0x0], $0xffff  }
0x65: {  	v20 =	vld.idx.msk [tilespmem:v26+s4+$0x0], $0xffff  }
0x66: {  	v9 =	vld.idx.msk [tilespmem:v26+s2+$0x0], $0xffff;
	v10 =	vadd.f32 v11, v10;
	v11 =	vadd.f32 v13, v12  }
0x67: {  	v12 =	vld.idx.msk [tilespmem:v27+s4+$0x0], $0xffff  }
0x68: {  	v11 =	vsub.f32 v11, v10  }
0x69: {  	v13 =	vsub.f32 v16, v2;
	v16 =	vsub.f32 v17, v15  }
0x6a: {  	v30 =	vld.idx.msk [tilespmem:v21+s2+$0x0], $0xffff;
	v11 =	vmul.f32 v11, v24  }
0x6b: {  	v31 =	vld.idx.msk [tilespmem:v22+s4+$0x0], $0xffff;
	v20 =	vsub.f32 v20, v9;
	v13 =	vmul.f32 v13, v5;
	v16 =	vmul.f32 v16, v5  }
0x6c: {  	v17 =	vld.idx.msk [tilespmem:v22+s2+$0x0], $0xffff;
	v12 =	vsub.f32 v12, v14;
	v10 =	vadd.f32 v11, v10  }
0x6d: {  	v11 =	vld.idx.msk [tilespmem:v21+s4+$0x0], $0xffff;
	v2 =	vadd.f32 v13, v2;
	v13 =	vadd.f32 v16, v15  }
0x6e: {  	v25 =	vld [tilespmem:s13+$0xFFFFFFF0];
	[tilespmem:s25+$0xFFFFDC00] =	vst v10  }
0x6f: {  	v12 =	vmul.f32 v12, v4;
	v10 =	vmul.f32 v20, v4;
	v15 =	vld.idx.msk [tilespmem:v29+s8+$0x0], $0xffff;
	v2 =	vsub.f32 v2, v13  }
0x70: {  	v16 =	vld.idx.msk [tilespmem:v28+s8+$0x0], $0xffff  }
0x71: {  	v20 =	vld.idx.msk [tilespmem:v28+s10+$0x0], $0xffff;
	v9 =	vadd.f32 v10, v9;
	v10 =	vadd.f32 v12, v14;
	v2 =	vmul.f32 v2, v23  }
0x72: {  	v12 =	vld.idx.msk [tilespmem:v29+s10+$0x0], $0xffff;
	v14 =	vsub.f32 v31, v17;
	v11 =	vsub.f32 v11, v30  }
0x73: {  	v13 =	vadd.f32 v2, v13  }
0x74: {  	v9 =	vsub.f32 v9, v10;
	v14 =	vmul.f32 v14, v4;
	v11 =	vmul.f32 v11, v4  }
0x75: {  	v2 =	vld [tilespmem:s13+$0x0];
	[tilespmem:s25+$0xFFFFE530] =	vst v13  }
0x76: {  	v9 =	vmul.f32 v9, v25;
	v11 =	vadd.f32 v11, v30;
	v13 =	vadd.f32 v14, v17;
	v14 =	vld.idx.msk [tilespmem:v19+s11+$0x0], $0xffff  }
0x77: {  	v20 =	vsub.f32 v20, v16;
	v12 =	vsub.f32 v12, v15;
	v17 =	vld.idx.msk [tilespmem:v18+s11+$0x0], $0xffff  }
0x78: {  	v9 =	vadd.f32 v9, v10;
	v30 =	vld.idx.msk [tilespmem:v18+s1+$0x0], $0xffff;
	v10 =	vsub.f32 v13, v11  }
0x79: {  	v20 =	vmul.f32 v20, v5;
	v12 =	vmul.f32 v12, v5;
	v13 =	vld.idx.msk [tilespmem:v19+s1+$0x0], $0xffff  }
0x7a: {  	[tilespmem:s25+$0xFFFFDC10] =	vst v9;
	v9 =	vmul.f32 v10, v2  }
0x7b: {  	v12 =	vadd.f32 v12, v15;
	v15 =	vadd.f32 v20, v16;
	v10 =	vld.idx.msk [tilespmem:v26+s8+$0x0], $0xffff  }
0x7c: {  	v9 =	vadd.f32 v9, v11;
	v11 =	vld.idx.msk [tilespmem:v26+s10+$0x0], $0xffff  }
0x7d: {  	v16 =	vld.idx.msk [tilespmem:v27+s8+$0x0], $0xffff;
	v12 =	vsub.f32 v12, v15  }
0x7e: {  	v20 =	vsub.f32 v30, v17;
	v13 =	vsub.f32 v13, v14;
	[tilespmem:s25+$0xFFFFDC20] =	vst v9;
	v9 =	vld.idx.msk [tilespmem:v27+s10+$0x0], $0xffff  }
0x7f: {  	v12 =	vmul.f32 v12, v24;
	v30 =	vld.idx.msk [tilespmem:v22+s8+$0x0], $0xffff  }
0x80: {  	v20 =	vmul.f32 v20, v6;
	v31 =	vld.idx.msk [tilespmem:v21+s8+$0x0], $0xffff;
	v13 =	vmul.f32 v13, v6  }
0x81: {  	v12 =	vadd.f32 v12, v15;
	v15 =	vld.idx.msk [tilespmem:v21+s10+$0x0], $0xffff;
	v11 =	vsub.f32 v11, v10  }
0x82: {  	v32 =	vld.idx.msk [tilespmem:v22+s10+$0x0], $0xffff;
	v13 =	vadd.f32 v13, v14;
	v14 =	vadd.f32 v20, v17  }
0x83: {  	[tilespmem:s25+$0xFFFFE500] =	vst v12;
	v9 =	vsub.f32 v9, v16  }
0x84: {  	v12 =	vld.idx.msk [tilespmem:v29+s11+$0x0], $0xffff;
	v11 =	vmul.f32 v11, v5;
	v13 =	vsub.f32 v13, v14  }
0x85: {  	v17 =	vld.idx.msk [tilespmem:v28+s11+$0x0], $0xffff;
	v9 =	vmul.f32 v9, v5  }
0x86: {  	v20 =	vld.idx.msk [tilespmem:v29+s1+$0x0], $0xffff;
	v15 =	vsub.f32 v15, v31;
	v10 =	vadd.f32 v11, v10;
	v13 =	vmul.f32 v13, v23  }
0x87: {  	v11 =	vsub.f32 v32, v30;
	v9 =	vadd.f32 v9, v16;
	v16 =	vld.idx.msk [tilespmem:v28+s1+$0x0], $0xffff  }
0x88: {  	v13 =	vadd.f32 v13, v14  }
0x89: {  	v11 =	vmul.f32 v11, v5;
	v14 =	vmul.f32 v15, v5;
	v10 =	vsub.f32 v10, v9  }
0x8a: {  	[tilespmem:s25+$0xFFFFEE30] =	vst v13  }
0x8b: {  	v11 =	vadd.f32 v11, v30;
	v13 =	vadd.f32 v14, v31;
	v14 =	vld.idx.msk [tilespmem:v19+s0+$0x0], $0xffff;
	v10 =	vmul.f32 v10, v25  }
0x8c: {  	v15 =	vsub.f32 v20, v12;
	v20 =	vld.idx.msk [tilespmem:v18+s0+$0x0], $0xffff;
	v16 =	vsub.f32 v16, v17  }
0x8d: {  	v30 =	vld.idx.msk [tilespmem:v18+s14+$0x0], $0xffff;
	v11 =	vsub.f32 v11, v13;
	v9 =	vadd.f32 v10, v9  }
0x8e: {  	v15 =	vmul.f32 v15, v6;
	v10 =	vld.idx.msk [tilespmem:v19+s14+$0x0], $0xffff;
	v16 =	vmul.f32 v16, v6  }
0x8f: {  	v11 =	vmul.f32 v11, v2;
	[tilespmem:s25+$0xFFFFE510] =	vst v9  }
0x90: {  	v12 =	vadd.f32 v15, v12;
	v9 =	vld.idx.msk [tilespmem:v26+s11+$0x0], $0xffff;
	v15 =	vadd.f32 v16, v17  }
0x91: {  	v11 =	vadd.f32 v11, v13;
	v13 =	vld.idx.msk [tilespmem:v26+s1+$0x0], $0xffff  }
0x92: {  	v16 =	vld.idx.msk [tilespmem:v27+s11+$0x0], $0xffff;
	v12 =	vsub.f32 v12, v15  }
0x93: {  	v17 =	vsub.f32 v30, v20;
	[tilespmem:s25+$0xFFFFE520] =	vst v11;
	v11 =	vld.idx.msk [tilespmem:v27+s1+$0x0], $0xffff;
	v10 =	vsub.f32 v10, v14  }
0x94: {  	v30 =	vld.idx.msk [tilespmem:v22+s11+$0x0], $0xffff;
	v12 =	vmul.f32 v12, v24  }
0x95: {  	v31 =	vld.idx.msk [tilespmem:v21+s11+$0x0], $0xffff;
	v17 =	vmul.f32 v17, v7;
	v10 =	vmul.f32 v10, v7  }
0x96: {  	v58 =	vld.idx.msk [tilespmem:v22+s1+$0x0], $0xffff;
	v13 =	vsub.f32 v13, v9;
	v12 =	vadd.f32 v12, v15  }
0x97: {  	v15 =	vld.idx.msk [tilespmem:v21+s1+$0x0], $0xffff;
	v10 =	vadd.f32 v10, v14;
	v14 =	vadd.f32 v17, v20  }
0x98: {  	v11 =	vsub.f32 v11, v16;
	[tilespmem:s25+$0xFFFFEE00] =	vst v12  }
0x99: {  	v12 =	vmul.f32 v13, v6;
	v10 =	vsub.f32 v10, v14;
	v13 =	vld.idx.msk [tilespmem:v29+s0+$0x0], $0xffff  }
0x9a: {  	v11 =	vmul.f32 v11, v6;
	v17 =	vld.idx.msk [tilespmem:v28+s0+$0x0], $0xffff  }
0x9b: {  	v20 =	vld.idx.msk [tilespmem:v29+s14+$0x0], $0xffff;
	v9 =	vadd.f32 v12, v9;
	v12 =	vsub.f32 v58, v30;
	v10 =	vmul.f32 v10, v23  }
0x9c: {  	v59 =	vld.idx.msk [tilespmem:v28+s14+$0x0], $0xffff;
	v11 =	vadd.f32 v11, v16;
	v15 =	vsub.f32 v15, v31  }
0x9d: {  	v10 =	vadd.f32 v10, v14  }
0x9e: {  	v12 =	vmul.f32 v12, v6;
	v9 =	vsub.f32 v9, v11;
	v14 =	vmul.f32 v15, v6  }
0x9f: {  	[tilespmem:s25+$0xFFFFF730] =	vst v10  }
0xa0: {  	v10 =	vadd.f32 v12, v30;
	v9 =	vmul.f32 v9, v25;
	v12 =	vadd.f32 v14, v31;
	v14 =	vld.idx.msk [tilespmem:v19+s16+$0x0], $0xffff  }
0xa1: {  	v15 =	vsub.f32 v20, v13;
	v20 =	vsub.f32 v59, v17;
	v16 =	vld.idx.msk [tilespmem:v18+s16+$0x0], $0xffff  }
0xa2: {  	v30 =	vld.idx.msk [tilespmem:v18+s17+$0x0], $0xffff;
	v9 =	vadd.f32 v9, v11;
	v10 =	vsub.f32 v10, v12  }
0xa3: {  	v11 =	vld.idx.msk [tilespmem:v19+s17+$0x0], $0xffff;
	v15 =	vmul.f32 v15, v7;
	v20 =	vmul.f32 v20, v7  }
0xa4: {  	[tilespmem:s25+$0xFFFFEE10] =	vst v9;
	v10 =	vmul.f32 v10, v2  }
0xa5: {  	v9 =	vadd.f32 v15, v13;
	v15 =	vadd.f32 v20, v17;
	v13 =	vld.idx.msk [tilespmem:v26+s0+$0x0], $0xffff  }
0xa6: {  	v17 =	vld.idx.msk [tilespmem:v26+s14+$0x0], $0xffff;
	v10 =	vadd.f32 v10, v12  }
0xa7: {  	v9 =	vsub.f32 v9, v15;
	v12 =	vld.idx.msk [tilespmem:v27+s0+$0x0], $0xffff  }
0xa8: {  	v20 =	vsub.f32 v30, v16;
	v11 =	vsub.f32 v11, v14;
	[tilespmem:s25+$0xFFFFEE20] =	vst v10;
	v10 =	vld.idx.msk [tilespmem:v27+s14+$0x0], $0xffff  }
0xa9: {  	v9 =	vmul.f32 v9, v24;
	v30 =	vld.idx.msk [tilespmem:v22+s0+$0x0], $0xffff  }
0xaa: {  	v20 =	vmul.f32 v20, v8;
	v11 =	vmul.f32 v11, v8;
	v31 =	vld.idx.msk [tilespmem:v21+s0+$0x0], $0xffff  }
0xab: {  	v60 =	vld.idx.msk [tilespmem:v22+s14+$0x0], $0xffff;
	v9 =	vadd.f32 v9, v15  }
0xac: {  	v15 =	vld.idx.msk [tilespmem:v21+s14+$0x0], $0xffff;
	v11 =	vadd.f32 v11, v14;
	v14 =	vadd.f32 v20, v16  }
0xad: {  	[tilespmem:s25+$0xFFFFF700] =	vst v9;
	v9 =	vsub.f32 v17, v13  }
0xae: {  	v16 =	vld.idx.msk [tilespmem:v29+s16+$0x0], $0xffff;
	v11 =	vsub.f32 v11, v14;
	v10 =	vsub.f32 v10, v12  }
0xaf: {  	v20 =	vld.idx.msk [tilespmem:v29+s17+$0x0], $0xffff;
	v9 =	vmul.f32 v9, v7  }
0xb0: {  	v17 =	vld.idx.msk [tilespmem:v28+s16+$0x0], $0xffff;
	v32 =	vsub.f32 v60, v30;
	v11 =	vmul.f32 v11, v23;
	v10 =	vmul.f32 v10, v7  }
0xb1: {  	v33 =	vld.idx.msk [tilespmem:v28+s17+$0x0], $0xffff;
	v9 =	vadd.f32 v9, v13;
	v13 =	vsub.f32 v15, v31  }
0xb2: {  	v11 =	vadd.f32 v11, v14;
	v10 =	vadd.f32 v10, v12  }
0xb3: {  	v12 =	vmul.f32 v32, v7;
	v13 =	vmul.f32 v13, v7  }
0xb4: {  	v14 =	vsub.f32 v20, v16;
	[tilespmem:s25+$0x30] =	vst v11;
	v9 =	vsub.f32 v9, v10  }
0xb5: {  	v11 =	vadd.f32 v12, v30;
	v12 =	vadd.f32 v13, v31;
	v13 =	vld.idx.msk [tilespmem:v19+s19+$0x0], $0xffff  }
0xb6: {  	v20 =	vsub.f32 v33, v17;
	v15 =	vld.idx.msk [tilespmem:v18+s19+$0x0], $0xffff;
	v9 =	vmul.f32 v9, v25  }
0xb7: {  	v30 =	vld.idx.msk [tilespmem:v19+s24+$0x0], $0xffff;
	v14 =	vmul.f32 v14, v8  }
0xb8: {  	v31 =	vld.idx.msk [tilespmem:v18+s24+$0x0], $0xffff;
	v20 =	vmul.f32 v20, v8;
	v11 =	vsub.f32 v11, v12;
	v9 =	vadd.f32 v9, v10  }
0xb9: {  	s15 =	simm.s32 $0x1BF90  }
0xba: {  	v10 =	vmul.f32 v11, v2;
	v11 =	vadd.f32 v14, v16;
	v14 =	vadd.f32 v20, v17;
	v16 =	vld [tilespmem:s15+$0x10];
	[tilespmem:s25+$0xFFFFF710] =	vst v9  }
0xbb: {  	v20 =	vld.idx.msk [tilespmem:v26+s16+$0x0], $0xffff  }
0xbc: {  	v9 =	vadd.f32 v10, v12;
	v10 =	vsub.f32 v11, v14;
	v36 =	vld.idx.msk [tilespmem:v27+s16+$0x0], $0xffff  }
0xbd: {  	v11 =	vsub.f32 v30, v13;
	v12 =	vsub.f32 v31, v15;
	v61 =	vld.idx.msk [tilespmem:v26+s17+$0x0], $0xffff  }
0xbe: {  	v62 =	vld.idx.msk [tilespmem:v27+s17+$0x0], $0xffff  }
0xbf: {  	[tilespmem:s25+$0xFFFFF720] =	vst v9;
	v9 =	vmul.f32 v11, v3;
	v11 =	vmul.f32 v12, v3;
	v12 =	vld [tilespmem:s15+$0xFFFFFFF0]  }
0xc0: {  	v37 =	vld.idx.msk [tilespmem:v22+s16+$0x0], $0xffff  }
0xc1: {  	v38 =	vld.idx.msk [tilespmem:v21+s16+$0x0], $0xffff  }
0xc2: {  	v39 =	vld.idx.msk [tilespmem:v22+s17+$0x0], $0xffff;
	v9 =	vadd.f32 v9, v13;
	v11 =	vadd.f32 v11, v15  }
0xc3: {  	s13 =	simm.s32 $0x1C890;
	v10 =	vmul.f32 v10, v24;
	v40 =	vld.idx.msk [tilespmem:v21+s17+$0x0], $0xffff  }
0xc4: {  	v15 =	vld [tilespmem:s13+$0x10];
	v9 =	vsub.f32 v9, v11  }
0xc5: {  	v10 =	vadd.f32 v10, v14;
	v13 =	vld [tilespmem:s13+$0xFFFFFFE0]  }
0xc6: {  	v31 =	vld.idx.msk [tilespmem:v16+s2+$0x0], $0xffff;
	v9 =	vmul.f32 v9, v23  }
0xc7: {  	[tilespmem:s25+$0x0] =	vst v10;
	v44 =	vld.idx.msk [tilespmem:v16+s4+$0x0], $0xffff  }
0xc8: {  	v35 =	vld.idx.msk [tilespmem:v29+s19+$0x0], $0xffff;
	v9 =	vadd.f32 v9, v11  }
0xc9: {  	v34 =	vld.idx.msk [tilespmem:v28+s19+$0x0], $0xffff  }
0xca: {  	v41 =	vld.idx.msk [tilespmem:v29+s24+$0x0], $0xffff;
	[tilespmem:s25+$0x930] =	vst v9  }
0xcb: {  	v14 =	vld.idx.msk [tilespmem:v19+s18+$0x0], $0xffff  }
0xcc: {  	v30 =	vld.idx.msk [tilespmem:v18+s18+$0x0], $0xffff  }
0xcd: {  	v10 =	vld.idx.msk [tilespmem:v19+s5+$0x0], $0xffff  }
0xce: {  	v17 =	vld.idx.msk [tilespmem:v18+s5+$0x0], $0xffff  }
0xcf: {  	v42 =	vld.idx.msk [tilespmem:v28+s24+$0x0], $0xffff  }
0xd0: {  	v11 =	vld [tilespmem:s13+$0xFFFFFFF0]  }
0xd1: {  	v48 =	vld.idx.msk [tilespmem:v12+s2+$0x0], $0xffff  }
0xd2: {  	v50 =	vld.idx.msk [tilespmem:v12+s4+$0x0], $0xffff  }
0xd3: {  	v9 =	vld [tilespmem:s15+$0x0];
	v10 =	vsub.f32 v10, v14;
	v17 =	vsub.f32 v17, v30  }
0xd4: {  	v43 =	vld.idx.msk [tilespmem:v15+s2+$0x0], $0xffff  }
0xd5: {  	v45 =	vld.idx.msk [tilespmem:v15+s4+$0x0], $0xffff;
	v46 =	vmul.f32 v10, v1;
	v47 =	vmul.f32 v17, v1  }
0xd6: {  	v17 =	vld [tilespmem:s15+$0xFFFFFFE0]  }
0xd7: {  	v63 =	vld.idx.msk [tilespmem:v13+s4+$0x0], $0xffff;
	v14 =	vadd.f32 v46, v14;
	v30 =	vadd.f32 v47, v30  }
0xd8: {  	v49 =	vld.idx.msk [tilespmem:v11+s2+$0x0], $0xffff  }
0xd9: {  	v53 =	vsub.f32 v62, v36;
	v51 =	vld.idx.msk [tilespmem:v11+s4+$0x0], $0xffff;
	v14 =	vsub.f32 v14, v30  }
0xda: {  	v44 =	vsub.f32 v44, v31;
	v45 =	vsub.f32 v45, v43;
	v10 =	vld [tilespmem:s13+$0x0]  }
0xdb: {  	v57 =	vmul.f32 v53, v8;
	v41 =	vsub.f32 v41, v35;
	v53 =	vld.idx.msk [tilespmem:v9+s2+$0x0], $0xffff;
	v14 =	vmul.f32 v14, v23  }
0xdc: {  	v42 =	vsub.f32 v42, v34;
	v44 =	vmul.f32 v44, v4;
	v45 =	vmul.f32 v45, v4;
	s15 =	simm.s32 $0x1D190;
	v46 =	vld.idx.msk [tilespmem:v13+s2+$0x0], $0xffff  }
0xdd: {  	v41 =	vmul.f32 v41, v3;
	v30 =	vadd.f32 v14, v30;
	v14 =	vld [tilespmem:s15+$0x10]  }
0xde: {  	v42 =	vmul.f32 v42, v3;
	v44 =	vadd.f32 v44, v31;
	v43 =	vadd.f32 v45, v43;
	v52 =	vld.idx.msk [tilespmem:v17+s2+$0x0], $0xffff  }
0xdf: {  	v35 =	vadd.f32 v41, v35;
	v58 =	vld.idx.msk [tilespmem:v17+s4+$0x0], $0xffff;
	[tilespmem:s25+$0x1230] =	vst v30  }
0xe0: {  	v34 =	vadd.f32 v42, v34;
	v44 =	vsub.f32 v44, v43;
	v31 =	vld.idx.msk [tilespmem:v19+s6+$0x0], $0xffff  }
0xe1: {  	v56 =	vsub.f32 v61, v20;
	v30 =	vld.idx.msk [tilespmem:v18+s6+$0x0], $0xffff  }
0xe2: {  	v40 =	vsub.f32 v40, v38;
	v35 =	vsub.f32 v35, v34;
	v33 =	vld.idx.msk [tilespmem:v19+s7+$0x0], $0xffff;
	v19 =	vmul.f32 v44, v14  }
0xe3: {  	v39 =	vsub.f32 v39, v37;
	v32 =	vld.idx.msk [tilespmem:v18+s7+$0x0], $0xffff;
	v18 =	vmul.f32 v56, v8  }
0xe4: {  	v40 =	vmul.f32 v40, v8;
	v35 =	vmul.f32 v35, v24;
	v54 =	vld.idx.msk [tilespmem:v10+s4+$0x0], $0xffff;
	v19 =	vadd.f32 v19, v43  }
0xe5: {  	s12 =	simm.s32 $0x15370;
	v39 =	vmul.f32 v39, v8;
	v18 =	vadd.f32 v18, v20;
	v20 =	vadd.f32 v57, v36;
	v36 =	vld.idx.msk [tilespmem:v10+s2+$0x0], $0xffff  }
0xe6: {  	v59 =	vadd.f32 v40, v38;
	v34 =	vadd.f32 v35, v34;
	v43 =	vld.idx.msk [tilespmem:v9+s4+$0x0], $0xffff;
	[tilespmem:s12+$0xFFFFDC30] =	vst v19  }
0xe7: {  	v61 =	vsub.f32 v58, v52;
	v18 =	vsub.f32 v18, v20;
	v44 =	vld.idx.msk [tilespmem:v16+s8+$0x0], $0xffff  }
0xe8: {  	v60 =	vsub.f32 v63, v46;
	v19 =	vadd.f32 v39, v37;
	v38 =	vld.idx.msk [tilespmem:v15+s8+$0x0], $0xffff  }
0xe9: {  	v63 =	vsub.f32 v50, v48;
	v40 =	vmul.f32 v61, v4;
	v18 =	vmul.f32 v18, v25;
	v62 =	vld.idx.msk [tilespmem:v16+s10+$0x0], $0xffff  }
0xea: {  	v51 =	vsub.f32 v51, v49;
	v39 =	vmul.f32 v60, v4;
	v57 =	vld.idx.msk [tilespmem:v15+s10+$0x0], $0xffff;
	v19 =	vsub.f32 v19, v59  }
0xeb: {  	[tilespmem:s25+$0x900] =	vst v34;
	v47 =	vmul.f32 v63, v4;
	v40 =	vadd.f32 v40, v52;
	v20 =	vadd.f32 v18, v20;
	v18 =	vld [tilespmem:s15+$0xFFFFFFE0]  }
0xec: {  	v63 =	vsub.f32 v54, v36;
	v54 =	vld.idx.msk [tilespmem:v28+s18+$0x0], $0xffff;
	v39 =	vadd.f32 v39, v46;
	v55 =	vmul.f32 v19, v2  }
0xed: {  	v47 =	vadd.f32 v47, v48;
	v19 =	vld [tilespmem:s15+$0xFFFFFFF0]  }
0xee: {  	v58 =	vmul.f32 v51, v4;
	[tilespmem:s25+$0x10] =	vst v20;
	v20 =	vld [tilespmem:s15+$0x0];
	v40 =	vsub.f32 v40, v39;
	v37 =	vadd.f32 v55, v59  }
0xef: {  	v48 =	vld.idx.msk [tilespmem:v26+s19+$0x0], $0xffff;
	v45 =	vsub.f32 v62, v44;
	v59 =	vsub.f32 v57, v38  }
0xf0: {  	v46 =	vadd.f32 v58, v49;
	v50 =	vld.idx.msk [tilespmem:v27+s19+$0x0], $0xffff;
	v40 =	vmul.f32 v40, v18  }
0xf1: {  	v43 =	vsub.f32 v43, v53;
	v61 =	vld.idx.msk [tilespmem:v26+s24+$0x0], $0xffff;
	v45 =	vmul.f32 v45, v5;
	v49 =	vmul.f32 v59, v5  }
0xf2: {  	v60 =	vsub.f32 v47, v46;
	v62 =	vld.idx.msk [tilespmem:v27+s24+$0x0], $0xffff;
	[tilespmem:s25+$0x20] =	vst v37;
	v39 =	vadd.f32 v40, v39  }
0xf3: {  	v40 =	vld.idx.msk [tilespmem:v22+s19+$0x0], $0xffff;
	v44 =	vadd.f32 v45, v44;
	v38 =	vadd.f32 v49, v38  }
0xf4: {  	v56 =	vmul.f32 v63, v4;
	v43 =	vmul.f32 v43, v4;
	v45 =	vld.idx.msk [tilespmem:v21+s19+$0x0], $0xffff  }
0xf5: {  	v37 =	vmul.f32 v60, v19;
	[tilespmem:s12+$0xFFFFDC00] =	vst v39;
	v39 =	vld.idx.msk [tilespmem:v22+s24+$0x0], $0xffff;
	v44 =	vsub.f32 v44, v38  }
0xf6: {  	v36 =	vadd.f32 v56, v36;
	v52 =	vld.idx.msk [tilespmem:v17+s8+$0x0], $0xffff  }
0xf7: {  	v43 =	vadd.f32 v43, v53;
	v37 =	vadd.f32 v37, v46;
	v46 =	vld.idx.msk [tilespmem:v13+s8+$0x0], $0xffff;
	v44 =	vmul.f32 v44, v14  }
0xf8: {  	v60 =	vsub.f32 v61, v48;
	v61 =	vsub.f32 v62, v50;
	v57 =	vld.idx.msk [tilespmem:v17+s10+$0x0], $0xffff  }
0xf9: {  	v59 =	vsub.f32 v43, v36;
	v58 =	vld.idx.msk [tilespmem:v13+s10+$0x0], $0xffff;
	v38 =	vadd.f32 v44, v38  }
0xfa: {  	[tilespmem:s12+$0xFFFFDC10] =	vst v37;
	v47 =	vmul.f32 v61, v3;
	v61 =	vld.idx.msk [tilespmem:v21+s24+$0x0], $0xffff  }
0xfb: {  	v41 =	vmul.f32 v59, v20;
	v43 =	vld.idx.msk [tilespmem:v12+s8+$0x0], $0xffff;
	[tilespmem:s12+$0xFFFFE530] =	vst v38  }
0xfc: {  	v42 =	vmul.f32 v60, v3;
	v38 =	vld.idx.msk [tilespmem:v16+s11+$0x0], $0xffff  }
0xfd: {  	v36 =	vadd.f32 v41, v36;
	v41 =	vld.idx.msk [tilespmem:v15+s11+$0x0], $0xffff  }
0xfe: {  	v42 =	vadd.f32 v42, v48;
	v47 =	vadd.f32 v47, v50;
	v62 =	vld.idx.msk [tilespmem:v16+s1+$0x0], $0xffff  }
0xff: {  	v49 =	vsub.f32 v57, v52;
	v37 =	vsub.f32 v58, v46;
	v63 =	vld.idx.msk [tilespmem:v15+s1+$0x0], $0xffff  }
0x100: {  	v51 =	vld.idx.msk [tilespmem:v12+s10+$0x0], $0xffff  }
0x101: {  	v44 =	vld.idx.msk [tilespmem:v11+s8+$0x0], $0xffff;
	v42 =	vsub.f32 v42, v47;
	v56 =	vmul.f32 v49, v5;
	v37 =	vmul.f32 v37, v5  }
0x102: {  	[tilespmem:s12+$0xFFFFDC20] =	vst v36;
	v57 =	vld.idx.msk [tilespmem:v11+s10+$0x0], $0xffff  }
0x103: {  	v50 =	vld.idx.msk [tilespmem:v9+s8+$0x0], $0xffff;
	v42 =	vmul.f32 v42, v25;
	v36 =	vadd.f32 v56, v52;
	v37 =	vadd.f32 v37, v46  }
0x104: {  	v59 =	vld.idx.msk [tilespmem:v10+s10+$0x0], $0xffff;
	v60 =	vsub.f32 v62, v38;
	v48 =	vsub.f32 v63, v41  }
0x105: {  	v58 =	vld.idx.msk [tilespmem:v9+s10+$0x0], $0xffff;
	v42 =	vadd.f32 v42, v47;
	v36 =	vsub.f32 v36, v37  }
0x106: {  	v51 =	vsub.f32 v51, v43;
	v46 =	vld.idx.msk [tilespmem:v10+s8+$0x0], $0xffff;
	v34 =	vmul.f32 v60, v6;
	v48 =	vmul.f32 v48, v6  }
0x107: {  	v47 =	vld.idx.msk [tilespmem:v29+s18+$0x0], $0xffff;
	[tilespmem:s25+$0x910] =	vst v42;
	v62 =	vsub.f32 v57, v44;
	v36 =	vmul.f32 v36, v18  }
0x108: {  	v52 =	vld.idx.msk [tilespmem:v26+s5+$0x0], $0xffff;
	v34 =	vadd.f32 v34, v38;
	v55 =	vadd.f32 v48, v41  }
0x109: {  	v39 =	vsub.f32 v39, v40;
	v36 =	vadd.f32 v36, v37;
	v37 =	vld.idx.msk [tilespmem:v29+s5+$0x0], $0xffff  }
0x10a: {  	v63 =	vmul.f32 v51, v5;
	v42 =	vmul.f32 v62, v5;
	v41 =	vld.idx.msk [tilespmem:v28+s5+$0x0], $0xffff;
	v34 =	vsub.f32 v34, v55  }
0x10b: {  	v35 =	vsub.f32 v58, v50;
	v56 =	vsub.f32 v59, v46;
	v38 =	vld.idx.msk [tilespmem:v27+s18+$0x0], $0xffff;
	[tilespmem:s12+$0xFFFFE500] =	vst v36  }
0x10c: {  	v43 =	vadd.f32 v63, v43;
	v42 =	vadd.f32 v42, v44;
	v57 =	vld.idx.msk [tilespmem:v17+s11+$0x0], $0xffff;
	v34 =	vmul.f32 v34, v14  }
0x10d: {  	v61 =	vsub.f32 v61, v45;
	v35 =	vmul.f32 v35, v5;
	v48 =	vmul.f32 v56, v5;
	v58 =	vld.idx.msk [tilespmem:v13+s11+$0x0], $0xffff  }
0x10e: {  	v39 =	vmul.f32 v39, v3;
	v59 =	vld.idx.msk [tilespmem:v17+s1+$0x0], $0xffff;
	v43 =	vsub.f32 v43, v42;
	v34 =	vadd.f32 v34, v55  }
0x10f: {  	v35 =	vadd.f32 v35, v50;
	v62 =	vmul.f32 v61, v3;
	v60 =	vld.idx.msk [tilespmem:v13+s1+$0x0], $0xffff;
	v46 =	vadd.f32 v48, v46  }
0x110: {  	v39 =	vadd.f32 v39, v40;
	v36 =	vld.idx.msk [tilespmem:v26+s18+$0x0], $0xffff;
	v43 =	vmul.f32 v43, v19;
	[tilespmem:s12+$0xFFFFEE30] =	vst v34  }
0x111: {  	v40 =	vadd.f32 v62, v45;
	v35 =	vsub.f32 v35, v46;
	v48 =	vld.idx.msk [tilespmem:v16+s0+$0x0], $0xffff  }
0x112: {  	v37 =	vsub.f32 v37, v47;
	v42 =	vadd.f32 v43, v42;
	v63 =	vld.idx.msk [tilespmem:v15+s0+$0x0], $0xffff  }
0x113: {  	v41 =	vsub.f32 v41, v54;
	v49 =	vsub.f32 v59, v57;
	v53 =	vld.idx.msk [tilespmem:v16+s14+$0x0], $0xffff  }
0x114: {  	v35 =	vmul.f32 v35, v20;
	v50 =	vsub.f32 v60, v58;
	[tilespmem:s12+$0xFFFFE510] =	vst v42;
	v55 =	vld.idx.msk [tilespmem:v15+s14+$0x0], $0xffff  }
0x115: {  	v39 =	vsub.f32 v39, v40;
	v37 =	vmul.f32 v37, v1;
	v49 =	vmul.f32 v49, v6;
	v59 =	vld.idx.msk [tilespmem:v12+s1+$0x0], $0xffff  }
0x116: {  	v41 =	vmul.f32 v41, v1;
	v35 =	vadd.f32 v35, v46;
	v56 =	vmul.f32 v50, v6;
	v60 =	vld.idx.msk [tilespmem:v11+s1+$0x0], $0xffff  }
0x117: {  	v39 =	vmul.f32 v39, v2;
	v37 =	vadd.f32 v37, v47;
	v49 =	vadd.f32 v49, v57;
	v57 =	vld.idx.msk [tilespmem:v12+s11+$0x0], $0xffff  }
0x118: {  	v41 =	vadd.f32 v41, v54;
	[tilespmem:s12+$0xFFFFE520] =	vst v35;
	v44 =	vadd.f32 v56, v58;
	v58 =	vld.idx.msk [tilespmem:v11+s11+$0x0], $0xffff  }
0x119: {  	v39 =	vadd.f32 v39, v40;
	v40 =	vld.idx.msk [tilespmem:v9+s11+$0x0], $0xffff  }
0x11a: {  	v61 =	vld.idx.msk [tilespmem:v9+s1+$0x0], $0xffff;
	v37 =	vsub.f32 v37, v41  }
0x11b: {  	v34 =	vld.idx.msk [tilespmem:v27+s5+$0x0], $0xffff;
	[tilespmem:s25+$0x920] =	vst v39;
	v49 =	vsub.f32 v49, v44  }
0x11c: {  	v43 =	vld.idx.msk [tilespmem:v21+s18+$0x0], $0xffff;
	v37 =	vmul.f32 v37, v24;
	v45 =	vsub.f32 v53, v48  }
0x11d: {  	v52 =	vsub.f32 v52, v36;
	v51 =	vld.idx.msk [tilespmem:v10+s11+$0x0], $0xffff;
	v42 =	vsub.f32 v55, v63;
	v49 =	vmul.f32 v49, v18  }
0x11e: {  	v62 =	vld.idx.msk [tilespmem:v10+s1+$0x0], $0xffff;
	v37 =	vadd.f32 v37, v41;
	v45 =	vmul.f32 v45, v7;
	v47 =	vsub.f32 v59, v57  }
0x11f: {  	v42 =	vmul.f32 v42, v7;
	v35 =	vsub.f32 v60, v58;
	v39 =	vsub.f32 v61, v40;
	v61 =	vld.idx.msk [tilespmem:v21+s5+$0x0], $0xffff  }
0x120: {  	v52 =	vmul.f32 v52, v1;
	v44 =	vadd.f32 v49, v44;
	v45 =	vadd.f32 v45, v48;
	v48 =	vld.idx.msk [tilespmem:v22+s18+$0x0], $0xffff  }
0x121: {  	[tilespmem:s25+$0x1200] =	vst v37;
	v42 =	vadd.f32 v42, v63;
	v63 =	vmul.f32 v47, v6;
	v47 =	vld.idx.msk [tilespmem:v22+s5+$0x0], $0xffff  }
0x122: {  	v36 =	vadd.f32 v52, v36;
	v52 =	vld.idx.msk [tilespmem:v29+s6+$0x0], $0xffff;
	[tilespmem:s12+$0xFFFFEE00] =	vst v44  }
0x123: {  	v35 =	vmul.f32 v35, v6;
	v56 =	vld.idx.msk [tilespmem:v17+s0+$0x0], $0xffff;
	v45 =	vsub.f32 v45, v42  }
0x124: {  	v44 =	vadd.f32 v63, v57;
	v57 =	vld.idx.msk [tilespmem:v13+s0+$0x0], $0xffff  }
0x125: {  	v33 =	vsub.f32 v33, v31;
	v35 =	vadd.f32 v35, v58;
	v58 =	vld.idx.msk [tilespmem:v17+s14+$0x0], $0xffff;
	v45 =	vmul.f32 v45, v14  }
0x126: {  	v32 =	vsub.f32 v32, v30;
	v59 =	vsub.f32 v62, v51;
	v39 =	vmul.f32 v39, v6;
	v60 =	vld.idx.msk [tilespmem:v13+s14+$0x0], $0xffff  }
0x127: {  	v33 =	vmul.f32 v33, v0;
	v29 =	vld.idx.msk [tilespmem:v29+s7+$0x0], $0xffff;
	v44 =	vsub.f32 v44, v35;
	v42 =	vadd.f32 v45, v42  }
0x128: {  	v34 =	vsub.f32 v34, v38;
	v37 =	vmul.f32 v59, v6;
	v39 =	vadd.f32 v39, v40;
	v40 =	vld.idx.msk [tilespmem:v28+s6+$0x0], $0xffff  }
0x129: {  	v31 =	vadd.f32 v33, v31;
	v28 =	vld.idx.msk [tilespmem:v28+s7+$0x0], $0xffff;
	v62 =	vmul.f32 v44, v19;
	[tilespmem:s12+$0xFFFFF730] =	vst v42  }
0x12a: {  	v34 =	vmul.f32 v34, v1;
	v37 =	vadd.f32 v37, v51;
	v46 =	vsub.f32 v58, v56;
	v63 =	vld.idx.msk [tilespmem:v16+s16+$0x0], $0xffff  }
0x12b: {  	v49 =	vsub.f32 v60, v57;
	v35 =	vadd.f32 v62, v35;
	v42 =	vld.idx.msk [tilespmem:v15+s16+$0x0], $0xffff  }
0x12c: {  	v34 =	vadd.f32 v34, v38;
	v53 =	vsub.f32 v39, v37;
	v54 =	vld.idx.msk [tilespmem:v16+s17+$0x0], $0xffff;
	v46 =	vmul.f32 v46, v7  }
0x12d: {  	v47 =	vsub.f32 v47, v48;
	v55 =	vld.idx.msk [tilespmem:v15+s17+$0x0], $0xffff;
	v49 =	vmul.f32 v49, v7;
	[tilespmem:s12+$0xFFFFEE10] =	vst v35  }
0x12e: {  	v38 =	vmul.f32 v53, v20;
	v45 =	vsub.f32 v61, v43;
	v41 =	vadd.f32 v46, v56;
	v56 =	vld.idx.msk [tilespmem:v12+s0+$0x0], $0xffff  }
0x12f: {  	v32 =	vmul.f32 v32, v0;
	v36 =	vsub.f32 v36, v34;
	v49 =	vadd.f32 v49, v57;
	v57 =	vld.idx.msk [tilespmem:v11+s0+$0x0], $0xffff  }
0x130: {  	v47 =	vmul.f32 v47, v1;
	v37 =	vadd.f32 v38, v37;
	v45 =	vmul.f32 v45, v1;
	v58 =	vld.idx.msk [tilespmem:v12+s14+$0x0], $0xffff  }
0x131: {  	v32 =	vadd.f32 v32, v30;
	v59 =	vld.idx.msk [tilespmem:v11+s14+$0x0], $0xffff;
	v41 =	vsub.f32 v41, v49  }
0x132: {  	v36 =	vmul.f32 v36, v25;
	v47 =	vadd.f32 v47, v48;
	[tilespmem:s12+$0xFFFFEE20] =	vst v37;
	v43 =	vadd.f32 v45, v43  }
0x133: {  	v60 =	vld.idx.msk [tilespmem:v9+s0+$0x0], $0xffff;
	v39 =	vsub.f32 v54, v63;
	v35 =	vsub.f32 v55, v42;
	v41 =	vmul.f32 v41, v18  }
0x134: {  	v34 =	vadd.f32 v36, v34;
	v61 =	vld.idx.msk [tilespmem:v10+s0+$0x0], $0xffff;
	v30 =	vsub.f32 v47, v43  }
0x135: {  	v62 =	vld.idx.msk [tilespmem:v9+s14+$0x0], $0xffff;
	v39 =	vmul.f32 v39, v8;
	v35 =	vmul.f32 v35, v8;
	v41 =	vadd.f32 v41, v49  }
0x136: {  	[tilespmem:s25+$0x1210] =	vst v34;
	v51 =	vsub.f32 v58, v56;
	v37 =	vsub.f32 v59, v57;
	v49 =	vld.idx.msk [tilespmem:v10+s14+$0x0], $0xffff  }
0x137: {  	v63 =	vadd.f32 v39, v63;
	v35 =	vadd.f32 v35, v42;
	[tilespmem:s12+$0xFFFFF700] =	vst v41;
	v41 =	vld.idx.msk [tilespmem:v26+s6+$0x0], $0xffff  }
0x138: {  	v29 =	vsub.f32 v29, v52;
	v30 =	vmul.f32 v30, v2;
	v42 =	vmul.f32 v51, v7;
	v26 =	vld.idx.msk [tilespmem:v26+s7+$0x0], $0xffff  }
0x139: {  	v48 =	vsub.f32 v31, v32;
	v37 =	vmul.f32 v37, v7;
	v34 =	vsub.f32 v63, v35;
	v53 =	vld.idx.msk [tilespmem:v13+s16+$0x0], $0xffff  }
0x13a: {  	v29 =	vmul.f32 v29, v0;
	v30 =	vadd.f32 v30, v43;
	v42 =	vadd.f32 v42, v56;
	v56 =	vld.idx.msk [tilespmem:v13+s17+$0x0], $0xffff  }
0x13b: {  	v55 =	vsub.f32 v62, v60;
	v33 =	vld.idx.msk [tilespmem:v17+s16+$0x0], $0xffff;
	v37 =	vadd.f32 v37, v57;
	v34 =	vmul.f32 v34, v14  }
0x13c: {  	[tilespmem:s25+$0x1220] =	vst v30;
	v51 =	vadd.f32 v29, v52;
	v54 =	vld.idx.msk [tilespmem:v17+s17+$0x0], $0xffff;
	v39 =	vsub.f32 v49, v61  }
0x13d: {  	v29 =	vld.idx.msk [tilespmem:v22+s6+$0x0], $0xffff;
	v42 =	vsub.f32 v42, v37;
	v31 =	vadd.f32 v34, v35  }
0x13e: {  	v28 =	vsub.f32 v28, v40;
	v58 =	vmul.f32 v55, v7;
	v57 =	vld.idx.msk [tilespmem:v27+s6+$0x0], $0xffff;
	v39 =	vmul.f32 v39, v7  }
0x13f: {  	v27 =	vld.idx.msk [tilespmem:v27+s7+$0x0], $0xffff;
	v42 =	vmul.f32 v42, v19;
	v30 =	vsub.f32 v56, v53;
	[tilespmem:s12+$0x30] =	vst v31  }
0x140: {  	v31 =	vadd.f32 v58, v60;
	v59 =	vadd.f32 v39, v61;
	v60 =	vld.idx.msk [tilespmem:v16+s19+$0x0], $0xffff  }
0x141: {  	v61 =	vsub.f32 v54, v33;
	v37 =	vadd.f32 v42, v37;
	v62 =	vld.idx.msk [tilespmem:v15+s19+$0x0], $0xffff  }
0x142: {  	v63 =	vld.idx.msk [tilespmem:v16+s24+$0x0], $0xffff;
	v30 =	vmul.f32 v30, v8;
	v31 =	vsub.f32 v31, v59  }
0x143: {  	v49 =	vmul.f32 v28, v0;
	v50 =	vld.idx.msk [tilespmem:v15+s24+$0x0], $0xffff;
	v28 =	vmul.f32 v61, v8;
	[tilespmem:s12+$0xFFFFF710] =	vst v37  }
0x144: {  	v26 =	vsub.f32 v26, v41;
	v52 =	vadd.f32 v30, v53;
	v53 =	vld.idx.msk [tilespmem:v12+s16+$0x0], $0xffff;
	v31 =	vmul.f32 v31, v20  }
0x145: {  	v27 =	vsub.f32 v27, v57;
	v30 =	vld.idx.msk [tilespmem:v11+s16+$0x0], $0xffff;
	v33 =	vadd.f32 v28, v33  }
0x146: {  	v40 =	vadd.f32 v49, v40;
	v54 =	vld.idx.msk [tilespmem:v12+s17+$0x0], $0xffff;
	v31 =	vadd.f32 v31, v59  }
0x147: {  	v26 =	vmul.f32 v26, v0;
	v27 =	vmul.f32 v27, v0;
	v55 =	vld.idx.msk [tilespmem:v11+s17+$0x0], $0xffff;
	v33 =	vsub.f32 v33, v52  }
0x148: {  	v28 =	vld.idx.msk [tilespmem:v21+s6+$0x0], $0xffff;
	v38 =	vsub.f32 v63, v60;
	v39 =	vsub.f32 v50, v62;
	[tilespmem:s12+$0xFFFFF720] =	vst v31  }
0x149: {  	v26 =	vadd.f32 v26, v41;
	v34 =	vadd.f32 v27, v57;
	v33 =	vmul.f32 v33, v18;
	v31 =	vld.idx.msk [tilespmem:v9+s16+$0x0], $0xffff  }
0x14a: {  	v56 =	vsub.f32 v51, v40;
	v38 =	vmul.f32 v38, v3;
	v39 =	vmul.f32 v39, v3;
	v27 =	vld.idx.msk [tilespmem:v10+s16+$0x0], $0xffff  }
0x14b: {  	v23 =	vmul.f32 v48, v23;
	v26 =	vsub.f32 v26, v34;
	v57 =	vld.idx.msk [tilespmem:v9+s17+$0x0], $0xffff;
	v33 =	vadd.f32 v33, v52  }
0x14c: {  	v24 =	vmul.f32 v56, v24;
	v58 =	vld.idx.msk [tilespmem:v10+s17+$0x0], $0xffff;
	v36 =	vadd.f32 v38, v60;
	v59 =	vadd.f32 v39, v62  }
0x14d: {  	v61 =	vsub.f32 v54, v53;
	v60 =	vadd.f32 v23, v32;
	v23 =	vld.idx.msk [tilespmem:v22+s7+$0x0], $0xffff;
	[tilespmem:s12+$0x0] =	vst v33  }
0x14e: {  	v22 =	vadd.f32 v24, v40;
	v24 =	vmul.f32 v26, v25;
	v25 =	vsub.f32 v36, v59;
	v32 =	vld.idx.msk [tilespmem:v17+s19+$0x0], $0xffff  }
0x14f: {  	v62 =	vsub.f32 v55, v30;
	[tilespmem:s25+$0x1B30] =	vst v60;
	v33 =	vmul.f32 v61, v8;
	v26 =	vld.idx.msk [tilespmem:v13+s19+$0x0], $0xffff  }
0x150: {  	s9 =	sshll.u32 s20, $0x1;
	[tilespmem:s25+$0x1B00] =	vst v22;
	v22 =	vadd.f32 v24, v34;
	v24 =	vld.idx.msk [tilespmem:v17+s24+$0x0], $0xffff;
	v63 =	vmul.f32 v25, v14  }
0x151: {  	v35 =	vmul.f32 v62, v8;
	v25 =	vld.idx.msk [tilespmem:v13+s24+$0x0], $0xffff;
	v34 =	vadd.f32 v33, v53;
	v36 =	vsub.f32 v57, v31;
	[dreg:$0xf] =	wrdreg s9  }
0x152: {  	s3 =	simm.s32 $0x1BFD0;
	s9 =	simm.s32 $0x4;
	v37 =	vsub.f32 v58, v27;
	[tilespmem:s25+$0x1B10] =	vst v22;
	v22 =	vld.idx.msk [tilespmem:v21+s7+$0x0], $0xffff;
	v33 =	vadd.f32 v63, v59  }
.LBB2_3:
0x153: {  	v38 =	vld [tilespmem:s3+$0x10];
	v21 =	vadd.f32 v35, v30;
	v30 =	vmul.f32 v36, v8;
	s13 =	sadd.s32 $0x40, s13;
	v23 =	vsub.f32 v23, v29  }
0x154: {  	v35 =	vld [tilespmem:s13+$0x10];
	v36 =	vmul.f32 v37, v8;
	[tilespmem:s12+$0x930] =	vst v33  }
0x155: {  	v33 =	vsub.f32 v34, v21;
	v30 =	vadd.f32 v30, v31;
	v31 =	vld.idx.msk [tilespmem:v16+s18+$0x0], $0xffff;
	v23 =	vmul.f32 v23, v0  }
0x156: {  	v24 =	vsub.f32 v24, v32;
	v27 =	vadd.f32 v36, v27;
	v34 =	vld.idx.msk [tilespmem:v15+s18+$0x0], $0xffff  }
0x157: {  	v36 =	vsub.f32 v25, v26;
	v33 =	vmul.f32 v33, v19;
	v37 =	vld.idx.msk [tilespmem:v16+s5+$0x0], $0xffff;
	v29 =	vadd.f32 v23, v29  }
0x158: {  	v23 =	vmul.f32 v24, v3;
	v22 =	vsub.f32 v22, v28;
	v30 =	vsub.f32 v30, v27;
	v39 =	vld.idx.msk [tilespmem:v15+s5+$0x0], $0xffff  }
0x159: {  	v36 =	vmul.f32 v36, v3;
	v25 =	vld [tilespmem:s13+$0xFFFFFFE0];
	v21 =	vadd.f32 v33, v21  }
0x15a: {  	v32 =	vadd.f32 v23, v32;
	v33 =	vmul.f32 v22, v0;
	v24 =	vld [tilespmem:s3+$0xFFFFFFF0];
	v30 =	vmul.f32 v30, v20  }
0x15b: {  	v26 =	vadd.f32 v36, v26;
	v23 =	vld [tilespmem:s13+$0xFFFFFFF0];
	[tilespmem:s12+$0x10] =	vst v21  }
0x15c: {  	v22 =	vld [tilespmem:s3+$0x0];
	v21 =	vadd.f32 v30, v27;
	v27 =	vadd.f32 v33, v28  }
0x15d: {  	v28 =	vsub.f32 v32, v26;
	v30 =	vld.idx.msk [tilespmem:v38+s2+$0x0], $0xffff  }
0x15e: {  	v33 =	vsub.f32 v39, v34;
	v32 =	vld.idx.msk [tilespmem:v35+s2+$0x0], $0xffff;
	[tilespmem:s12+$0x20] =	vst v21;
	v21 =	vsub.f32 v37, v31  }
0x15f: {  	v28 =	vmul.f32 v28, v18;
	v29 =	vsub.f32 v29, v27;
	v36 =	vld.idx.msk [tilespmem:v38+s4+$0x0], $0xffff  }
0x160: {  	v33 =	vmul.f32 v33, v1;
	v37 =	vld.idx.msk [tilespmem:v35+s4+$0x0], $0xffff;
	v39 =	vmul.f32 v21, v1  }
0x161: {  	v26 =	vadd.f32 v28, v26;
	v29 =	vmul.f32 v29, v2;
	v2 =	vmov v20;
	v21 =	vld [tilespmem:s13+$0x0]  }
0x162: {  	v28 =	vld [tilespmem:s3+$0xFFFFFFE0];
	v20 =	vadd.f32 v39, v31;
	v31 =	vadd.f32 v33, v34  }
0x163: {  	v33 =	vld.idx.msk [tilespmem:v25+s2+$0x0], $0xffff;
	[tilespmem:s12+$0x900] =	vst v26;
	v26 =	vadd.f32 v29, v27  }
0x164: {  	v27 =	vld.idx.msk [tilespmem:v25+s4+$0x0], $0xffff;
	v20 =	vsub.f32 v20, v31  }
0x165: {  	v29 =	vld.idx.msk [tilespmem:v24+s2+$0x0], $0xffff;
	[tilespmem:s25+$0x1B20] =	vst v26;
	s25 =	smov.u32 s12  }
0x166: {  	v34 =	vsub.f32 v36, v30;
	v36 =	vsub.f32 v37, v32;
	v26 =	vld.idx.msk [tilespmem:v23+s2+$0x0], $0xffff;
	v20 =	vmul.f32 v20, v14  }
0x167: {  	v37 =	vld.idx.msk [tilespmem:v24+s4+$0x0], $0xffff  }
0x168: {  	s15 =	sadd.s32 $0x40, s15;
	v34 =	vmul.f32 v34, v4;
	v36 =	vmul.f32 v36, v4;
	v39 =	vld.idx.msk [tilespmem:v23+s4+$0x0], $0xffff;
	v20 =	vadd.f32 v20, v31  }
0x169: {  	v31 =	vld [tilespmem:s15+$0x10]  }
0x16a: {  	v30 =	vadd.f32 v34, v30;
	v32 =	vadd.f32 v36, v32;
	v40 =	vld.idx.msk [tilespmem:v28+s2+$0x0], $0xffff;
	[tilespmem:s12+$0x1230] =	vst v20  }
0x16b: {  	v20 =	vsub.f32 v27, v33;
	v34 =	vld.idx.msk [tilespmem:v16+s6+$0x0], $0xffff  }
0x16c: {  	v27 =	vsub.f32 v30, v32;
	v30 =	vld.idx.msk [tilespmem:v15+s6+$0x0], $0xffff  }
0x16d: {  	s9 =	sadd.s32 $0x4, s9;
	v20 =	vmul.f32 v20, v4;
	v36 =	vsub.f32 v37, v29;
	v37 =	vld.idx.msk [tilespmem:v16+s7+$0x0], $0xffff;
	v16 =	vmov v38  }
0x16e: {  	p1 =	slt.u32 s9, $0x8C;
	v38 =	vsub.f32 v39, v26;
	v27 =	vmul.f32 v27, v31;
	v39 =	vld.idx.msk [tilespmem:v15+s7+$0x0], $0xffff;
	v15 =	vmov v35  }
0x16f: {  	v33 =	vadd.f32 v20, v33;
	v20 =	vmul.f32 v36, v4;
	v35 =	vld.idx.msk [tilespmem:v28+s4+$0x0], $0xffff  }
0x170: {  	v36 =	vmul.f32 v38, v4;
	v38 =	vld.idx.msk [tilespmem:v22+s2+$0x0], $0xffff;
	v27 =	vadd.f32 v27, v32  }
0x171: {  	s12 =	sadd.s32 $0x40, s12;
	v20 =	vadd.f32 v20, v29;
	v29 =	vld.idx.msk [tilespmem:v21+s2+$0x0], $0xffff  }
0x172: {  	v32 =	vadd.f32 v36, v26;
	v36 =	vld.idx.msk [tilespmem:v22+s4+$0x0], $0xffff;
	[tilespmem:s12+$0xFFFFDC30] =	vst v27  }
0x173: {  	v41 =	vld.idx.msk [tilespmem:v16+s8+$0x0], $0xffff  }
0x174: {  	v26 =	vsub.f32 v37, v34;
	v27 =	vsub.f32 v39, v30;
	v42 =	vld.idx.msk [tilespmem:v15+s8+$0x0], $0xffff  }
0x175: {  	v37 =	vsub.f32 v20, v32;
	v35 =	vsub.f32 v35, v40;
	v39 =	vld.idx.msk [tilespmem:v16+s10+$0x0], $0xffff  }
0x176: {  	v20 =	vmul.f32 v26, v0;
	v26 =	vmul.f32 v27, v0;
	v43 =	vld.idx.msk [tilespmem:v15+s10+$0x0], $0xffff  }
0x177: {  	v35 =	vmul.f32 v35, v4;
	v44 =	vld.idx.msk [tilespmem:v21+s4+$0x0], $0xffff  }
0x178: {  	v34 =	vadd.f32 v20, v34;
	v30 =	vadd.f32 v26, v30;
	v27 =	vld [tilespmem:s15+$0xFFFFFFE0]  }
0x179: {  	v36 =	vsub.f32 v36, v38;
	v35 =	vadd.f32 v35, v40;
	v26 =	vld [tilespmem:s15+$0xFFFFFFF0]  }
0x17a: {  	v34 =	vsub.f32 v34, v30;
	v20 =	vld [tilespmem:s15+$0x0]  }
0x17b: {  	v36 =	vmul.f32 v36, v4;
	v35 =	vsub.f32 v35, v33;
	v40 =	vld.idx.msk [tilespmem:v12+s19+$0x0], $0xffff  }
0x17c: {  	v39 =	vsub.f32 v39, v41;
	v43 =	vsub.f32 v43, v42;
	v14 =	vmul.f32 v34, v14;
	v45 =	vld.idx.msk [tilespmem:v11+s19+$0x0], $0xffff  }
0x17d: {  	v34 =	vmul.f32 v35, v27;
	v35 =	vadd.f32 v36, v38;
	v36 =	vsub.f32 v44, v29;
	v38 =	vld.idx.msk [tilespmem:v12+s24+$0x0], $0xffff  }
0x17e: {  	v39 =	vmul.f32 v39, v5;
	v43 =	vmul.f32 v43, v5;
	v46 =	vadd.f32 v14, v30;
	v44 =	vld.idx.msk [tilespmem:v11+s24+$0x0], $0xffff  }
0x17f: {  	v30 =	vadd.f32 v34, v33;
	v33 =	vmul.f32 v37, v26;
	v34 =	vmul.f32 v36, v4;
	v36 =	vld.idx.msk [tilespmem:v9+s19+$0x0], $0xffff  }
0x180: {  	v37 =	vadd.f32 v39, v41;
	v39 =	vadd.f32 v43, v42;
	v14 =	vmov v31;
	v41 =	vld.idx.msk [tilespmem:v10+s19+$0x0], $0xffff;
	[tilespmem:s25+$0x1B30] =	vst v46  }
0x181: {  	[tilespmem:s12+$0xFFFFDC00] =	vst v30;
	v30 =	vadd.f32 v33, v32;
	v29 =	vadd.f32 v34, v29;
	v31 =	vld.idx.msk [tilespmem:v9+s24+$0x0], $0xffff  }
0x182: {  	v33 =	vsub.f32 v37, v39;
	v32 =	vld.idx.msk [tilespmem:v28+s8+$0x0], $0xffff  }
0x183: {  	v34 =	vld.idx.msk [tilespmem:v25+s8+$0x0], $0xffff;
	[tilespmem:s12+$0xFFFFDC10] =	vst v30;
	v30 =	vsub.f32 v35, v29;
	v35 =	vsub.f32 v38, v40  }
0x184: {  	v33 =	vmul.f32 v33, v14;
	v38 =	vsub.f32 v44, v45;
	v37 =	vld.idx.msk [tilespmem:v28+s10+$0x0], $0xffff  }
0x185: {  	v42 =	vld.idx.msk [tilespmem:v25+s10+$0x0], $0xffff;
	v30 =	vmul.f32 v30, v20;
	v35 =	vmul.f32 v35, v3  }
0x186: {  	v33 =	vadd.f32 v33, v39;
	v38 =	vmul.f32 v38, v3;
	v43 =	vld.idx.msk [tilespmem:v24+s8+$0x0], $0xffff  }
0x187: {  	v39 =	vld.idx.msk [tilespmem:v23+s8+$0x0], $0xffff;
	v29 =	vadd.f32 v30, v29;
	v30 =	vsub.f32 v31, v36  }
0x188: {  	v31 =	vld.idx.msk [tilespmem:v24+s10+$0x0], $0xffff;
	[tilespmem:s12+$0xFFFFE530] =	vst v33;
	v33 =	vadd.f32 v35, v40;
	v35 =	vadd.f32 v38, v45  }
0x189: {  	[tilespmem:s12+$0xFFFFDC20] =	vst v29;
	v29 =	vld.idx.msk [tilespmem:v16+s11+$0x0], $0xffff;
	v30 =	vmul.f32 v30, v3  }
0x18a: {  	v37 =	vsub.f32 v37, v32;
	v38 =	vld.idx.msk [tilespmem:v15+s11+$0x0], $0xffff;
	v33 =	vsub.f32 v33, v35  }
0x18b: {  	v40 =	vsub.f32 v42, v34;
	v42 =	vld.idx.msk [tilespmem:v16+s1+$0x0], $0xffff;
	v30 =	vadd.f32 v30, v36  }
0x18c: {  	v36 =	vmul.f32 v37, v5;
	v37 =	vld.idx.msk [tilespmem:v15+s1+$0x0], $0xffff;
	v33 =	vmul.f32 v33, v19  }
0x18d: {  	v40 =	vmul.f32 v40, v5;
	v44 =	vld.idx.msk [tilespmem:v23+s10+$0x0], $0xffff  }
0x18e: {  	v32 =	vadd.f32 v36, v32;
	v31 =	vsub.f32 v31, v43;
	v36 =	vld.idx.msk [tilespmem:v22+s8+$0x0], $0xffff  }
0x18f: {  	v34 =	vadd.f32 v40, v34;
	v33 =	vadd.f32 v33, v35;
	v40 =	vld.idx.msk [tilespmem:v21+s8+$0x0], $0xffff  }
0x190: {  	v31 =	vmul.f32 v31, v5;
	v35 =	vld.idx.msk [tilespmem:v22+s10+$0x0], $0xffff  }
0x191: {  	v32 =	vsub.f32 v32, v34;
	v45 =	vld.idx.msk [tilespmem:v21+s10+$0x0], $0xffff;
	[tilespmem:s25+$0x910] =	vst v33  }
0x192: {  	v33 =	vsub.f32 v42, v29;
	v37 =	vsub.f32 v37, v38;
	v42 =	vld.idx.msk [tilespmem:v10+s24+$0x0], $0xffff  }
0x193: {  	v31 =	vadd.f32 v31, v43;
	v32 =	vmul.f32 v32, v27;
	v43 =	vsub.f32 v44, v39;
	v44 =	vld.idx.msk [tilespmem:v17+s18+$0x0], $0xffff  }
0x194: {  	v33 =	vmul.f32 v33, v6;
	v37 =	vmul.f32 v37, v6;
	v46 =	vld.idx.msk [tilespmem:v13+s18+$0x0], $0xffff  }
0x195: {  	v32 =	vadd.f32 v32, v34;
	v34 =	vmul.f32 v43, v5;
	v43 =	vld.idx.msk [tilespmem:v17+s5+$0x0], $0xffff  }
0x196: {  	v29 =	vadd.f32 v33, v29;
	v33 =	vadd.f32 v37, v38;
	v37 =	vld.idx.msk [tilespmem:v13+s5+$0x0], $0xffff  }
0x197: {  	[tilespmem:s12+$0xFFFFE500] =	vst v32;
	v32 =	vsub.f32 v35, v36;
	v35 =	vsub.f32 v45, v40;
	v38 =	vld.idx.msk [tilespmem:v12+s18+$0x0], $0xffff  }
0x198: {  	v34 =	vadd.f32 v34, v39;
	v29 =	vsub.f32 v29, v33;
	v45 =	vld.idx.msk [tilespmem:v28+s11+$0x0], $0xffff  }
0x199: {  	v42 =	vsub.f32 v42, v41;
	v39 =	vld.idx.msk [tilespmem:v25+s11+$0x0], $0xffff;
	v32 =	vmul.f32 v32, v5;
	v35 =	vmul.f32 v35, v5  }
0x19a: {  	v31 =	vsub.f32 v31, v34;
	v29 =	vmul.f32 v29, v14;
	v47 =	vld.idx.msk [tilespmem:v28+s1+$0x0], $0xffff  }
0x19b: {  	v48 =	vld.idx.msk [tilespmem:v25+s1+$0x0], $0xffff;
	v32 =	vadd.f32 v32, v36;
	v35 =	vadd.f32 v35, v40;
	v36 =	vmul.f32 v42, v3  }
0x19c: {  	v31 =	vmul.f32 v31, v26;
	v29 =	vadd.f32 v29, v33;
	v33 =	vsub.f32 v43, v44;
	v40 =	vld.idx.msk [tilespmem:v11+s18+$0x0], $0xffff  }
0x19d: {  	v32 =	vsub.f32 v32, v35;
	v42 =	vld.idx.msk [tilespmem:v12+s5+$0x0], $0xffff;
	v36 =	vadd.f32 v36, v41  }
0x19e: {  	v31 =	vadd.f32 v31, v34;
	[tilespmem:s12+$0xFFFFEE30] =	vst v29;
	v29 =	vsub.f32 v37, v46;
	v34 =	vld.idx.msk [tilespmem:v11+s5+$0x0], $0xffff  }
0x19f: {  	v33 =	vmul.f32 v33, v1;
	v32 =	vmul.f32 v32, v20;
	v37 =	vld.idx.msk [tilespmem:v16+s0+$0x0], $0xffff;
	v30 =	vsub.f32 v30, v36  }
0x1a0: {  	v41 =	vsub.f32 v47, v45;
	[tilespmem:s12+$0xFFFFE510] =	vst v31;
	v31 =	vld.idx.msk [tilespmem:v15+s0+$0x0], $0xffff;
	v29 =	vmul.f32 v29, v1  }
0x1a1: {  	v43 =	vsub.f32 v48, v39;
	v32 =	vadd.f32 v32, v35;
	v35 =	vld.idx.msk [tilespmem:v16+s14+$0x0], $0xffff;
	v30 =	vmul.f32 v30, v2  }
0x1a2: {  	v33 =	vadd.f32 v33, v44;
	v41 =	vmul.f32 v41, v6;
	v47 =	vld.idx.msk [tilespmem:v15+s14+$0x0], $0xffff;
	v29 =	vadd.f32 v29, v46  }
0x1a3: {  	v43 =	vmul.f32 v43, v6;
	v44 =	vld.idx.msk [tilespmem:v24+s11+$0x0], $0xffff;
	[tilespmem:s12+$0xFFFFE520] =	vst v32;
	v30 =	vadd.f32 v30, v36  }
0x1a4: {  	v32 =	vadd.f32 v41, v45;
	v41 =	vsub.f32 v42, v38;
	v36 =	vld.idx.msk [tilespmem:v23+s11+$0x0], $0xffff  }
0x1a5: {  	v34 =	vsub.f32 v34, v40;
	v39 =	vadd.f32 v43, v39;
	v42 =	vld.idx.msk [tilespmem:v24+s1+$0x0], $0xffff;
	[tilespmem:s25+$0x920] =	vst v30  }
0x1a6: {  	v33 =	vsub.f32 v33, v29;
	v41 =	vmul.f32 v41, v1;
	v30 =	vld.idx.msk [tilespmem:v23+s1+$0x0], $0xffff  }
0x1a7: {  	v34 =	vmul.f32 v34, v1;
	v32 =	vsub.f32 v32, v39;
	v43 =	vld.idx.msk [tilespmem:v22+s11+$0x0], $0xffff  }
0x1a8: {  	v35 =	vsub.f32 v35, v37;
	v33 =	vmul.f32 v33, v18;
	v46 =	vsub.f32 v47, v31;
	v45 =	vld.idx.msk [tilespmem:v21+s11+$0x0], $0xffff  }
0x1a9: {  	v38 =	vadd.f32 v41, v38;
	v34 =	vadd.f32 v34, v40;
	v32 =	vmul.f32 v32, v27;
	v47 =	vld.idx.msk [tilespmem:v22+s1+$0x0], $0xffff  }
0x1aa: {  	v35 =	vmul.f32 v35, v7;
	v29 =	vadd.f32 v33, v29;
	v41 =	vmul.f32 v46, v7;
	v40 =	vld.idx.msk [tilespmem:v21+s1+$0x0], $0xffff  }
0x1ab: {  	v32 =	vadd.f32 v32, v39;
	v33 =	vsub.f32 v42, v44;
	v39 =	vld.idx.msk [tilespmem:v9+s18+$0x0], $0xffff  }
0x1ac: {  	v35 =	vadd.f32 v35, v37;
	v31 =	vadd.f32 v41, v31;
	[tilespmem:s25+$0x1200] =	vst v29;
	v29 =	vld.idx.msk [tilespmem:v10+s18+$0x0], $0xffff  }
0x1ad: {  	v30 =	vsub.f32 v30, v36;
	[tilespmem:s12+$0xFFFFEE00] =	vst v32;
	v32 =	vmul.f32 v33, v6;
	v33 =	vld.idx.msk [tilespmem:v9+s5+$0x0], $0xffff  }
0x1ae: {  	v38 =	vsub.f32 v38, v34;
	v35 =	vsub.f32 v35, v31;
	v37 =	vld.idx.msk [tilespmem:v28+s0+$0x0], $0xffff  }
0x1af: {  	v30 =	vmul.f32 v30, v6;
	v42 =	vsub.f32 v47, v43;
	v41 =	vld.idx.msk [tilespmem:v25+s0+$0x0], $0xffff;
	v32 =	vadd.f32 v32, v44  }
0x1b0: {  	v38 =	vmul.f32 v38, v19;
	v40 =	vsub.f32 v40, v45;
	v35 =	vmul.f32 v35, v14;
	v44 =	vld.idx.msk [tilespmem:v28+s14+$0x0], $0xffff  }
0x1b1: {  	v30 =	vadd.f32 v30, v36;
	v36 =	vmul.f32 v42, v6;
	v46 =	vld.idx.msk [tilespmem:v25+s14+$0x0], $0xffff  }
0x1b2: {  	v34 =	vadd.f32 v38, v34;
	v40 =	vmul.f32 v40, v6;
	v31 =	vadd.f32 v35, v31;
	v35 =	vld.idx.msk [tilespmem:v10+s5+$0x0], $0xffff  }
0x1b3: {  	v32 =	vsub.f32 v32, v30;
	v36 =	vadd.f32 v36, v43;
	v38 =	vld.idx.msk [tilespmem:v17+s6+$0x0], $0xffff  }
0x1b4: {  	v33 =	vsub.f32 v33, v39;
	v40 =	vadd.f32 v40, v45;
	[tilespmem:s12+$0xFFFFF730] =	vst v31;
	v31 =	vld.idx.msk [tilespmem:v13+s6+$0x0], $0xffff  }
0x1b5: {  	v32 =	vmul.f32 v32, v26;
	v42 =	vld.idx.msk [tilespmem:v16+s16+$0x0], $0xffff;
	[tilespmem:s25+$0x1210] =	vst v34  }
0x1b6: {  	v33 =	vmul.f32 v33, v1;
	v34 =	vsub.f32 v44, v37;
	v36 =	vsub.f32 v36, v40;
	v43 =	vld.idx.msk [tilespmem:v15+s16+$0x0], $0xffff  }
0x1b7: {  	v30 =	vadd.f32 v32, v30;
	v44 =	vsub.f32 v46, v41;
	v32 =	vld.idx.msk [tilespmem:v16+s17+$0x0], $0xffff  }
0x1b8: {  	v34 =	vmul.f32 v34, v7;
	v36 =	vmul.f32 v36, v20;
	v35 =	vsub.f32 v35, v29;
	v45 =	vld.idx.msk [tilespmem:v15+s17+$0x0], $0xffff  }
0x1b9: {  	v33 =	vadd.f32 v33, v39;
	v44 =	vmul.f32 v44, v7;
	[tilespmem:s12+$0xFFFFEE10] =	vst v30;
	v30 =	vld.idx.msk [tilespmem:v17+s7+$0x0], $0xffff;
	v17 =	vmov v28  }
0x1ba: {  	v28 =	vadd.f32 v34, v37;
	v36 =	vadd.f32 v36, v40;
	v35 =	vmul.f32 v35, v1;
	v34 =	vld.idx.msk [tilespmem:v24+s0+$0x0], $0xffff  }
0x1bb: {  	v37 =	vadd.f32 v44, v41;
	v39 =	vld.idx.msk [tilespmem:v23+s0+$0x0], $0xffff  }
0x1bc: {  	v29 =	vadd.f32 v35, v29;
	v40 =	vld.idx.msk [tilespmem:v24+s14+$0x0], $0xffff;
	[tilespmem:s12+$0xFFFFEE20] =	vst v36  }
0x1bd: {  	v28 =	vsub.f32 v28, v37;
	v35 =	vld.idx.msk [tilespmem:v23+s14+$0x0], $0xffff  }
0x1be: {  	v32 =	vsub.f32 v32, v42;
	v41 =	vsub.f32 v45, v43;
	v36 =	vld.idx.msk [tilespmem:v22+s0+$0x0], $0xffff  }
0x1bf: {  	v33 =	vsub.f32 v33, v29;
	v28 =	vmul.f32 v28, v27;
	v30 =	vsub.f32 v30, v38;
	v44 =	vld.idx.msk [tilespmem:v21+s0+$0x0], $0xffff  }
0x1c0: {  	v32 =	vmul.f32 v32, v8;
	v41 =	vmul.f32 v41, v8;
	v45 =	vld.idx.msk [tilespmem:v22+s14+$0x0], $0xffff  }
0x1c1: {  	v33 =	vmul.f32 v33, v2;
	v28 =	vadd.f32 v28, v37;
	v30 =	vmul.f32 v30, v0;
	v37 =	vld.idx.msk [tilespmem:v21+s14+$0x0], $0xffff  }
0x1c2: {  	v32 =	vadd.f32 v32, v42;
	v41 =	vadd.f32 v41, v43;
	v42 =	vld.idx.msk [tilespmem:v13+s7+$0x0], $0xffff;
	v13 =	vmov v25  }
0x1c3: {  	v35 =	vsub.f32 v35, v39;
	[tilespmem:s12+$0xFFFFF700] =	vst v28;
	v28 =	vsub.f32 v40, v34;
	v40 =	vld.idx.msk [tilespmem:v12+s6+$0x0], $0xffff  }
0x1c4: {  	v29 =	vadd.f32 v33, v29;
	v32 =	vsub.f32 v32, v41;
	v43 =	vld.idx.msk [tilespmem:v17+s16+$0x0], $0xffff  }
0x1c5: {  	v33 =	vmul.f32 v35, v7;
	v35 =	vadd.f32 v30, v38;
	v25 =	vld.idx.msk [tilespmem:v25+s16+$0x0], $0xffff;
	v28 =	vmul.f32 v28, v7  }
0x1c6: {  	v38 =	vsub.f32 v45, v36;
	v32 =	vmul.f32 v32, v14;
	v30 =	vld.idx.msk [tilespmem:v17+s17+$0x0], $0xffff;
	[tilespmem:s25+$0x1220] =	vst v29  }
0x1c7: {  	v29 =	vld.idx.msk [tilespmem:v13+s17+$0x0], $0xffff;
	v28 =	vadd.f32 v28, v34;
	v34 =	vsub.f32 v37, v44  }
0x1c8: {  	v33 =	vadd.f32 v33, v39;
	v37 =	vmul.f32 v38, v7;
	v32 =	vadd.f32 v32, v41;
	v38 =	vld.idx.msk [tilespmem:v11+s6+$0x0], $0xffff  }
0x1c9: {  	v39 =	vsub.f32 v42, v31;
	v34 =	vmul.f32 v34, v7;
	v41 =	vld.idx.msk [tilespmem:v12+s7+$0x0], $0xffff;
	v12 =	vmov v24  }
0x1ca: {  	v24 =	vsub.f32 v28, v33;
	v28 =	vadd.f32 v37, v36;
	[tilespmem:s12+$0x30] =	vst v32;
	v32 =	vld.idx.msk [tilespmem:v11+s7+$0x0], $0xffff;
	v11 =	vmov v23  }
0x1cb: {  	v36 =	vmul.f32 v39, v0;
	v23 =	vadd.f32 v34, v44;
	v34 =	vld.idx.msk [tilespmem:v16+s19+$0x0], $0xffff  }
0x1cc: {  	v30 =	vsub.f32 v30, v43;
	v24 =	vmul.f32 v24, v26;
	v37 =	vld.idx.msk [tilespmem:v15+s19+$0x0], $0xffff  }
0x1cd: {  	v29 =	vsub.f32 v29, v25;
	v28 =	vsub.f32 v28, v23;
	v39 =	vld.idx.msk [tilespmem:v16+s24+$0x0], $0xffff  }
0x1ce: {  	v36 =	vadd.f32 v36, v31;
	v30 =	vmul.f32 v30, v8;
	v24 =	vadd.f32 v24, v33;
	v33 =	vld.idx.msk [tilespmem:v15+s24+$0x0], $0xffff  }
0x1cf: {  	v31 =	vmul.f32 v29, v8;
	v41 =	vsub.f32 v41, v40;
	v42 =	vmul.f32 v28, v20;
	v29 =	vld.idx.msk [tilespmem:v9+s6+$0x0], $0xffff  }
0x1d0: {  	v43 =	vadd.f32 v30, v43;
	[tilespmem:s12+$0xFFFFF710] =	vst v24;
	v24 =	vsub.f32 v32, v38;
	v28 =	vld.idx.msk [tilespmem:v10+s6+$0x0], $0xffff  }
0x1d1: {  	v25 =	vadd.f32 v31, v25;
	v31 =	vmul.f32 v41, v0;
	v44 =	vld.idx.msk [tilespmem:v12+s16+$0x0], $0xffff;
	v23 =	vadd.f32 v42, v23  }
0x1d2: {  	v32 =	vsub.f32 v35, v36;
	v30 =	vld.idx.msk [tilespmem:v11+s16+$0x0], $0xffff;
	v24 =	vmul.f32 v24, v0  }
0x1d3: {  	v35 =	vsub.f32 v43, v25;
	v41 =	vld.idx.msk [tilespmem:v12+s17+$0x0], $0xffff;
	[tilespmem:s12+$0xFFFFF720] =	vst v23;
	v23 =	vadd.f32 v31, v40  }
0x1d4: {  	v39 =	vsub.f32 v39, v34;
	v32 =	vmul.f32 v32, v18;
	v33 =	vsub.f32 v33, v37;
	v40 =	vld.idx.msk [tilespmem:v11+s17+$0x0], $0xffff  }
0x1d5: {  	v18 =	vmov v27;
	v35 =	vmul.f32 v35, v27;
	v24 =	vadd.f32 v24, v38;
	v31 =	vld.idx.msk [tilespmem:v22+s16+$0x0], $0xffff  }
0x1d6: {  	v38 =	vmul.f32 v39, v3;
	v32 =	vadd.f32 v32, v36;
	v33 =	vmul.f32 v33, v3;
	v27 =	vld.idx.msk [tilespmem:v21+s16+$0x0], $0xffff  }
0x1d7: {  	v25 =	vadd.f32 v35, v25;
	v23 =	vsub.f32 v23, v24;
	v36 =	vld.idx.msk [tilespmem:v22+s17+$0x0], $0xffff  }
0x1d8: {  	v34 =	vadd.f32 v38, v34;
	v33 =	vadd.f32 v33, v37;
	v39 =	vld.idx.msk [tilespmem:v21+s17+$0x0], $0xffff;
	[tilespmem:s25+$0x1B00] =	vst v32  }
0x1d9: {  	v35 =	vmul.f32 v23, v19;
	[tilespmem:s12+$0x0] =	vst v25;
	v25 =	vsub.f32 v41, v44;
	v23 =	vld.idx.msk [tilespmem:v9+s7+$0x0], $0xffff;
	v9 =	vmov v22  }
.Ltmp0:
0x1da: {  	v19 =	vmov v26;
	v22 =	vsub.f32 v40, v30;
	v34 =	vsub.f32 v34, v33;
	v32 =	vld.idx.msk [tilespmem:v17+s19+$0x0], $0xffff;
	(pc) =	sbr.rel @p1 .LBB2_3-.Ltmp0, $4  }
0x1db: {  	v38 =	vadd.f32 v35, v24;
	v26 =	vld.idx.msk [tilespmem:v13+s19+$0x0], $0xffff;
	v37 =	vmul.f32 v25, v8  }
0x1dc: {  	v35 =	vmul.f32 v22, v8;
	v22 =	vmul.f32 v34, v14;
	v24 =	vld.idx.msk [tilespmem:v17+s24+$0x0], $0xffff  }
0x1dd: {  	v36 =	vsub.f32 v36, v31;
	v25 =	vld.idx.msk [tilespmem:v13+s24+$0x0], $0xffff;
	v34 =	vadd.f32 v37, v44;
	[tilespmem:s25+$0x1B10] =	vst v38  }
0x1de: {  	s3 =	sadd.s32 $0x40, s3;
	v37 =	vsub.f32 v39, v27;
	v33 =	vadd.f32 v22, v33;
	v22 =	vld.idx.msk [tilespmem:v10+s7+$0x0], $0xffff;
	v10 =	vmov v21  }
0x1df: {  	v4 =	vadd.f32 v35, v30;
	_ =	sdelay $0x1  }
0x1e0: {  	v5 =	vsub.f32 v34, v4  }
0x1e1: {  	v6 =	vmul.f32 v36, v8;
	v7 =	vmul.f32 v37, v8  }
0x1e2: {  	v5 =	vmul.f32 v5, v19  }
0x1e3: {  	v6 =	vadd.f32 v6, v31;
	v7 =	vadd.f32 v7, v27  }
0x1e4: {  	v4 =	vadd.f32 v5, v4  }
0x1e5: {  	v5 =	vsub.f32 v6, v7  }
0x1e6: {  	[tilespmem:s12+$0x10] =	vst v4  }
0x1e7: {  	v4 =	vmul.f32 v5, v20;
	v5 =	vld.idx.msk [tilespmem:v12+s19+$0x0], $0xffff  }
0x1e8: {  	v8 =	vsub.f32 v25, v26;
	v6 =	vsub.f32 v24, v32;
	v21 =	vld.idx.msk [tilespmem:v11+s19+$0x0], $0xffff  }
0x1e9: {  	v24 =	vld.idx.msk [tilespmem:v11+s24+$0x0], $0xffff;
	v4 =	vadd.f32 v4, v7  }
0x1ea: {  	v8 =	vmul.f32 v8, v3;
	v6 =	vmul.f32 v6, v3;
	v7 =	vld.idx.msk [tilespmem:v12+s24+$0x0], $0xffff  }
0x1eb: {  	[tilespmem:s12+$0x20] =	vst v4  }
0x1ec: {  	v4 =	vadd.f32 v6, v32;
	v6 =	vadd.f32 v8, v26;
	v8 =	vld.idx.msk [tilespmem:v9+s19+$0x0], $0xffff  }
0x1ed: {  	v25 =	vld.idx.msk [tilespmem:v10+s19+$0x0], $0xffff  }
0x1ee: {  	v26 =	vld.idx.msk [tilespmem:v9+s24+$0x0], $0xffff;
	v4 =	vsub.f32 v4, v6  }
0x1ef: {  	v27 =	vld.idx.msk [tilespmem:v10+s24+$0x0], $0xffff;
	v24 =	vsub.f32 v24, v21;
	v7 =	vsub.f32 v7, v5  }
0x1f0: {  	v4 =	vmul.f32 v4, v18  }
0x1f1: {  	[tilespmem:s12+$0x930] =	vst v33;
	v24 =	vmul.f32 v24, v3;
	v7 =	vmul.f32 v7, v3  }
0x1f2: {  	v30 =	vld.idx.msk [tilespmem:v16+s18+$0x0], $0xffff;
	v4 =	vadd.f32 v4, v6  }
0x1f3: {  	v6 =	vld.idx.msk [tilespmem:v15+s18+$0x0], $0xffff;
	v5 =	vadd.f32 v7, v5;
	v7 =	vadd.f32 v24, v21  }
0x1f4: {  	v21 =	vld.idx.msk [tilespmem:v16+s5+$0x0], $0xffff;
	v24 =	vsub.f32 v26, v8;
	v26 =	vsub.f32 v27, v25  }
0x1f5: {  	v27 =	vld.idx.msk [tilespmem:v15+s5+$0x0], $0xffff;
	v5 =	vsub.f32 v5, v7  }
0x1f6: {  	[tilespmem:s12+$0x900] =	vst v4;
	v4 =	vmul.f32 v24, v3;
	v3 =	vmul.f32 v26, v3  }
0x1f7: {  	v24 =	vld.idx.msk [tilespmem:v17+s18+$0x0], $0xffff;
	v5 =	vmul.f32 v5, v19  }
0x1f8: {  	v26 =	vld.idx.msk [tilespmem:v13+s5+$0x0], $0xffff;
	v4 =	vadd.f32 v4, v8;
	v3 =	vadd.f32 v3, v25  }
0x1f9: {  	v8 =	vld.idx.msk [tilespmem:v13+s18+$0x0], $0xffff;
	v21 =	vsub.f32 v21, v30;
	v5 =	vadd.f32 v5, v7  }
0x1fa: {  	v25 =	vsub.f32 v27, v6;
	v7 =	vld.idx.msk [tilespmem:v17+s5+$0x0], $0xffff;
	v4 =	vsub.f32 v4, v3  }
0x1fb: {  	v21 =	vmul.f32 v21, v1;
	[tilespmem:s12+$0x910] =	vst v5  }
0x1fc: {  	v5 =	vmul.f32 v25, v1;
	v4 =	vmul.f32 v4, v20;
	v25 =	vld.idx.msk [tilespmem:v12+s18+$0x0], $0xffff  }
0x1fd: {  	v21 =	vadd.f32 v21, v30;
	v27 =	vld.idx.msk [tilespmem:v11+s18+$0x0], $0xffff  }
0x1fe: {  	v5 =	vadd.f32 v5, v6;
	v6 =	vld.idx.msk [tilespmem:v12+s5+$0x0], $0xffff;
	v3 =	vadd.f32 v4, v3  }
0x1ff: {  	v4 =	vsub.f32 v7, v24;
	v7 =	vsub.f32 v26, v8;
	v26 =	vld.idx.msk [tilespmem:v11+s5+$0x0], $0xffff  }
0x200: {  	[tilespmem:s12+$0x920] =	vst v3  }
0x201: {  	v3 =	vsub.f32 v21, v5;
	v4 =	vmul.f32 v4, v1;
	v7 =	vmul.f32 v7, v1;
	v21 =	vld.idx.msk [tilespmem:v9+s18+$0x0], $0xffff  }
0x202: {  	v30 =	vld.idx.msk [tilespmem:v10+s18+$0x0], $0xffff  }
0x203: {  	v3 =	vmul.f32 v3, v14;
	v4 =	vadd.f32 v4, v24;
	v7 =	vadd.f32 v7, v8;
	v8 =	vld.idx.msk [tilespmem:v9+s5+$0x0], $0xffff  }
0x204: {  	v6 =	vsub.f32 v6, v25;
	v24 =	vsub.f32 v26, v27;
	v26 =	vld.idx.msk [tilespmem:v10+s5+$0x0], $0xffff  }
0x205: {  	v3 =	vadd.f32 v3, v5  }
0x206: {  	v4 =	vsub.f32 v4, v7;
	v5 =	vmul.f32 v6, v1;
	v6 =	vmul.f32 v24, v1;
	_ =	sdelay $0x1  }
0x207: {  	[tilespmem:s12+$0x1230] =	vst v3;
	v3 =	vmul.f32 v4, v18;
	v4 =	vadd.f32 v5, v25;
	v5 =	vadd.f32 v6, v27  }
0x208: {  	v25 =	vld.idx.msk [tilespmem:v15+s6+$0x0], $0xffff;
	v8 =	vsub.f32 v8, v21;
	v24 =	vsub.f32 v26, v30  }
0x209: {  	v15 =	vld.idx.msk [tilespmem:v15+s7+$0x0], $0xffff;
	v3 =	vadd.f32 v3, v7  }
0x20a: {  	v6 =	vld.idx.msk [tilespmem:v16+s6+$0x0], $0xffff;
	v4 =	vsub.f32 v4, v5;
	v8 =	vmul.f32 v8, v1;
	v1 =	vmul.f32 v24, v1  }
0x20b: {  	v7 =	vld.idx.msk [tilespmem:v16+s7+$0x0], $0xffff  }
0x20c: {  	[tilespmem:s12+$0x1200] =	vst v3;
	v3 =	vmul.f32 v4, v19;
	v4 =	vadd.f32 v8, v21;
	v1 =	vadd.f32 v1, v30  }
0x20d: {  	v8 =	vld.idx.msk [tilespmem:v17+s6+$0x0], $0xffff  }
0x20e: {  	v16 =	vld.idx.msk [tilespmem:v17+s7+$0x0], $0xffff;
	v3 =	vadd.f32 v3, v5;
	v4 =	vsub.f32 v4, v1  }
0x20f: {  	v5 =	vld.idx.msk [tilespmem:v13+s6+$0x0], $0xffff  }
0x210: {  	[tilespmem:s12+$0x1210] =	vst v3;
	v3 =	vmul.f32 v4, v20;
	v4 =	vld.idx.msk [tilespmem:v13+s7+$0x0], $0xffff  }
0x211: {  	v17 =	vsub.f32 v22, v28;
	v13 =	vsub.f32 v23, v29;
	v21 =	vld.idx.msk [tilespmem:v12+s6+$0x0], $0xffff  }
0x212: {  	v12 =	vld.idx.msk [tilespmem:v12+s7+$0x0], $0xffff;
	v1 =	vadd.f32 v3, v1  }
0x213: {  	v17 =	vmul.f32 v17, v0;
	v3 =	vld.idx.msk [tilespmem:v11+s6+$0x0], $0xffff;
	v13 =	vmul.f32 v13, v0  }
0x214: {  	v15 =	vsub.f32 v15, v25;
	v7 =	vsub.f32 v7, v6;
	[tilespmem:s12+$0x1220] =	vst v1;
	v1 =	vld.idx.msk [tilespmem:v11+s7+$0x0], $0xffff  }
0x215: {  	v11 =	vadd.f32 v13, v29;
	v13 =	vadd.f32 v17, v28;
	v17 =	vld.idx.msk [tilespmem:v9+s6+$0x0], $0xffff  }
0x216: {  	v15 =	vmul.f32 v15, v0;
	v7 =	vmul.f32 v7, v0;
	v22 =	vld.idx.msk [tilespmem:v10+s6+$0x0], $0xffff  }
0x217: {  	v16 =	vsub.f32 v16, v8;
	v4 =	vsub.f32 v4, v5;
	v9 =	vld.idx.msk [tilespmem:v9+s7+$0x0], $0xffff  }
0x218: {  	v6 =	vadd.f32 v7, v6;
	v7 =	vadd.f32 v15, v25;
	v10 =	vld.idx.msk [tilespmem:v10+s7+$0x0], $0xffff  }
0x219: {  	v16 =	vmul.f32 v16, v0;
	v4 =	vmul.f32 v4, v0  }
0x21a: {  	v6 =	vsub.f32 v6, v7  }
0x21b: {  	v8 =	vadd.f32 v16, v8;
	v4 =	vadd.f32 v4, v5  }
0x21c: {  	v5 =	vsub.f32 v12, v21;
	v1 =	vsub.f32 v1, v3  }
0x21d: {  	v9 =	vsub.f32 v9, v17;
	v10 =	vsub.f32 v10, v22  }
0x21e: {  	v11 =	vsub.f32 v11, v13;
	v5 =	vmul.f32 v5, v0;
	v1 =	vmul.f32 v1, v0  }
0x21f: {  	v8 =	vsub.f32 v8, v4;
	v9 =	vmul.f32 v9, v0;
	v0 =	vmul.f32 v10, v0  }
0x220: {  	v2 =	vmul.f32 v11, v2;
	v5 =	vadd.f32 v5, v21;
	v1 =	vadd.f32 v1, v3  }
0x221: {  	v3 =	vadd.f32 v9, v17;
	v0 =	vadd.f32 v0, v22  }
0x222: {  	v6 =	vmul.f32 v6, v14;
	v2 =	vadd.f32 v2, v13;
	v5 =	vsub.f32 v5, v1  }
0x223: {  	v8 =	vmul.f32 v8, v18;
	v3 =	vsub.f32 v3, v0  }
0x224: {  	v6 =	vadd.f32 v6, v7;
	[tilespmem:s25+$0x1B20] =	vst v2;
	v5 =	vmul.f32 v5, v19  }
0x225: {  	[dreg:$0xe] =	wrdreg s20;
	v2 =	vadd.f32 v8, v4;
	v3 =	vmul.f32 v3, v20  }
0x226: {  	[tilespmem:s12+$0x1B30] =	vst v6;
	v1 =	vadd.f32 v5, v1  }
0x227: {  	s3 =	sshll.u32 s20, $0x4;
	s9 =	rddreg [dreg:$0x3];
	[tilespmem:s12+$0x1B00] =	vst v2;
	v0 =	vadd.f32 v3, v0  }
0x228: {  	s9 =	sadd.s32 s9, s3;
	[tilespmem:s12+$0x1B10] =	vst v1  }
0x229: {  	s9 =	smul.u32 $0x120, s9;
	[tilespmem:s12+$0x1B20] =	vst v0  }
0x22a: {  	s12 =	rddreg [dreg:$0x7]  }
0x22b: {  	s8 =	simm.s32 $0x0;
	s15 =	simm.s32 $0x12F30;
	s9 =	sadd.s32 s12, s9  }
0x22c: {  	[hbm4b:s9+s8] =	stream.linear.scatter [tilespmem:s15], [sflag:$0x5], $0x4800, $0x38;
	[tilespmem:$0x1DA30] =	vst v63  }
0x22d: {  	s13 =	simm.s32 $0x8;
	s25 =	rddreg [dreg:$0x0];
	s20 =	sadd.s32 $0x10, s3  }
0x22e: {  	[tilespmem:s2], [sflag:$0x1] =	stream.indirect.gather [hbm4b:s25+s13], $0x900, s20, s13, $0xb8;
	[tilespmem:$0x1DA30] =	vst v63  }
0x22f: {  	s10 =	simm.s32 $0x2;
	s8 =	sadd.s32 $0xE8, s3  }
0x230: {  	[tilespmem:s4], [sflag:$0x3] =	stream.indirect.gather [hbm4b:s25+s13], $0x900, s8, s13, $0xb8;
	[tilespmem:$0x1DA30] =	vst v63  }
0x231: {  	_ =	swait.ge [sflag:s10], $0x4800  }
0x232: {  	[sflag:s10] =	ssyncset.done $0x0  }
0x233: {  	s11 =	simm.s32 $0x4;
	[sflag:s10] =	ssyncadd.s32 $0xFFFFB800  }
0x234: {  	_ =	swait.ge [sflag:s11], $0x4800  }
0x235: {  	[sflag:s11] =	ssyncset.done $0x0  }
0x236: {  	s9 =	simm.s32 @!p0 $0x6;
	[sflag:s11] =	ssyncadd.s32 $0xFFFFB800  }
0x237: {  	_ =	swait.ge @!p0 [sflag:s9], $0x4800  }
0x238: {  	[sflag:s9] =	ssyncset.done @!p0 $0x0  }
0x239: {  	s25 =	simm.s32 $0x0;
	[sflag:s9] =	ssyncadd.s32 @!p0 $0xFFFFB800  }
0x23a: {  	v19 =	vld [tilespmem:s25+$0x1BF60]  }
0x23b: {  	s12 =	sor.u32 $0x8, s3;
	v18 =	vld [tilespmem:s25+$0x1C860]  }
0x23c: {  	s3 =	sshll.u32 s12, $0x4  }
0x23d: {  	s3 =	sand.u32 $0x3FFFFFF0, s3  }
0x23e: {  	v5 =	vld [tilespmem:s3+$0x1B0]  }
0x23f: {  	v6 =	vld [tilespmem:s21+$0x240]  }
0x240: {  	v7 =	vld [tilespmem:s21+$0x250]  }
0x241: {  	s15 =	simm.s32 $0x5730;
	[dreg:$0x10] =	wrdreg s12;
	v9 =	vld [tilespmem:s21+$0x260]  }
0x242: {  	v2 =	vld.idx.msk [tilespmem:v19+s15+$0x0], $0xffff  }
0x243: {  	v3 =	vld.idx.msk [tilespmem:v18+s15+$0x0], $0xffff  }
0x244: {  	v0 =	vld.idx.msk [tilespmem:v19+s26+$0x0], $0xffff  }
0x245: {  	v10 =	vld.idx.msk [tilespmem:v18+s26+$0x0], $0xffff  }
0x246: {  	v8 =	vld [tilespmem:s21+$0x270]  }
0x247: {  	v4 =	vld [tilespmem:s21+$0x280]  }
0x248: {  	v28 =	vld [tilespmem:s25+$0x1C830]  }
0x249: {  	v29 =	vld [tilespmem:s25+$0x1BF30]  }
0x24a: {  	v1 =	vld [tilespmem:s21+$0x290];
	v11 =	vsub.f32 v0, v2;
	v10 =	vsub.f32 v10, v3  }
0x24b: {  	v26 =	vld [tilespmem:s25+$0x1BF40]  }
0x24c: {  	v27 =	vld [tilespmem:s25+$0x1C840];
	v11 =	vmul.f32 v11, v5;
	v10 =	vmul.f32 v10, v5  }
0x24d: {  	v25 =	vld [tilespmem:s25+$0x1D160]  }
0x24e: {  	v22 =	vld [tilespmem:s25+$0x1BF50];
	v2 =	vadd.f32 v11, v2;
	v10 =	vadd.f32 v10, v3  }
0x24f: {  	v23 =	vld [tilespmem:s25+$0x1D130]  }
0x250: {  	v12 =	vld.idx.msk [tilespmem:v28+s15+$0x0], $0xffff;
	v2 =	vsub.f32 v2, v10  }
0x251: {  	v13 =	vld.idx.msk [tilespmem:v29+s26+$0x0], $0xffff  }
0x252: {  	v14 =	vld.idx.msk [tilespmem:v28+s26+$0x0], $0xffff;
	v2 =	vmul.f32 v2, v25  }
0x253: {  	v11 =	vld.idx.msk [tilespmem:v29+s15+$0x0], $0xffff  }
0x254: {  	v15 =	vld.idx.msk [tilespmem:v27+s15+$0x0], $0xffff;
	v2 =	vadd.f32 v2, v10  }
0x255: {  	v0 =	vld [tilespmem:s21+$0x2A0]  }
0x256: {  	v3 =	vld [tilespmem:s25+$0x1C850];
	[tilespmem:s25+$0x17760] =	vst v2  }
0x257: {  	v2 =	vld.idx.msk [tilespmem:v19+s28+$0x0], $0xffff  }
0x258: {  	s10 =	simm.s32 $0xF030;
	v14 =	vsub.f32 v14, v12;
	v13 =	vsub.f32 v13, v11;
	v16 =	vld.idx.msk [tilespmem:v18+s28+$0x0], $0xffff  }
0x259: {  	v17 =	vld.idx.msk [tilespmem:v19+s10+$0x0], $0xffff  }
0x25a: {  	v14 =	vmul.f32 v14, v5;
	v13 =	vmul.f32 v13, v5;
	v20 =	vld.idx.msk [tilespmem:v18+s10+$0x0], $0xffff  }
0x25b: {  	v21 =	vld.idx.msk [tilespmem:v26+s26+$0x0], $0xffff  }
0x25c: {  	v12 =	vadd.f32 v14, v12;
	v10 =	vld.idx.msk [tilespmem:v26+s15+$0x0], $0xffff;
	v11 =	vadd.f32 v13, v11  }
0x25d: {  	v13 =	vld.idx.msk [tilespmem:v27+s26+$0x0], $0xffff  }
0x25e: {  	v11 =	vsub.f32 v11, v12  }
0x25f: {  	v14 =	vsub.f32 v17, v2;
	v17 =	vsub.f32 v20, v16  }
0x260: {  	v31 =	vld.idx.msk [tilespmem:v22+s26+$0x0], $0xffff;
	v11 =	vmul.f32 v11, v23  }
0x261: {  	v30 =	vld.idx.msk [tilespmem:v3+s15+$0x0], $0xffff;
	v21 =	vsub.f32 v21, v10;
	v14 =	vmul.f32 v14, v6;
	v17 =	vmul.f32 v17, v6  }
0x262: {  	v20 =	vld.idx.msk [tilespmem:v22+s15+$0x0], $0xffff;
	v13 =	vsub.f32 v13, v15;
	v11 =	vadd.f32 v11, v12  }
0x263: {  	v12 =	vld.idx.msk [tilespmem:v3+s26+$0x0], $0xffff;
	v2 =	vadd.f32 v14, v2;
	v14 =	vadd.f32 v17, v16  }
0x264: {  	v24 =	vld [tilespmem:s25+$0x1D140];
	[tilespmem:s25+$0x17730] =	vst v11  }
0x265: {  	v13 =	vmul.f32 v13, v5;
	v11 =	vmul.f32 v21, v5;
	v16 =	vld.idx.msk [tilespmem:v29+s28+$0x0], $0xffff;
	v2 =	vsub.f32 v2, v14  }
0x266: {  	v17 =	vld.idx.msk [tilespmem:v28+s28+$0x0], $0xffff  }
0x267: {  	v21 =	vld.idx.msk [tilespmem:v28+s10+$0x0], $0xffff;
	v10 =	vadd.f32 v11, v10;
	v11 =	vadd.f32 v13, v15;
	v2 =	vmul.f32 v2, v25  }
0x268: {  	v13 =	vld.idx.msk [tilespmem:v29+s10+$0x0], $0xffff;
	v15 =	vsub.f32 v31, v20;
	v12 =	vsub.f32 v12, v30  }
0x269: {  	v14 =	vadd.f32 v2, v14  }
0x26a: {  	v10 =	vsub.f32 v10, v11;
	v15 =	vmul.f32 v15, v5;
	v12 =	vmul.f32 v12, v5  }
0x26b: {  	s11 =	simm.s32 $0x6930;
	v2 =	vld [tilespmem:s25+$0x1D150];
	[tilespmem:s25+$0x18060] =	vst v14  }
0x26c: {  	v10 =	vmul.f32 v10, v24;
	v12 =	vadd.f32 v12, v30;
	v14 =	vadd.f32 v15, v20;
	v15 =	vld.idx.msk [tilespmem:v19+s11+$0x0], $0xffff  }
0x26d: {  	s4 =	simm.s32 $0xF930;
	v21 =	vsub.f32 v21, v17;
	v13 =	vsub.f32 v13, v16;
	v20 =	vld.idx.msk [tilespmem:v18+s11+$0x0], $0xffff  }
0x26e: {  	v10 =	vadd.f32 v10, v11;
	v30 =	vld.idx.msk [tilespmem:v18+s4+$0x0], $0xffff;
	v11 =	vsub.f32 v14, v12  }
0x26f: {  	v21 =	vmul.f32 v21, v6;
	v13 =	vmul.f32 v13, v6;
	v14 =	vld.idx.msk [tilespmem:v19+s4+$0x0], $0xffff  }
0x270: {  	[tilespmem:s25+$0x17740] =	vst v10;
	v10 =	vmul.f32 v11, v2  }
0x271: {  	v13 =	vadd.f32 v13, v16;
	v16 =	vadd.f32 v21, v17;
	v11 =	vld.idx.msk [tilespmem:v26+s28+$0x0], $0xffff  }
0x272: {  	v10 =	vadd.f32 v10, v12;
	v12 =	vld.idx.msk [tilespmem:v26+s10+$0x0], $0xffff  }
0x273: {  	v17 =	vld.idx.msk [tilespmem:v27+s28+$0x0], $0xffff;
	v13 =	vsub.f32 v13, v16  }
0x274: {  	v21 =	vsub.f32 v30, v20;
	v14 =	vsub.f32 v14, v15;
	[tilespmem:s25+$0x17750] =	vst v10;
	v10 =	vld.idx.msk [tilespmem:v27+s10+$0x0], $0xffff  }
0x275: {  	v13 =	vmul.f32 v13, v23;
	v30 =	vld.idx.msk [tilespmem:v22+s28+$0x0], $0xffff  }
0x276: {  	v21 =	vmul.f32 v21, v7;
	v31 =	vld.idx.msk [tilespmem:v3+s28+$0x0], $0xffff;
	v14 =	vmul.f32 v14, v7  }
0x277: {  	v13 =	vadd.f32 v13, v16;
	v16 =	vld.idx.msk [tilespmem:v3+s10+$0x0], $0xffff;
	v12 =	vsub.f32 v12, v11  }
0x278: {  	v55 =	vld.idx.msk [tilespmem:v22+s10+$0x0], $0xffff;
	v14 =	vadd.f32 v14, v15;
	v15 =	vadd.f32 v21, v20  }
0x279: {  	[tilespmem:s25+$0x18030] =	vst v13;
	v10 =	vsub.f32 v10, v17  }
0x27a: {  	v13 =	vld.idx.msk [tilespmem:v29+s11+$0x0], $0xffff;
	v12 =	vmul.f32 v12, v6;
	v14 =	vsub.f32 v14, v15  }
0x27b: {  	v20 =	vld.idx.msk [tilespmem:v28+s11+$0x0], $0xffff;
	v10 =	vmul.f32 v10, v6  }
0x27c: {  	v21 =	vld.idx.msk [tilespmem:v29+s4+$0x0], $0xffff;
	v16 =	vsub.f32 v16, v31;
	v11 =	vadd.f32 v12, v11;
	v14 =	vmul.f32 v14, v25  }
0x27d: {  	v12 =	vsub.f32 v55, v30;
	v10 =	vadd.f32 v10, v17;
	v17 =	vld.idx.msk [tilespmem:v28+s4+$0x0], $0xffff  }
0x27e: {  	v14 =	vadd.f32 v14, v15  }
0x27f: {  	v12 =	vmul.f32 v12, v6;
	v15 =	vmul.f32 v16, v6;
	v11 =	vsub.f32 v11, v10  }
0x280: {  	s8 =	simm.s32 $0x7230;
	[tilespmem:s25+$0x18960] =	vst v14  }
0x281: {  	v12 =	vadd.f32 v12, v30;
	v14 =	vadd.f32 v15, v31;
	v15 =	vld.idx.msk [tilespmem:v19+s8+$0x0], $0xffff;
	v11 =	vmul.f32 v11, v24  }
0x282: {  	s2 =	simm.s32 $0x10230;
	v16 =	vsub.f32 v21, v13;
	v21 =	vld.idx.msk [tilespmem:v18+s8+$0x0], $0xffff;
	v17 =	vsub.f32 v17, v20  }
0x283: {  	v30 =	vld.idx.msk [tilespmem:v18+s2+$0x0], $0xffff;
	v12 =	vsub.f32 v12, v14;
	v10 =	vadd.f32 v11, v10  }
0x284: {  	v16 =	vmul.f32 v16, v7;
	v11 =	vld.idx.msk [tilespmem:v19+s2+$0x0], $0xffff;
	v17 =	vmul.f32 v17, v7  }
0x285: {  	v12 =	vmul.f32 v12, v2;
	[tilespmem:s25+$0x18040] =	vst v10  }
0x286: {  	v13 =	vadd.f32 v16, v13;
	v10 =	vld.idx.msk [tilespmem:v26+s11+$0x0], $0xffff;
	v16 =	vadd.f32 v17, v20  }
0x287: {  	v12 =	vadd.f32 v12, v14;
	v14 =	vld.idx.msk [tilespmem:v26+s4+$0x0], $0xffff  }
0x288: {  	v17 =	vld.idx.msk [tilespmem:v27+s11+$0x0], $0xffff;
	v13 =	vsub.f32 v13, v16  }
0x289: {  	v20 =	vsub.f32 v30, v21;
	[tilespmem:s25+$0x18050] =	vst v12;
	v12 =	vld.idx.msk [tilespmem:v27+s4+$0x0], $0xffff;
	v11 =	vsub.f32 v11, v15  }
0x28a: {  	v30 =	vld.idx.msk [tilespmem:v22+s11+$0x0], $0xffff;
	v13 =	vmul.f32 v13, v23  }
0x28b: {  	v31 =	vld.idx.msk [tilespmem:v3+s11+$0x0], $0xffff;
	v20 =	vmul.f32 v20, v9;
	v11 =	vmul.f32 v11, v9  }
0x28c: {  	v56 =	vld.idx.msk [tilespmem:v22+s4+$0x0], $0xffff;
	v14 =	vsub.f32 v14, v10;
	v13 =	vadd.f32 v13, v16  }
0x28d: {  	v16 =	vld.idx.msk [tilespmem:v3+s4+$0x0], $0xffff;
	v11 =	vadd.f32 v11, v15;
	v15 =	vadd.f32 v20, v21  }
0x28e: {  	v12 =	vsub.f32 v12, v17;
	[tilespmem:s25+$0x18930] =	vst v13  }
0x28f: {  	v13 =	vmul.f32 v14, v7;
	v11 =	vsub.f32 v11, v15;
	v14 =	vld.idx.msk [tilespmem:v29+s8+$0x0], $0xffff  }
0x290: {  	v12 =	vmul.f32 v12, v7;
	v20 =	vld.idx.msk [tilespmem:v28+s8+$0x0], $0xffff  }
0x291: {  	v21 =	vld.idx.msk [tilespmem:v29+s2+$0x0], $0xffff;
	v10 =	vadd.f32 v13, v10;
	v13 =	vsub.f32 v56, v30;
	v11 =	vmul.f32 v11, v25  }
0x292: {  	v57 =	vld.idx.msk [tilespmem:v28+s2+$0x0], $0xffff;
	v12 =	vadd.f32 v12, v17;
	v16 =	vsub.f32 v16, v31  }
0x293: {  	v11 =	vadd.f32 v11, v15  }
0x294: {  	v13 =	vmul.f32 v13, v7;
	v10 =	vsub.f32 v10, v12;
	v15 =	vmul.f32 v16, v7  }
0x295: {  	s20 =	simm.s32 $0x7B30;
	[tilespmem:s25+$0x19260] =	vst v11  }
0x296: {  	v11 =	vadd.f32 v13, v30;
	v10 =	vmul.f32 v10, v24;
	v13 =	vadd.f32 v15, v31;
	v15 =	vld.idx.msk [tilespmem:v19+s20+$0x0], $0xffff  }
0x297: {  	v16 =	vsub.f32 v21, v14;
	v21 =	vsub.f32 v57, v20;
	v17 =	vld.idx.msk [tilespmem:v18+s20+$0x0], $0xffff  }
0x298: {  	v30 =	vld.idx.msk [tilespmem:v18+s23+$0x0], $0xffff;
	v10 =	vadd.f32 v10, v12;
	v11 =	vsub.f32 v11, v13  }
0x299: {  	v12 =	vld.idx.msk [tilespmem:v19+s23+$0x0], $0xffff;
	v16 =	vmul.f32 v16, v9;
	v21 =	vmul.f32 v21, v9  }
0x29a: {  	[tilespmem:s25+$0x18940] =	vst v10;
	v11 =	vmul.f32 v11, v2  }
0x29b: {  	v10 =	vadd.f32 v16, v14;
	v16 =	vadd.f32 v21, v20;
	v14 =	vld.idx.msk [tilespmem:v26+s8+$0x0], $0xffff  }
0x29c: {  	v20 =	vld.idx.msk [tilespmem:v26+s2+$0x0], $0xffff;
	v11 =	vadd.f32 v11, v13  }
0x29d: {  	v10 =	vsub.f32 v10, v16;
	v13 =	vld.idx.msk [tilespmem:v27+s8+$0x0], $0xffff  }
0x29e: {  	v21 =	vsub.f32 v30, v17;
	v12 =	vsub.f32 v12, v15;
	[tilespmem:s25+$0x18950] =	vst v11;
	v11 =	vld.idx.msk [tilespmem:v27+s2+$0x0], $0xffff  }
0x29f: {  	v10 =	vmul.f32 v10, v23;
	v30 =	vld.idx.msk [tilespmem:v22+s8+$0x0], $0xffff  }
0x2a0: {  	v21 =	vmul.f32 v21, v8;
	v12 =	vmul.f32 v12, v8;
	v31 =	vld.idx.msk [tilespmem:v3+s8+$0x0], $0xffff  }
0x2a1: {  	v58 =	vld.idx.msk [tilespmem:v22+s2+$0x0], $0xffff;
	v10 =	vadd.f32 v10, v16  }
0x2a2: {  	v16 =	vld.idx.msk [tilespmem:v3+s2+$0x0], $0xffff;
	v12 =	vadd.f32 v12, v15;
	v15 =	vadd.f32 v21, v17  }
0x2a3: {  	[tilespmem:s25+$0x19230] =	vst v10;
	v10 =	vsub.f32 v20, v14  }
0x2a4: {  	v17 =	vld.idx.msk [tilespmem:v29+s20+$0x0], $0xffff;
	v12 =	vsub.f32 v12, v15;
	v11 =	vsub.f32 v11, v13  }
0x2a5: {  	v21 =	vld.idx.msk [tilespmem:v29+s23+$0x0], $0xffff;
	v10 =	vmul.f32 v10, v9  }
0x2a6: {  	v20 =	vld.idx.msk [tilespmem:v28+s20+$0x0], $0xffff;
	v32 =	vsub.f32 v58, v30;
	v12 =	vmul.f32 v12, v25;
	v11 =	vmul.f32 v11, v9  }
0x2a7: {  	v59 =	vld.idx.msk [tilespmem:v28+s23+$0x0], $0xffff;
	v10 =	vadd.f32 v10, v14;
	v14 =	vsub.f32 v16, v31  }
0x2a8: {  	v12 =	vadd.f32 v12, v15;
	v11 =	vadd.f32 v11, v13  }
0x2a9: {  	v13 =	vmul.f32 v32, v9;
	v14 =	vmul.f32 v14, v9  }
0x2aa: {  	s13 =	simm.s32 $0x8430;
	v15 =	vsub.f32 v21, v17;
	[tilespmem:s25+$0x19B60] =	vst v12;
	v10 =	vsub.f32 v10, v11  }
0x2ab: {  	v12 =	vadd.f32 v13, v30;
	v13 =	vadd.f32 v14, v31;
	v14 =	vld.idx.msk [tilespmem:v19+s13+$0x0], $0xffff  }
0x2ac: {  	s21 =	simm.s32 $0x11430;
	v21 =	vsub.f32 v59, v20;
	v16 =	vld.idx.msk [tilespmem:v18+s13+$0x0], $0xffff;
	v10 =	vmul.f32 v10, v24  }
0x2ad: {  	v30 =	vld.idx.msk [tilespmem:v19+s21+$0x0], $0xffff;
	v15 =	vmul.f32 v15, v8  }
0x2ae: {  	v31 =	vld.idx.msk [tilespmem:v18+s21+$0x0], $0xffff;
	v21 =	vmul.f32 v21, v8;
	v12 =	vsub.f32 v12, v13;
	v10 =	vadd.f32 v10, v11  }
0x2af: {  	s12 =	simm.s32 $0x40  }
0x2b0: {  	v11 =	vmul.f32 v12, v2;
	v12 =	vadd.f32 v15, v17;
	v15 =	vadd.f32 v21, v20;
	v17 =	vld [tilespmem:s12+$0x1BF60];
	[tilespmem:s25+$0x19240] =	vst v10  }
0x2b1: {  	v21 =	vld.idx.msk [tilespmem:v26+s20+$0x0], $0xffff  }
0x2b2: {  	v10 =	vadd.f32 v11, v13;
	v11 =	vsub.f32 v12, v15;
	v60 =	vld.idx.msk [tilespmem:v27+s20+$0x0], $0xffff  }
0x2b3: {  	v12 =	vsub.f32 v30, v14;
	v13 =	vsub.f32 v31, v16;
	v30 =	vld.idx.msk [tilespmem:v26+s23+$0x0], $0xffff  }
0x2b4: {  	v61 =	vld.idx.msk [tilespmem:v27+s23+$0x0], $0xffff  }
0x2b5: {  	[tilespmem:s25+$0x19250] =	vst v10;
	v10 =	vmul.f32 v12, v4;
	v12 =	vmul.f32 v13, v4;
	v13 =	vld [tilespmem:s12+$0x1C830]  }
0x2b6: {  	v62 =	vld.idx.msk [tilespmem:v22+s20+$0x0], $0xffff  }
0x2b7: {  	v38 =	vld.idx.msk [tilespmem:v3+s20+$0x0], $0xffff;
	v10 =	vadd.f32 v10, v14;
	v12 =	vadd.f32 v12, v16  }
0x2b8: {  	v39 =	vld.idx.msk [tilespmem:v22+s23+$0x0], $0xffff  }
0x2b9: {  	v11 =	vmul.f32 v11, v23;
	v40 =	vld.idx.msk [tilespmem:v3+s23+$0x0], $0xffff;
	v10 =	vsub.f32 v10, v12  }
0x2ba: {  	v16 =	vld [tilespmem:s12+$0x1C860]  }
0x2bb: {  	v11 =	vadd.f32 v11, v15;
	v14 =	vld [tilespmem:s12+$0x1BF30];
	v10 =	vmul.f32 v10, v25  }
0x2bc: {  	v63 =	vld.idx.msk [tilespmem:v17+s15+$0x0], $0xffff  }
0x2bd: {  	[tilespmem:s25+$0x19B30] =	vst v11;
	v44 =	vld.idx.msk [tilespmem:v17+s26+$0x0], $0xffff;
	v10 =	vadd.f32 v10, v12  }
0x2be: {  	v35 =	vld.idx.msk [tilespmem:v29+s13+$0x0], $0xffff  }
0x2bf: {  	v34 =	vld.idx.msk [tilespmem:v28+s13+$0x0], $0xffff;
	[tilespmem:s25+$0x1A460] =	vst v10  }
0x2c0: {  	v15 =	vld.idx.msk [tilespmem:v19+s22+$0x0], $0xffff  }
0x2c1: {  	v31 =	vld.idx.msk [tilespmem:v18+s22+$0x0], $0xffff  }
0x2c2: {  	v11 =	vld.idx.msk [tilespmem:v19+s29+$0x0], $0xffff  }
0x2c3: {  	v20 =	vld.idx.msk [tilespmem:v18+s29+$0x0], $0xffff  }
0x2c4: {  	v12 =	vld [tilespmem:s12+$0x1BF40]  }
0x2c5: {  	v41 =	vld.idx.msk [tilespmem:v29+s21+$0x0], $0xffff  }
0x2c6: {  	v42 =	vld.idx.msk [tilespmem:v28+s21+$0x0], $0xffff  }
0x2c7: {  	v49 =	vld.idx.msk [tilespmem:v13+s26+$0x0], $0xffff  }
0x2c8: {  	v10 =	vld [tilespmem:s12+$0x1C840];
	v11 =	vsub.f32 v11, v15;
	v20 =	vsub.f32 v20, v31  }
0x2c9: {  	v43 =	vld.idx.msk [tilespmem:v16+s15+$0x0], $0xffff  }
0x2ca: {  	v45 =	vld.idx.msk [tilespmem:v16+s26+$0x0], $0xffff;
	v46 =	vmul.f32 v11, v1;
	v47 =	vmul.f32 v20, v1  }
0x2cb: {  	v48 =	vld.idx.msk [tilespmem:v14+s26+$0x0], $0xffff  }
0x2cc: {  	v50 =	vld.idx.msk [tilespmem:v12+s15+$0x0], $0xffff;
	v15 =	vadd.f32 v46, v15;
	v31 =	vadd.f32 v47, v31  }
0x2cd: {  	v52 =	vld.idx.msk [tilespmem:v12+s26+$0x0], $0xffff  }
0x2ce: {  	v11 =	vld [tilespmem:s12+$0x1BF50];
	v15 =	vsub.f32 v15, v31  }
0x2cf: {  	v20 =	vld [tilespmem:s12+$0x1C850]  }
0x2d0: {  	v44 =	vsub.f32 v44, v63;
	v45 =	vsub.f32 v45, v43;
	v51 =	vld.idx.msk [tilespmem:v10+s15+$0x0], $0xffff;
	v15 =	vmul.f32 v15, v25  }
0x2d1: {  	v57 =	vld.idx.msk [tilespmem:v10+s26+$0x0], $0xffff  }
0x2d2: {  	v44 =	vmul.f32 v44, v5;
	v45 =	vmul.f32 v45, v5;
	v46 =	vld.idx.msk [tilespmem:v14+s15+$0x0], $0xffff;
	v31 =	vadd.f32 v15, v31  }
0x2d3: {  	v30 =	vsub.f32 v30, v21;
	v15 =	vld [tilespmem:s12+$0x1D160]  }
0x2d4: {  	v33 =	vadd.f32 v44, v63;
	v43 =	vadd.f32 v45, v43;
	v47 =	vld.idx.msk [tilespmem:v13+s15+$0x0], $0xffff;
	[tilespmem:s25+$0x1AD60] =	vst v31  }
0x2d5: {  	v32 =	vsub.f32 v61, v60;
	v31 =	vld.idx.msk [tilespmem:v19+s30+$0x0], $0xffff  }
0x2d6: {  	v54 =	vmul.f32 v30, v8;
	v45 =	vsub.f32 v33, v43;
	v30 =	vld.idx.msk [tilespmem:v18+s30+$0x0], $0xffff  }
0x2d7: {  	v56 =	vsub.f32 v40, v38;
	v33 =	vld.idx.msk [tilespmem:v19+s31+$0x0], $0xffff;
	v19 =	vmul.f32 v32, v8  }
0x2d8: {  	v21 =	vadd.f32 v54, v21;
	v32 =	vld.idx.msk [tilespmem:v18+s31+$0x0], $0xffff;
	v18 =	vsub.f32 v39, v62;
	v55 =	vmul.f32 v45, v15  }
0x2d9: {  	v41 =	vsub.f32 v41, v35;
	v36 =	vld.idx.msk [tilespmem:v11+s15+$0x0], $0xffff;
	v19 =	vadd.f32 v19, v60  }
0x2da: {  	v44 =	vld.idx.msk [tilespmem:v20+s15+$0x0], $0xffff;
	v39 =	vmul.f32 v56, v8;
	v18 =	vmul.f32 v18, v8;
	v43 =	vadd.f32 v55, v43  }
0x2db: {  	v52 =	vsub.f32 v52, v50;
	v53 =	vld.idx.msk [tilespmem:v20+s26+$0x0], $0xffff;
	v21 =	vsub.f32 v21, v19  }
0x2dc: {  	v45 =	vld.idx.msk [tilespmem:v11+s26+$0x0], $0xffff;
	v58 =	vadd.f32 v39, v38;
	v18 =	vadd.f32 v18, v62;
	[tilespmem:s12+$0x17760] =	vst v43  }
0x2dd: {  	v59 =	vsub.f32 v48, v46;
	v60 =	vsub.f32 v49, v47;
	v21 =	vmul.f32 v21, v24;
	v38 =	vld.idx.msk [tilespmem:v17+s28+$0x0], $0xffff  }
0x2de: {  	v40 =	vsub.f32 v57, v51;
	v18 =	vsub.f32 v18, v58;
	v48 =	vld.idx.msk [tilespmem:v16+s28+$0x0], $0xffff  }
0x2df: {  	v62 =	vmul.f32 v60, v5;
	v61 =	vld.idx.msk [tilespmem:v17+s10+$0x0], $0xffff;
	v21 =	vadd.f32 v21, v19;
	v19 =	vmul.f32 v59, v5  }
0x2e0: {  	v42 =	vsub.f32 v42, v34;
	v40 =	vmul.f32 v40, v5;
	v54 =	vmul.f32 v18, v2;
	v18 =	vld [tilespmem:s12+$0x1D130]  }
0x2e1: {  	v57 =	vmul.f32 v52, v5;
	v39 =	vadd.f32 v62, v47;
	v63 =	vld.idx.msk [tilespmem:v16+s10+$0x0], $0xffff;
	v46 =	vadd.f32 v19, v46  }
0x2e2: {  	v40 =	vadd.f32 v40, v51;
	v53 =	vsub.f32 v53, v44  }
0x2e3: {  	v47 =	vadd.f32 v57, v50;
	v19 =	vld [tilespmem:s12+$0x1D140];
	v46 =	vsub.f32 v46, v39  }
0x2e4: {  	[tilespmem:s25+$0x19B40] =	vst v21;
	v37 =	vadd.f32 v54, v58;
	v21 =	vld [tilespmem:s12+$0x1D150];
	v58 =	vsub.f32 v45, v36  }
0x2e5: {  	v57 =	vmul.f32 v53, v5;
	v50 =	vld.idx.msk [tilespmem:v26+s13+$0x0], $0xffff;
	v49 =	vsub.f32 v61, v38;
	v59 =	vmul.f32 v46, v18  }
0x2e6: {  	v51 =	vld.idx.msk [tilespmem:v27+s13+$0x0], $0xffff;
	v43 =	vsub.f32 v63, v48;
	[tilespmem:s25+$0x19B50] =	vst v37;
	v37 =	vmul.f32 v58, v5  }
0x2e7: {  	v47 =	vsub.f32 v47, v40;
	v60 =	vld.idx.msk [tilespmem:v26+s21+$0x0], $0xffff;
	v49 =	vmul.f32 v49, v6;
	v39 =	vadd.f32 v59, v39  }
0x2e8: {  	v56 =	vld.idx.msk [tilespmem:v27+s21+$0x0], $0xffff;
	v61 =	vadd.f32 v57, v44;
	v43 =	vmul.f32 v43, v6;
	v36 =	vadd.f32 v37, v36  }
0x2e9: {  	v45 =	vld.idx.msk [tilespmem:v22+s13+$0x0], $0xffff;
	v47 =	vmul.f32 v47, v19;
	v38 =	vadd.f32 v49, v38;
	[tilespmem:s12+$0x17730] =	vst v39  }
0x2ea: {  	v41 =	vmul.f32 v41, v4;
	v43 =	vadd.f32 v43, v48;
	v36 =	vsub.f32 v36, v61;
	v58 =	vld.idx.msk [tilespmem:v14+s28+$0x0], $0xffff  }
0x2eb: {  	v42 =	vmul.f32 v42, v4;
	v40 =	vadd.f32 v47, v40;
	v59 =	vld.idx.msk [tilespmem:v13+s28+$0x0], $0xffff  }
0x2ec: {  	v35 =	vadd.f32 v41, v35;
	v38 =	vsub.f32 v38, v43;
	v36 =	vmul.f32 v36, v21;
	v62 =	vld.idx.msk [tilespmem:v14+s10+$0x0], $0xffff  }
0x2ed: {  	v34 =	vadd.f32 v42, v34;
	v55 =	vsub.f32 v56, v51;
	[tilespmem:s12+$0x17740] =	vst v40;
	v63 =	vld.idx.msk [tilespmem:v13+s10+$0x0], $0xffff  }
0x2ee: {  	v38 =	vmul.f32 v38, v15;
	v41 =	vld.idx.msk [tilespmem:v12+s28+$0x0], $0xffff;
	v36 =	vadd.f32 v36, v61  }
0x2ef: {  	v35 =	vsub.f32 v35, v34;
	v54 =	vsub.f32 v60, v50;
	v46 =	vmul.f32 v55, v4;
	v56 =	vld.idx.msk [tilespmem:v12+s10+$0x0], $0xffff  }
0x2f0: {  	v38 =	vadd.f32 v38, v43;
	v43 =	vld.idx.msk [tilespmem:v10+s28+$0x0], $0xffff;
	[tilespmem:s12+$0x17750] =	vst v36  }
0x2f1: {  	v35 =	vmul.f32 v35, v23;
	v42 =	vmul.f32 v54, v4;
	v46 =	vadd.f32 v46, v51;
	v51 =	vld.idx.msk [tilespmem:v11+s28+$0x0], $0xffff  }
0x2f2: {  	v47 =	vld.idx.msk [tilespmem:v20+s28+$0x0], $0xffff  }
0x2f3: {  	v34 =	vadd.f32 v35, v34;
	v42 =	vadd.f32 v42, v50;
	v35 =	vld.idx.msk [tilespmem:v11+s10+$0x0], $0xffff  }
0x2f4: {  	v57 =	vld.idx.msk [tilespmem:v20+s10+$0x0], $0xffff;
	[tilespmem:s12+$0x18060] =	vst v38  }
0x2f5: {  	v42 =	vsub.f32 v42, v46;
	v38 =	vld.idx.msk [tilespmem:v17+s11+$0x0], $0xffff  }
0x2f6: {  	v44 =	vsub.f32 v62, v58;
	v40 =	vsub.f32 v63, v59;
	v37 =	vld.idx.msk [tilespmem:v16+s11+$0x0], $0xffff  }
0x2f7: {  	v42 =	vmul.f32 v42, v24;
	v60 =	vld.idx.msk [tilespmem:v17+s4+$0x0], $0xffff  }
0x2f8: {  	v33 =	vsub.f32 v33, v31;
	v61 =	vld.idx.msk [tilespmem:v16+s4+$0x0], $0xffff;
	v62 =	vmul.f32 v44, v6;
	v40 =	vmul.f32 v40, v6  }
0x2f9: {  	v63 =	vld.idx.msk [tilespmem:v10+s10+$0x0], $0xffff;
	v49 =	vsub.f32 v56, v41;
	v42 =	vadd.f32 v42, v46  }
0x2fa: {  	v48 =	vld.idx.msk [tilespmem:v3+s13+$0x0], $0xffff;
	v36 =	vadd.f32 v62, v58;
	v40 =	vadd.f32 v40, v59  }
0x2fb: {  	[tilespmem:s25+$0x1A430] =	vst v34;
	v39 =	vld.idx.msk [tilespmem:v22+s21+$0x0], $0xffff;
	v35 =	vsub.f32 v35, v51;
	v55 =	vsub.f32 v57, v47  }
0x2fc: {  	v54 =	vld.idx.msk [tilespmem:v28+s22+$0x0], $0xffff;
	v36 =	vsub.f32 v36, v40;
	v58 =	vsub.f32 v60, v38  }
0x2fd: {  	v46 =	vld.idx.msk [tilespmem:v29+s22+$0x0], $0xffff;
	v50 =	vsub.f32 v61, v37;
	v35 =	vmul.f32 v35, v6;
	v56 =	vmul.f32 v55, v6  }
0x2fe: {  	v59 =	vld.idx.msk [tilespmem:v3+s21+$0x0], $0xffff;
	v60 =	vsub.f32 v63, v43;
	v36 =	vmul.f32 v36, v18;
	v34 =	vmul.f32 v58, v7  }
0x2ff: {  	v61 =	vld.idx.msk [tilespmem:v29+s29+$0x0], $0xffff;
	v50 =	vmul.f32 v50, v7;
	v35 =	vadd.f32 v35, v51;
	v44 =	vadd.f32 v56, v47  }
0x300: {  	[tilespmem:s25+$0x1A440] =	vst v42;
	v63 =	vld.idx.msk [tilespmem:v28+s29+$0x0], $0xffff;
	v36 =	vadd.f32 v36, v40;
	v34 =	vadd.f32 v34, v38  }
0x301: {  	v47 =	vld.idx.msk [tilespmem:v26+s29+$0x0], $0xffff;
	v37 =	vadd.f32 v50, v37;
	v35 =	vsub.f32 v35, v44  }
0x302: {  	v39 =	vsub.f32 v39, v45;
	v42 =	vmul.f32 v60, v6;
	[tilespmem:s12+$0x18030] =	vst v36;
	v36 =	vld.idx.msk [tilespmem:v26+s22+$0x0], $0xffff  }
0x303: {  	v62 =	vmul.f32 v49, v6;
	v34 =	vsub.f32 v34, v37;
	v35 =	vmul.f32 v35, v21;
	v50 =	vld.idx.msk [tilespmem:v14+s11+$0x0], $0xffff  }
0x304: {  	v39 =	vmul.f32 v39, v4;
	v57 =	vsub.f32 v59, v48;
	v42 =	vadd.f32 v42, v43;
	v43 =	vld.idx.msk [tilespmem:v13+s11+$0x0], $0xffff  }
0x305: {  	v41 =	vadd.f32 v62, v41;
	v58 =	vld.idx.msk [tilespmem:v14+s4+$0x0], $0xffff;
	v34 =	vmul.f32 v34, v15;
	v35 =	vadd.f32 v35, v44  }
0x306: {  	v39 =	vadd.f32 v39, v45;
	v60 =	vmul.f32 v57, v4;
	v40 =	vsub.f32 v61, v46;
	v59 =	vld.idx.msk [tilespmem:v13+s4+$0x0], $0xffff  }
0x307: {  	v41 =	vsub.f32 v41, v42;
	v34 =	vadd.f32 v34, v37;
	v37 =	vld.idx.msk [tilespmem:v27+s22+$0x0], $0xffff;
	[tilespmem:s12+$0x18050] =	vst v35  }
0x308: {  	v38 =	vsub.f32 v63, v54;
	v45 =	vadd.f32 v60, v48;
	v52 =	vld.idx.msk [tilespmem:v20+s11+$0x0], $0xffff  }
0x309: {  	v40 =	vmul.f32 v40, v1;
	v41 =	vmul.f32 v41, v19;
	[tilespmem:s12+$0x18960] =	vst v34;
	v34 =	vld.idx.msk [tilespmem:v27+s29+$0x0], $0xffff  }
0x30a: {  	v32 =	vsub.f32 v32, v30;
	v39 =	vsub.f32 v39, v45;
	v48 =	vld.idx.msk [tilespmem:v17+s8+$0x0], $0xffff  }
0x30b: {  	v38 =	vmul.f32 v38, v1;
	v40 =	vadd.f32 v40, v46;
	v41 =	vadd.f32 v41, v42;
	v42 =	vld.idx.msk [tilespmem:v16+s8+$0x0], $0xffff  }
0x30c: {  	v33 =	vmul.f32 v33, v0;
	v61 =	vsub.f32 v58, v50;
	v51 =	vsub.f32 v59, v43;
	v62 =	vld.idx.msk [tilespmem:v17+s2+$0x0], $0xffff  }
0x30d: {  	v38 =	vadd.f32 v38, v54;
	v39 =	vmul.f32 v39, v2;
	[tilespmem:s12+$0x18040] =	vst v41;
	v63 =	vld.idx.msk [tilespmem:v16+s2+$0x0], $0xffff  }
0x30e: {  	v46 =	vld.idx.msk [tilespmem:v10+s11+$0x0], $0xffff;
	v55 =	vmul.f32 v61, v7;
	v56 =	vmul.f32 v51, v7  }
0x30f: {  	v32 =	vmul.f32 v32, v0;
	v40 =	vsub.f32 v40, v38;
	v57 =	vld.idx.msk [tilespmem:v12+s4+$0x0], $0xffff;
	v58 =	vadd.f32 v39, v45  }
0x310: {  	v59 =	vld.idx.msk [tilespmem:v10+s4+$0x0], $0xffff;
	v44 =	vadd.f32 v55, v50;
	v43 =	vadd.f32 v56, v43  }
0x311: {  	v31 =	vadd.f32 v33, v31;
	v30 =	vadd.f32 v32, v30;
	v51 =	vld.idx.msk [tilespmem:v12+s11+$0x0], $0xffff  }
0x312: {  	v45 =	vld.idx.msk [tilespmem:v11+s11+$0x0], $0xffff;
	v40 =	vmul.f32 v40, v23;
	[tilespmem:s25+$0x1A450] =	vst v58;
	v44 =	vsub.f32 v44, v43  }
0x313: {  	v55 =	vld.idx.msk [tilespmem:v22+s29+$0x0], $0xffff;
	v60 =	vsub.f32 v62, v48;
	v41 =	vsub.f32 v63, v42  }
0x314: {  	v47 =	vsub.f32 v47, v36;
	v38 =	vadd.f32 v40, v38;
	v62 =	vld.idx.msk [tilespmem:v11+s4+$0x0], $0xffff;
	v61 =	vmul.f32 v44, v18  }
0x315: {  	v34 =	vsub.f32 v34, v37;
	v63 =	vld.idx.msk [tilespmem:v20+s4+$0x0], $0xffff;
	v50 =	vmul.f32 v60, v9;
	v41 =	vmul.f32 v41, v9  }
0x316: {  	v49 =	vsub.f32 v57, v51;
	v60 =	vld.idx.msk [tilespmem:v3+s29+$0x0], $0xffff;
	v35 =	vadd.f32 v61, v43  }
0x317: {  	v53 =	vadd.f32 v50, v48;
	v48 =	vld.idx.msk [tilespmem:v22+s22+$0x0], $0xffff;
	v41 =	vadd.f32 v41, v42  }
0x318: {  	v54 =	vsub.f32 v59, v46;
	v34 =	vmul.f32 v34, v1;
	v42 =	vld.idx.msk [tilespmem:v3+s22+$0x0], $0xffff;
	[tilespmem:s12+$0x18930] =	vst v35  }
0x319: {  	v56 =	vmul.f32 v49, v7;
	v44 =	vsub.f32 v62, v45;
	v43 =	vsub.f32 v53, v41;
	v57 =	vld.idx.msk [tilespmem:v14+s8+$0x0], $0xffff  }
0x31a: {  	[tilespmem:s25+$0x1AD30] =	vst v38;
	v34 =	vadd.f32 v34, v37;
	v35 =	vmul.f32 v54, v7;
	v38 =	vld.idx.msk [tilespmem:v13+s8+$0x0], $0xffff  }
0x31b: {  	v33 =	vadd.f32 v56, v51;
	v58 =	vld.idx.msk [tilespmem:v14+s2+$0x0], $0xffff;
	v44 =	vmul.f32 v44, v7;
	v43 =	vmul.f32 v43, v15  }
0x31c: {  	v47 =	vmul.f32 v47, v1;
	v40 =	vsub.f32 v63, v52;
	v59 =	vld.idx.msk [tilespmem:v13+s2+$0x0], $0xffff;
	v35 =	vadd.f32 v35, v46  }
0x31d: {  	v44 =	vadd.f32 v44, v45;
	v45 =	vld.idx.msk [tilespmem:v29+s30+$0x0], $0xffff;
	v41 =	vadd.f32 v43, v41  }
0x31e: {  	v61 =	vadd.f32 v47, v36;
	v40 =	vmul.f32 v40, v7;
	v29 =	vld.idx.msk [tilespmem:v29+s31+$0x0], $0xffff;
	v33 =	vsub.f32 v33, v35  }
0x31f: {  	v31 =	vsub.f32 v31, v30;
	[tilespmem:s12+$0x19260] =	vst v41;
	v41 =	vld.idx.msk [tilespmem:v28+s30+$0x0], $0xffff  }
0x320: {  	v32 =	vsub.f32 v61, v34;
	v40 =	vadd.f32 v40, v52;
	v33 =	vmul.f32 v33, v19;
	v36 =	vld.idx.msk [tilespmem:v17+s20+$0x0], $0xffff  }
0x321: {  	v62 =	vsub.f32 v58, v57;
	v46 =	vsub.f32 v59, v38;
	v50 =	vld.idx.msk [tilespmem:v16+s20+$0x0], $0xffff  }
0x322: {  	v32 =	vmul.f32 v32, v24;
	v44 =	vsub.f32 v44, v40;
	v63 =	vld.idx.msk [tilespmem:v17+s23+$0x0], $0xffff;
	v33 =	vadd.f32 v33, v35  }
0x323: {  	v52 =	vsub.f32 v55, v48;
	v54 =	vld.idx.msk [tilespmem:v16+s23+$0x0], $0xffff;
	v53 =	vmul.f32 v62, v9;
	v56 =	vmul.f32 v46, v9  }
0x324: {  	v43 =	vsub.f32 v60, v42;
	v28 =	vld.idx.msk [tilespmem:v28+s31+$0x0], $0xffff;
	v55 =	vmul.f32 v44, v21;
	[tilespmem:s12+$0x18940] =	vst v33  }
0x325: {  	v39 =	vadd.f32 v53, v57;
	v38 =	vadd.f32 v56, v38;
	v57 =	vld.idx.msk [tilespmem:v12+s8+$0x0], $0xffff  }
0x326: {  	v32 =	vadd.f32 v32, v34;
	v33 =	vadd.f32 v55, v40;
	v40 =	vld.idx.msk [tilespmem:v10+s8+$0x0], $0xffff  }
0x327: {  	v37 =	vmul.f32 v52, v1;
	v43 =	vmul.f32 v43, v1;
	v58 =	vld.idx.msk [tilespmem:v12+s2+$0x0], $0xffff;
	v59 =	vsub.f32 v39, v38  }
0x328: {  	v60 =	vld.idx.msk [tilespmem:v10+s2+$0x0], $0xffff;
	[tilespmem:s12+$0x18950] =	vst v33;
	v35 =	vsub.f32 v63, v36;
	v47 =	vsub.f32 v54, v50  }
0x329: {  	v37 =	vadd.f32 v37, v48;
	v42 =	vadd.f32 v43, v42;
	v48 =	vld.idx.msk [tilespmem:v11+s8+$0x0], $0xffff;
	v33 =	vmul.f32 v59, v18  }
0x32a: {  	v29 =	vsub.f32 v29, v45;
	v61 =	vld.idx.msk [tilespmem:v20+s8+$0x0], $0xffff;
	v35 =	vmul.f32 v35, v8;
	v47 =	vmul.f32 v47, v8  }
0x32b: {  	v37 =	vsub.f32 v37, v42;
	v62 =	vld.idx.msk [tilespmem:v11+s2+$0x0], $0xffff;
	v33 =	vadd.f32 v33, v38  }
0x32c: {  	[tilespmem:s25+$0x1AD40] =	vst v32;
	v63 =	vld.idx.msk [tilespmem:v20+s2+$0x0], $0xffff;
	v49 =	vadd.f32 v35, v36;
	v51 =	vadd.f32 v47, v50  }
0x32d: {  	v29 =	vmul.f32 v29, v0;
	v52 =	vmul.f32 v37, v2;
	v37 =	vld.idx.msk [tilespmem:v26+s30+$0x0], $0xffff;
	v53 =	vsub.f32 v58, v57  }
0x32e: {  	v26 =	vld.idx.msk [tilespmem:v26+s31+$0x0], $0xffff;
	v39 =	vsub.f32 v60, v40;
	[tilespmem:s12+$0x19230] =	vst v33;
	v32 =	vsub.f32 v49, v51  }
0x32f: {  	v28 =	vsub.f32 v28, v41;
	v59 =	vadd.f32 v29, v45;
	v33 =	vmul.f32 v53, v9;
	v54 =	vld.idx.msk [tilespmem:v14+s20+$0x0], $0xffff  }
0x330: {  	v39 =	vmul.f32 v39, v9;
	v34 =	vsub.f32 v62, v48;
	v55 =	vld.idx.msk [tilespmem:v13+s20+$0x0], $0xffff;
	v32 =	vmul.f32 v32, v15  }
0x331: {  	v28 =	vmul.f32 v28, v0;
	v38 =	vsub.f32 v63, v61;
	v56 =	vld.idx.msk [tilespmem:v14+s23+$0x0], $0xffff;
	v33 =	vadd.f32 v33, v57  }
0x332: {  	v57 =	vld.idx.msk [tilespmem:v13+s23+$0x0], $0xffff;
	v39 =	vadd.f32 v39, v40;
	v32 =	vadd.f32 v32, v51  }
0x333: {  	v41 =	vadd.f32 v28, v41;
	v58 =	vld.idx.msk [tilespmem:v27+s30+$0x0], $0xffff;
	v29 =	vmul.f32 v34, v9;
	v60 =	vmul.f32 v38, v9  }
0x334: {  	v36 =	vadd.f32 v52, v42;
	v27 =	vld.idx.msk [tilespmem:v27+s31+$0x0], $0xffff;
	v33 =	vsub.f32 v33, v39;
	[tilespmem:s12+$0x19B60] =	vst v32  }
0x335: {  	v31 =	vmul.f32 v31, v25;
	v25 =	vadd.f32 v29, v48;
	v61 =	vadd.f32 v60, v61;
	v62 =	vld.idx.msk [tilespmem:v17+s13+$0x0], $0xffff  }
0x336: {  	v26 =	vsub.f32 v26, v37;
	v29 =	vsub.f32 v56, v54;
	v33 =	vmul.f32 v33, v19;
	v63 =	vld.idx.msk [tilespmem:v16+s13+$0x0], $0xffff  }
0x337: {  	v25 =	vsub.f32 v25, v61;
	v47 =	vsub.f32 v57, v55;
	v48 =	vld.idx.msk [tilespmem:v17+s21+$0x0], $0xffff  }
0x338: {  	[tilespmem:s25+$0x1AD50] =	vst v36;
	v49 =	vld.idx.msk [tilespmem:v16+s21+$0x0], $0xffff;
	v29 =	vmul.f32 v29, v8;
	v33 =	vadd.f32 v33, v39  }
0x339: {  	v53 =	vadd.f32 v31, v30;
	v50 =	vmul.f32 v25, v21;
	v25 =	vld.idx.msk [tilespmem:v22+s30+$0x0], $0xffff;
	v28 =	vmul.f32 v47, v8  }
0x33a: {  	v30 =	vsub.f32 v59, v41;
	v44 =	vadd.f32 v29, v54;
	[tilespmem:s12+$0x19240] =	vst v33;
	v29 =	vld.idx.msk [tilespmem:v3+s30+$0x0], $0xffff  }
0x33b: {  	v27 =	vsub.f32 v27, v58;
	v51 =	vadd.f32 v28, v55;
	v52 =	vld.idx.msk [tilespmem:v12+s20+$0x0], $0xffff  }
0x33c: {  	v26 =	vmul.f32 v26, v0;
	v32 =	vadd.f32 v50, v61;
	v28 =	vld.idx.msk [tilespmem:v10+s20+$0x0], $0xffff  }
0x33d: {  	v23 =	vmul.f32 v30, v23;
	v27 =	vmul.f32 v27, v0;
	v54 =	vld.idx.msk [tilespmem:v12+s23+$0x0], $0xffff;
	v31 =	vsub.f32 v44, v51  }
0x33e: {  	v55 =	vld.idx.msk [tilespmem:v10+s23+$0x0], $0xffff;
	[tilespmem:s12+$0x19250] =	vst v32;
	v56 =	vsub.f32 v48, v62;
	v39 =	vsub.f32 v49, v63  }
0x33f: {  	v26 =	vadd.f32 v26, v37;
	v35 =	vadd.f32 v27, v58;
	v30 =	vld.idx.msk [tilespmem:v11+s20+$0x0], $0xffff;
	v31 =	vmul.f32 v31, v18  }
0x340: {  	v41 =	vadd.f32 v23, v41;
	v27 =	vld.idx.msk [tilespmem:v20+s20+$0x0], $0xffff;
	v57 =	vmul.f32 v56, v4;
	v39 =	vmul.f32 v39, v4  }
0x341: {  	v26 =	vsub.f32 v26, v35;
	v58 =	vld.idx.msk [tilespmem:v11+s23+$0x0], $0xffff;
	v23 =	vadd.f32 v31, v51  }
0x342: {  	v32 =	vld.idx.msk [tilespmem:v20+s23+$0x0], $0xffff;
	v59 =	vadd.f32 v57, v62;
	v31 =	vadd.f32 v39, v63  }
0x343: {  	v24 =	vmul.f32 v26, v24;
	v60 =	vsub.f32 v54, v52;
	[tilespmem:s12+$0x19B30] =	vst v23;
	v23 =	vld.idx.msk [tilespmem:v22+s31+$0x0], $0xffff  }
0x344: {  	v61 =	vsub.f32 v55, v28;
	v33 =	vsub.f32 v59, v31;
	v22 =	vld.idx.msk [tilespmem:v14+s13+$0x0], $0xffff  }
0x345: {  	[tilespmem:s25+$0x1B660] =	vst v53;
	v63 =	vadd.f32 v24, v35;
	v62 =	vmul.f32 v60, v8;
	v26 =	vld.idx.msk [tilespmem:v13+s13+$0x0], $0xffff  }
0x346: {  	[tilespmem:s25+$0x1B630] =	vst v41;
	v36 =	vmul.f32 v61, v8;
	v24 =	vld.idx.msk [tilespmem:v14+s21+$0x0], $0xffff;
	v34 =	vmul.f32 v33, v15  }
0x347: {  	s9 =	simm.s32 $0x4;
	s3 =	simm.s32 $0x200;
	v37 =	vsub.f32 v58, v30;
	[tilespmem:s25+$0x1B640] =	vst v63;
	v35 =	vadd.f32 v62, v52;
	v33 =	vld.idx.msk [tilespmem:v13+s21+$0x0], $0xffff  }
.LBB2_5:
0x348: {  	s13 =	sshra.s32 s3, $0x2;
	v32 =	vsub.f32 v32, v27;
	v31 =	vadd.f32 v34, v31;
	v34 =	vld.idx.msk [tilespmem:v3+s31+$0x0], $0xffff;
	v3 =	vmov v20  }
0x349: {  	v20 =	vadd.f32 v36, v28;
	v23 =	vsub.f32 v23, v25;
	v38 =	vld [tilespmem:s13+$0x1BF60];
	v28 =	vmul.f32 v37, v8  }
0x34a: {  	v36 =	vld [tilespmem:s13+$0x1C860];
	v32 =	vmul.f32 v32, v8;
	[tilespmem:s12+$0x1A460] =	vst v31  }
0x34b: {  	v31 =	vsub.f32 v35, v20;
	v23 =	vmul.f32 v23, v0;
	v28 =	vadd.f32 v28, v30;
	v30 =	vld.idx.msk [tilespmem:v17+s22+$0x0], $0xffff  }
0x34c: {  	v24 =	vsub.f32 v24, v22;
	v27 =	vadd.f32 v32, v27;
	v32 =	vld.idx.msk [tilespmem:v16+s22+$0x0], $0xffff  }
0x34d: {  	v33 =	vsub.f32 v33, v26;
	v31 =	vmul.f32 v31, v19;
	v37 =	vadd.f32 v23, v25;
	v35 =	vld.idx.msk [tilespmem:v17+s29+$0x0], $0xffff  }
0x34e: {  	v23 =	vmul.f32 v24, v4;
	v34 =	vsub.f32 v34, v29;
	v24 =	vsub.f32 v28, v27;
	v39 =	vld.idx.msk [tilespmem:v16+s29+$0x0], $0xffff  }
0x34f: {  	v33 =	vmul.f32 v33, v4;
	v20 =	vadd.f32 v31, v20;
	v28 =	vld [tilespmem:s13+$0x1BF30]  }
0x350: {  	v22 =	vadd.f32 v23, v22;
	v34 =	vmul.f32 v34, v0;
	v25 =	vld [tilespmem:s13+$0x1C830];
	v31 =	vmul.f32 v24, v21  }
0x351: {  	v26 =	vadd.f32 v33, v26;
	v24 =	vld [tilespmem:s13+$0x1BF40];
	[tilespmem:s12+$0x19B40] =	vst v20  }
0x352: {  	v23 =	vld [tilespmem:s13+$0x1C840];
	v20 =	vadd.f32 v31, v27;
	v27 =	vadd.f32 v34, v29  }
0x353: {  	v22 =	vsub.f32 v22, v26;
	v29 =	vld.idx.msk [tilespmem:v38+s15+$0x0], $0xffff  }
0x354: {  	v33 =	vsub.f32 v39, v32;
	v31 =	vld.idx.msk [tilespmem:v36+s15+$0x0], $0xffff;
	[tilespmem:s12+$0x19B50] =	vst v20;
	v20 =	vsub.f32 v35, v30  }
0x355: {  	v35 =	vmul.f32 v22, v18;
	v37 =	vsub.f32 v37, v27;
	v34 =	vld.idx.msk [tilespmem:v38+s26+$0x0], $0xffff  }
0x356: {  	v33 =	vmul.f32 v33, v1;
	v39 =	vld.idx.msk [tilespmem:v36+s26+$0x0], $0xffff;
	v40 =	vmul.f32 v20, v1  }
0x357: {  	v26 =	vadd.f32 v35, v26;
	v35 =	vmul.f32 v37, v2;
	v2 =	vmov v21;
	v22 =	vld [tilespmem:s13+$0x1BF50]  }
0x358: {  	v20 =	vld [tilespmem:s13+$0x1C850];
	v21 =	vadd.f32 v40, v30;
	v30 =	vadd.f32 v33, v32  }
0x359: {  	v32 =	vld.idx.msk [tilespmem:v28+s15+$0x0], $0xffff;
	[tilespmem:s12+$0x1A430] =	vst v26;
	v26 =	vadd.f32 v35, v27  }
0x35a: {  	v27 =	vld.idx.msk [tilespmem:v25+s15+$0x0], $0xffff;
	v21 =	vsub.f32 v21, v30  }
0x35b: {  	v33 =	vld.idx.msk [tilespmem:v28+s26+$0x0], $0xffff;
	[tilespmem:s25+$0x1B650] =	vst v26;
	s25 =	smov.u32 s12;
	s12 =	smov.u32 s13;
	s13 =	simm.s32 $0x8430  }
0x35c: {  	v34 =	vsub.f32 v34, v29;
	v35 =	vsub.f32 v39, v31;
	v26 =	vld.idx.msk [tilespmem:v25+s26+$0x0], $0xffff;
	v21 =	vmul.f32 v21, v15  }
0x35d: {  	v37 =	vld.idx.msk [tilespmem:v24+s15+$0x0], $0xffff  }
0x35e: {  	v34 =	vmul.f32 v34, v5;
	v35 =	vmul.f32 v35, v5;
	v39 =	vld.idx.msk [tilespmem:v23+s15+$0x0], $0xffff;
	v21 =	vadd.f32 v21, v30  }
0x35f: {  	v30 =	vld [tilespmem:s12+$0x1D160]  }
0x360: {  	v29 =	vadd.f32 v34, v29;
	v31 =	vadd.f32 v35, v31;
	v40 =	vld.idx.msk [tilespmem:v24+s26+$0x0], $0xffff;
	[tilespmem:s25+$0x1AD60] =	vst v21  }
0x361: {  	v21 =	vsub.f32 v33, v32;
	v33 =	vld.idx.msk [tilespmem:v17+s30+$0x0], $0xffff  }
0x362: {  	s9 =	sadd.s32 $0x4, s9;
	v26 =	vsub.f32 v26, v27;
	v29 =	vsub.f32 v29, v31;
	v34 =	vld.idx.msk [tilespmem:v16+s30+$0x0], $0xffff  }
0x363: {  	p0 =	slt.u32 s9, $0x8C;
	v21 =	vmul.f32 v21, v5;
	v35 =	vld.idx.msk [tilespmem:v17+s31+$0x0], $0xffff;
	v17 =	vmov v38  }
0x364: {  	v26 =	vmul.f32 v26, v5;
	v29 =	vmul.f32 v29, v30;
	v38 =	vld.idx.msk [tilespmem:v16+s31+$0x0], $0xffff;
	v16 =	vmov v36  }
0x365: {  	v21 =	vadd.f32 v21, v32;
	v32 =	vld.idx.msk [tilespmem:v23+s26+$0x0], $0xffff  }
0x366: {  	v36 =	vsub.f32 v40, v37;
	v40 =	vld.idx.msk [tilespmem:v22+s15+$0x0], $0xffff;
	v29 =	vadd.f32 v29, v31  }
0x367: {  	v31 =	vadd.f32 v26, v27;
	v41 =	vld.idx.msk [tilespmem:v20+s15+$0x0], $0xffff  }
0x368: {  	v26 =	vmul.f32 v36, v5;
	v36 =	vld.idx.msk [tilespmem:v22+s26+$0x0], $0xffff;
	[tilespmem:s12+$0x17760] =	vst v29  }
0x369: {  	v29 =	vsub.f32 v21, v31;
	v42 =	vld.idx.msk [tilespmem:v17+s28+$0x0], $0xffff  }
0x36a: {  	v21 =	vsub.f32 v35, v33;
	v27 =	vsub.f32 v38, v34;
	v43 =	vld.idx.msk [tilespmem:v16+s28+$0x0], $0xffff  }
0x36b: {  	v35 =	vadd.f32 v26, v37;
	v26 =	vsub.f32 v32, v39;
	v32 =	vld.idx.msk [tilespmem:v17+s10+$0x0], $0xffff  }
0x36c: {  	v21 =	vmul.f32 v21, v0;
	v38 =	vmul.f32 v27, v0;
	v37 =	vld.idx.msk [tilespmem:v16+s10+$0x0], $0xffff  }
0x36d: {  	v44 =	vmul.f32 v26, v5;
	v45 =	vld.idx.msk [tilespmem:v20+s26+$0x0], $0xffff  }
0x36e: {  	v33 =	vadd.f32 v21, v33;
	v34 =	vadd.f32 v38, v34;
	v27 =	vld [tilespmem:s12+$0x1D130]  }
0x36f: {  	v36 =	vsub.f32 v36, v40;
	v38 =	vadd.f32 v44, v39;
	v26 =	vld [tilespmem:s12+$0x1D140]  }
0x370: {  	v33 =	vsub.f32 v33, v34;
	v21 =	vld [tilespmem:s12+$0x1D150]  }
0x371: {  	v36 =	vmul.f32 v36, v5;
	v35 =	vsub.f32 v35, v38;
	v39 =	vld.idx.msk [tilespmem:v12+s13+$0x0], $0xffff  }
0x372: {  	v32 =	vsub.f32 v32, v42;
	v37 =	vsub.f32 v37, v43;
	v15 =	vmul.f32 v33, v15;
	v44 =	vld.idx.msk [tilespmem:v10+s13+$0x0], $0xffff  }
0x373: {  	v33 =	vadd.f32 v36, v40;
	v36 =	vsub.f32 v45, v41;
	v29 =	vmul.f32 v29, v27;
	v40 =	vld.idx.msk [tilespmem:v12+s21+$0x0], $0xffff  }
0x374: {  	v32 =	vmul.f32 v32, v6;
	v37 =	vmul.f32 v37, v6;
	v46 =	vadd.f32 v15, v34;
	v45 =	vld.idx.msk [tilespmem:v10+s21+$0x0], $0xffff  }
0x375: {  	v34 =	vmul.f32 v36, v5;
	v29 =	vadd.f32 v29, v31;
	v31 =	vmul.f32 v35, v26;
	v35 =	vld.idx.msk [tilespmem:v11+s13+$0x0], $0xffff  }
0x376: {  	v32 =	vadd.f32 v32, v42;
	v36 =	vadd.f32 v37, v43;
	v15 =	vmov v30;
	v37 =	vld.idx.msk [tilespmem:v3+s13+$0x0], $0xffff;
	[tilespmem:s25+$0x1B660] =	vst v46  }
0x377: {  	v30 =	vadd.f32 v34, v41;
	[tilespmem:s12+$0x17730] =	vst v29;
	v29 =	vadd.f32 v31, v38;
	v31 =	vld.idx.msk [tilespmem:v11+s21+$0x0], $0xffff  }
0x378: {  	v32 =	vsub.f32 v32, v36;
	v34 =	vld.idx.msk [tilespmem:v28+s28+$0x0], $0xffff  }
0x379: {  	v38 =	vld.idx.msk [tilespmem:v25+s28+$0x0], $0xffff;
	[tilespmem:s12+$0x17740] =	vst v29;
	v29 =	vsub.f32 v33, v30;
	v33 =	vsub.f32 v40, v39  }
0x37a: {  	v32 =	vmul.f32 v32, v15;
	v41 =	vsub.f32 v45, v44;
	v40 =	vld.idx.msk [tilespmem:v28+s10+$0x0], $0xffff  }
0x37b: {  	v42 =	vld.idx.msk [tilespmem:v25+s10+$0x0], $0xffff;
	v29 =	vmul.f32 v29, v21;
	v33 =	vmul.f32 v33, v4  }
0x37c: {  	v32 =	vadd.f32 v32, v36;
	v36 =	vmul.f32 v41, v4;
	v43 =	vld.idx.msk [tilespmem:v24+s28+$0x0], $0xffff  }
0x37d: {  	v41 =	vld.idx.msk [tilespmem:v23+s28+$0x0], $0xffff;
	v29 =	vadd.f32 v29, v30;
	v30 =	vsub.f32 v31, v35  }
0x37e: {  	v31 =	vld.idx.msk [tilespmem:v24+s10+$0x0], $0xffff;
	[tilespmem:s12+$0x18060] =	vst v32;
	v32 =	vadd.f32 v33, v39;
	v33 =	vadd.f32 v36, v44  }
0x37f: {  	[tilespmem:s12+$0x17750] =	vst v29;
	v29 =	vld.idx.msk [tilespmem:v17+s11+$0x0], $0xffff;
	v30 =	vmul.f32 v30, v4  }
0x380: {  	v36 =	vsub.f32 v40, v34;
	v39 =	vld.idx.msk [tilespmem:v16+s11+$0x0], $0xffff;
	v32 =	vsub.f32 v32, v33  }
0x381: {  	v40 =	vsub.f32 v42, v38;
	v42 =	vld.idx.msk [tilespmem:v17+s4+$0x0], $0xffff;
	v30 =	vadd.f32 v30, v35  }
0x382: {  	v35 =	vmul.f32 v36, v6;
	v36 =	vld.idx.msk [tilespmem:v16+s4+$0x0], $0xffff;
	v32 =	vmul.f32 v32, v19  }
0x383: {  	v40 =	vmul.f32 v40, v6;
	v44 =	vld.idx.msk [tilespmem:v23+s10+$0x0], $0xffff  }
0x384: {  	v34 =	vadd.f32 v35, v34;
	v31 =	vsub.f32 v31, v43;
	v35 =	vld.idx.msk [tilespmem:v22+s28+$0x0], $0xffff  }
0x385: {  	v38 =	vadd.f32 v40, v38;
	v32 =	vadd.f32 v32, v33;
	v40 =	vld.idx.msk [tilespmem:v20+s28+$0x0], $0xffff  }
0x386: {  	v31 =	vmul.f32 v31, v6;
	v33 =	vld.idx.msk [tilespmem:v22+s10+$0x0], $0xffff  }
0x387: {  	v34 =	vsub.f32 v34, v38;
	v45 =	vld.idx.msk [tilespmem:v20+s10+$0x0], $0xffff;
	[tilespmem:s25+$0x1A440] =	vst v32  }
0x388: {  	v32 =	vsub.f32 v42, v29;
	v36 =	vsub.f32 v36, v39;
	v42 =	vld.idx.msk [tilespmem:v3+s21+$0x0], $0xffff  }
0x389: {  	v31 =	vadd.f32 v31, v43;
	v34 =	vmul.f32 v34, v27;
	v43 =	vsub.f32 v44, v41;
	v44 =	vld.idx.msk [tilespmem:v14+s22+$0x0], $0xffff  }
0x38a: {  	v32 =	vmul.f32 v32, v7;
	v36 =	vmul.f32 v36, v7;
	v46 =	vld.idx.msk [tilespmem:v13+s22+$0x0], $0xffff  }
0x38b: {  	v34 =	vadd.f32 v34, v38;
	v38 =	vmul.f32 v43, v6;
	v43 =	vld.idx.msk [tilespmem:v14+s29+$0x0], $0xffff  }
0x38c: {  	v29 =	vadd.f32 v32, v29;
	v32 =	vadd.f32 v36, v39;
	v36 =	vld.idx.msk [tilespmem:v13+s29+$0x0], $0xffff  }
0x38d: {  	v33 =	vsub.f32 v33, v35;
	[tilespmem:s12+$0x18030] =	vst v34;
	v34 =	vsub.f32 v45, v40;
	v39 =	vld.idx.msk [tilespmem:v12+s22+$0x0], $0xffff  }
0x38e: {  	v38 =	vadd.f32 v38, v41;
	v29 =	vsub.f32 v29, v32;
	v45 =	vld.idx.msk [tilespmem:v28+s11+$0x0], $0xffff  }
0x38f: {  	v33 =	vmul.f32 v33, v6;
	v42 =	vsub.f32 v42, v37;
	v41 =	vld.idx.msk [tilespmem:v25+s11+$0x0], $0xffff;
	v34 =	vmul.f32 v34, v6  }
0x390: {  	v31 =	vsub.f32 v31, v38;
	v29 =	vmul.f32 v29, v15;
	v47 =	vld.idx.msk [tilespmem:v28+s4+$0x0], $0xffff  }
0x391: {  	v33 =	vadd.f32 v33, v35;
	v35 =	vmul.f32 v42, v4;
	v48 =	vld.idx.msk [tilespmem:v25+s4+$0x0], $0xffff;
	v34 =	vadd.f32 v34, v40  }
0x392: {  	v31 =	vmul.f32 v31, v26;
	v29 =	vadd.f32 v29, v32;
	v32 =	vsub.f32 v43, v44;
	v40 =	vld.idx.msk [tilespmem:v10+s22+$0x0], $0xffff  }
0x393: {  	v35 =	vadd.f32 v35, v37;
	v33 =	vsub.f32 v33, v34;
	v42 =	vld.idx.msk [tilespmem:v12+s29+$0x0], $0xffff  }
0x394: {  	v31 =	vadd.f32 v31, v38;
	[tilespmem:s12+$0x18960] =	vst v29;
	v29 =	vsub.f32 v36, v46;
	v36 =	vld.idx.msk [tilespmem:v10+s29+$0x0], $0xffff  }
0x395: {  	v32 =	vmul.f32 v32, v1;
	v30 =	vsub.f32 v30, v35;
	v33 =	vmul.f32 v33, v21;
	v37 =	vld.idx.msk [tilespmem:v17+s8+$0x0], $0xffff  }
0x396: {  	v38 =	vsub.f32 v47, v45;
	[tilespmem:s12+$0x18040] =	vst v31;
	v31 =	vld.idx.msk [tilespmem:v16+s8+$0x0], $0xffff;
	v29 =	vmul.f32 v29, v1  }
0x397: {  	v30 =	vmul.f32 v30, v2;
	v43 =	vsub.f32 v48, v41;
	v33 =	vadd.f32 v33, v34;
	v34 =	vld.idx.msk [tilespmem:v17+s2+$0x0], $0xffff  }
0x398: {  	v32 =	vadd.f32 v32, v44;
	v38 =	vmul.f32 v38, v7;
	v47 =	vld.idx.msk [tilespmem:v16+s2+$0x0], $0xffff;
	v29 =	vadd.f32 v29, v46  }
0x399: {  	v30 =	vadd.f32 v30, v35;
	v43 =	vmul.f32 v43, v7;
	v44 =	vld.idx.msk [tilespmem:v24+s11+$0x0], $0xffff;
	[tilespmem:s12+$0x18050] =	vst v33  }
0x39a: {  	v33 =	vadd.f32 v38, v45;
	v38 =	vsub.f32 v42, v39;
	v35 =	vld.idx.msk [tilespmem:v23+s11+$0x0], $0xffff  }
0x39b: {  	v36 =	vsub.f32 v36, v40;
	v41 =	vadd.f32 v43, v41;
	v42 =	vld.idx.msk [tilespmem:v24+s4+$0x0], $0xffff;
	[tilespmem:s25+$0x1A450] =	vst v30  }
0x39c: {  	v32 =	vsub.f32 v32, v29;
	v38 =	vmul.f32 v38, v1;
	v30 =	vld.idx.msk [tilespmem:v23+s4+$0x0], $0xffff  }
0x39d: {  	v36 =	vmul.f32 v36, v1;
	v33 =	vsub.f32 v33, v41;
	v43 =	vld.idx.msk [tilespmem:v22+s11+$0x0], $0xffff  }
0x39e: {  	v34 =	vsub.f32 v34, v37;
	v32 =	vmul.f32 v32, v18;
	v46 =	vsub.f32 v47, v31;
	v45 =	vld.idx.msk [tilespmem:v20+s11+$0x0], $0xffff  }
0x39f: {  	v38 =	vadd.f32 v38, v39;
	v36 =	vadd.f32 v36, v40;
	v33 =	vmul.f32 v33, v27;
	v47 =	vld.idx.msk [tilespmem:v22+s4+$0x0], $0xffff  }
0x3a0: {  	v34 =	vmul.f32 v34, v9;
	v29 =	vadd.f32 v32, v29;
	v40 =	vmul.f32 v46, v9;
	v39 =	vld.idx.msk [tilespmem:v20+s4+$0x0], $0xffff  }
0x3a1: {  	v32 =	vadd.f32 v33, v41;
	v33 =	vsub.f32 v42, v44;
	v41 =	vld.idx.msk [tilespmem:v11+s22+$0x0], $0xffff  }
0x3a2: {  	v34 =	vadd.f32 v34, v37;
	v31 =	vadd.f32 v40, v31;
	[tilespmem:s25+$0x1AD30] =	vst v29;
	v29 =	vld.idx.msk [tilespmem:v3+s22+$0x0], $0xffff  }
0x3a3: {  	v30 =	vsub.f32 v30, v35;
	[tilespmem:s12+$0x18930] =	vst v32;
	v32 =	vmul.f32 v33, v7;
	v33 =	vld.idx.msk [tilespmem:v11+s29+$0x0], $0xffff  }
0x3a4: {  	v38 =	vsub.f32 v38, v36;
	v34 =	vsub.f32 v34, v31;
	v37 =	vld.idx.msk [tilespmem:v28+s8+$0x0], $0xffff  }
0x3a5: {  	v30 =	vmul.f32 v30, v7;
	v42 =	vsub.f32 v47, v43;
	v40 =	vld.idx.msk [tilespmem:v25+s8+$0x0], $0xffff;
	v32 =	vadd.f32 v32, v44  }
0x3a6: {  	v38 =	vmul.f32 v38, v19;
	v39 =	vsub.f32 v39, v45;
	v34 =	vmul.f32 v34, v15;
	v44 =	vld.idx.msk [tilespmem:v28+s2+$0x0], $0xffff  }
0x3a7: {  	v30 =	vadd.f32 v30, v35;
	v35 =	vmul.f32 v42, v7;
	v46 =	vld.idx.msk [tilespmem:v25+s2+$0x0], $0xffff  }
0x3a8: {  	v39 =	vmul.f32 v39, v7;
	v31 =	vadd.f32 v34, v31;
	v34 =	vadd.f32 v38, v36;
	v36 =	vld.idx.msk [tilespmem:v3+s29+$0x0], $0xffff  }
0x3a9: {  	v32 =	vsub.f32 v32, v30;
	v35 =	vadd.f32 v35, v43;
	v38 =	vld.idx.msk [tilespmem:v14+s30+$0x0], $0xffff  }
0x3aa: {  	v33 =	vsub.f32 v33, v41;
	v39 =	vadd.f32 v39, v45;
	[tilespmem:s12+$0x19260] =	vst v31;
	v31 =	vld.idx.msk [tilespmem:v13+s30+$0x0], $0xffff  }
0x3ab: {  	v32 =	vmul.f32 v32, v26;
	v42 =	vld.idx.msk [tilespmem:v17+s20+$0x0], $0xffff;
	[tilespmem:s25+$0x1AD40] =	vst v34  }
0x3ac: {  	v33 =	vmul.f32 v33, v1;
	v34 =	vsub.f32 v44, v37;
	v35 =	vsub.f32 v35, v39;
	v43 =	vld.idx.msk [tilespmem:v16+s20+$0x0], $0xffff  }
0x3ad: {  	v30 =	vadd.f32 v32, v30;
	v44 =	vsub.f32 v46, v40;
	v32 =	vld.idx.msk [tilespmem:v17+s23+$0x0], $0xffff  }
0x3ae: {  	v34 =	vmul.f32 v34, v9;
	v35 =	vmul.f32 v35, v21;
	v36 =	vsub.f32 v36, v29;
	v45 =	vld.idx.msk [tilespmem:v16+s23+$0x0], $0xffff  }
0x3af: {  	v33 =	vadd.f32 v33, v41;
	v44 =	vmul.f32 v44, v9;
	[tilespmem:s12+$0x18940] =	vst v30;
	v30 =	vld.idx.msk [tilespmem:v14+s31+$0x0], $0xffff;
	v14 =	vmov v28  }
0x3b0: {  	v28 =	vadd.f32 v34, v37;
	v35 =	vadd.f32 v35, v39;
	v36 =	vmul.f32 v36, v1;
	v34 =	vld.idx.msk [tilespmem:v24+s8+$0x0], $0xffff  }
0x3b1: {  	v37 =	vadd.f32 v44, v40;
	v39 =	vld.idx.msk [tilespmem:v23+s8+$0x0], $0xffff  }
0x3b2: {  	v29 =	vadd.f32 v36, v29;
	v40 =	vld.idx.msk [tilespmem:v24+s2+$0x0], $0xffff;
	[tilespmem:s12+$0x18950] =	vst v35  }
0x3b3: {  	v28 =	vsub.f32 v28, v37;
	v35 =	vld.idx.msk [tilespmem:v23+s2+$0x0], $0xffff  }
0x3b4: {  	v32 =	vsub.f32 v32, v42;
	v41 =	vsub.f32 v45, v43;
	v36 =	vld.idx.msk [tilespmem:v22+s8+$0x0], $0xffff  }
0x3b5: {  	v33 =	vsub.f32 v33, v29;
	v28 =	vmul.f32 v28, v27;
	v30 =	vsub.f32 v30, v38;
	v44 =	vld.idx.msk [tilespmem:v20+s8+$0x0], $0xffff  }
0x3b6: {  	v32 =	vmul.f32 v32, v8;
	v41 =	vmul.f32 v41, v8;
	v45 =	vld.idx.msk [tilespmem:v22+s2+$0x0], $0xffff  }
0x3b7: {  	v33 =	vmul.f32 v33, v2;
	v28 =	vadd.f32 v28, v37;
	v30 =	vmul.f32 v30, v0;
	v37 =	vld.idx.msk [tilespmem:v20+s2+$0x0], $0xffff  }
0x3b8: {  	v32 =	vadd.f32 v32, v42;
	v41 =	vadd.f32 v41, v43;
	v42 =	vld.idx.msk [tilespmem:v13+s31+$0x0], $0xffff;
	v13 =	vmov v25  }
0x3b9: {  	v35 =	vsub.f32 v35, v39;
	[tilespmem:s12+$0x19230] =	vst v28;
	v28 =	vsub.f32 v40, v34;
	v40 =	vld.idx.msk [tilespmem:v12+s30+$0x0], $0xffff  }
0x3ba: {  	v29 =	vadd.f32 v33, v29;
	v32 =	vsub.f32 v32, v41;
	v43 =	vld.idx.msk [tilespmem:v14+s20+$0x0], $0xffff  }
0x3bb: {  	v30 =	vadd.f32 v30, v38;
	v33 =	vld.idx.msk [tilespmem:v25+s20+$0x0], $0xffff;
	v25 =	vmul.f32 v28, v9;
	v28 =	vmul.f32 v35, v9  }
0x3bc: {  	v38 =	vsub.f32 v45, v36;
	v32 =	vmul.f32 v32, v15;
	v35 =	vld.idx.msk [tilespmem:v14+s23+$0x0], $0xffff;
	[tilespmem:s25+$0x1AD50] =	vst v29  }
0x3bd: {  	v29 =	vld.idx.msk [tilespmem:v13+s23+$0x0], $0xffff;
	v25 =	vadd.f32 v25, v34;
	v34 =	vsub.f32 v37, v44  }
0x3be: {  	v28 =	vadd.f32 v28, v39;
	v37 =	vmul.f32 v38, v9;
	v32 =	vadd.f32 v32, v41;
	v38 =	vld.idx.msk [tilespmem:v10+s30+$0x0], $0xffff  }
0x3bf: {  	v39 =	vsub.f32 v42, v31;
	v34 =	vmul.f32 v34, v9;
	v41 =	vld.idx.msk [tilespmem:v12+s31+$0x0], $0xffff;
	v12 =	vmov v24  }
0x3c0: {  	v24 =	vsub.f32 v25, v28;
	v25 =	vadd.f32 v37, v36;
	[tilespmem:s12+$0x19B60] =	vst v32;
	v32 =	vld.idx.msk [tilespmem:v10+s31+$0x0], $0xffff;
	v10 =	vmov v23  }
0x3c1: {  	v36 =	vmul.f32 v39, v0;
	v23 =	vadd.f32 v34, v44;
	v34 =	vld.idx.msk [tilespmem:v17+s13+$0x0], $0xffff  }
0x3c2: {  	v35 =	vsub.f32 v35, v43;
	v24 =	vmul.f32 v24, v26;
	v37 =	vld.idx.msk [tilespmem:v16+s13+$0x0], $0xffff  }
0x3c3: {  	v29 =	vsub.f32 v29, v33;
	v25 =	vsub.f32 v25, v23;
	v39 =	vld.idx.msk [tilespmem:v17+s21+$0x0], $0xffff  }
0x3c4: {  	v31 =	vadd.f32 v36, v31;
	v35 =	vmul.f32 v35, v8;
	v24 =	vadd.f32 v24, v28;
	v42 =	vld.idx.msk [tilespmem:v16+s21+$0x0], $0xffff  }
0x3c5: {  	v28 =	vmul.f32 v29, v8;
	v41 =	vsub.f32 v41, v40;
	v36 =	vmul.f32 v25, v21;
	v25 =	vld.idx.msk [tilespmem:v11+s30+$0x0], $0xffff  }
0x3c6: {  	v35 =	vadd.f32 v35, v43;
	[tilespmem:s12+$0x19240] =	vst v24;
	v24 =	vsub.f32 v32, v38;
	v29 =	vld.idx.msk [tilespmem:v3+s30+$0x0], $0xffff  }
0x3c7: {  	v32 =	vadd.f32 v28, v33;
	v33 =	vmul.f32 v41, v0;
	v43 =	vld.idx.msk [tilespmem:v12+s20+$0x0], $0xffff;
	v23 =	vadd.f32 v36, v23  }
0x3c8: {  	v30 =	vsub.f32 v30, v31;
	v28 =	vld.idx.msk [tilespmem:v10+s20+$0x0], $0xffff;
	v24 =	vmul.f32 v24, v0  }
0x3c9: {  	v35 =	vsub.f32 v35, v32;
	v36 =	vld.idx.msk [tilespmem:v12+s23+$0x0], $0xffff;
	[tilespmem:s12+$0x19250] =	vst v23;
	v23 =	vadd.f32 v33, v40  }
0x3ca: {  	v41 =	vmul.f32 v30, v18;
	v39 =	vsub.f32 v39, v34;
	v40 =	vsub.f32 v42, v37;
	v33 =	vld.idx.msk [tilespmem:v10+s23+$0x0], $0xffff  }
0x3cb: {  	v18 =	vmov v27;
	v35 =	vmul.f32 v35, v27;
	v24 =	vadd.f32 v24, v38;
	v30 =	vld.idx.msk [tilespmem:v22+s20+$0x0], $0xffff  }
0x3cc: {  	v38 =	vmul.f32 v39, v4;
	v39 =	vmul.f32 v40, v4;
	v40 =	vadd.f32 v41, v31;
	v27 =	vld.idx.msk [tilespmem:v20+s20+$0x0], $0xffff  }
0x3cd: {  	v35 =	vadd.f32 v35, v32;
	v23 =	vsub.f32 v23, v24;
	v41 =	vld.idx.msk [tilespmem:v22+s23+$0x0], $0xffff  }
0x3ce: {  	v34 =	vadd.f32 v38, v34;
	v31 =	vadd.f32 v39, v37;
	v32 =	vld.idx.msk [tilespmem:v20+s23+$0x0], $0xffff;
	[tilespmem:s25+$0x1B630] =	vst v40  }
.Ltmp1:
0x3cf: {  	[tilespmem:s12+$0x19B30] =	vst v35;
	v35 =	vsub.f32 v36, v43;
	v36 =	vmul.f32 v23, v19;
	v23 =	vld.idx.msk [tilespmem:v11+s31+$0x0], $0xffff;
	v11 =	vmov v22;
	(pc) =	sbr.rel @p0 .LBB2_5-.Ltmp1, $4  }
0x3d0: {  	v33 =	vsub.f32 v33, v28;
	v34 =	vsub.f32 v34, v31;
	v19 =	vmov v26;
	v22 =	vld.idx.msk [tilespmem:v14+s13+$0x0], $0xffff  }
0x3d1: {  	v26 =	vld.idx.msk [tilespmem:v13+s13+$0x0], $0xffff;
	v35 =	vmul.f32 v35, v8;
	v38 =	vadd.f32 v36, v24  }
0x3d2: {  	v36 =	vmul.f32 v33, v8;
	v34 =	vmul.f32 v34, v15;
	v24 =	vld.idx.msk [tilespmem:v14+s21+$0x0], $0xffff  }
0x3d3: {  	s3 =	sadd.s32 $0x100, s3;
	v37 =	vsub.f32 v41, v30;
	v33 =	vld.idx.msk [tilespmem:v13+s21+$0x0], $0xffff;
	v35 =	vadd.f32 v35, v43;
	[tilespmem:s25+$0x1B640] =	vst v38  }
0x3d4: {  	v5 =	vadd.f32 v36, v28  }
0x3d5: {  	v6 =	vsub.f32 v32, v27  }
0x3d6: {  	v7 =	vsub.f32 v35, v5  }
0x3d7: {  	v9 =	vmul.f32 v37, v8;
	v6 =	vmul.f32 v6, v8  }
0x3d8: {  	v7 =	vmul.f32 v7, v19  }
0x3d9: {  	v48 =	vadd.f32 v9, v30;
	v6 =	vadd.f32 v6, v27  }
0x3da: {  	v5 =	vadd.f32 v7, v5  }
0x3db: {  	v49 =	vsub.f32 v48, v6  }
0x3dc: {  	[tilespmem:s12+$0x19B40] =	vst v5  }
0x3dd: {  	v50 =	vmul.f32 v49, v21;
	v51 =	vld.idx.msk [tilespmem:v12+s13+$0x0], $0xffff  }
0x3de: {  	v52 =	vsub.f32 v24, v22;
	v53 =	vsub.f32 v33, v26;
	v54 =	vld.idx.msk [tilespmem:v10+s13+$0x0], $0xffff  }
0x3df: {  	v55 =	vld.idx.msk [tilespmem:v12+s21+$0x0], $0xffff;
	v5 =	vadd.f32 v50, v6  }
0x3e0: {  	v8 =	vmul.f32 v52, v4;
	v9 =	vmul.f32 v53, v4;
	v56 =	vld.idx.msk [tilespmem:v10+s21+$0x0], $0xffff  }
0x3e1: {  	[tilespmem:s12+$0x19B50] =	vst v5  }
0x3e2: {  	v57 =	vadd.f32 v8, v22;
	v58 =	vadd.f32 v9, v26;
	v59 =	vld.idx.msk [tilespmem:v11+s13+$0x0], $0xffff  }
0x3e3: {  	v60 =	vld.idx.msk [tilespmem:v20+s13+$0x0], $0xffff  }
0x3e4: {  	v5 =	vsub.f32 v57, v58;
	v62 =	vld.idx.msk [tilespmem:v11+s21+$0x0], $0xffff  }
0x3e5: {  	v63 =	vld.idx.msk [tilespmem:v20+s21+$0x0], $0xffff;
	v6 =	vsub.f32 v55, v51;
	v27 =	vsub.f32 v56, v54  }
0x3e6: {  	v61 =	vadd.f32 v34, v31;
	v5 =	vmul.f32 v5, v18  }
0x3e7: {  	v6 =	vmul.f32 v6, v4;
	v32 =	vmul.f32 v27, v4  }
0x3e8: {  	[tilespmem:s12+$0x1A460] =	vst v61;
	v5 =	vadd.f32 v5, v58  }
0x3e9: {  	v36 =	vld.idx.msk [tilespmem:v17+s29+$0x0], $0xffff;
	v6 =	vadd.f32 v6, v51;
	v35 =	vadd.f32 v32, v54  }
0x3ea: {  	v33 =	vld.idx.msk [tilespmem:v17+s22+$0x0], $0xffff;
	v37 =	vsub.f32 v62, v59;
	v38 =	vsub.f32 v63, v60  }
0x3eb: {  	v34 =	vld.idx.msk [tilespmem:v16+s22+$0x0], $0xffff;
	v6 =	vsub.f32 v6, v35  }
0x3ec: {  	v39 =	vld.idx.msk [tilespmem:v16+s29+$0x0], $0xffff;
	[tilespmem:s12+$0x1A430] =	vst v5;
	v40 =	vmul.f32 v37, v4;
	v41 =	vmul.f32 v38, v4  }
0x3ed: {  	v42 =	vld.idx.msk [tilespmem:v14+s22+$0x0], $0xffff;
	v6 =	vmul.f32 v6, v19  }
0x3ee: {  	v43 =	vld.idx.msk [tilespmem:v13+s22+$0x0], $0xffff;
	v5 =	vadd.f32 v40, v59;
	v4 =	vadd.f32 v41, v60  }
0x3ef: {  	v44 =	vsub.f32 v36, v33;
	v45 =	vld.idx.msk [tilespmem:v14+s29+$0x0], $0xffff;
	v6 =	vadd.f32 v6, v35  }
0x3f0: {  	v47 =	vld.idx.msk [tilespmem:v13+s29+$0x0], $0xffff;
	v5 =	vsub.f32 v5, v4  }
0x3f1: {  	v46 =	vsub.f32 v39, v34;
	v22 =	vmul.f32 v44, v1;
	[tilespmem:s12+$0x1A440] =	vst v6  }
0x3f2: {  	v5 =	vmul.f32 v5, v21;
	v49 =	vld.idx.msk [tilespmem:v12+s22+$0x0], $0xffff  }
0x3f3: {  	v48 =	vmul.f32 v46, v1;
	v22 =	vadd.f32 v22, v33;
	v50 =	vld.idx.msk [tilespmem:v10+s22+$0x0], $0xffff  }
0x3f4: {  	v52 =	vsub.f32 v45, v42;
	v51 =	vld.idx.msk [tilespmem:v12+s29+$0x0], $0xffff;
	v4 =	vadd.f32 v5, v4  }
0x3f5: {  	v53 =	vsub.f32 v47, v43;
	v6 =	vadd.f32 v48, v34;
	v54 =	vld.idx.msk [tilespmem:v10+s29+$0x0], $0xffff  }
0x3f6: {  	[tilespmem:s12+$0x1A450] =	vst v4  }
0x3f7: {  	v7 =	vmul.f32 v53, v1;
	v55 =	vsub.f32 v22, v6;
	v5 =	vmul.f32 v52, v1;
	v56 =	vld.idx.msk [tilespmem:v11+s22+$0x0], $0xffff  }
0x3f8: {  	v57 =	vld.idx.msk [tilespmem:v20+s22+$0x0], $0xffff  }
0x3f9: {  	v7 =	vadd.f32 v7, v43;
	v4 =	vmul.f32 v55, v15;
	v5 =	vadd.f32 v5, v42;
	v58 =	vld.idx.msk [tilespmem:v11+s29+$0x0], $0xffff  }
0x3fa: {  	v60 =	vld.idx.msk [tilespmem:v20+s29+$0x0], $0xffff;
	v8 =	vsub.f32 v51, v49;
	v59 =	vsub.f32 v54, v50  }
0x3fb: {  	v4 =	vadd.f32 v4, v6  }
0x3fc: {  	v5 =	vsub.f32 v5, v7;
	v61 =	vmul.f32 v8, v1;
	v62 =	vmul.f32 v59, v1  }
0x3fd: {  	v3 =	vld.idx.msk [tilespmem:v3+s31+$0x0], $0xffff  }
0x3fe: {  	[tilespmem:s12+$0x1AD60] =	vst v4;
	v63 =	vmul.f32 v5, v18;
	v31 =	vadd.f32 v61, v49;
	v32 =	vadd.f32 v62, v50  }
0x3ff: {  	v33 =	vld.idx.msk [tilespmem:v17+s30+$0x0], $0xffff;
	v9 =	vsub.f32 v58, v56;
	v34 =	vsub.f32 v60, v57  }
0x400: {  	v35 =	vld.idx.msk [tilespmem:v16+s30+$0x0], $0xffff;
	v4 =	vadd.f32 v63, v7  }
0x401: {  	v36 =	vld.idx.msk [tilespmem:v17+s31+$0x0], $0xffff;
	v5 =	vsub.f32 v31, v32;
	v9 =	vmul.f32 v9, v1;
	v37 =	vmul.f32 v34, v1  }
0x402: {  	v38 =	vld.idx.msk [tilespmem:v16+s31+$0x0], $0xffff  }
0x403: {  	[tilespmem:s12+$0x1AD30] =	vst v4;
	v39 =	vmul.f32 v5, v19;
	v40 =	vadd.f32 v9, v56;
	v1 =	vadd.f32 v37, v57  }
0x404: {  	v41 =	vld.idx.msk [tilespmem:v14+s30+$0x0], $0xffff  }
0x405: {  	v42 =	vld.idx.msk [tilespmem:v13+s30+$0x0], $0xffff;
	v4 =	vadd.f32 v39, v32;
	v5 =	vsub.f32 v40, v1  }
0x406: {  	v43 =	vld.idx.msk [tilespmem:v14+s31+$0x0], $0xffff  }
0x407: {  	v45 =	vld.idx.msk [tilespmem:v13+s31+$0x0], $0xffff;
	[tilespmem:s12+$0x1AD40] =	vst v4;
	v44 =	vmul.f32 v5, v21  }
0x408: {  	v47 =	vld.idx.msk [tilespmem:v12+s30+$0x0], $0xffff  }
0x409: {  	v48 =	vld.idx.msk [tilespmem:v10+s30+$0x0], $0xffff;
	v1 =	vadd.f32 v44, v1  }
0x40a: {  	v49 =	vld.idx.msk [tilespmem:v12+s31+$0x0], $0xffff  }
0x40b: {  	v3 =	vsub.f32 v3, v29;
	v46 =	vsub.f32 v23, v25;
	v50 =	vld.idx.msk [tilespmem:v10+s31+$0x0], $0xffff;
	[tilespmem:s12+$0x1AD50] =	vst v1  }
0x40c: {  	v7 =	vsub.f32 v36, v33;
	v52 =	vld.idx.msk [tilespmem:v11+s30+$0x0], $0xffff  }
0x40d: {  	v3 =	vmul.f32 v3, v0;
	v13 =	vmul.f32 v46, v0;
	v16 =	vsub.f32 v38, v35;
	v53 =	vld.idx.msk [tilespmem:v20+s30+$0x0], $0xffff  }
0x40e: {  	v7 =	vmul.f32 v7, v0;
	v14 =	vsub.f32 v43, v41;
	v5 =	vsub.f32 v45, v42;
	v54 =	vld.idx.msk [tilespmem:v11+s31+$0x0], $0xffff  }
0x40f: {  	v3 =	vadd.f32 v3, v29;
	v51 =	vadd.f32 v13, v25;
	v16 =	vmul.f32 v16, v0;
	v55 =	vld.idx.msk [tilespmem:v20+s31+$0x0], $0xffff  }
0x410: {  	v7 =	vadd.f32 v7, v33;
	v14 =	vmul.f32 v14, v0;
	v5 =	vmul.f32 v5, v0  }
0x411: {  	v56 =	vadd.f32 v16, v35;
	v10 =	vsub.f32 v51, v3  }
0x412: {  	v9 =	vadd.f32 v14, v41;
	v5 =	vadd.f32 v5, v42  }
0x413: {  	v57 =	vsub.f32 v49, v47;
	v1 =	vsub.f32 v50, v48  }
0x414: {  	v11 =	vsub.f32 v54, v52;
	v58 =	vsub.f32 v55, v53  }
0x415: {  	v7 =	vsub.f32 v7, v56;
	v6 =	vmul.f32 v57, v0;
	v1 =	vmul.f32 v1, v0  }
0x416: {  	v9 =	vsub.f32 v9, v5;
	v11 =	vmul.f32 v11, v0;
	v59 =	vmul.f32 v58, v0  }
0x417: {  	v2 =	vmul.f32 v10, v2;
	v6 =	vadd.f32 v6, v47;
	v1 =	vadd.f32 v1, v48  }
0x418: {  	v7 =	vmul.f32 v7, v15;
	v60 =	vadd.f32 v11, v52;
	v0 =	vadd.f32 v59, v53  }
0x419: {  	v2 =	vadd.f32 v2, v3;
	v6 =	vsub.f32 v6, v1  }
0x41a: {  	v7 =	vadd.f32 v7, v56;
	v61 =	vmul.f32 v9, v18;
	v4 =	vsub.f32 v60, v0  }
0x41b: {  	[tilespmem:s25+$0x1B650] =	vst v2;
	v6 =	vmul.f32 v6, v19  }
0x41c: {  	[tilespmem:s12+$0x1B660] =	vst v7;
	v62 =	vadd.f32 v61, v5;
	v63 =	vmul.f32 v4, v21  }
0x41d: {  	s3 =	rddreg [dreg:$0x3];
	v1 =	vadd.f32 v6, v1  }
0x41e: {  	s2 =	rddreg [dreg:$0x10];
	[tilespmem:s12+$0x1B630] =	vst v62;
	v0 =	vadd.f32 v63, v0  }
0x41f: {  	[tilespmem:s12+$0x1B640] =	vst v1  }
0x420: {  	s3 =	sadd.s32 s3, s2;
	[tilespmem:s12+$0x1B650] =	vst v0  }
0x421: {  	s3 =	smul.u32 $0x120, s3;
	s9 =	rddreg [dreg:$0x7]  }
0x422: {  	s11 =	simm.s32 $0x17730;
	s12 =	rddreg [dreg:$0xf]  }
0x423: {  	s4 =	simm.s32 $0x0;
	s3 =	sadd.s32 s9, s3;
	s13 =	smin.u32 s12, $0x17  }
0x424: {  	[hbm4b:s3+s4] =	stream.linear.scatter [tilespmem:s11], [sflag:$0x6], $0x4800, $0x38;
	[tilespmem:$0x1DA30] =	vst v63  }
0x425: {  	s3 =	sshll.u32 s13, $0x3  }
0x426: {  	s21 =	rddreg [dreg:$0x0];
	s25 =	simm.s32 $0x8;
	s20 =	sadd.s32 $0x18, s3  }
0x427: {  	[tilespmem:s15], [sflag:$0x2] =	stream.indirect.gather [hbm4b:s21+s25], $0x900, s20, s25, $0xb8;
	[tilespmem:$0x1DA30] =	vst v63  }
0x428: {  	s20 =	rddreg [dreg:$0xe]  }
0x429: {  	s20 =	sadd.s32 $0x1, s20  }
0x42a: {  	p0 =	sne.s32 s20, $0xD  }
.Ltmp2:
0x42b: {  	_ = 	snop;
	(pc) =	sbr.rel @p0 .LBB2_2-.Ltmp2, $4  }
0x42c: {  	_ = 	snop  }
0x42d: {  	s8 =	simm.s32 $0x1830;
	s10 =	simm.s32 $0xA830;
	s2 =	simm.s32 $0xF30  }
0x42e: {  	s4 =	simm.s32 $0x9F30;
	s11 =	simm.s32 $0x2130;
	s3 =	sadd.s32 $0xF0, s3  }
0x42f: {  	[tilespmem:s26], [sflag:$0x4] =	stream.indirect.gather [hbm4b:s21+s25], $0x900, s3, s25, $0xb8;
	[tilespmem:$0x1DA30] =	vst v63  }
0x430: {  	s3 =	simm.s32 $0x1  }
0x431: {  	_ =	swait.ge [sflag:s3], $0x4800  }
0x432: {  	[sflag:s3] =	ssyncset.done $0x0  }
0x433: {  	s13 =	simm.s32 $0x3;
	[sflag:s3] =	ssyncadd.s32 $0xFFFFB800  }
0x434: {  	_ =	swait.ge [sflag:s13], $0x4800  }
0x435: {  	[sflag:s13] =	ssyncset.done $0x0  }
0x436: {  	s20 =	simm.s32 $0x5;
	[sflag:s13] =	ssyncadd.s32 $0xFFFFB800  }
0x437: {  	_ =	swait.ge [sflag:s20], $0x4800  }
0x438: {  	[sflag:s20] =	ssyncset.done $0x0  }
0x439: {  	s9 =	simm.s32 $0x1BF50;
	[sflag:s20] =	ssyncadd.s32 $0xFFFFB800  }
0x43a: {  	s12 =	simm.s32 $0x1C850;
	v19 =	vld [tilespmem:s9+$0x10]  }
0x43b: {  	v18 =	vld [tilespmem:s12+$0x10];
	_ =	sdelay $0x2  }
0x43c: {  	v4 =	vld [tilespmem:$0xEB0]  }
0x43d: {  	v5 =	vld [tilespmem:$0xEC0]  }
0x43e: {  	v6 =	vld [tilespmem:$0xED0]  }
0x43f: {  	v7 =	vld [tilespmem:$0xEE0]  }
0x440: {  	v2 =	vld.idx.msk [tilespmem:v19+s2+$0x0], $0xffff  }
0x441: {  	v9 =	vld.idx.msk [tilespmem:v18+s2+$0x0], $0xffff  }
0x442: {  	v0 =	vld.idx.msk [tilespmem:v19+s4+$0x0], $0xffff  }
0x443: {  	v10 =	vld.idx.msk [tilespmem:v18+s4+$0x0], $0xffff  }
0x444: {  	v8 =	vld [tilespmem:$0xEF0]  }
0x445: {  	v3 =	vld [tilespmem:$0xF00]  }
0x446: {  	v29 =	vld [tilespmem:s9+$0xFFFFFFE0]  }
0x447: {  	v28 =	vld [tilespmem:s12+$0xFFFFFFE0]  }
0x448: {  	v1 =	vld [tilespmem:$0xF10];
	v11 =	vsub.f32 v0, v2;
	v10 =	vsub.f32 v10, v9  }
0x449: {  	s15 =	simm.s32 $0x1D150;
	v26 =	vld [tilespmem:s9+$0xFFFFFFF0]  }
0x44a: {  	v23 =	vld [tilespmem:s15+$0x10];
	v11 =	vmul.f32 v11, v4;
	v10 =	vmul.f32 v10, v4  }
0x44b: {  	v27 =	vld [tilespmem:s12+$0xFFFFFFF0]  }
0x44c: {  	v22 =	vld [tilespmem:s9+$0x0];
	v2 =	vadd.f32 v11, v2;
	v9 =	vadd.f32 v10, v9  }
0x44d: {  	v21 =	vld [tilespmem:s12+$0x0]  }
0x44e: {  	v12 =	vld.idx.msk [tilespmem:v29+s2+$0x0], $0xffff;
	v2 =	vsub.f32 v2, v9  }
0x44f: {  	v13 =	vld.idx.msk [tilespmem:v29+s4+$0x0], $0xffff  }
0x450: {  	v10 =	vld.idx.msk [tilespmem:v28+s2+$0x0], $0xffff;
	v2 =	vmul.f32 v2, v23  }
0x451: {  	v11 =	vld.idx.msk [tilespmem:v28+s4+$0x0], $0xffff  }
0x452: {  	v24 =	vld [tilespmem:s15+$0xFFFFFFE0];
	v2 =	vadd.f32 v2, v9  }
0x453: {  	s25 =	simm.s32 $0x15330;
	v14 =	vld.idx.msk [tilespmem:v27+s2+$0x0], $0xffff  }
0x454: {  	v0 =	vld [tilespmem:$0xF20];
	[tilespmem:s25+$0xFFFFDC30] =	vst v2  }
0x455: {  	v2 =	vld.idx.msk [tilespmem:v19+s8+$0x0], $0xffff  }
0x456: {  	v13 =	vsub.f32 v13, v12;
	v11 =	vsub.f32 v11, v10;
	v15 =	vld.idx.msk [tilespmem:v18+s8+$0x0], $0xffff  }
0x457: {  	v16 =	vld.idx.msk [tilespmem:v19+s10+$0x0], $0xffff  }
0x458: {  	v13 =	vmul.f32 v13, v4;
	v11 =	vmul.f32 v11, v4;
	v17 =	vld.idx.msk [tilespmem:v18+s10+$0x0], $0xffff  }
0x459: {  	v20 =	vld.idx.msk [tilespmem:v26+s4+$0x0], $0xffff  }
0x45a: {  	v9 =	vld.idx.msk [tilespmem:v26+s2+$0x0], $0xffff;
	v10 =	vadd.f32 v11, v10;
	v11 =	vadd.f32 v13, v12  }
0x45b: {  	v12 =	vld.idx.msk [tilespmem:v27+s4+$0x0], $0xffff  }
0x45c: {  	v11 =	vsub.f32 v11, v10  }
0x45d: {  	v13 =	vsub.f32 v16, v2;
	v16 =	vsub.f32 v17, v15  }
0x45e: {  	v30 =	vld.idx.msk [tilespmem:v21+s2+$0x0], $0xffff;
	v11 =	vmul.f32 v11, v24  }
0x45f: {  	v31 =	vld.idx.msk [tilespmem:v22+s4+$0x0], $0xffff;
	v20 =	vsub.f32 v20, v9;
	v13 =	vmul.f32 v13, v5;
	v16 =	vmul.f32 v16, v5  }
0x460: {  	v17 =	vld.idx.msk [tilespmem:v22+s2+$0x0], $0xffff;
	v12 =	vsub.f32 v12, v14;
	v10 =	vadd.f32 v11, v10  }
0x461: {  	v11 =	vld.idx.msk [tilespmem:v21+s4+$0x0], $0xffff;
	v2 =	vadd.f32 v13, v2;
	v13 =	vadd.f32 v16, v15  }
0x462: {  	v25 =	vld [tilespmem:s15+$0xFFFFFFF0];
	[tilespmem:s25+$0xFFFFDC00] =	vst v10  }
0x463: {  	v12 =	vmul.f32 v12, v4;
	v10 =	vmul.f32 v20, v4;
	v15 =	vld.idx.msk [tilespmem:v29+s8+$0x0], $0xffff;
	v2 =	vsub.f32 v2, v13  }
0x464: {  	v16 =	vld.idx.msk [tilespmem:v28+s8+$0x0], $0xffff  }
0x465: {  	v20 =	vld.idx.msk [tilespmem:v28+s10+$0x0], $0xffff;
	v9 =	vadd.f32 v10, v9;
	v10 =	vadd.f32 v12, v14;
	v2 =	vmul.f32 v2, v23  }
0x466: {  	v12 =	vld.idx.msk [tilespmem:v29+s10+$0x0], $0xffff;
	v14 =	vsub.f32 v31, v17;
	v11 =	vsub.f32 v11, v30  }
0x467: {  	v13 =	vadd.f32 v2, v13  }
0x468: {  	v9 =	vsub.f32 v9, v10;
	v14 =	vmul.f32 v14, v4;
	v11 =	vmul.f32 v11, v4  }
0x469: {  	v2 =	vld [tilespmem:s15+$0x0];
	[tilespmem:s25+$0xFFFFE530] =	vst v13  }
0x46a: {  	v9 =	vmul.f32 v9, v25;
	v11 =	vadd.f32 v11, v30;
	v13 =	vadd.f32 v14, v17;
	v14 =	vld.idx.msk [tilespmem:v19+s11+$0x0], $0xffff  }
0x46b: {  	v20 =	vsub.f32 v20, v16;
	v12 =	vsub.f32 v12, v15;
	v17 =	vld.idx.msk [tilespmem:v18+s11+$0x0], $0xffff  }
0x46c: {  	v9 =	vadd.f32 v9, v10;
	v30 =	vld.idx.msk [tilespmem:v18+s1+$0x0], $0xffff;
	v10 =	vsub.f32 v13, v11  }
0x46d: {  	v20 =	vmul.f32 v20, v5;
	v12 =	vmul.f32 v12, v5;
	v13 =	vld.idx.msk [tilespmem:v19+s1+$0x0], $0xffff  }
0x46e: {  	[tilespmem:s25+$0xFFFFDC10] =	vst v9;
	v9 =	vmul.f32 v10, v2  }
0x46f: {  	v12 =	vadd.f32 v12, v15;
	v15 =	vadd.f32 v20, v16;
	v10 =	vld.idx.msk [tilespmem:v26+s8+$0x0], $0xffff  }
0x470: {  	v9 =	vadd.f32 v9, v11;
	v11 =	vld.idx.msk [tilespmem:v26+s10+$0x0], $0xffff  }
0x471: {  	v16 =	vld.idx.msk [tilespmem:v27+s8+$0x0], $0xffff;
	v12 =	vsub.f32 v12, v15  }
0x472: {  	v20 =	vsub.f32 v30, v17;
	v13 =	vsub.f32 v13, v14;
	[tilespmem:s25+$0xFFFFDC20] =	vst v9;
	v9 =	vld.idx.msk [tilespmem:v27+s10+$0x0], $0xffff  }
0x473: {  	v12 =	vmul.f32 v12, v24;
	v30 =	vld.idx.msk [tilespmem:v22+s8+$0x0], $0xffff  }
0x474: {  	v20 =	vmul.f32 v20, v6;
	v31 =	vld.idx.msk [tilespmem:v21+s8+$0x0], $0xffff;
	v13 =	vmul.f32 v13, v6  }
0x475: {  	v12 =	vadd.f32 v12, v15;
	v15 =	vld.idx.msk [tilespmem:v21+s10+$0x0], $0xffff;
	v11 =	vsub.f32 v11, v10  }
0x476: {  	v32 =	vld.idx.msk [tilespmem:v22+s10+$0x0], $0xffff;
	v13 =	vadd.f32 v13, v14;
	v14 =	vadd.f32 v20, v17  }
0x477: {  	[tilespmem:s25+$0xFFFFE500] =	vst v12;
	v9 =	vsub.f32 v9, v16  }
0x478: {  	v12 =	vld.idx.msk [tilespmem:v29+s11+$0x0], $0xffff;
	v11 =	vmul.f32 v11, v5;
	v13 =	vsub.f32 v13, v14  }
0x479: {  	v17 =	vld.idx.msk [tilespmem:v28+s11+$0x0], $0xffff;
	v9 =	vmul.f32 v9, v5  }
0x47a: {  	v20 =	vld.idx.msk [tilespmem:v29+s1+$0x0], $0xffff;
	v15 =	vsub.f32 v15, v31;
	v10 =	vadd.f32 v11, v10;
	v13 =	vmul.f32 v13, v23  }
0x47b: {  	v11 =	vsub.f32 v32, v30;
	v9 =	vadd.f32 v9, v16;
	v16 =	vld.idx.msk [tilespmem:v28+s1+$0x0], $0xffff  }
0x47c: {  	v13 =	vadd.f32 v13, v14  }
0x47d: {  	v11 =	vmul.f32 v11, v5;
	v14 =	vmul.f32 v15, v5;
	v10 =	vsub.f32 v10, v9  }
0x47e: {  	[tilespmem:s25+$0xFFFFEE30] =	vst v13  }
0x47f: {  	v11 =	vadd.f32 v11, v30;
	v13 =	vadd.f32 v14, v31;
	v14 =	vld.idx.msk [tilespmem:v19+s0+$0x0], $0xffff;
	v10 =	vmul.f32 v10, v25  }
0x480: {  	v15 =	vsub.f32 v20, v12;
	v20 =	vld.idx.msk [tilespmem:v18+s0+$0x0], $0xffff;
	v16 =	vsub.f32 v16, v17  }
0x481: {  	v30 =	vld.idx.msk [tilespmem:v18+s14+$0x0], $0xffff;
	v11 =	vsub.f32 v11, v13;
	v9 =	vadd.f32 v10, v9  }
0x482: {  	v15 =	vmul.f32 v15, v6;
	v10 =	vld.idx.msk [tilespmem:v19+s14+$0x0], $0xffff;
	v16 =	vmul.f32 v16, v6  }
0x483: {  	v11 =	vmul.f32 v11, v2;
	[tilespmem:s25+$0xFFFFE510] =	vst v9  }
0x484: {  	v12 =	vadd.f32 v15, v12;
	v9 =	vld.idx.msk [tilespmem:v26+s11+$0x0], $0xffff;
	v15 =	vadd.f32 v16, v17  }
0x485: {  	v11 =	vadd.f32 v11, v13;
	v13 =	vld.idx.msk [tilespmem:v26+s1+$0x0], $0xffff  }
0x486: {  	v16 =	vld.idx.msk [tilespmem:v27+s11+$0x0], $0xffff;
	v12 =	vsub.f32 v12, v15  }
0x487: {  	v17 =	vsub.f32 v30, v20;
	[tilespmem:s25+$0xFFFFE520] =	vst v11;
	v11 =	vld.idx.msk [tilespmem:v27+s1+$0x0], $0xffff;
	v10 =	vsub.f32 v10, v14  }
0x488: {  	v30 =	vld.idx.msk [tilespmem:v22+s11+$0x0], $0xffff;
	v12 =	vmul.f32 v12, v24  }
0x489: {  	v31 =	vld.idx.msk [tilespmem:v21+s11+$0x0], $0xffff;
	v17 =	vmul.f32 v17, v7;
	v10 =	vmul.f32 v10, v7  }
0x48a: {  	v58 =	vld.idx.msk [tilespmem:v22+s1+$0x0], $0xffff;
	v13 =	vsub.f32 v13, v9;
	v12 =	vadd.f32 v12, v15  }
0x48b: {  	v15 =	vld.idx.msk [tilespmem:v21+s1+$0x0], $0xffff;
	v10 =	vadd.f32 v10, v14;
	v14 =	vadd.f32 v17, v20  }
0x48c: {  	v11 =	vsub.f32 v11, v16;
	[tilespmem:s25+$0xFFFFEE00] =	vst v12  }
0x48d: {  	v12 =	vmul.f32 v13, v6;
	v10 =	vsub.f32 v10, v14;
	v13 =	vld.idx.msk [tilespmem:v29+s0+$0x0], $0xffff  }
0x48e: {  	v11 =	vmul.f32 v11, v6;
	v17 =	vld.idx.msk [tilespmem:v28+s0+$0x0], $0xffff  }
0x48f: {  	v20 =	vld.idx.msk [tilespmem:v29+s14+$0x0], $0xffff;
	v9 =	vadd.f32 v12, v9;
	v12 =	vsub.f32 v58, v30;
	v10 =	vmul.f32 v10, v23  }
0x490: {  	v59 =	vld.idx.msk [tilespmem:v28+s14+$0x0], $0xffff;
	v11 =	vadd.f32 v11, v16;
	v15 =	vsub.f32 v15, v31  }
0x491: {  	v10 =	vadd.f32 v10, v14  }
0x492: {  	v12 =	vmul.f32 v12, v6;
	v9 =	vsub.f32 v9, v11;
	v14 =	vmul.f32 v15, v6  }
0x493: {  	[tilespmem:s25+$0xFFFFF730] =	vst v10  }
0x494: {  	v10 =	vadd.f32 v12, v30;
	v9 =	vmul.f32 v9, v25;
	v12 =	vadd.f32 v14, v31;
	v14 =	vld.idx.msk [tilespmem:v19+s16+$0x0], $0xffff  }
0x495: {  	v15 =	vsub.f32 v20, v13;
	v20 =	vsub.f32 v59, v17;
	v16 =	vld.idx.msk [tilespmem:v18+s16+$0x0], $0xffff  }
0x496: {  	v30 =	vld.idx.msk [tilespmem:v18+s17+$0x0], $0xffff;
	v9 =	vadd.f32 v9, v11;
	v10 =	vsub.f32 v10, v12  }
0x497: {  	v11 =	vld.idx.msk [tilespmem:v19+s17+$0x0], $0xffff;
	v15 =	vmul.f32 v15, v7;
	v20 =	vmul.f32 v20, v7  }
0x498: {  	[tilespmem:s25+$0xFFFFEE10] =	vst v9;
	v10 =	vmul.f32 v10, v2  }
0x499: {  	v9 =	vadd.f32 v15, v13;
	v15 =	vadd.f32 v20, v17;
	v13 =	vld.idx.msk [tilespmem:v26+s0+$0x0], $0xffff  }
0x49a: {  	v17 =	vld.idx.msk [tilespmem:v26+s14+$0x0], $0xffff;
	v10 =	vadd.f32 v10, v12  }
0x49b: {  	v9 =	vsub.f32 v9, v15;
	v12 =	vld.idx.msk [tilespmem:v27+s0+$0x0], $0xffff  }
0x49c: {  	v20 =	vsub.f32 v30, v16;
	v11 =	vsub.f32 v11, v14;
	[tilespmem:s25+$0xFFFFEE20] =	vst v10;
	v10 =	vld.idx.msk [tilespmem:v27+s14+$0x0], $0xffff  }
0x49d: {  	v9 =	vmul.f32 v9, v24;
	v30 =	vld.idx.msk [tilespmem:v22+s0+$0x0], $0xffff  }
0x49e: {  	v20 =	vmul.f32 v20, v8;
	v11 =	vmul.f32 v11, v8;
	v31 =	vld.idx.msk [tilespmem:v21+s0+$0x0], $0xffff  }
0x49f: {  	v60 =	vld.idx.msk [tilespmem:v22+s14+$0x0], $0xffff;
	v9 =	vadd.f32 v9, v15  }
0x4a0: {  	v15 =	vld.idx.msk [tilespmem:v21+s14+$0x0], $0xffff;
	v11 =	vadd.f32 v11, v14;
	v14 =	vadd.f32 v20, v16  }
0x4a1: {  	[tilespmem:s25+$0xFFFFF700] =	vst v9;
	v9 =	vsub.f32 v17, v13  }
0x4a2: {  	v16 =	vld.idx.msk [tilespmem:v29+s16+$0x0], $0xffff;
	v11 =	vsub.f32 v11, v14;
	v10 =	vsub.f32 v10, v12  }
0x4a3: {  	v20 =	vld.idx.msk [tilespmem:v29+s17+$0x0], $0xffff;
	v9 =	vmul.f32 v9, v7  }
0x4a4: {  	v17 =	vld.idx.msk [tilespmem:v28+s16+$0x0], $0xffff;
	v32 =	vsub.f32 v60, v30;
	v11 =	vmul.f32 v11, v23;
	v10 =	vmul.f32 v10, v7  }
0x4a5: {  	v33 =	vld.idx.msk [tilespmem:v28+s17+$0x0], $0xffff;
	v9 =	vadd.f32 v9, v13;
	v13 =	vsub.f32 v15, v31  }
0x4a6: {  	v11 =	vadd.f32 v11, v14;
	v10 =	vadd.f32 v10, v12  }
0x4a7: {  	v12 =	vmul.f32 v32, v7;
	v13 =	vmul.f32 v13, v7  }
0x4a8: {  	v14 =	vsub.f32 v20, v16;
	[tilespmem:s25+$0x30] =	vst v11;
	v9 =	vsub.f32 v9, v10  }
0x4a9: {  	v11 =	vadd.f32 v12, v30;
	v12 =	vadd.f32 v13, v31;
	v13 =	vld.idx.msk [tilespmem:v19+s19+$0x0], $0xffff  }
0x4aa: {  	v20 =	vsub.f32 v33, v17;
	v15 =	vld.idx.msk [tilespmem:v18+s19+$0x0], $0xffff;
	v9 =	vmul.f32 v9, v25  }
0x4ab: {  	v30 =	vld.idx.msk [tilespmem:v19+s24+$0x0], $0xffff;
	v14 =	vmul.f32 v14, v8  }
0x4ac: {  	v31 =	vld.idx.msk [tilespmem:v18+s24+$0x0], $0xffff;
	v20 =	vmul.f32 v20, v8;
	v11 =	vsub.f32 v11, v12;
	v9 =	vadd.f32 v9, v10  }
0x4ad: {  	s21 =	simm.s32 $0x1BF90  }
0x4ae: {  	v10 =	vmul.f32 v11, v2;
	v11 =	vadd.f32 v14, v16;
	v14 =	vadd.f32 v20, v17;
	v16 =	vld [tilespmem:s21+$0x10];
	[tilespmem:s25+$0xFFFFF710] =	vst v9  }
0x4af: {  	v20 =	vld.idx.msk [tilespmem:v26+s16+$0x0], $0xffff  }
0x4b0: {  	v9 =	vadd.f32 v10, v12;
	v10 =	vsub.f32 v11, v14;
	v36 =	vld.idx.msk [tilespmem:v27+s16+$0x0], $0xffff  }
0x4b1: {  	v11 =	vsub.f32 v30, v13;
	v12 =	vsub.f32 v31, v15;
	v61 =	vld.idx.msk [tilespmem:v26+s17+$0x0], $0xffff  }
0x4b2: {  	v62 =	vld.idx.msk [tilespmem:v27+s17+$0x0], $0xffff  }
0x4b3: {  	[tilespmem:s25+$0xFFFFF720] =	vst v9;
	v9 =	vmul.f32 v11, v3;
	v11 =	vmul.f32 v12, v3;
	v12 =	vld [tilespmem:s21+$0xFFFFFFF0]  }
0x4b4: {  	v37 =	vld.idx.msk [tilespmem:v22+s16+$0x0], $0xffff  }
0x4b5: {  	v38 =	vld.idx.msk [tilespmem:v21+s16+$0x0], $0xffff  }
0x4b6: {  	v39 =	vld.idx.msk [tilespmem:v22+s17+$0x0], $0xffff;
	v9 =	vadd.f32 v9, v13;
	v11 =	vadd.f32 v11, v15  }
0x4b7: {  	s13 =	simm.s32 $0x1C890;
	v10 =	vmul.f32 v10, v24;
	v40 =	vld.idx.msk [tilespmem:v21+s17+$0x0], $0xffff  }
0x4b8: {  	v15 =	vld [tilespmem:s13+$0x10];
	v9 =	vsub.f32 v9, v11  }
0x4b9: {  	v10 =	vadd.f32 v10, v14;
	v13 =	vld [tilespmem:s13+$0xFFFFFFE0]  }
0x4ba: {  	v31 =	vld.idx.msk [tilespmem:v16+s2+$0x0], $0xffff;
	v9 =	vmul.f32 v9, v23  }
0x4bb: {  	[tilespmem:s25+$0x0] =	vst v10;
	v44 =	vld.idx.msk [tilespmem:v16+s4+$0x0], $0xffff  }
0x4bc: {  	v35 =	vld.idx.msk [tilespmem:v29+s19+$0x0], $0xffff;
	v9 =	vadd.f32 v9, v11  }
0x4bd: {  	v34 =	vld.idx.msk [tilespmem:v28+s19+$0x0], $0xffff  }
0x4be: {  	v41 =	vld.idx.msk [tilespmem:v29+s24+$0x0], $0xffff;
	[tilespmem:s25+$0x930] =	vst v9  }
0x4bf: {  	v14 =	vld.idx.msk [tilespmem:v19+s18+$0x0], $0xffff  }
0x4c0: {  	v30 =	vld.idx.msk [tilespmem:v18+s18+$0x0], $0xffff  }
0x4c1: {  	v10 =	vld.idx.msk [tilespmem:v19+s5+$0x0], $0xffff  }
0x4c2: {  	v17 =	vld.idx.msk [tilespmem:v18+s5+$0x0], $0xffff  }
0x4c3: {  	v42 =	vld.idx.msk [tilespmem:v28+s24+$0x0], $0xffff  }
0x4c4: {  	v11 =	vld [tilespmem:s13+$0xFFFFFFF0]  }
0x4c5: {  	v48 =	vld.idx.msk [tilespmem:v12+s2+$0x0], $0xffff  }
0x4c6: {  	v50 =	vld.idx.msk [tilespmem:v12+s4+$0x0], $0xffff  }
0x4c7: {  	v9 =	vld [tilespmem:s21+$0x0];
	v10 =	vsub.f32 v10, v14;
	v17 =	vsub.f32 v17, v30  }
0x4c8: {  	v43 =	vld.idx.msk [tilespmem:v15+s2+$0x0], $0xffff  }
0x4c9: {  	v45 =	vld.idx.msk [tilespmem:v15+s4+$0x0], $0xffff;
	v46 =	vmul.f32 v10, v1;
	v47 =	vmul.f32 v17, v1  }
0x4ca: {  	v17 =	vld [tilespmem:s21+$0xFFFFFFE0]  }
0x4cb: {  	v63 =	vld.idx.msk [tilespmem:v13+s4+$0x0], $0xffff;
	v14 =	vadd.f32 v46, v14;
	v30 =	vadd.f32 v47, v30  }
0x4cc: {  	v49 =	vld.idx.msk [tilespmem:v11+s2+$0x0], $0xffff  }
0x4cd: {  	v53 =	vsub.f32 v62, v36;
	v51 =	vld.idx.msk [tilespmem:v11+s4+$0x0], $0xffff;
	v14 =	vsub.f32 v14, v30  }
0x4ce: {  	v44 =	vsub.f32 v44, v31;
	v45 =	vsub.f32 v45, v43;
	v10 =	vld [tilespmem:s13+$0x0]  }
0x4cf: {  	v57 =	vmul.f32 v53, v8;
	v41 =	vsub.f32 v41, v35;
	v53 =	vld.idx.msk [tilespmem:v9+s2+$0x0], $0xffff;
	v14 =	vmul.f32 v14, v23  }
0x4d0: {  	s15 =	simm.s32 $0x1D190;
	v42 =	vsub.f32 v42, v34;
	v44 =	vmul.f32 v44, v4;
	v45 =	vmul.f32 v45, v4;
	v46 =	vld.idx.msk [tilespmem:v13+s2+$0x0], $0xffff  }
0x4d1: {  	v41 =	vmul.f32 v41, v3;
	v30 =	vadd.f32 v14, v30;
	v14 =	vld [tilespmem:s15+$0x10]  }
0x4d2: {  	v42 =	vmul.f32 v42, v3;
	v44 =	vadd.f32 v44, v31;
	v43 =	vadd.f32 v45, v43;
	v52 =	vld.idx.msk [tilespmem:v17+s2+$0x0], $0xffff  }
0x4d3: {  	v35 =	vadd.f32 v41, v35;
	v58 =	vld.idx.msk [tilespmem:v17+s4+$0x0], $0xffff;
	[tilespmem:s25+$0x1230] =	vst v30  }
0x4d4: {  	v34 =	vadd.f32 v42, v34;
	v44 =	vsub.f32 v44, v43;
	v31 =	vld.idx.msk [tilespmem:v19+s6+$0x0], $0xffff  }
0x4d5: {  	v56 =	vsub.f32 v61, v20;
	v30 =	vld.idx.msk [tilespmem:v18+s6+$0x0], $0xffff  }
0x4d6: {  	v40 =	vsub.f32 v40, v38;
	v35 =	vsub.f32 v35, v34;
	v33 =	vld.idx.msk [tilespmem:v19+s7+$0x0], $0xffff;
	v19 =	vmul.f32 v44, v14  }
0x4d7: {  	v39 =	vsub.f32 v39, v37;
	v32 =	vld.idx.msk [tilespmem:v18+s7+$0x0], $0xffff;
	v18 =	vmul.f32 v56, v8  }
0x4d8: {  	v40 =	vmul.f32 v40, v8;
	v35 =	vmul.f32 v35, v24;
	v54 =	vld.idx.msk [tilespmem:v10+s4+$0x0], $0xffff;
	v19 =	vadd.f32 v19, v43  }
0x4d9: {  	s12 =	simm.s32 $0x15370;
	v39 =	vmul.f32 v39, v8;
	v18 =	vadd.f32 v18, v20;
	v20 =	vadd.f32 v57, v36;
	v36 =	vld.idx.msk [tilespmem:v10+s2+$0x0], $0xffff  }
0x4da: {  	v59 =	vadd.f32 v40, v38;
	v34 =	vadd.f32 v35, v34;
	v43 =	vld.idx.msk [tilespmem:v9+s4+$0x0], $0xffff;
	[tilespmem:s12+$0xFFFFDC30] =	vst v19  }
0x4db: {  	v61 =	vsub.f32 v58, v52;
	v18 =	vsub.f32 v18, v20;
	v44 =	vld.idx.msk [tilespmem:v16+s8+$0x0], $0xffff  }
0x4dc: {  	v60 =	vsub.f32 v63, v46;
	v19 =	vadd.f32 v39, v37;
	v38 =	vld.idx.msk [tilespmem:v15+s8+$0x0], $0xffff  }
0x4dd: {  	v63 =	vsub.f32 v50, v48;
	v40 =	vmul.f32 v61, v4;
	v18 =	vmul.f32 v18, v25;
	v62 =	vld.idx.msk [tilespmem:v16+s10+$0x0], $0xffff  }
0x4de: {  	v51 =	vsub.f32 v51, v49;
	v39 =	vmul.f32 v60, v4;
	v57 =	vld.idx.msk [tilespmem:v15+s10+$0x0], $0xffff;
	v19 =	vsub.f32 v19, v59  }
0x4df: {  	[tilespmem:s25+$0x900] =	vst v34;
	v47 =	vmul.f32 v63, v4;
	v40 =	vadd.f32 v40, v52;
	v20 =	vadd.f32 v18, v20;
	v18 =	vld [tilespmem:s15+$0xFFFFFFE0]  }
0x4e0: {  	v63 =	vsub.f32 v54, v36;
	v54 =	vld.idx.msk [tilespmem:v28+s18+$0x0], $0xffff;
	v39 =	vadd.f32 v39, v46;
	v55 =	vmul.f32 v19, v2  }
0x4e1: {  	v47 =	vadd.f32 v47, v48;
	v19 =	vld [tilespmem:s15+$0xFFFFFFF0]  }
0x4e2: {  	v58 =	vmul.f32 v51, v4;
	[tilespmem:s25+$0x10] =	vst v20;
	v20 =	vld [tilespmem:s15+$0x0];
	v40 =	vsub.f32 v40, v39;
	v37 =	vadd.f32 v55, v59  }
0x4e3: {  	v48 =	vld.idx.msk [tilespmem:v26+s19+$0x0], $0xffff;
	v45 =	vsub.f32 v62, v44;
	v59 =	vsub.f32 v57, v38  }
0x4e4: {  	v46 =	vadd.f32 v58, v49;
	v50 =	vld.idx.msk [tilespmem:v27+s19+$0x0], $0xffff;
	v40 =	vmul.f32 v40, v18  }
0x4e5: {  	v43 =	vsub.f32 v43, v53;
	v61 =	vld.idx.msk [tilespmem:v26+s24+$0x0], $0xffff;
	v45 =	vmul.f32 v45, v5;
	v49 =	vmul.f32 v59, v5  }
0x4e6: {  	v60 =	vsub.f32 v47, v46;
	v62 =	vld.idx.msk [tilespmem:v27+s24+$0x0], $0xffff;
	[tilespmem:s25+$0x20] =	vst v37;
	v39 =	vadd.f32 v40, v39  }
0x4e7: {  	v40 =	vld.idx.msk [tilespmem:v22+s19+$0x0], $0xffff;
	v44 =	vadd.f32 v45, v44;
	v38 =	vadd.f32 v49, v38  }
0x4e8: {  	v56 =	vmul.f32 v63, v4;
	v43 =	vmul.f32 v43, v4;
	v45 =	vld.idx.msk [tilespmem:v21+s19+$0x0], $0xffff  }
0x4e9: {  	v37 =	vmul.f32 v60, v19;
	[tilespmem:s12+$0xFFFFDC00] =	vst v39;
	v39 =	vld.idx.msk [tilespmem:v22+s24+$0x0], $0xffff;
	v44 =	vsub.f32 v44, v38  }
0x4ea: {  	v36 =	vadd.f32 v56, v36;
	v52 =	vld.idx.msk [tilespmem:v17+s8+$0x0], $0xffff  }
0x4eb: {  	v43 =	vadd.f32 v43, v53;
	v37 =	vadd.f32 v37, v46;
	v46 =	vld.idx.msk [tilespmem:v13+s8+$0x0], $0xffff;
	v44 =	vmul.f32 v44, v14  }
0x4ec: {  	v60 =	vsub.f32 v61, v48;
	v61 =	vsub.f32 v62, v50;
	v57 =	vld.idx.msk [tilespmem:v17+s10+$0x0], $0xffff  }
0x4ed: {  	v59 =	vsub.f32 v43, v36;
	v58 =	vld.idx.msk [tilespmem:v13+s10+$0x0], $0xffff;
	v38 =	vadd.f32 v44, v38  }
0x4ee: {  	[tilespmem:s12+$0xFFFFDC10] =	vst v37;
	v47 =	vmul.f32 v61, v3;
	v61 =	vld.idx.msk [tilespmem:v21+s24+$0x0], $0xffff  }
0x4ef: {  	v41 =	vmul.f32 v59, v20;
	v43 =	vld.idx.msk [tilespmem:v12+s8+$0x0], $0xffff;
	[tilespmem:s12+$0xFFFFE530] =	vst v38  }
0x4f0: {  	v42 =	vmul.f32 v60, v3;
	v38 =	vld.idx.msk [tilespmem:v16+s11+$0x0], $0xffff  }
0x4f1: {  	v36 =	vadd.f32 v41, v36;
	v41 =	vld.idx.msk [tilespmem:v15+s11+$0x0], $0xffff  }
0x4f2: {  	v42 =	vadd.f32 v42, v48;
	v47 =	vadd.f32 v47, v50;
	v62 =	vld.idx.msk [tilespmem:v16+s1+$0x0], $0xffff  }
0x4f3: {  	v49 =	vsub.f32 v57, v52;
	v37 =	vsub.f32 v58, v46;
	v63 =	vld.idx.msk [tilespmem:v15+s1+$0x0], $0xffff  }
0x4f4: {  	v51 =	vld.idx.msk [tilespmem:v12+s10+$0x0], $0xffff  }
0x4f5: {  	v44 =	vld.idx.msk [tilespmem:v11+s8+$0x0], $0xffff;
	v42 =	vsub.f32 v42, v47;
	v56 =	vmul.f32 v49, v5;
	v37 =	vmul.f32 v37, v5  }
0x4f6: {  	[tilespmem:s12+$0xFFFFDC20] =	vst v36;
	v57 =	vld.idx.msk [tilespmem:v11+s10+$0x0], $0xffff  }
0x4f7: {  	v50 =	vld.idx.msk [tilespmem:v9+s8+$0x0], $0xffff;
	v42 =	vmul.f32 v42, v25;
	v36 =	vadd.f32 v56, v52;
	v37 =	vadd.f32 v37, v46  }
0x4f8: {  	v59 =	vld.idx.msk [tilespmem:v10+s10+$0x0], $0xffff;
	v60 =	vsub.f32 v62, v38;
	v48 =	vsub.f32 v63, v41  }
0x4f9: {  	v58 =	vld.idx.msk [tilespmem:v9+s10+$0x0], $0xffff;
	v42 =	vadd.f32 v42, v47;
	v36 =	vsub.f32 v36, v37  }
0x4fa: {  	v51 =	vsub.f32 v51, v43;
	v46 =	vld.idx.msk [tilespmem:v10+s8+$0x0], $0xffff;
	v34 =	vmul.f32 v60, v6;
	v48 =	vmul.f32 v48, v6  }
0x4fb: {  	v47 =	vld.idx.msk [tilespmem:v29+s18+$0x0], $0xffff;
	[tilespmem:s25+$0x910] =	vst v42;
	v62 =	vsub.f32 v57, v44;
	v36 =	vmul.f32 v36, v18  }
0x4fc: {  	v52 =	vld.idx.msk [tilespmem:v26+s5+$0x0], $0xffff;
	v34 =	vadd.f32 v34, v38;
	v55 =	vadd.f32 v48, v41  }
0x4fd: {  	v39 =	vsub.f32 v39, v40;
	v36 =	vadd.f32 v36, v37;
	v37 =	vld.idx.msk [tilespmem:v29+s5+$0x0], $0xffff  }
0x4fe: {  	v63 =	vmul.f32 v51, v5;
	v42 =	vmul.f32 v62, v5;
	v41 =	vld.idx.msk [tilespmem:v28+s5+$0x0], $0xffff;
	v34 =	vsub.f32 v34, v55  }
0x4ff: {  	v35 =	vsub.f32 v58, v50;
	v56 =	vsub.f32 v59, v46;
	v38 =	vld.idx.msk [tilespmem:v27+s18+$0x0], $0xffff;
	[tilespmem:s12+$0xFFFFE500] =	vst v36  }
0x500: {  	v43 =	vadd.f32 v63, v43;
	v42 =	vadd.f32 v42, v44;
	v57 =	vld.idx.msk [tilespmem:v17+s11+$0x0], $0xffff;
	v34 =	vmul.f32 v34, v14  }
0x501: {  	v61 =	vsub.f32 v61, v45;
	v35 =	vmul.f32 v35, v5;
	v48 =	vmul.f32 v56, v5;
	v58 =	vld.idx.msk [tilespmem:v13+s11+$0x0], $0xffff  }
0x502: {  	v39 =	vmul.f32 v39, v3;
	v59 =	vld.idx.msk [tilespmem:v17+s1+$0x0], $0xffff;
	v43 =	vsub.f32 v43, v42;
	v34 =	vadd.f32 v34, v55  }
0x503: {  	v35 =	vadd.f32 v35, v50;
	v62 =	vmul.f32 v61, v3;
	v60 =	vld.idx.msk [tilespmem:v13+s1+$0x0], $0xffff;
	v46 =	vadd.f32 v48, v46  }
0x504: {  	v39 =	vadd.f32 v39, v40;
	v36 =	vld.idx.msk [tilespmem:v26+s18+$0x0], $0xffff;
	v43 =	vmul.f32 v43, v19;
	[tilespmem:s12+$0xFFFFEE30] =	vst v34  }
0x505: {  	v40 =	vadd.f32 v62, v45;
	v35 =	vsub.f32 v35, v46;
	v48 =	vld.idx.msk [tilespmem:v16+s0+$0x0], $0xffff  }
0x506: {  	v37 =	vsub.f32 v37, v47;
	v42 =	vadd.f32 v43, v42;
	v63 =	vld.idx.msk [tilespmem:v15+s0+$0x0], $0xffff  }
0x507: {  	v41 =	vsub.f32 v41, v54;
	v49 =	vsub.f32 v59, v57;
	v53 =	vld.idx.msk [tilespmem:v16+s14+$0x0], $0xffff  }
0x508: {  	v35 =	vmul.f32 v35, v20;
	v50 =	vsub.f32 v60, v58;
	[tilespmem:s12+$0xFFFFE510] =	vst v42;
	v55 =	vld.idx.msk [tilespmem:v15+s14+$0x0], $0xffff  }
0x509: {  	v39 =	vsub.f32 v39, v40;
	v37 =	vmul.f32 v37, v1;
	v49 =	vmul.f32 v49, v6;
	v59 =	vld.idx.msk [tilespmem:v12+s1+$0x0], $0xffff  }
0x50a: {  	v41 =	vmul.f32 v41, v1;
	v35 =	vadd.f32 v35, v46;
	v56 =	vmul.f32 v50, v6;
	v60 =	vld.idx.msk [tilespmem:v11+s1+$0x0], $0xffff  }
0x50b: {  	v39 =	vmul.f32 v39, v2;
	v37 =	vadd.f32 v37, v47;
	v49 =	vadd.f32 v49, v57;
	v57 =	vld.idx.msk [tilespmem:v12+s11+$0x0], $0xffff  }
0x50c: {  	v41 =	vadd.f32 v41, v54;
	[tilespmem:s12+$0xFFFFE520] =	vst v35;
	v44 =	vadd.f32 v56, v58;
	v58 =	vld.idx.msk [tilespmem:v11+s11+$0x0], $0xffff  }
0x50d: {  	v39 =	vadd.f32 v39, v40;
	v40 =	vld.idx.msk [tilespmem:v9+s11+$0x0], $0xffff  }
0x50e: {  	v61 =	vld.idx.msk [tilespmem:v9+s1+$0x0], $0xffff;
	v37 =	vsub.f32 v37, v41  }
0x50f: {  	v34 =	vld.idx.msk [tilespmem:v27+s5+$0x0], $0xffff;
	[tilespmem:s25+$0x920] =	vst v39;
	v49 =	vsub.f32 v49, v44  }
0x510: {  	v43 =	vld.idx.msk [tilespmem:v21+s18+$0x0], $0xffff;
	v37 =	vmul.f32 v37, v24;
	v45 =	vsub.f32 v53, v48  }
0x511: {  	v52 =	vsub.f32 v52, v36;
	v51 =	vld.idx.msk [tilespmem:v10+s11+$0x0], $0xffff;
	v42 =	vsub.f32 v55, v63;
	v49 =	vmul.f32 v49, v18  }
0x512: {  	v62 =	vld.idx.msk [tilespmem:v10+s1+$0x0], $0xffff;
	v37 =	vadd.f32 v37, v41;
	v45 =	vmul.f32 v45, v7;
	v47 =	vsub.f32 v59, v57  }
0x513: {  	v42 =	vmul.f32 v42, v7;
	v35 =	vsub.f32 v60, v58;
	v39 =	vsub.f32 v61, v40;
	v61 =	vld.idx.msk [tilespmem:v21+s5+$0x0], $0xffff  }
0x514: {  	v52 =	vmul.f32 v52, v1;
	v44 =	vadd.f32 v49, v44;
	v45 =	vadd.f32 v45, v48;
	v48 =	vld.idx.msk [tilespmem:v22+s18+$0x0], $0xffff  }
0x515: {  	[tilespmem:s25+$0x1200] =	vst v37;
	v42 =	vadd.f32 v42, v63;
	v63 =	vmul.f32 v47, v6;
	v47 =	vld.idx.msk [tilespmem:v22+s5+$0x0], $0xffff  }
0x516: {  	v36 =	vadd.f32 v52, v36;
	v52 =	vld.idx.msk [tilespmem:v29+s6+$0x0], $0xffff;
	[tilespmem:s12+$0xFFFFEE00] =	vst v44  }
0x517: {  	v35 =	vmul.f32 v35, v6;
	v56 =	vld.idx.msk [tilespmem:v17+s0+$0x0], $0xffff;
	v45 =	vsub.f32 v45, v42  }
0x518: {  	v44 =	vadd.f32 v63, v57;
	v57 =	vld.idx.msk [tilespmem:v13+s0+$0x0], $0xffff  }
0x519: {  	v33 =	vsub.f32 v33, v31;
	v35 =	vadd.f32 v35, v58;
	v58 =	vld.idx.msk [tilespmem:v17+s14+$0x0], $0xffff;
	v45 =	vmul.f32 v45, v14  }
0x51a: {  	v32 =	vsub.f32 v32, v30;
	v59 =	vsub.f32 v62, v51;
	v39 =	vmul.f32 v39, v6;
	v60 =	vld.idx.msk [tilespmem:v13+s14+$0x0], $0xffff  }
0x51b: {  	v33 =	vmul.f32 v33, v0;
	v29 =	vld.idx.msk [tilespmem:v29+s7+$0x0], $0xffff;
	v44 =	vsub.f32 v44, v35;
	v42 =	vadd.f32 v45, v42  }
0x51c: {  	v34 =	vsub.f32 v34, v38;
	v37 =	vmul.f32 v59, v6;
	v39 =	vadd.f32 v39, v40;
	v40 =	vld.idx.msk [tilespmem:v28+s6+$0x0], $0xffff  }
0x51d: {  	v31 =	vadd.f32 v33, v31;
	v28 =	vld.idx.msk [tilespmem:v28+s7+$0x0], $0xffff;
	v62 =	vmul.f32 v44, v19;
	[tilespmem:s12+$0xFFFFF730] =	vst v42  }
0x51e: {  	v34 =	vmul.f32 v34, v1;
	v37 =	vadd.f32 v37, v51;
	v46 =	vsub.f32 v58, v56;
	v63 =	vld.idx.msk [tilespmem:v16+s16+$0x0], $0xffff  }
0x51f: {  	v49 =	vsub.f32 v60, v57;
	v35 =	vadd.f32 v62, v35;
	v42 =	vld.idx.msk [tilespmem:v15+s16+$0x0], $0xffff  }
0x520: {  	v34 =	vadd.f32 v34, v38;
	v53 =	vsub.f32 v39, v37;
	v54 =	vld.idx.msk [tilespmem:v16+s17+$0x0], $0xffff;
	v46 =	vmul.f32 v46, v7  }
0x521: {  	v47 =	vsub.f32 v47, v48;
	v55 =	vld.idx.msk [tilespmem:v15+s17+$0x0], $0xffff;
	v49 =	vmul.f32 v49, v7;
	[tilespmem:s12+$0xFFFFEE10] =	vst v35  }
0x522: {  	v38 =	vmul.f32 v53, v20;
	v45 =	vsub.f32 v61, v43;
	v41 =	vadd.f32 v46, v56;
	v56 =	vld.idx.msk [tilespmem:v12+s0+$0x0], $0xffff  }
0x523: {  	v32 =	vmul.f32 v32, v0;
	v36 =	vsub.f32 v36, v34;
	v49 =	vadd.f32 v49, v57;
	v57 =	vld.idx.msk [tilespmem:v11+s0+$0x0], $0xffff  }
0x524: {  	v47 =	vmul.f32 v47, v1;
	v37 =	vadd.f32 v38, v37;
	v45 =	vmul.f32 v45, v1;
	v58 =	vld.idx.msk [tilespmem:v12+s14+$0x0], $0xffff  }
0x525: {  	v32 =	vadd.f32 v32, v30;
	v59 =	vld.idx.msk [tilespmem:v11+s14+$0x0], $0xffff;
	v41 =	vsub.f32 v41, v49  }
0x526: {  	v36 =	vmul.f32 v36, v25;
	v47 =	vadd.f32 v47, v48;
	[tilespmem:s12+$0xFFFFEE20] =	vst v37;
	v43 =	vadd.f32 v45, v43  }
0x527: {  	v60 =	vld.idx.msk [tilespmem:v9+s0+$0x0], $0xffff;
	v39 =	vsub.f32 v54, v63;
	v35 =	vsub.f32 v55, v42;
	v41 =	vmul.f32 v41, v18  }
0x528: {  	v34 =	vadd.f32 v36, v34;
	v61 =	vld.idx.msk [tilespmem:v10+s0+$0x0], $0xffff;
	v30 =	vsub.f32 v47, v43  }
0x529: {  	v62 =	vld.idx.msk [tilespmem:v9+s14+$0x0], $0xffff;
	v39 =	vmul.f32 v39, v8;
	v35 =	vmul.f32 v35, v8;
	v41 =	vadd.f32 v41, v49  }
0x52a: {  	[tilespmem:s25+$0x1210] =	vst v34;
	v51 =	vsub.f32 v58, v56;
	v37 =	vsub.f32 v59, v57;
	v49 =	vld.idx.msk [tilespmem:v10+s14+$0x0], $0xffff  }
0x52b: {  	v63 =	vadd.f32 v39, v63;
	v35 =	vadd.f32 v35, v42;
	[tilespmem:s12+$0xFFFFF700] =	vst v41;
	v41 =	vld.idx.msk [tilespmem:v26+s6+$0x0], $0xffff  }
0x52c: {  	v29 =	vsub.f32 v29, v52;
	v30 =	vmul.f32 v30, v2;
	v42 =	vmul.f32 v51, v7;
	v26 =	vld.idx.msk [tilespmem:v26+s7+$0x0], $0xffff  }
0x52d: {  	v48 =	vsub.f32 v31, v32;
	v37 =	vmul.f32 v37, v7;
	v34 =	vsub.f32 v63, v35;
	v53 =	vld.idx.msk [tilespmem:v13+s16+$0x0], $0xffff  }
0x52e: {  	v29 =	vmul.f32 v29, v0;
	v30 =	vadd.f32 v30, v43;
	v42 =	vadd.f32 v42, v56;
	v56 =	vld.idx.msk [tilespmem:v13+s17+$0x0], $0xffff  }
0x52f: {  	v55 =	vsub.f32 v62, v60;
	v33 =	vld.idx.msk [tilespmem:v17+s16+$0x0], $0xffff;
	v37 =	vadd.f32 v37, v57;
	v34 =	vmul.f32 v34, v14  }
0x530: {  	[tilespmem:s25+$0x1220] =	vst v30;
	v51 =	vadd.f32 v29, v52;
	v54 =	vld.idx.msk [tilespmem:v17+s17+$0x0], $0xffff;
	v39 =	vsub.f32 v49, v61  }
0x531: {  	v29 =	vld.idx.msk [tilespmem:v22+s6+$0x0], $0xffff;
	v42 =	vsub.f32 v42, v37;
	v31 =	vadd.f32 v34, v35  }
0x532: {  	v28 =	vsub.f32 v28, v40;
	v58 =	vmul.f32 v55, v7;
	v57 =	vld.idx.msk [tilespmem:v27+s6+$0x0], $0xffff;
	v39 =	vmul.f32 v39, v7  }
0x533: {  	v27 =	vld.idx.msk [tilespmem:v27+s7+$0x0], $0xffff;
	v42 =	vmul.f32 v42, v19;
	v30 =	vsub.f32 v56, v53;
	[tilespmem:s12+$0x30] =	vst v31  }
0x534: {  	v31 =	vadd.f32 v58, v60;
	v59 =	vadd.f32 v39, v61;
	v60 =	vld.idx.msk [tilespmem:v16+s19+$0x0], $0xffff  }
0x535: {  	v61 =	vsub.f32 v54, v33;
	v37 =	vadd.f32 v42, v37;
	v62 =	vld.idx.msk [tilespmem:v15+s19+$0x0], $0xffff  }
0x536: {  	v63 =	vld.idx.msk [tilespmem:v16+s24+$0x0], $0xffff;
	v30 =	vmul.f32 v30, v8;
	v31 =	vsub.f32 v31, v59  }
0x537: {  	v49 =	vmul.f32 v28, v0;
	v50 =	vld.idx.msk [tilespmem:v15+s24+$0x0], $0xffff;
	v28 =	vmul.f32 v61, v8;
	[tilespmem:s12+$0xFFFFF710] =	vst v37  }
0x538: {  	v26 =	vsub.f32 v26, v41;
	v52 =	vadd.f32 v30, v53;
	v53 =	vld.idx.msk [tilespmem:v12+s16+$0x0], $0xffff;
	v31 =	vmul.f32 v31, v20  }
0x539: {  	v27 =	vsub.f32 v27, v57;
	v30 =	vld.idx.msk [tilespmem:v11+s16+$0x0], $0xffff;
	v33 =	vadd.f32 v28, v33  }
0x53a: {  	v40 =	vadd.f32 v49, v40;
	v54 =	vld.idx.msk [tilespmem:v12+s17+$0x0], $0xffff;
	v31 =	vadd.f32 v31, v59  }
0x53b: {  	v26 =	vmul.f32 v26, v0;
	v27 =	vmul.f32 v27, v0;
	v55 =	vld.idx.msk [tilespmem:v11+s17+$0x0], $0xffff;
	v33 =	vsub.f32 v33, v52  }
0x53c: {  	v28 =	vld.idx.msk [tilespmem:v21+s6+$0x0], $0xffff;
	v38 =	vsub.f32 v63, v60;
	v39 =	vsub.f32 v50, v62;
	[tilespmem:s12+$0xFFFFF720] =	vst v31  }
0x53d: {  	v26 =	vadd.f32 v26, v41;
	v34 =	vadd.f32 v27, v57;
	v33 =	vmul.f32 v33, v18;
	v31 =	vld.idx.msk [tilespmem:v9+s16+$0x0], $0xffff  }
0x53e: {  	v56 =	vsub.f32 v51, v40;
	v38 =	vmul.f32 v38, v3;
	v39 =	vmul.f32 v39, v3;
	v27 =	vld.idx.msk [tilespmem:v10+s16+$0x0], $0xffff  }
0x53f: {  	v23 =	vmul.f32 v48, v23;
	v26 =	vsub.f32 v26, v34;
	v57 =	vld.idx.msk [tilespmem:v9+s17+$0x0], $0xffff;
	v33 =	vadd.f32 v33, v52  }
0x540: {  	v24 =	vmul.f32 v56, v24;
	v58 =	vld.idx.msk [tilespmem:v10+s17+$0x0], $0xffff;
	v36 =	vadd.f32 v38, v60;
	v59 =	vadd.f32 v39, v62  }
0x541: {  	v61 =	vsub.f32 v54, v53;
	v60 =	vadd.f32 v23, v32;
	v23 =	vld.idx.msk [tilespmem:v22+s7+$0x0], $0xffff;
	[tilespmem:s12+$0x0] =	vst v33  }
0x542: {  	v22 =	vadd.f32 v24, v40;
	v24 =	vmul.f32 v26, v25;
	v25 =	vsub.f32 v36, v59;
	v32 =	vld.idx.msk [tilespmem:v17+s19+$0x0], $0xffff  }
0x543: {  	v62 =	vsub.f32 v55, v30;
	[tilespmem:s25+$0x1B30] =	vst v60;
	v33 =	vmul.f32 v61, v8;
	v26 =	vld.idx.msk [tilespmem:v13+s19+$0x0], $0xffff  }
0x544: {  	[tilespmem:s25+$0x1B00] =	vst v22;
	v22 =	vadd.f32 v24, v34;
	v24 =	vld.idx.msk [tilespmem:v17+s24+$0x0], $0xffff;
	v63 =	vmul.f32 v25, v14  }
0x545: {  	v35 =	vmul.f32 v62, v8;
	v25 =	vld.idx.msk [tilespmem:v13+s24+$0x0], $0xffff;
	v34 =	vadd.f32 v33, v53;
	v36 =	vsub.f32 v57, v31  }
0x546: {  	s3 =	simm.s32 $0x1BFD0;
	s9 =	simm.s32 $0x4;
	[tilespmem:s25+$0x1B10] =	vst v22;
	v37 =	vsub.f32 v58, v27;
	v22 =	vld.idx.msk [tilespmem:v21+s7+$0x0], $0xffff;
	v33 =	vadd.f32 v63, v59  }
.LBB2_8:
0x547: {  	v38 =	vld [tilespmem:s3+$0x10];
	v21 =	vadd.f32 v35, v30;
	v30 =	vmul.f32 v36, v8;
	s13 =	sadd.s32 $0x40, s13;
	v23 =	vsub.f32 v23, v29  }
0x548: {  	v35 =	vld [tilespmem:s13+$0x10];
	v36 =	vmul.f32 v37, v8;
	[tilespmem:s12+$0x930] =	vst v33  }
0x549: {  	v33 =	vsub.f32 v34, v21;
	v30 =	vadd.f32 v30, v31;
	v31 =	vld.idx.msk [tilespmem:v16+s18+$0x0], $0xffff;
	v23 =	vmul.f32 v23, v0  }
0x54a: {  	v24 =	vsub.f32 v24, v32;
	v27 =	vadd.f32 v36, v27;
	v34 =	vld.idx.msk [tilespmem:v15+s18+$0x0], $0xffff  }
0x54b: {  	v36 =	vsub.f32 v25, v26;
	v33 =	vmul.f32 v33, v19;
	v37 =	vld.idx.msk [tilespmem:v16+s5+$0x0], $0xffff;
	v29 =	vadd.f32 v23, v29  }
0x54c: {  	v23 =	vmul.f32 v24, v3;
	v22 =	vsub.f32 v22, v28;
	v30 =	vsub.f32 v30, v27;
	v39 =	vld.idx.msk [tilespmem:v15+s5+$0x0], $0xffff  }
0x54d: {  	v36 =	vmul.f32 v36, v3;
	v25 =	vld [tilespmem:s13+$0xFFFFFFE0];
	v21 =	vadd.f32 v33, v21  }
0x54e: {  	v32 =	vadd.f32 v23, v32;
	v33 =	vmul.f32 v22, v0;
	v24 =	vld [tilespmem:s3+$0xFFFFFFF0];
	v30 =	vmul.f32 v30, v20  }
0x54f: {  	v26 =	vadd.f32 v36, v26;
	v23 =	vld [tilespmem:s13+$0xFFFFFFF0];
	[tilespmem:s12+$0x10] =	vst v21  }
0x550: {  	v22 =	vld [tilespmem:s3+$0x0];
	v21 =	vadd.f32 v30, v27;
	v27 =	vadd.f32 v33, v28  }
0x551: {  	v28 =	vsub.f32 v32, v26;
	v30 =	vld.idx.msk [tilespmem:v38+s2+$0x0], $0xffff  }
0x552: {  	v33 =	vsub.f32 v39, v34;
	v32 =	vld.idx.msk [tilespmem:v35+s2+$0x0], $0xffff;
	[tilespmem:s12+$0x20] =	vst v21;
	v21 =	vsub.f32 v37, v31  }
0x553: {  	v28 =	vmul.f32 v28, v18;
	v29 =	vsub.f32 v29, v27;
	v36 =	vld.idx.msk [tilespmem:v38+s4+$0x0], $0xffff  }
0x554: {  	v33 =	vmul.f32 v33, v1;
	v37 =	vld.idx.msk [tilespmem:v35+s4+$0x0], $0xffff;
	v39 =	vmul.f32 v21, v1  }
0x555: {  	v26 =	vadd.f32 v28, v26;
	v29 =	vmul.f32 v29, v2;
	v2 =	vmov v20;
	v21 =	vld [tilespmem:s13+$0x0]  }
0x556: {  	v28 =	vld [tilespmem:s3+$0xFFFFFFE0];
	v20 =	vadd.f32 v39, v31;
	v31 =	vadd.f32 v33, v34  }
0x557: {  	v33 =	vld.idx.msk [tilespmem:v25+s2+$0x0], $0xffff;
	[tilespmem:s12+$0x900] =	vst v26;
	v26 =	vadd.f32 v29, v27  }
0x558: {  	v27 =	vld.idx.msk [tilespmem:v25+s4+$0x0], $0xffff;
	v20 =	vsub.f32 v20, v31  }
0x559: {  	v29 =	vld.idx.msk [tilespmem:v24+s2+$0x0], $0xffff;
	[tilespmem:s25+$0x1B20] =	vst v26;
	s25 =	smov.u32 s12  }
0x55a: {  	v34 =	vsub.f32 v36, v30;
	v36 =	vsub.f32 v37, v32;
	v26 =	vld.idx.msk [tilespmem:v23+s2+$0x0], $0xffff;
	v20 =	vmul.f32 v20, v14  }
0x55b: {  	v37 =	vld.idx.msk [tilespmem:v24+s4+$0x0], $0xffff  }
0x55c: {  	s15 =	sadd.s32 $0x40, s15;
	v34 =	vmul.f32 v34, v4;
	v36 =	vmul.f32 v36, v4;
	v39 =	vld.idx.msk [tilespmem:v23+s4+$0x0], $0xffff;
	v20 =	vadd.f32 v20, v31  }
0x55d: {  	v31 =	vld [tilespmem:s15+$0x10]  }
0x55e: {  	v30 =	vadd.f32 v34, v30;
	v32 =	vadd.f32 v36, v32;
	v40 =	vld.idx.msk [tilespmem:v28+s2+$0x0], $0xffff;
	[tilespmem:s12+$0x1230] =	vst v20  }
0x55f: {  	v20 =	vsub.f32 v27, v33;
	v34 =	vld.idx.msk [tilespmem:v16+s6+$0x0], $0xffff  }
0x560: {  	v27 =	vsub.f32 v30, v32;
	v30 =	vld.idx.msk [tilespmem:v15+s6+$0x0], $0xffff  }
0x561: {  	s9 =	sadd.s32 $0x4, s9;
	v20 =	vmul.f32 v20, v4;
	v36 =	vsub.f32 v37, v29;
	v37 =	vld.idx.msk [tilespmem:v16+s7+$0x0], $0xffff;
	v16 =	vmov v38  }
0x562: {  	p0 =	slt.u32 s9, $0x8C;
	v38 =	vsub.f32 v39, v26;
	v27 =	vmul.f32 v27, v31;
	v39 =	vld.idx.msk [tilespmem:v15+s7+$0x0], $0xffff;
	v15 =	vmov v35  }
0x563: {  	v33 =	vadd.f32 v20, v33;
	v20 =	vmul.f32 v36, v4;
	v35 =	vld.idx.msk [tilespmem:v28+s4+$0x0], $0xffff  }
0x564: {  	v36 =	vmul.f32 v38, v4;
	v38 =	vld.idx.msk [tilespmem:v22+s2+$0x0], $0xffff;
	v27 =	vadd.f32 v27, v32  }
0x565: {  	s12 =	sadd.s32 $0x40, s12;
	v20 =	vadd.f32 v20, v29;
	v29 =	vld.idx.msk [tilespmem:v21+s2+$0x0], $0xffff  }
0x566: {  	v32 =	vadd.f32 v36, v26;
	v36 =	vld.idx.msk [tilespmem:v22+s4+$0x0], $0xffff;
	[tilespmem:s12+$0xFFFFDC30] =	vst v27  }
0x567: {  	v41 =	vld.idx.msk [tilespmem:v16+s8+$0x0], $0xffff  }
0x568: {  	v26 =	vsub.f32 v37, v34;
	v27 =	vsub.f32 v39, v30;
	v42 =	vld.idx.msk [tilespmem:v15+s8+$0x0], $0xffff  }
0x569: {  	v37 =	vsub.f32 v20, v32;
	v35 =	vsub.f32 v35, v40;
	v39 =	vld.idx.msk [tilespmem:v16+s10+$0x0], $0xffff  }
0x56a: {  	v20 =	vmul.f32 v26, v0;
	v26 =	vmul.f32 v27, v0;
	v43 =	vld.idx.msk [tilespmem:v15+s10+$0x0], $0xffff  }
0x56b: {  	v35 =	vmul.f32 v35, v4;
	v44 =	vld.idx.msk [tilespmem:v21+s4+$0x0], $0xffff  }
0x56c: {  	v34 =	vadd.f32 v20, v34;
	v30 =	vadd.f32 v26, v30;
	v27 =	vld [tilespmem:s15+$0xFFFFFFE0]  }
0x56d: {  	v36 =	vsub.f32 v36, v38;
	v35 =	vadd.f32 v35, v40;
	v26 =	vld [tilespmem:s15+$0xFFFFFFF0]  }
0x56e: {  	v34 =	vsub.f32 v34, v30;
	v20 =	vld [tilespmem:s15+$0x0]  }
0x56f: {  	v36 =	vmul.f32 v36, v4;
	v35 =	vsub.f32 v35, v33;
	v40 =	vld.idx.msk [tilespmem:v12+s19+$0x0], $0xffff  }
0x570: {  	v39 =	vsub.f32 v39, v41;
	v43 =	vsub.f32 v43, v42;
	v14 =	vmul.f32 v34, v14;
	v45 =	vld.idx.msk [tilespmem:v11+s19+$0x0], $0xffff  }
0x571: {  	v34 =	vmul.f32 v35, v27;
	v35 =	vadd.f32 v36, v38;
	v36 =	vsub.f32 v44, v29;
	v38 =	vld.idx.msk [tilespmem:v12+s24+$0x0], $0xffff  }
0x572: {  	v39 =	vmul.f32 v39, v5;
	v43 =	vmul.f32 v43, v5;
	v46 =	vadd.f32 v14, v30;
	v44 =	vld.idx.msk [tilespmem:v11+s24+$0x0], $0xffff  }
0x573: {  	v30 =	vadd.f32 v34, v33;
	v33 =	vmul.f32 v37, v26;
	v34 =	vmul.f32 v36, v4;
	v36 =	vld.idx.msk [tilespmem:v9+s19+$0x0], $0xffff  }
0x574: {  	v37 =	vadd.f32 v39, v41;
	v39 =	vadd.f32 v43, v42;
	v14 =	vmov v31;
	v41 =	vld.idx.msk [tilespmem:v10+s19+$0x0], $0xffff;
	[tilespmem:s25+$0x1B30] =	vst v46  }
0x575: {  	[tilespmem:s12+$0xFFFFDC00] =	vst v30;
	v30 =	vadd.f32 v33, v32;
	v29 =	vadd.f32 v34, v29;
	v31 =	vld.idx.msk [tilespmem:v9+s24+$0x0], $0xffff  }
0x576: {  	v33 =	vsub.f32 v37, v39;
	v32 =	vld.idx.msk [tilespmem:v28+s8+$0x0], $0xffff  }
0x577: {  	v34 =	vld.idx.msk [tilespmem:v25+s8+$0x0], $0xffff;
	[tilespmem:s12+$0xFFFFDC10] =	vst v30;
	v30 =	vsub.f32 v35, v29;
	v35 =	vsub.f32 v38, v40  }
0x578: {  	v33 =	vmul.f32 v33, v14;
	v38 =	vsub.f32 v44, v45;
	v37 =	vld.idx.msk [tilespmem:v28+s10+$0x0], $0xffff  }
0x579: {  	v42 =	vld.idx.msk [tilespmem:v25+s10+$0x0], $0xffff;
	v30 =	vmul.f32 v30, v20;
	v35 =	vmul.f32 v35, v3  }
0x57a: {  	v33 =	vadd.f32 v33, v39;
	v38 =	vmul.f32 v38, v3;
	v43 =	vld.idx.msk [tilespmem:v24+s8+$0x0], $0xffff  }
0x57b: {  	v39 =	vld.idx.msk [tilespmem:v23+s8+$0x0], $0xffff;
	v29 =	vadd.f32 v30, v29;
	v30 =	vsub.f32 v31, v36  }
0x57c: {  	v31 =	vld.idx.msk [tilespmem:v24+s10+$0x0], $0xffff;
	[tilespmem:s12+$0xFFFFE530] =	vst v33;
	v33 =	vadd.f32 v35, v40;
	v35 =	vadd.f32 v38, v45  }
0x57d: {  	[tilespmem:s12+$0xFFFFDC20] =	vst v29;
	v29 =	vld.idx.msk [tilespmem:v16+s11+$0x0], $0xffff;
	v30 =	vmul.f32 v30, v3  }
0x57e: {  	v37 =	vsub.f32 v37, v32;
	v38 =	vld.idx.msk [tilespmem:v15+s11+$0x0], $0xffff;
	v33 =	vsub.f32 v33, v35  }
0x57f: {  	v40 =	vsub.f32 v42, v34;
	v42 =	vld.idx.msk [tilespmem:v16+s1+$0x0], $0xffff;
	v30 =	vadd.f32 v30, v36  }
0x580: {  	v36 =	vmul.f32 v37, v5;
	v37 =	vld.idx.msk [tilespmem:v15+s1+$0x0], $0xffff;
	v33 =	vmul.f32 v33, v19  }
0x581: {  	v40 =	vmul.f32 v40, v5;
	v44 =	vld.idx.msk [tilespmem:v23+s10+$0x0], $0xffff  }
0x582: {  	v32 =	vadd.f32 v36, v32;
	v31 =	vsub.f32 v31, v43;
	v36 =	vld.idx.msk [tilespmem:v22+s8+$0x0], $0xffff  }
0x583: {  	v34 =	vadd.f32 v40, v34;
	v33 =	vadd.f32 v33, v35;
	v40 =	vld.idx.msk [tilespmem:v21+s8+$0x0], $0xffff  }
0x584: {  	v31 =	vmul.f32 v31, v5;
	v35 =	vld.idx.msk [tilespmem:v22+s10+$0x0], $0xffff  }
0x585: {  	v32 =	vsub.f32 v32, v34;
	v45 =	vld.idx.msk [tilespmem:v21+s10+$0x0], $0xffff;
	[tilespmem:s25+$0x910] =	vst v33  }
0x586: {  	v33 =	vsub.f32 v42, v29;
	v37 =	vsub.f32 v37, v38;
	v42 =	vld.idx.msk [tilespmem:v10+s24+$0x0], $0xffff  }
0x587: {  	v31 =	vadd.f32 v31, v43;
	v32 =	vmul.f32 v32, v27;
	v43 =	vsub.f32 v44, v39;
	v44 =	vld.idx.msk [tilespmem:v17+s18+$0x0], $0xffff  }
0x588: {  	v33 =	vmul.f32 v33, v6;
	v37 =	vmul.f32 v37, v6;
	v46 =	vld.idx.msk [tilespmem:v13+s18+$0x0], $0xffff  }
0x589: {  	v32 =	vadd.f32 v32, v34;
	v34 =	vmul.f32 v43, v5;
	v43 =	vld.idx.msk [tilespmem:v17+s5+$0x0], $0xffff  }
0x58a: {  	v29 =	vadd.f32 v33, v29;
	v33 =	vadd.f32 v37, v38;
	v37 =	vld.idx.msk [tilespmem:v13+s5+$0x0], $0xffff  }
0x58b: {  	[tilespmem:s12+$0xFFFFE500] =	vst v32;
	v32 =	vsub.f32 v35, v36;
	v35 =	vsub.f32 v45, v40;
	v38 =	vld.idx.msk [tilespmem:v12+s18+$0x0], $0xffff  }
0x58c: {  	v34 =	vadd.f32 v34, v39;
	v29 =	vsub.f32 v29, v33;
	v45 =	vld.idx.msk [tilespmem:v28+s11+$0x0], $0xffff  }
0x58d: {  	v42 =	vsub.f32 v42, v41;
	v39 =	vld.idx.msk [tilespmem:v25+s11+$0x0], $0xffff;
	v32 =	vmul.f32 v32, v5;
	v35 =	vmul.f32 v35, v5  }
0x58e: {  	v31 =	vsub.f32 v31, v34;
	v29 =	vmul.f32 v29, v14;
	v47 =	vld.idx.msk [tilespmem:v28+s1+$0x0], $0xffff  }
0x58f: {  	v48 =	vld.idx.msk [tilespmem:v25+s1+$0x0], $0xffff;
	v32 =	vadd.f32 v32, v36;
	v35 =	vadd.f32 v35, v40;
	v36 =	vmul.f32 v42, v3  }
0x590: {  	v31 =	vmul.f32 v31, v26;
	v29 =	vadd.f32 v29, v33;
	v33 =	vsub.f32 v43, v44;
	v40 =	vld.idx.msk [tilespmem:v11+s18+$0x0], $0xffff  }
0x591: {  	v32 =	vsub.f32 v32, v35;
	v42 =	vld.idx.msk [tilespmem:v12+s5+$0x0], $0xffff;
	v36 =	vadd.f32 v36, v41  }
0x592: {  	v31 =	vadd.f32 v31, v34;
	[tilespmem:s12+$0xFFFFEE30] =	vst v29;
	v29 =	vsub.f32 v37, v46;
	v34 =	vld.idx.msk [tilespmem:v11+s5+$0x0], $0xffff  }
0x593: {  	v33 =	vmul.f32 v33, v1;
	v32 =	vmul.f32 v32, v20;
	v37 =	vld.idx.msk [tilespmem:v16+s0+$0x0], $0xffff;
	v30 =	vsub.f32 v30, v36  }
0x594: {  	v41 =	vsub.f32 v47, v45;
	[tilespmem:s12+$0xFFFFE510] =	vst v31;
	v31 =	vld.idx.msk [tilespmem:v15+s0+$0x0], $0xffff;
	v29 =	vmul.f32 v29, v1  }
0x595: {  	v43 =	vsub.f32 v48, v39;
	v32 =	vadd.f32 v32, v35;
	v35 =	vld.idx.msk [tilespmem:v16+s14+$0x0], $0xffff;
	v30 =	vmul.f32 v30, v2  }
0x596: {  	v33 =	vadd.f32 v33, v44;
	v41 =	vmul.f32 v41, v6;
	v47 =	vld.idx.msk [tilespmem:v15+s14+$0x0], $0xffff;
	v29 =	vadd.f32 v29, v46  }
0x597: {  	v43 =	vmul.f32 v43, v6;
	v44 =	vld.idx.msk [tilespmem:v24+s11+$0x0], $0xffff;
	[tilespmem:s12+$0xFFFFE520] =	vst v32;
	v30 =	vadd.f32 v30, v36  }
0x598: {  	v32 =	vadd.f32 v41, v45;
	v41 =	vsub.f32 v42, v38;
	v36 =	vld.idx.msk [tilespmem:v23+s11+$0x0], $0xffff  }
0x599: {  	v34 =	vsub.f32 v34, v40;
	v39 =	vadd.f32 v43, v39;
	v42 =	vld.idx.msk [tilespmem:v24+s1+$0x0], $0xffff;
	[tilespmem:s25+$0x920] =	vst v30  }
0x59a: {  	v33 =	vsub.f32 v33, v29;
	v41 =	vmul.f32 v41, v1;
	v30 =	vld.idx.msk [tilespmem:v23+s1+$0x0], $0xffff  }
0x59b: {  	v34 =	vmul.f32 v34, v1;
	v32 =	vsub.f32 v32, v39;
	v43 =	vld.idx.msk [tilespmem:v22+s11+$0x0], $0xffff  }
0x59c: {  	v35 =	vsub.f32 v35, v37;
	v33 =	vmul.f32 v33, v18;
	v46 =	vsub.f32 v47, v31;
	v45 =	vld.idx.msk [tilespmem:v21+s11+$0x0], $0xffff  }
0x59d: {  	v38 =	vadd.f32 v41, v38;
	v34 =	vadd.f32 v34, v40;
	v32 =	vmul.f32 v32, v27;
	v47 =	vld.idx.msk [tilespmem:v22+s1+$0x0], $0xffff  }
0x59e: {  	v35 =	vmul.f32 v35, v7;
	v29 =	vadd.f32 v33, v29;
	v41 =	vmul.f32 v46, v7;
	v40 =	vld.idx.msk [tilespmem:v21+s1+$0x0], $0xffff  }
0x59f: {  	v32 =	vadd.f32 v32, v39;
	v33 =	vsub.f32 v42, v44;
	v39 =	vld.idx.msk [tilespmem:v9+s18+$0x0], $0xffff  }
0x5a0: {  	v35 =	vadd.f32 v35, v37;
	v31 =	vadd.f32 v41, v31;
	[tilespmem:s25+$0x1200] =	vst v29;
	v29 =	vld.idx.msk [tilespmem:v10+s18+$0x0], $0xffff  }
0x5a1: {  	v30 =	vsub.f32 v30, v36;
	[tilespmem:s12+$0xFFFFEE00] =	vst v32;
	v32 =	vmul.f32 v33, v6;
	v33 =	vld.idx.msk [tilespmem:v9+s5+$0x0], $0xffff  }
0x5a2: {  	v38 =	vsub.f32 v38, v34;
	v35 =	vsub.f32 v35, v31;
	v37 =	vld.idx.msk [tilespmem:v28+s0+$0x0], $0xffff  }
0x5a3: {  	v30 =	vmul.f32 v30, v6;
	v42 =	vsub.f32 v47, v43;
	v41 =	vld.idx.msk [tilespmem:v25+s0+$0x0], $0xffff;
	v32 =	vadd.f32 v32, v44  }
0x5a4: {  	v38 =	vmul.f32 v38, v19;
	v40 =	vsub.f32 v40, v45;
	v35 =	vmul.f32 v35, v14;
	v44 =	vld.idx.msk [tilespmem:v28+s14+$0x0], $0xffff  }
0x5a5: {  	v30 =	vadd.f32 v30, v36;
	v36 =	vmul.f32 v42, v6;
	v46 =	vld.idx.msk [tilespmem:v25+s14+$0x0], $0xffff  }
0x5a6: {  	v34 =	vadd.f32 v38, v34;
	v40 =	vmul.f32 v40, v6;
	v31 =	vadd.f32 v35, v31;
	v35 =	vld.idx.msk [tilespmem:v10+s5+$0x0], $0xffff  }
0x5a7: {  	v32 =	vsub.f32 v32, v30;
	v36 =	vadd.f32 v36, v43;
	v38 =	vld.idx.msk [tilespmem:v17+s6+$0x0], $0xffff  }
0x5a8: {  	v33 =	vsub.f32 v33, v39;
	v40 =	vadd.f32 v40, v45;
	[tilespmem:s12+$0xFFFFF730] =	vst v31;
	v31 =	vld.idx.msk [tilespmem:v13+s6+$0x0], $0xffff  }
0x5a9: {  	v32 =	vmul.f32 v32, v26;
	v42 =	vld.idx.msk [tilespmem:v16+s16+$0x0], $0xffff;
	[tilespmem:s25+$0x1210] =	vst v34  }
0x5aa: {  	v33 =	vmul.f32 v33, v1;
	v34 =	vsub.f32 v44, v37;
	v36 =	vsub.f32 v36, v40;
	v43 =	vld.idx.msk [tilespmem:v15+s16+$0x0], $0xffff  }
0x5ab: {  	v30 =	vadd.f32 v32, v30;
	v44 =	vsub.f32 v46, v41;
	v32 =	vld.idx.msk [tilespmem:v16+s17+$0x0], $0xffff  }
0x5ac: {  	v34 =	vmul.f32 v34, v7;
	v36 =	vmul.f32 v36, v20;
	v35 =	vsub.f32 v35, v29;
	v45 =	vld.idx.msk [tilespmem:v15+s17+$0x0], $0xffff  }
0x5ad: {  	v33 =	vadd.f32 v33, v39;
	v44 =	vmul.f32 v44, v7;
	[tilespmem:s12+$0xFFFFEE10] =	vst v30;
	v30 =	vld.idx.msk [tilespmem:v17+s7+$0x0], $0xffff;
	v17 =	vmov v28  }
0x5ae: {  	v28 =	vadd.f32 v34, v37;
	v36 =	vadd.f32 v36, v40;
	v35 =	vmul.f32 v35, v1;
	v34 =	vld.idx.msk [tilespmem:v24+s0+$0x0], $0xffff  }
0x5af: {  	v37 =	vadd.f32 v44, v41;
	v39 =	vld.idx.msk [tilespmem:v23+s0+$0x0], $0xffff  }
0x5b0: {  	v29 =	vadd.f32 v35, v29;
	v40 =	vld.idx.msk [tilespmem:v24+s14+$0x0], $0xffff;
	[tilespmem:s12+$0xFFFFEE20] =	vst v36  }
0x5b1: {  	v28 =	vsub.f32 v28, v37;
	v35 =	vld.idx.msk [tilespmem:v23+s14+$0x0], $0xffff  }
0x5b2: {  	v32 =	vsub.f32 v32, v42;
	v41 =	vsub.f32 v45, v43;
	v36 =	vld.idx.msk [tilespmem:v22+s0+$0x0], $0xffff  }
0x5b3: {  	v33 =	vsub.f32 v33, v29;
	v28 =	vmul.f32 v28, v27;
	v30 =	vsub.f32 v30, v38;
	v44 =	vld.idx.msk [tilespmem:v21+s0+$0x0], $0xffff  }
0x5b4: {  	v32 =	vmul.f32 v32, v8;
	v41 =	vmul.f32 v41, v8;
	v45 =	vld.idx.msk [tilespmem:v22+s14+$0x0], $0xffff  }
0x5b5: {  	v33 =	vmul.f32 v33, v2;
	v28 =	vadd.f32 v28, v37;
	v30 =	vmul.f32 v30, v0;
	v37 =	vld.idx.msk [tilespmem:v21+s14+$0x0], $0xffff  }
0x5b6: {  	v32 =	vadd.f32 v32, v42;
	v41 =	vadd.f32 v41, v43;
	v42 =	vld.idx.msk [tilespmem:v13+s7+$0x0], $0xffff;
	v13 =	vmov v25  }
0x5b7: {  	v35 =	vsub.f32 v35, v39;
	[tilespmem:s12+$0xFFFFF700] =	vst v28;
	v28 =	vsub.f32 v40, v34;
	v40 =	vld.idx.msk [tilespmem:v12+s6+$0x0], $0xffff  }
0x5b8: {  	v29 =	vadd.f32 v33, v29;
	v32 =	vsub.f32 v32, v41;
	v43 =	vld.idx.msk [tilespmem:v17+s16+$0x0], $0xffff  }
0x5b9: {  	v33 =	vmul.f32 v35, v7;
	v35 =	vadd.f32 v30, v38;
	v25 =	vld.idx.msk [tilespmem:v25+s16+$0x0], $0xffff;
	v28 =	vmul.f32 v28, v7  }
0x5ba: {  	v38 =	vsub.f32 v45, v36;
	v32 =	vmul.f32 v32, v14;
	v30 =	vld.idx.msk [tilespmem:v17+s17+$0x0], $0xffff;
	[tilespmem:s25+$0x1220] =	vst v29  }
0x5bb: {  	v29 =	vld.idx.msk [tilespmem:v13+s17+$0x0], $0xffff;
	v28 =	vadd.f32 v28, v34;
	v34 =	vsub.f32 v37, v44  }
0x5bc: {  	v33 =	vadd.f32 v33, v39;
	v37 =	vmul.f32 v38, v7;
	v32 =	vadd.f32 v32, v41;
	v38 =	vld.idx.msk [tilespmem:v11+s6+$0x0], $0xffff  }
0x5bd: {  	v39 =	vsub.f32 v42, v31;
	v34 =	vmul.f32 v34, v7;
	v41 =	vld.idx.msk [tilespmem:v12+s7+$0x0], $0xffff;
	v12 =	vmov v24  }
0x5be: {  	v24 =	vsub.f32 v28, v33;
	v28 =	vadd.f32 v37, v36;
	[tilespmem:s12+$0x30] =	vst v32;
	v32 =	vld.idx.msk [tilespmem:v11+s7+$0x0], $0xffff;
	v11 =	vmov v23  }
0x5bf: {  	v36 =	vmul.f32 v39, v0;
	v23 =	vadd.f32 v34, v44;
	v34 =	vld.idx.msk [tilespmem:v16+s19+$0x0], $0xffff  }
0x5c0: {  	v30 =	vsub.f32 v30, v43;
	v24 =	vmul.f32 v24, v26;
	v37 =	vld.idx.msk [tilespmem:v15+s19+$0x0], $0xffff  }
0x5c1: {  	v29 =	vsub.f32 v29, v25;
	v28 =	vsub.f32 v28, v23;
	v39 =	vld.idx.msk [tilespmem:v16+s24+$0x0], $0xffff  }
0x5c2: {  	v36 =	vadd.f32 v36, v31;
	v30 =	vmul.f32 v30, v8;
	v24 =	vadd.f32 v24, v33;
	v33 =	vld.idx.msk [tilespmem:v15+s24+$0x0], $0xffff  }
0x5c3: {  	v31 =	vmul.f32 v29, v8;
	v41 =	vsub.f32 v41, v40;
	v42 =	vmul.f32 v28, v20;
	v29 =	vld.idx.msk [tilespmem:v9+s6+$0x0], $0xffff  }
0x5c4: {  	v43 =	vadd.f32 v30, v43;
	[tilespmem:s12+$0xFFFFF710] =	vst v24;
	v24 =	vsub.f32 v32, v38;
	v28 =	vld.idx.msk [tilespmem:v10+s6+$0x0], $0xffff  }
0x5c5: {  	v25 =	vadd.f32 v31, v25;
	v31 =	vmul.f32 v41, v0;
	v44 =	vld.idx.msk [tilespmem:v12+s16+$0x0], $0xffff;
	v23 =	vadd.f32 v42, v23  }
0x5c6: {  	v32 =	vsub.f32 v35, v36;
	v30 =	vld.idx.msk [tilespmem:v11+s16+$0x0], $0xffff;
	v24 =	vmul.f32 v24, v0  }
0x5c7: {  	v35 =	vsub.f32 v43, v25;
	v41 =	vld.idx.msk [tilespmem:v12+s17+$0x0], $0xffff;
	[tilespmem:s12+$0xFFFFF720] =	vst v23;
	v23 =	vadd.f32 v31, v40  }
0x5c8: {  	v39 =	vsub.f32 v39, v34;
	v32 =	vmul.f32 v32, v18;
	v33 =	vsub.f32 v33, v37;
	v40 =	vld.idx.msk [tilespmem:v11+s17+$0x0], $0xffff  }
0x5c9: {  	v18 =	vmov v27;
	v35 =	vmul.f32 v35, v27;
	v24 =	vadd.f32 v24, v38;
	v31 =	vld.idx.msk [tilespmem:v22+s16+$0x0], $0xffff  }
0x5ca: {  	v38 =	vmul.f32 v39, v3;
	v32 =	vadd.f32 v32, v36;
	v33 =	vmul.f32 v33, v3;
	v27 =	vld.idx.msk [tilespmem:v21+s16+$0x0], $0xffff  }
0x5cb: {  	v25 =	vadd.f32 v35, v25;
	v23 =	vsub.f32 v23, v24;
	v36 =	vld.idx.msk [tilespmem:v22+s17+$0x0], $0xffff  }
0x5cc: {  	v34 =	vadd.f32 v38, v34;
	v33 =	vadd.f32 v33, v37;
	v39 =	vld.idx.msk [tilespmem:v21+s17+$0x0], $0xffff;
	[tilespmem:s25+$0x1B00] =	vst v32  }
0x5cd: {  	v35 =	vmul.f32 v23, v19;
	[tilespmem:s12+$0x0] =	vst v25;
	v25 =	vsub.f32 v41, v44;
	v23 =	vld.idx.msk [tilespmem:v9+s7+$0x0], $0xffff;
	v9 =	vmov v22  }
.Ltmp3:
0x5ce: {  	v19 =	vmov v26;
	v22 =	vsub.f32 v40, v30;
	v34 =	vsub.f32 v34, v33;
	v32 =	vld.idx.msk [tilespmem:v17+s19+$0x0], $0xffff;
	(pc) =	sbr.rel @p0 .LBB2_8-.Ltmp3, $4  }
0x5cf: {  	v38 =	vadd.f32 v35, v24;
	v26 =	vld.idx.msk [tilespmem:v13+s19+$0x0], $0xffff;
	v37 =	vmul.f32 v25, v8  }
0x5d0: {  	v35 =	vmul.f32 v22, v8;
	v22 =	vmul.f32 v34, v14;
	v24 =	vld.idx.msk [tilespmem:v17+s24+$0x0], $0xffff  }
0x5d1: {  	v36 =	vsub.f32 v36, v31;
	v25 =	vld.idx.msk [tilespmem:v13+s24+$0x0], $0xffff;
	v34 =	vadd.f32 v37, v44;
	[tilespmem:s25+$0x1B10] =	vst v38  }
0x5d2: {  	s3 =	sadd.s32 $0x40, s3;
	v37 =	vsub.f32 v39, v27;
	v33 =	vadd.f32 v22, v33;
	v22 =	vld.idx.msk [tilespmem:v10+s7+$0x0], $0xffff;
	v10 =	vmov v21  }
0x5d3: {  	v4 =	vadd.f32 v35, v30;
	_ =	sdelay $0x1  }
0x5d4: {  	v6 =	vmul.f32 v36, v8;
	v7 =	vmul.f32 v37, v8;
	v5 =	vsub.f32 v34, v4;
	_ =	sdelay $0x1  }
0x5d5: {  	v6 =	vadd.f32 v6, v31;
	v7 =	vadd.f32 v7, v27;
	v5 =	vmul.f32 v5, v19;
	_ =	sdelay $0x1  }
0x5d6: {  	v53 =	vsub.f32 v6, v7;
	v4 =	vadd.f32 v5, v4;
	_ =	sdelay $0x1  }
0x5d7: {  	v54 =	vmul.f32 v53, v20;
	[tilespmem:s12+$0x10] =	vst v4  }
0x5d8: {  	v55 =	vld.idx.msk [tilespmem:v12+s19+$0x0], $0xffff  }
0x5d9: {  	v21 =	vld.idx.msk [tilespmem:v11+s19+$0x0], $0xffff;
	v4 =	vadd.f32 v54, v7  }
0x5da: {  	v58 =	vld.idx.msk [tilespmem:v12+s24+$0x0], $0xffff  }
0x5db: {  	v59 =	vld.idx.msk [tilespmem:v11+s24+$0x0], $0xffff;
	[tilespmem:s12+$0x20] =	vst v4  }
0x5dc: {  	v56 =	vsub.f32 v24, v32;
	v57 =	vsub.f32 v25, v26;
	v62 =	vld.idx.msk [tilespmem:v9+s19+$0x0], $0xffff  }
0x5dd: {  	v63 =	vld.idx.msk [tilespmem:v10+s19+$0x0], $0xffff  }
0x5de: {  	v6 =	vmul.f32 v56, v3;
	v8 =	vmul.f32 v57, v3;
	v34 =	vld.idx.msk [tilespmem:v9+s24+$0x0], $0xffff  }
0x5df: {  	v35 =	vld.idx.msk [tilespmem:v10+s24+$0x0], $0xffff  }
0x5e0: {  	v60 =	vadd.f32 v6, v32;
	v61 =	vadd.f32 v8, v26  }
0x5e1: {  	v7 =	vsub.f32 v58, v55;
	v24 =	vsub.f32 v59, v21  }
0x5e2: {  	v4 =	vsub.f32 v60, v61  }
0x5e3: {  	v7 =	vmul.f32 v7, v3;
	v24 =	vmul.f32 v24, v3  }
0x5e4: {  	[tilespmem:s12+$0x930] =	vst v33;
	v4 =	vmul.f32 v4, v18;
	v40 =	vsub.f32 v34, v62;
	v41 =	vsub.f32 v35, v63  }
0x5e5: {  	v36 =	vld.idx.msk [tilespmem:v16+s18+$0x0], $0xffff;
	v5 =	vadd.f32 v7, v55;
	v38 =	vadd.f32 v24, v21  }
0x5e6: {  	v37 =	vld.idx.msk [tilespmem:v15+s18+$0x0], $0xffff;
	v4 =	vadd.f32 v4, v61  }
0x5e7: {  	v39 =	vld.idx.msk [tilespmem:v16+s5+$0x0], $0xffff;
	v43 =	vmul.f32 v40, v3;
	v44 =	vmul.f32 v41, v3;
	v5 =	vsub.f32 v5, v38  }
0x5e8: {  	v42 =	vld.idx.msk [tilespmem:v15+s5+$0x0], $0xffff  }
0x5e9: {  	[tilespmem:s12+$0x900] =	vst v4;
	v4 =	vadd.f32 v43, v62;
	v3 =	vadd.f32 v44, v63;
	v5 =	vmul.f32 v5, v19  }
0x5ea: {  	v45 =	vld.idx.msk [tilespmem:v17+s18+$0x0], $0xffff  }
0x5eb: {  	v46 =	vld.idx.msk [tilespmem:v13+s18+$0x0], $0xffff;
	v4 =	vsub.f32 v4, v3;
	v5 =	vadd.f32 v5, v38  }
0x5ec: {  	v47 =	vld.idx.msk [tilespmem:v17+s5+$0x0], $0xffff  }
0x5ed: {  	v21 =	vsub.f32 v39, v36;
	v49 =	vld.idx.msk [tilespmem:v13+s5+$0x0], $0xffff;
	v4 =	vmul.f32 v4, v20;
	[tilespmem:s12+$0x910] =	vst v5  }
0x5ee: {  	v48 =	vsub.f32 v42, v37;
	v51 =	vld.idx.msk [tilespmem:v12+s18+$0x0], $0xffff  }
0x5ef: {  	v21 =	vmul.f32 v21, v1;
	v52 =	vld.idx.msk [tilespmem:v11+s18+$0x0], $0xffff;
	v3 =	vadd.f32 v4, v3  }
0x5f0: {  	v50 =	vmul.f32 v48, v1;
	v53 =	vld.idx.msk [tilespmem:v12+s5+$0x0], $0xffff  }
0x5f1: {  	v21 =	vadd.f32 v21, v36;
	v54 =	vsub.f32 v47, v45;
	v56 =	vld.idx.msk [tilespmem:v11+s5+$0x0], $0xffff;
	[tilespmem:s12+$0x920] =	vst v3  }
0x5f2: {  	v55 =	vsub.f32 v49, v46;
	v5 =	vadd.f32 v50, v37;
	v58 =	vld.idx.msk [tilespmem:v9+s18+$0x0], $0xffff  }
0x5f3: {  	v59 =	vld.idx.msk [tilespmem:v10+s18+$0x0], $0xffff  }
0x5f4: {  	v7 =	vmul.f32 v55, v1;
	v4 =	vmul.f32 v54, v1;
	v57 =	vsub.f32 v21, v5;
	v60 =	vld.idx.msk [tilespmem:v9+s5+$0x0], $0xffff  }
0x5f5: {  	v62 =	vld.idx.msk [tilespmem:v10+s5+$0x0], $0xffff  }
0x5f6: {  	v7 =	vadd.f32 v7, v46;
	v4 =	vadd.f32 v4, v45;
	v3 =	vmul.f32 v57, v14  }
0x5f7: {  	v6 =	vsub.f32 v53, v51;
	v61 =	vsub.f32 v56, v52  }
0x5f8: {  	v4 =	vsub.f32 v4, v7;
	v3 =	vadd.f32 v3, v5  }
0x5f9: {  	v63 =	vmul.f32 v6, v1;
	v24 =	vmul.f32 v61, v1  }
0x5fa: {  	v31 =	vmul.f32 v4, v18;
	[tilespmem:s12+$0x1230] =	vst v3;
	v8 =	vsub.f32 v60, v58;
	v35 =	vsub.f32 v62, v59  }
0x5fb: {  	v34 =	vld.idx.msk [tilespmem:v16+s6+$0x0], $0xffff;
	v32 =	vadd.f32 v63, v51;
	v33 =	vadd.f32 v24, v52  }
0x5fc: {  	v36 =	vld.idx.msk [tilespmem:v15+s6+$0x0], $0xffff;
	v3 =	vadd.f32 v31, v7  }
0x5fd: {  	v37 =	vld.idx.msk [tilespmem:v16+s7+$0x0], $0xffff;
	v8 =	vmul.f32 v8, v1;
	v38 =	vmul.f32 v35, v1;
	v4 =	vsub.f32 v32, v33  }
0x5fe: {  	v39 =	vld.idx.msk [tilespmem:v15+s7+$0x0], $0xffff  }
0x5ff: {  	[tilespmem:s12+$0x1200] =	vst v3;
	v41 =	vadd.f32 v8, v58;
	v1 =	vadd.f32 v38, v59;
	v40 =	vmul.f32 v4, v19  }
0x600: {  	v42 =	vld.idx.msk [tilespmem:v17+s6+$0x0], $0xffff  }
0x601: {  	v43 =	vld.idx.msk [tilespmem:v13+s6+$0x0], $0xffff;
	v4 =	vsub.f32 v41, v1;
	v3 =	vadd.f32 v40, v33  }
0x602: {  	v44 =	vld.idx.msk [tilespmem:v17+s7+$0x0], $0xffff  }
0x603: {  	v46 =	vld.idx.msk [tilespmem:v13+s7+$0x0], $0xffff;
	v45 =	vmul.f32 v4, v20;
	[tilespmem:s12+$0x1210] =	vst v3  }
0x604: {  	v49 =	vld.idx.msk [tilespmem:v12+s6+$0x0], $0xffff  }
0x605: {  	v1 =	vadd.f32 v45, v1;
	v50 =	vld.idx.msk [tilespmem:v11+s6+$0x0], $0xffff  }
0x606: {  	v51 =	vld.idx.msk [tilespmem:v12+s7+$0x0], $0xffff  }
0x607: {  	v48 =	vsub.f32 v22, v28;
	v47 =	vsub.f32 v23, v29;
	v52 =	vld.idx.msk [tilespmem:v11+s7+$0x0], $0xffff;
	[tilespmem:s12+$0x1220] =	vst v1  }
0x608: {  	v7 =	vsub.f32 v37, v34;
	v55 =	vld.idx.msk [tilespmem:v9+s6+$0x0], $0xffff  }
0x609: {  	v13 =	vmul.f32 v47, v0;
	v17 =	vmul.f32 v48, v0;
	v15 =	vsub.f32 v39, v36;
	v56 =	vld.idx.msk [tilespmem:v10+s6+$0x0], $0xffff  }
0x60a: {  	v7 =	vmul.f32 v7, v0;
	v16 =	vsub.f32 v44, v42;
	v4 =	vsub.f32 v46, v43;
	v57 =	vld.idx.msk [tilespmem:v9+s7+$0x0], $0xffff  }
0x60b: {  	v53 =	vadd.f32 v13, v29;
	v54 =	vadd.f32 v17, v28;
	v15 =	vmul.f32 v15, v0;
	v58 =	vld.idx.msk [tilespmem:v10+s7+$0x0], $0xffff  }
0x60c: {  	v6 =	vadd.f32 v7, v34;
	v16 =	vmul.f32 v16, v0;
	v4 =	vmul.f32 v4, v0  }
0x60d: {  	v59 =	vadd.f32 v15, v36;
	v11 =	vsub.f32 v53, v54  }
0x60e: {  	v8 =	vadd.f32 v16, v42;
	v4 =	vadd.f32 v4, v43  }
0x60f: {  	v60 =	vsub.f32 v51, v49;
	v1 =	vsub.f32 v52, v50  }
0x610: {  	v9 =	vsub.f32 v57, v55;
	v10 =	vsub.f32 v58, v56  }
0x611: {  	v6 =	vsub.f32 v6, v59;
	v5 =	vmul.f32 v60, v0;
	v1 =	vmul.f32 v1, v0  }
0x612: {  	v8 =	vsub.f32 v8, v4;
	v9 =	vmul.f32 v9, v0;
	v61 =	vmul.f32 v10, v0  }
0x613: {  	v5 =	vadd.f32 v5, v49;
	v1 =	vadd.f32 v1, v50  }
0x614: {  	v2 =	vmul.f32 v11, v2;
	v62 =	vadd.f32 v9, v55;
	v0 =	vadd.f32 v61, v56  }
0x615: {  	v6 =	vmul.f32 v6, v14;
	v5 =	vsub.f32 v5, v1  }
0x616: {  	v2 =	vadd.f32 v2, v54;
	v8 =	vmul.f32 v8, v18;
	v3 =	vsub.f32 v62, v0  }
0x617: {  	v6 =	vadd.f32 v6, v59;
	v5 =	vmul.f32 v5, v19  }
0x618: {  	[tilespmem:s25+$0x1B20] =	vst v2;
	v63 =	vadd.f32 v8, v4;
	v3 =	vmul.f32 v3, v20  }
0x619: {  	[tilespmem:s12+$0x1B30] =	vst v6;
	v1 =	vadd.f32 v5, v1  }
0x61a: {  	[tilespmem:s12+$0x1B00] =	vst v63;
	v0 =	vadd.f32 v3, v0  }
0x61b: {  	[tilespmem:s12+$0x1B10] =	vst v1  }
0x61c: {  	s9 =	simm.s32 $0x0;
	[tilespmem:s12+$0x1B20] =	vst v0  }
0x61d: {  	s25 =	simm.s32 $0x12F30;
	s12 =	simm.s32 $0x2;
	s3 =	rddreg [dreg:$0xb]  }
0x61e: {  	[hbm4b:s3+s9] =	stream.linear.scatter [tilespmem:s25], [sflag:$0x5], $0x4800, $0x38;
	[tilespmem:$0x1DA30] =	vst v63  }
0x61f: {  	_ =	swait.ge [sflag:s12], $0x4800  }
0x620: {  	[sflag:s12] =	ssyncset.done $0x0  }
0x621: {  	s13 =	simm.s32 $0x4;
	[sflag:s12] =	ssyncadd.s32 $0xFFFFB800  }
0x622: {  	_ =	swait.ge [sflag:s13], $0x4800  }
0x623: {  	[sflag:s13] =	ssyncset.done $0x0  }
0x624: {  	s15 =	simm.s32 $0x6;
	[sflag:s13] =	ssyncadd.s32 $0xFFFFB800  }
0x625: {  	_ =	swait.ge [sflag:s15], $0x4800  }
0x626: {  	[sflag:s15] =	ssyncset.done $0x0  }
0x627: {  	[sflag:s15] =	ssyncadd.s32 $0xFFFFB800  }
0x628: {  	_ =	swait.ge [sflag:s20], $0x4800  }
0x629: {  	s21 =	rddreg [dreg:$0xd]  }
0x62a: {  	s25 =	rddreg [dreg:$0xc];
	s12 =	sadd.s32 $0x1, s21  }
0x62b: {  	p0 =	sne.s32 s12, s25  }
.Ltmp4:
0x62c: {  	_ = 	snop;
	(pc) =	sbr.rel @p0 .LBB2_1-.Ltmp4, $3  }
0x62d: {  	_ =	sdelay $0x1  }
0x62e: {  	[sflag:s20] =	ssyncset.done $0x0  }
0x62f: {  	[sflag:s20] =	ssyncadd.s32 $0xFFFFB800;
	s25 =	simm.s32 $0x5730  }
0x630: {  	_ =	sfence.sel $0x180000  }
0x631: {  	[bflag:$0x0] =	sbarrier.arrive $0xFFFF  }
0x632: {  	_ =	strace $0x90000047  }
0x633: {  	s0 =	stileid.u32;
	[bflag:$0x2] =	sbarrier.arrive $0xFFFF  }
0x634: {  	p0 =	sne.s32 s0, $0x0;
	s0 =	rddreg [dreg:$0x2]  }
0x635: {  	s0 =	sadd.s32 @!p0 $0x100000, s0  }
0x636: {  	[sflag:s0] =	ssyncadd.tile.s32 @!p0 $0x1;
	_ =	shalt  }
.Lfunc_end2:
_tile_overlayer_lowered:
.L_overlay_start_2:
0x637: {  	(tag) =	ssettag $0x2  }
0x638: {  	s0 =	rddreg [dreg:$0x0];
	s2 =	stileid.u32  }
0x639: {  	s1 =	rddreg [dreg:$0x1];
	p0 =	sne.s32 s2, $0x0  }
0x63a: {  	s3 =	rddreg [dreg:$0x2];
	[bflag:$0x3] =	sbarrier.arrive $0xFFFF;
	s2 =	simm.s32 @!p0 $0x1C07  }
0x63b: {  	[timem:s3], [sflag:s2] =	dma.local @!p0 [hbm:s0], s1  }
0x63c: {  	s0 =	simm.s32 @!p0 $0x7  }
0x63d: {  	_ =	swait.ge @!p0 [sflag:s0], s1  }
0x63e: {  	s1 =	ssub.s32 @!p0 $0x0, s1;
	[sflag:s0] =	ssyncset.done @!p0 $0x0  }
0x63f: {  	[sflag:s0] =	ssyncadd.s32 @!p0 s1  }
0x640: {  	[bflag:$0x3] =	sbarrier.arrive $0xFFFF  }
0x641: {  	_ =	shalt  }

</sc_bundles>
